<compile_context>
chip_gen: v7x
topology: tpu7x:2x2x1
jax: 0.10.2.dev20260603
libtpu: 0.0.44.dev20260713+nightly
codegen_flags: <defaults>
</compile_context>

<pallas_src>
import functools

import jax
import jax.numpy as jnp
from jax import lax
from jax.experimental import pallas as pl
from jax.experimental.pallas import tpu as pltpu
from jax.experimental.pallas import tpu_sc as plsc

_K = 32
_MM_R = 512

def _dot(a, b):
    return jnp.dot(a, b, preferred_element_type=jnp.float32)



def _sc_gather(table, idx):
    V, D = table.shape
    Bn = idx.shape[0]
    info = plsc.get_sparse_core_info()
    NC, NS = info.num_cores, info.num_subcores
    NW = NC * NS
    assert Bn % (8 * NW) == 0 and D % 128 == 0
    b_per_w = Bn // NW
    nch = 1
    while (b_per_w // nch) * D > 96 * 1024:
        nch *= 2
    rpc = b_per_w // nch
    mesh = plsc.VectorSubcoreMesh(core_axis_name="c", subcore_axis_name="s")

    @functools.partial(
        pl.kernel, mesh=mesh,
        out_type=jax.ShapeDtypeStruct((Bn, D), jnp.float32),
        scratch_types=[
            pltpu.VMEM((b_per_w,), jnp.int32),
            pltpu.VMEM((rpc, D), jnp.float32),
            pltpu.SemaphoreType.DMA,
        ],
    )
    def k(table_hbm, idx_hbm, out_hbm, idx_v, rows_v, sem):
        wid = lax.axis_index("s") * NC + lax.axis_index("c")
        base = wid * b_per_w
        pltpu.sync_copy(idx_hbm.at[pl.ds(base, b_per_w)], idx_v)
        for c in range(nch):
            iv = idx_v if nch == 1 else idx_v.at[pl.ds(c * rpc, rpc)]
            pltpu.async_copy(table_hbm.at[iv], rows_v, sem).wait()
            pltpu.sync_copy(rows_v, out_hbm.at[pl.ds(base + c * rpc, rpc)])

    return k(table, idx)



def _fps_kernel(pT_ref, q_ref, *, M):
    Bb, _, N = pT_ref.shape
    px = pT_ref[:, 0, :]
    py = pT_ref[:, 1, :]
    pz = pT_ref[:, 2, :]
    iota = lax.broadcasted_iota(jnp.int32, (Bb, N), 1)

    def body(i, carry):
        dists, far = carry
        sel = iota == far
        cx = jnp.sum(jnp.where(sel, px, 0.0), axis=1, keepdims=True)
        cy = jnp.sum(jnp.where(sel, py, 0.0), axis=1, keepdims=True)
        cz = jnp.sum(jnp.where(sel, pz, 0.0), axis=1, keepdims=True)
        q_ref[:, pl.ds(i, 1), :] = jnp.concatenate(
            [cx, cy, cz], axis=1)[:, None, :]
        d = (px - cx) ** 2 + (py - cy) ** 2 + (pz - cz) ** 2
        dists = jnp.minimum(dists, d)
        m = jnp.max(dists, axis=1, keepdims=True)
        far = jnp.min(jnp.where(dists == m, iota, N), axis=1, keepdims=True)
        return dists, far

    d0 = jnp.full((Bb, N), 1e10, jnp.float32)
    f0 = jnp.zeros((Bb, 1), jnp.int32)
    lax.fori_loop(0, M, body, (d0, f0))


def _fps(pT, M):
    B = pT.shape[0]
    return pl.pallas_call(
        functools.partial(_fps_kernel, M=M),
        out_shape=jax.ShapeDtypeStruct((B, M, 3), jnp.float32),
    )(pT)



def _ballq_kernel(q_ref, pT_ref, idx_ref, *, r2, N):
    b = pl.program_id(0)
    q = q_ref[0]
    qx, qy, qz = q[:, 0:1], q[:, 1:2], q[:, 2:3]
    px = pT_ref[0, 0:1, :]
    py = pT_ref[0, 1:2, :]
    pz = pT_ref[0, 2:3, :]
    d = (qx - px) ** 2 + (qy - py) ** 2 + (qz - pz) ** 2
    iota = lax.broadcasted_iota(jnp.int32, d.shape, 1)
    cand = jnp.where(d <= r2, iota, N)
    cols = []
    for _ in range(_K):
        m = jnp.min(cand, axis=1, keepdims=True)
        cols.append(m)
        cand = jnp.where(cand == m, N, cand)
    out = jnp.concatenate(cols, axis=1)
    first = out[:, 0:1]
    out = jnp.where(out == N, first, out)
    idx_ref[0] = out + b * N


def _ballq(q, pT, radius):
    B, M, _ = q.shape
    N = pT.shape[2]
    R = min(128, M)
    return pl.pallas_call(
        functools.partial(_ballq_kernel, r2=radius * radius, N=N),
        grid=(B, M // R),
        in_specs=[
            pl.BlockSpec((1, R, 3), lambda b, t: (b, t, 0)),
            pl.BlockSpec((1, 3, N), lambda b, t: (b, 0, 0)),
        ],
        out_specs=pl.BlockSpec((1, R, _K), lambda b, t: (b, t, 0)),
        out_shape=jax.ShapeDtypeStruct((B, M, _K), jnp.int32),
    )(q, pT)



def _fp3nn_kernel(q_ref, pT_ref, idx_ref, w_ref, *, Ns):
    b = pl.program_id(0)
    q = q_ref[0]
    qx, qy, qz = q[:, 0:1], q[:, 1:2], q[:, 2:3]
    px = pT_ref[0, 0:1, :]
    py = pT_ref[0, 1:2, :]
    pz = pT_ref[0, 2:3, :]
    d = (qx - px) ** 2 + (qy - py) ** 2 + (qz - pz) ** 2
    iota = lax.broadcasted_iota(jnp.int32, d.shape, 1)
    idxs, dists = [], []
    for _ in range(3):
        m = jnp.min(d, axis=1, keepdims=True)
        i = jnp.min(jnp.where(d == m, iota, Ns), axis=1, keepdims=True)
        idxs.append(i)
        dists.append(m)
        d = jnp.where(iota == i, 1e30, d)
    dist = jnp.maximum(jnp.concatenate(dists, axis=1), 1e-10)
    w = 1.0 / dist
    w = w / jnp.sum(w, axis=1, keepdims=True)
    idx_ref[0] = jnp.concatenate(idxs, axis=1) + b * Ns
    w_ref[0] = w


def _fp3nn(q_dst, pT_src):
    B, Nd, _ = q_dst.shape
    Ns = pT_src.shape[2]
    R = min(128, Nd)
    return pl.pallas_call(
        functools.partial(_fp3nn_kernel, Ns=Ns),
        grid=(B, Nd // R),
        in_specs=[
            pl.BlockSpec((1, R, 3), lambda b, t: (b, t, 0)),
            pl.BlockSpec((1, 3, Ns), lambda b, t: (b, 0, 0)),
        ],
        out_specs=[
            pl.BlockSpec((1, R, 3), lambda b, t: (b, t, 0)),
            pl.BlockSpec((1, R, 3), lambda b, t: (b, t, 0)),
        ],
        out_shape=[
            jax.ShapeDtypeStruct((B, Nd, 3), jnp.int32),
            jax.ShapeDtypeStruct((B, Nd, 3), jnp.float32),
        ],
    )(q_dst, pT_src)



def _bnrelu(y):
    C = y.shape[-1]
    eye = jnp.eye(C, dtype=jnp.float32)
    yd = lax.dot_general(y, eye, (((y.ndim - 1,), (0,)), ((), ())),
                         precision=lax.Precision.HIGHEST,
                         preferred_element_type=jnp.float32)
    axes = tuple(range(y.ndim - 1))
    m = jnp.mean(yd, axis=axes, keepdims=True)
    var = jnp.var(yd, axis=axes, keepdims=True)
    return jax.nn.relu((yd - m) / jnp.sqrt(var + 1e-5))


def _lead_grid(lead, C):
    if len(lead) == 3:
        B_, M_, K_ = lead
        Rq = max(1, min(_MM_R // K_, M_))
        grid = (B_, M_ // Rq)
        R = Rq * K_
        imap = lambda b, t, _n=M_ // Rq: (b * _n + t, 0)
        out_spec = pl.BlockSpec((1, Rq, K_, C), lambda b, t: (b, t, 0, 0))
        out_shape = jax.ShapeDtypeStruct((B_, M_, K_, C), jnp.float32)
    else:
        B_, Nd_ = lead
        R = min(_MM_R, Nd_)
        grid = (B_, Nd_ // R)
        imap = lambda b, t, _n=Nd_ // R: (b * _n + t, 0)
        out_spec = pl.BlockSpec((1, R, C), lambda b, t: (b, t, 0))
        out_shape = jax.ShapeDtypeStruct((B_, Nd_, C), jnp.float32)
    return grid, R, imap, out_spec, out_shape


def _sal1_kernel(g_ref, qb_ref, wpad_ref, y_ref, *, Cx):
    g = g_ref[...]
    qb = qb_ref[...]
    R, Cpad = g.shape
    qpad = jnp.concatenate(
        [jnp.zeros((R, Cx), jnp.float32), qb,
         jnp.zeros((R, Cpad - Cx - 3), jnp.float32)], axis=1)
    y_ref[...] = _dot(g - qpad, wpad_ref[...]).reshape(y_ref.shape)


def _sal1(grows, qb, wpad, Cx, lead):
    Rows, Cpad = grows.shape
    C = wpad.shape[1]
    grid, R, imap, out_spec, out_shape = _lead_grid(lead, C)
    y = pl.pallas_call(
        functools.partial(_sal1_kernel, Cx=Cx),
        grid=grid,
        in_specs=[
            pl.BlockSpec((R, Cpad), imap),
            pl.BlockSpec((R, 3), imap),
            pl.BlockSpec((Cpad, C), lambda b, t: (0, 0)),
        ],
        out_specs=out_spec,
        out_shape=out_shape,
    )(grows, qb, wpad)
    return y


def _mm_kernel(z_ref, w_ref, yo_ref):
    yo_ref[...] = _dot(z_ref[...], w_ref[...]).reshape(yo_ref.shape)


def _mm(z, w, lead):
    z = z.reshape(-1, z.shape[-1])
    Rows, Cin = z.shape
    Cout = w.shape[1]
    grid, R, imap, out_spec, out_shape = _lead_grid(lead, Cout)
    return pl.pallas_call(
        _mm_kernel,
        grid=grid,
        in_specs=[
            pl.BlockSpec((R, Cin), imap),
            pl.BlockSpec((Cin, Cout), lambda b, t: (0, 0)),
        ],
        out_specs=out_spec,
        out_shape=out_shape,
    )(z, w)


def _pool_kernel(z_ref, x_ref):
    x_ref[...] = jnp.max(z_ref[...], axis=2)


def _pool(z4d):
    B_, M_, K_, C = z4d.shape
    Rq = min(64, M_)
    return pl.pallas_call(
        _pool_kernel,
        grid=(B_, M_ // Rq),
        in_specs=[
            pl.BlockSpec((1, Rq, K_, C), lambda b, t: (b, t, 0, 0)),
        ],
        out_specs=pl.BlockSpec((1, Rq, C), lambda b, t: (b, t, 0)),
        out_shape=jax.ShapeDtypeStruct((B_, M_, C), jnp.float32),
    )(z4d)


def _fpl1_kernel(g_ref, w3_ref, skip_ref, wa_ref, wb_ref, y_ref):
    g = g_ref[...]
    w3 = w3_ref[...]
    interp = jnp.sum(g * w3[:, :, None], axis=1)
    y = _dot(interp, wa_ref[...])
    if skip_ref is not None:
        y = y + _dot(skip_ref[...], wb_ref[...])
    y_ref[...] = y.reshape(y_ref.shape)


def _fpl1(g3d, w3, skip, wa, wb, lead):
    Rows, _, C1 = g3d.shape
    Cout = wa.shape[1]
    grid, R, imap, out_spec, out_shape = _lead_grid(lead, Cout)
    imap3 = lambda b, t: imap(b, t) + (0,)
    in_specs = [
        pl.BlockSpec((R, 3, C1), imap3),
        pl.BlockSpec((R, 3), imap),
    ]
    args = [g3d, w3]
    if skip is not None:
        C2 = skip.shape[1]
        in_specs += [
            pl.BlockSpec((R, C2), imap),
            pl.BlockSpec((C1, Cout), lambda b, t: (0, 0)),
            pl.BlockSpec((C2, Cout), lambda b, t: (0, 0)),
        ]
        args += [skip, wa, wb]
        body = _fpl1_kernel
    else:
        in_specs += [pl.BlockSpec((C1, Cout), lambda b, t: (0, 0))]
        args += [wa]

        def body(g_ref, w3_ref, wa_ref, y_ref):
            return _fpl1_kernel(g_ref, w3_ref, None, wa_ref, None, y_ref)

    y = pl.pallas_call(
        body,
        grid=grid,
        in_specs=in_specs,
        out_specs=out_spec,
        out_shape=out_shape,
    )(*args)
    return y


def _fc_kernel(z_ref, w_ref, b_ref, o_ref):
    o_ref[...] = _dot(z_ref[...], w_ref[...]) + b_ref[...]


def _fc(z, w, bvec):
    Rows, Cin = z.shape
    Cout = w.shape[1]
    R = min(_MM_R, Rows)
    G = Rows // R
    return pl.pallas_call(
        _fc_kernel,
        grid=(G,),
        in_specs=[
            pl.BlockSpec((R, Cin), lambda i: (i, 0)),
            pl.BlockSpec((Cin, Cout), lambda i: (0, 0)),
            pl.BlockSpec((1, Cout), lambda i: (0, 0)),
        ],
        out_specs=pl.BlockSpec((R, Cout), lambda i: (i, 0)),
        out_shape=jax.ShapeDtypeStruct((Rows, Cout), jnp.float32),
    )(z, w, bvec.reshape(1, Cout))



def _pad128(c):
    return (c + 127) // 128 * 128


def kernel(p, x, params):
    B, N, _ = p.shape
    cur_p = p
    cur_pT = jnp.transpose(p, (0, 2, 1))
    cur_x = jnp.transpose(x, (0, 2, 1))

    sa_specs = [
        ("sa1", 1024, 0.1),
        ("sa2", 256, 0.2),
        ("sa3", 64, 0.4),
        ("sa4", 16, 0.8),
    ]
    qs, xs = [], []
    for name, M, radius in sa_specs:
        Nl = cur_p.shape[1]
        Cx = cur_x.shape[2]
        Cpad = _pad128(Cx + 3)
        q = _fps(cur_pT, M)
        idx = _ballq(q, cur_pT, radius)
        G = jnp.concatenate(
            [cur_x, cur_p,
             jnp.zeros((B, Nl, Cpad - Cx - 3), jnp.float32)],
            axis=-1).reshape(B * Nl, Cpad)
        rows = _sc_gather(G, idx.reshape(-1))
        qb = jnp.broadcast_to(q[:, :, None, :],
                              (B, M, _K, 3)).reshape(-1, 3)
        W0 = params[f"{name}_W0"]
        C0 = W0.shape[1]
        wpad = jnp.concatenate(
            [W0, jnp.zeros((Cpad - W0.shape[0], C0), jnp.float32)], axis=0)
        lead = (B, M, _K)
        y = _sal1(rows, qb, wpad, Cx, lead)
        y = _mm(_bnrelu(y), params[f"{name}_W1"], lead)
        y = _mm(_bnrelu(y), params[f"{name}_W2"], lead)
        xl = _pool(_bnrelu(y))
        qs.append(q)
        xs.append(xl)
        cur_p = q
        cur_pT = jnp.transpose(q, (0, 2, 1))
        cur_x = xl

    fp_specs = [
        ("fp1", qs[3], qs[2], xs[2]),
        ("fp2", qs[2], qs[1], xs[1]),
        ("fp3", qs[1], qs[0], xs[0]),
        ("fp4", qs[0], p, None),
    ]
    cur = xs[3]
    for name, p_src, p_dst, skip in fp_specs:
        Ns = p_src.shape[1]
        Nd = p_dst.shape[1]
        C1 = cur.shape[-1]
        idx3, w3 = _fp3nn(p_dst, jnp.transpose(p_src, (0, 2, 1)))
        g = _sc_gather(cur.reshape(-1, C1), idx3.reshape(-1))
        W0 = params[f"{name}_W0"]
        wa = W0[:C1]
        wb = W0[C1:] if skip is not None else None
        skip2d = skip.reshape(-1, skip.shape[-1]) if skip is not None else None
        lead = (B, Nd)
        y = _fpl1(g.reshape(B * Nd, 3, C1),
                  w3.reshape(-1, 3), skip2d, wa, wb, lead)
        y = _mm(_bnrelu(y), params[f"{name}_W1"], lead)
        cur = _bnrelu(y)

    y = _mm(cur, params["mlp_W0"], (B, N))
    y = _mm(_bnrelu(y), params["mlp_W1"], (B, N))
    out = _fc(_bnrelu(y).reshape(B * N, -1), params["fc_W"], params["fc_b"])
    return jnp.transpose(out.reshape(B, N, -1), (0, 2, 1))

# --- scband reference (transcript-rebuilt; emitter-appended) ---
"""Pipeline reference for scband-point-net-ssg-292057776723 (READ-ONLY COPY).

The authoritative reference and input builder live on the scoring server;
editing this copy changes nothing except your own understanding.
"""

import jax, jax.numpy as jnp
import numpy as np

B, N = 4, 4096
IN_CH, NUM_CLASSES = 6, 13

_DIMS = {
    'sa1': [(IN_CH + 3, 32), (32, 32), (32, 64)],
    'sa2': [(64 + 3, 64), (64, 64), (64, 128)],
    'sa3': [(128 + 3, 128), (128, 128), (128, 256)],
    'sa4': [(256 + 3, 256), (256, 256), (256, 512)],
    'fp1': [(768, 256), (256, 256)],
    'fp2': [(384, 256), (256, 256)],
    'fp3': [(320, 256), (256, 128)],
    'fp4': [(128, 128), (128, 128)],
    'mlp': [(128, 128), (128, 128)],
}

def _mk_params(key):
    params = {}
    for name, shapes in _DIMS.items():
        for j, shp in enumerate(shapes):
            key, sub = jax.random.split(key)
            params[f'{name}_W{j}'] = jax.random.normal(sub, shp, jnp.float32) * (1.0 / np.sqrt(shp[0]))
    key, sub = jax.random.split(key)
    params['fc_W'] = jax.random.normal(sub, (128, NUM_CLASSES), jnp.float32) * (1.0 / np.sqrt(128.0))
    params['fc_b'] = jnp.zeros((NUM_CLASSES,), jnp.float32)
    return params

def setup_inputs(seed: int = 0):
    key = jax.random.key(seed)
    k1, k2, k3 = jax.random.split(key, 3)
    p = jax.random.uniform(k1, (B, N, 3), jnp.float32)
    x = jax.random.normal(k2, (B, IN_CH, N), jnp.float32)
    params = _mk_params(k3)
    return {"p": p, "x": x, "params": params}

def _bn(v, axes):
    m = jnp.mean(v, axis=axes, keepdims=True)
    var = jnp.var(v, axis=axes, keepdims=True)
    return (v - m) / jnp.sqrt(var + 1e-5)

def _gather(pts, idx):
    b = jnp.arange(pts.shape[0]).reshape((-1,) + (1,) * (idx.ndim - 1))
    return pts[b, idx]

def _fps_idx(p, npoint):
    p = jax.lax.stop_gradient(p)
    Bb, Nn, _ = p.shape
    def body(i, state):
        idxs, dists, far = state
        idxs = idxs.at[:, i].set(far)
        cent = p[jnp.arange(Bb), far]
        d = jnp.sum((p - cent[:, None, :]) ** 2, axis=-1)
        dists = jnp.minimum(dists, d)
        far = jnp.argmax(dists, axis=-1).astype(jnp.int32)
        return idxs, dists, far
    idxs0 = jnp.zeros((Bb, npoint), jnp.int32)
    d0 = jnp.full((Bb, Nn), 1e10, jnp.float32)
    f0 = jnp.zeros((Bb,), jnp.int32)
    idxs, _, _ = jax.lax.fori_loop(0, npoint, body, (idxs0, d0, f0))
    return idxs

def _ball_query(p, q, radius, nsample):
    ps = jax.lax.stop_gradient(p)
    qs = jax.lax.stop_gradient(q)
    sqr = jnp.sum((qs[:, :, None, :] - ps[:, None, :, :]) ** 2, axis=-1)
    Nn = ps.shape[1]
    idx = jnp.where(sqr <= radius * radius, jnp.arange(Nn)[None, None, :], Nn)
    idx = jnp.sort(idx, axis=-1)[:, :, :nsample]
    first = idx[:, :, :1]
    idx = jnp.where(idx == Nn, first, idx)
    return idx

def _set_abstraction(p, q, x, Ws, radius, nsample):
    idx = _ball_query(p, q, radius, nsample)
    gp = _gather(p, idx)
    rel = gp - q[:, :, None, :]
    xt = jnp.transpose(x, (0, 2, 1))
    gx = _gather(xt, idx)
    f = jnp.concatenate([gx, rel], axis=-1)
    for W in Ws:
        f = jax.nn.relu(_bn(f @ W, (0, 1, 2)))
    nx = jnp.max(f, axis=2)
    return q, jnp.transpose(nx, (0, 2, 1))

def _feature_prop(p_src, p_dst, x_src, x_skip, Ws):
    d = jnp.sum((p_dst[:, :, None, :] - p_src[:, None, :, :]) ** 2, axis=-1)
    negd, idx = jax.lax.top_k(-d, 3)
    dist = jnp.maximum(-negd, 1e-10)
    w = 1.0 / dist
    w = w / jnp.sum(w, axis=-1, keepdims=True)
    xt = jnp.transpose(x_src, (0, 2, 1))
    g = _gather(xt, idx)
    interp = jnp.sum(g * w[..., None], axis=2)
    if x_skip is not None:
        interp = jnp.concatenate([interp, jnp.transpose(x_skip, (0, 2, 1))], axis=-1)
    f = interp
    for W in Ws:
        f = jax.nn.relu(_bn(f @ W, (0, 1)))
    return p_dst, jnp.transpose(f, (0, 2, 1))

def _forward(p, x, params):
    q1 = _gather(p, _fps_idx(p, 1024))
    p1, x1 = _set_abstraction(p, q1, x, [params['sa1_W0'], params['sa1_W1'], params['sa1_W2']], 0.1, 32)
    q2 = _gather(p1, _fps_idx(p1, 256))
    p2, x2 = _set_abstraction(p1, q2, x1, [params['sa2_W0'], params['sa2_W1'], params['sa2_W2']], 0.2, 32)
    q3 = _gather(p2, _fps_idx(p2, 64))
    p3, x3 = _set_abstraction(p2, q3, x2, [params['sa3_W0'], params['sa3_W1'], params['sa3_W2']], 0.4, 32)
    q4 = _gather(p3, _fps_idx(p3, 16))
    p4, x4 = _set_abstraction(p3, q4, x3, [params['sa4_W0'], params['sa4_W1'], params['sa4_W2']], 0.8, 32)
    p3, x3 = _feature_prop(p4, q3, x4, x3, [params['fp1_W0'], params['fp1_W1']])
    p2, x2 = _feature_prop(p3, q2, x3, x2, [params['fp2_W0'], params['fp2_W1']])
    p1, x1 = _feature_prop(p2, q1, x2, x1, [params['fp3_W0'], params['fp3_W1']])
    _, xf = _feature_prop(p1, p, x1, None, [params['fp4_W0'], params['fp4_W1']])
    f = jnp.transpose(xf, (0, 2, 1))
    f = jax.nn.relu(_bn(f @ params['mlp_W0'], (0, 1)))
    f = jax.nn.relu(_bn(f @ params['mlp_W1'], (0, 1)))
    out = f @ params['fc_W'] + params['fc_b']
    return jnp.transpose(out, (0, 2, 1))

def reference(p, x, params):
    return _forward(p, x, params)

if __name__ == "__main__":
    import jax
    _d = setup_inputs()
    print(jax.jit(kernel)(*tuple(_d.values())))

</pallas_src>

<mosaic_0001>
#map = affine_map<(d0, d1) -> (0, 0)>
#map1 = affine_map<(d0, d1) -> (0)>
module attributes {stable_mosaic.version = 14 : i64} {
  func.func @k(%arg0: i32, %arg1: i32, %arg2: memref<256x384xf32, #tpu.memory_space<hbm>>, %arg3: memref<2048xi32, #tpu.memory_space<hbm>>, %arg4: memref<2048x384xf32, #tpu.memory_space<hbm>>, %arg5: memref<64xi32, #tpu.memory_space<vmem>>, %arg6: memref<64x384xf32, #tpu.memory_space<vmem>>, %arg7: memref<!tpu.dma_semaphore, #tpu.memory_space<semaphore_mem>>) attributes {dimension_semantics = [#tpu.dimension_semantics<core_parallel>, #tpu.dimension_semantics<subcore_parallel>], iteration_bounds = array<i64: 2, 16>, scalar_prefetch = 0 : i64, scratch_operands = 3 : i64, tpu.core_type = #tpu.core_type<sc_vector_subcore>, window_params = [{transform_indices = #map}, {transform_indices = #map1}, {transform_indices = #map}]} {
    %mul3A = arith.constant 2 : i32
    %mul3A_0 = arith.muli %arg1, %mul3A : i32
    %add3A = arith.addi %mul3A_0, %arg0 : i32
    %mul3A_1 = arith.constant 64 : i32
    %mul3A_2 = arith.muli %add3A, %mul3A_1 : i32
    "tpu.region"() ({
      %run_scoped3A = tpu.sem_alloc : memref<!tpu.dma_semaphore, #tpu.memory_space<semaphore_mem>>
      %dma_start3A_9 = tpu.memref_slice %arg3[%mul3A_2] : memref<2048xi32, #tpu.memory_space<hbm>> -> memref<64xi32, #tpu.memory_space<hbm>>
      %dma_start3A_10 = tpu.memref_slice %arg3[%mul3A_2] : memref<2048xi32, #tpu.memory_space<hbm>> -> memref<64xi32, #tpu.memory_space<hbm>>
      tpu.enqueue_dma source(%dma_start3A_10 : memref<64xi32, #tpu.memory_space<hbm>>) target(%arg5 : memref<64xi32, #tpu.memory_space<vmem>>) target_semaphore(%run_scoped3A : memref<!tpu.dma_semaphore, #tpu.memory_space<semaphore_mem>>)
      %dma_wait3A_11 = tpu.memref_slice %arg3[%mul3A_2] : memref<2048xi32, #tpu.memory_space<hbm>> -> memref<64xi32, #tpu.memory_space<hbm>>
      %dma_wait3A_12 = tpu.memref_slice %arg3[%mul3A_2] : memref<2048xi32, #tpu.memory_space<hbm>> -> memref<64xi32, #tpu.memory_space<hbm>>
      tpu.wait_dma2 semaphore(%run_scoped3A : memref<!tpu.dma_semaphore, #tpu.memory_space<semaphore_mem>>) src(%dma_wait3A_12 : memref<64xi32, #tpu.memory_space<hbm>>) dst(%arg5 : memref<64xi32, #tpu.memory_space<vmem>>)
      tpu.yield
    }) : () -> ()
    %dma_start3A = arith.constant 0 : i32
    %dma_start3A_3 = arith.constant 0 : i32
    %dma_start3A_4 = tpu.memref_slice %arg2[%dma_start3A, %dma_start3A_3] : memref<256x384xf32, #tpu.memory_space<hbm>> -> memref<256x384xf32, #tpu.memory_space<hbm>>
    tpu.enqueue_indirect_dma source(%dma_start3A_4 : memref<256x384xf32, #tpu.memory_space<hbm>>) target(%arg6 : memref<64x384xf32, #tpu.memory_space<vmem>>) offsets(%arg5 : memref<64xi32, #tpu.memory_space<vmem>>) semaphore(%arg7 : memref<!tpu.dma_semaphore, #tpu.memory_space<semaphore_mem>>)
    %dma_wait3A = arith.constant 0 : i32
    %dma_wait3A_5 = arith.constant 0 : i32
    %dma_wait3A_6 = tpu.memref_slice %arg2[%dma_wait3A, %dma_wait3A_5] : memref<256x384xf32, #tpu.memory_space<hbm>> -> memref<256x384xf32, #tpu.memory_space<hbm>>
    tpu.wait_indirect_dma semaphore(%arg7 : memref<!tpu.dma_semaphore, #tpu.memory_space<semaphore_mem>>) src(%dma_wait3A_6 : memref<256x384xf32, #tpu.memory_space<hbm>>) dst(%arg6 : memref<64x384xf32, #tpu.memory_space<vmem>>)
    %add3A_7 = arith.constant 0 : i32
    %add3A_8 = arith.addi %mul3A_2, %add3A_7 : i32
    "tpu.region"() ({
      %run_scoped3A = tpu.sem_alloc : memref<!tpu.dma_semaphore, #tpu.memory_space<semaphore_mem>>
      %dma_start3A_9 = arith.constant 0 : i32
      %dma_start3A_10 = tpu.memref_slice %arg4[%add3A_8, %dma_start3A_9] : memref<2048x384xf32, #tpu.memory_space<hbm>> -> memref<64x384xf32, #tpu.memory_space<hbm>>
      %dma_start3A_11 = arith.constant 0 : i32
      %dma_start3A_12 = tpu.memref_slice %arg4[%add3A_8, %dma_start3A_11] : memref<2048x384xf32, #tpu.memory_space<hbm>> -> memref<64x384xf32, #tpu.memory_space<hbm>>
      tpu.enqueue_dma source(%arg6 : memref<64x384xf32, #tpu.memory_space<vmem>>) target(%dma_start3A_12 : memref<64x384xf32, #tpu.memory_space<hbm>>) target_semaphore(%run_scoped3A : memref<!tpu.dma_semaphore, #tpu.memory_space<semaphore_mem>>)
      %dma_wait3A_13 = arith.constant 0 : i32
      %dma_wait3A_14 = tpu.memref_slice %arg4[%add3A_8, %dma_wait3A_13] : memref<2048x384xf32, #tpu.memory_space<hbm>> -> memref<64x384xf32, #tpu.memory_space<hbm>>
      %dma_wait3A_15 = arith.constant 0 : i32
      %dma_wait3A_16 = tpu.memref_slice %arg4[%add3A_8, %dma_wait3A_15] : memref<2048x384xf32, #tpu.memory_space<hbm>> -> memref<64x384xf32, #tpu.memory_space<hbm>>
      tpu.wait_dma2 semaphore(%run_scoped3A : memref<!tpu.dma_semaphore, #tpu.memory_space<semaphore_mem>>) src(%arg6 : memref<64x384xf32, #tpu.memory_space<vmem>>) dst(%dma_wait3A_16 : memref<64x384xf32, #tpu.memory_space<hbm>>)
      tpu.yield
    }) : () -> ()
    return
  }
}

#map = affine_map<(d0, d1) -> (0, 0)>
#map1 = affine_map<(d0, d1) -> (0)>
module attributes {stable_mosaic.version = 14 : i64} {
  func.func @k(%arg0: i32, %arg1: i32, %arg2: memref<16384x128xf32, #tpu.memory_space<hbm>>, %arg3: memref<131072xi32, #tpu.memory_space<hbm>>, %arg4: memref<131072x128xf32, #tpu.memory_space<hbm>>, %arg5: memref<4096xi32, #tpu.memory_space<vmem>>, %arg6: memref<512x128xf32, #tpu.memory_space<vmem>>, %arg7: memref<!tpu.dma_semaphore, #tpu.memory_space<semaphore_mem>>) attributes {dimension_semantics = [#tpu.dimension_semantics<core_parallel>, #tpu.dimension_semantics<subcore_parallel>], iteration_bounds = array<i64: 2, 16>, scalar_prefetch = 0 : i64, scratch_operands = 3 : i64, tpu.core_type = #tpu.core_type<sc_vector_subcore>, window_params = [{transform_indices = #map}, {transform_indices = #map1}, {transform_indices = #map}]} {
    %mul3A = arith.constant 2 : i32
    %mul3A_0 = arith.muli %arg1, %mul3A : i32
    %add3A = arith.addi %mul3A_0, %arg0 : i32
    %mul3A_1 = arith.constant 4096 : i32
    %mul3A_2 = arith.muli %add3A, %mul3A_1 : i32
    "tpu.region"() ({
      %run_scoped3A = tpu.sem_alloc : memref<!tpu.dma_semaphore, #tpu.memory_space<semaphore_mem>>
      %dma_start3A_97 = tpu.memref_slice %arg3[%mul3A_2] : memref<131072xi32, #tpu.memory_space<hbm>> -> memref<4096xi32, #tpu.memory_space<hbm>>
      %dma_start3A_98 = tpu.memref_slice %arg3[%mul3A_2] : memref<131072xi32, #tpu.memory_space<hbm>> -> memref<4096xi32, #tpu.memory_space<hbm>>
      tpu.enqueue_dma source(%dma_start3A_98 : memref<4096xi32, #tpu.memory_space<hbm>>) target(%arg5 : memref<4096xi32, #tpu.memory_space<vmem>>) target_semaphore(%run_scoped3A : memref<!tpu.dma_semaphore, #tpu.memory_space<semaphore_mem>>)
      %dma_wait3A_99 = tpu.memref_slice %arg3[%mul3A_2] : memref<131072xi32, #tpu.memory_space<hbm>> -> memref<4096xi32, #tpu.memory_space<hbm>>
      %dma_wait3A_100 = tpu.memref_slice %arg3[%mul3A_2] : memref<131072xi32, #tpu.memory_space<hbm>> -> memref<4096xi32, #tpu.memory_space<hbm>>
      tpu.wait_dma2 semaphore(%run_scoped3A : memref<!tpu.dma_semaphore, #tpu.memory_space<semaphore_mem>>) src(%dma_wait3A_100 : memref<4096xi32, #tpu.memory_space<hbm>>) dst(%arg5 : memref<4096xi32, #tpu.memory_space<vmem>>)
      tpu.yield
    }) : () -> ()
    %dma_start3A = arith.constant 0 : i32
    %dma_start3A_3 = tpu.memref_slice %arg5[%dma_start3A] : memref<4096xi32, #tpu.memory_space<vmem>> -> memref<512xi32, #tpu.memory_space<vmem>>
    %dma_start3A_4 = arith.constant 0 : i32
    %dma_start3A_5 = arith.constant 0 : i32
    %dma_start3A_6 = tpu.memref_slice %arg2[%dma_start3A_4, %dma_start3A_5] : memref<16384x128xf32, #tpu.memory_space<hbm>> -> memref<16384x128xf32, #tpu.memory_space<hbm>>
    tpu.enqueue_indirect_dma source(%dma_start3A_6 : memref<16384x128xf32, #tpu.memory_space<hbm>>) target(%arg6 : memref<512x128xf32, #tpu.memory_space<vmem>>) offsets(%dma_start3A_3 : memref<512xi32, #tpu.memory_space<vmem>>) semaphore(%arg7 : memref<!tpu.dma_semaphore, #tpu.memory_space<semaphore_mem>>)
    %dma_wait3A = arith.constant 0 : i32
    %dma_wait3A_7 = tpu.memref_slice %arg5[%dma_wait3A] : memref<4096xi32, #tpu.memory_space<vmem>> -> memref<512xi32, #tpu.memory_space<vmem>>
    %dma_wait3A_8 = arith.constant 0 : i32
    %dma_wait3A_9 = arith.constant 0 : i32
    %dma_wait3A_10 = tpu.memref_slice %arg2[%dma_wait3A_8, %dma_wait3A_9] : memref<16384x128xf32, #tpu.memory_space<hbm>> -> memref<16384x128xf32, #tpu.memory_space<hbm>>
    tpu.wait_indirect_dma semaphore(%arg7 : memref<!tpu.dma_semaphore, #tpu.memory_space<semaphore_mem>>) src(%dma_wait3A_10 : memref<16384x128xf32, #tpu.memory_space<hbm>>) dst(%arg6 : memref<512x128xf32, #tpu.memory_space<vmem>>)
    %add3A_11 = arith.constant 0 : i32
    %add3A_12 = arith.addi %mul3A_2, %add3A_11 : i32
    "tpu.region"() ({
      %run_scoped3A = tpu.sem_alloc : memref<!tpu.dma_semaphore, #tpu.memory_space<semaphore_mem>>
      %dma_start3A_97 = arith.constant 0 : i32
      %dma_start3A_98 = tpu.memref_slice %arg4[%add3A_12, %dma_start3A_97] : memref<131072x128xf32, #tpu.memory_space<hbm>> -> memref<512x128xf32, #tpu.memory_space<hbm>>
      %dma_start3A_99 = arith.constant 0 : i32
      %dma_start3A_100 = tpu.memref_slice %arg4[%add3A_12, %dma_start3A_99] : memref<131072x128xf32, #tpu.memory_space<hbm>> -> memref<512x128xf32, #tpu.memory_space<hbm>>
      tpu.enqueue_dma source(%arg6 : memref<512x128xf32, #tpu.memory_space<vmem>>) target(%dma_start3A_100 : memref<512x128xf32, #tpu.memory_space<hbm>>) target_semaphore(%run_scoped3A : memref<!tpu.dma_semaphore, #tpu.memory_space<semaphore_mem>>)
      %dma_wait3A_101 = arith.constant 0 : i32
      %dma_wait3A_102 = tpu.memref_slice %arg4[%add3A_12, %dma_wait3A_101] : memref<131072x128xf32, #tpu.memory_space<hbm>> -> memref<512x128xf32, #tpu.memory_space<hbm>>
      %dma_wait3A_103 = arith.constant 0 : i32
      %dma_wait3A_104 = tpu.memref_slice %arg4[%add3A_12, %dma_wait3A_103] : memref<131072x128xf32, #tpu.memory_space<hbm>> -> memref<512x128xf32, #tpu.memory_space<hbm>>
      tpu.wait_dma2 semaphore(%run_scoped3A : memref<!tpu.dma_semaphore, #tpu.memory_space<semaphore_mem>>) src(%arg6 : memref<512x128xf32, #tpu.memory_space<vmem>>) dst(%dma_wait3A_104 : memref<512x128xf32, #tpu.memory_space<hbm>>)
      tpu.yield
    }) : () -> ()
    %dma_start3A_13 = arith.constant 512 : i32
    %dma_start3A_14 = tpu.memref_slice %arg5[%dma_start3A_13] : memref<4096xi32, #tpu.memory_space<vmem>> -> memref<512xi32, #tpu.memory_space<vmem>>
    %dma_start3A_15 = arith.constant 0 : i32
    %dma_start3A_16 = arith.constant 0 : i32
    %dma_start3A_17 = tpu.memref_slice %arg2[%dma_start3A_15, %dma_start3A_16] : memref<16384x128xf32, #tpu.memory_space<hbm>> -> memref<16384x128xf32, #tpu.memory_space<hbm>>
    tpu.enqueue_indirect_dma source(%dma_start3A_17 : memref<16384x128xf32, #tpu.memory_space<hbm>>) target(%arg6 : memref<512x128xf32, #tpu.memory_space<vmem>>) offsets(%dma_start3A_14 : memref<512xi32, #tpu.memory_space<vmem>>) semaphore(%arg7 : memref<!tpu.dma_semaphore, #tpu.memory_space<semaphore_mem>>)
    %dma_wait3A_18 = arith.constant 512 : i32
    %dma_wait3A_19 = tpu.memref_slice %arg5[%dma_wait3A_18] : memref<4096xi32, #tpu.memory_space<vmem>> -> memref<512xi32, #tpu.memory_space<vmem>>
    %dma_wait3A_20 = arith.constant 0 : i32
    %dma_wait3A_21 = arith.constant 0 : i32
    %dma_wait3A_22 = tpu.memref_slice %arg2[%dma_wait3A_20, %dma_wait3A_21] : memref<16384x128xf32, #tpu.memory_space<hbm>> -> memref<16384x128xf32, #tpu.memory_space<hbm>>
    tpu.wait_indirect_dma semaphore(%arg7 : memref<!tpu.dma_semaphore, #tpu.memory_space<semaphore_mem>>) src(%dma_wait3A_22 : memref<16384x128xf32, #tpu.memory_space<hbm>>) dst(%arg6 : memref<512x128xf32, #tpu.memory_space<vmem>>)
    %add3A_23 = arith.constant 512 : i32
    %add3A_24 = arith.addi %mul3A_2, %add3A_23 : i32
    "tpu.region"() ({
      %run_scoped3A = tpu.sem_alloc : memref<!tpu.dma_semaphore, #tpu.memory_space<semaphore_mem>>
      %dma_start3A_97 = arith.constant 0 : i32
      %dma_start3A_98 = tpu.memref_slice %arg4[%add3A_24, %dma_start3A_97] : memref<131072x128xf32, #tpu.memory_space<hbm>> -> memref<512x128xf32, #tpu.memory_space<hbm>>
      %dma_start3A_99 = arith.constant 0 : i32
      %dma_start3A_100 = tpu.memref_slice %arg4[%add3A_24, %dma_start3A_99] : memref<131072x128xf32, #tpu.memory_space<hbm>> -> memref<512x128xf32, #tpu.memory_space<hbm>>
      tpu.enqueue_dma source(%arg6 : memref<512x128xf32, #tpu.memory_space<vmem>>) target(%dma_start3A_100 : memref<512x128xf32, #tpu.memory_space<hbm>>) target_semaphore(%run_scoped3A : memref<!tpu.dma_semaphore, #tpu.memory_space<semaphore_mem>>)
      %dma_wait3A_101 = arith.constant 0 : i32
      %dma_wait3A_102 = tpu.memref_slice %arg4[%add3A_24, %dma_wait3A_101] : memref<131072x128xf32, #tpu.memory_space<hbm>> -> memref<512x128xf32, #tpu.memory_space<hbm>>
      %dma_wait3A_103 = arith.constant 0 : i32
      %dma_wait3A_104 = tpu.memref_slice %arg4[%add3A_24, %dma_wait3A_103] : memref<131072x128xf32, #tpu.memory_space<hbm>> -> memref<512x128xf32, #tpu.memory_space<hbm>>
      tpu.wait_dma2 semaphore(%run_scoped3A : memref<!tpu.dma_semaphore, #tpu.memory_space<semaphore_mem>>) src(%arg6 : memref<512x128xf32, #tpu.memory_space<vmem>>) dst(%dma_wait3A_104 : memref<512x128xf32, #tpu.memory_space<hbm>>)
      tpu.yield
    }) : () -> ()
    %dma_start3A_25 = arith.constant 1024 : i32
    %dma_start3A_26 = tpu.memref_slice %arg5[%dma_start3A_25] : memref<4096xi32, #tpu.memory_space<vmem>> -> memref<512xi32, #tpu.memory_space<vmem>>
    %dma_start3A_27 = arith.constant 0 : i32
    %dma_start3A_28 = arith.constant 0 : i32
    %dma_start3A_29 = tpu.memref_slice %arg2[%dma_start3A_27, %dma_start3A_28] : memref<16384x128xf32, #tpu.memory_space<hbm>> -> memref<16384x128xf32, #tpu.memory_space<hbm>>
    tpu.enqueue_indirect_dma source(%dma_start3A_29 : memref<16384x128xf32, #tpu.memory_space<hbm>>) target(%arg6 : memref<512x128xf32, #tpu.memory_space<vmem>>) offsets(%dma_start3A_26 : memref<512xi32, #tpu.memory_space<vmem>>) semaphore(%arg7 : memref<!tpu.dma_semaphore, #tpu.memory_space<semaphore_mem>>)
    %dma_wait3A_30 = arith.constant 1024 : i32
    %dma_wait3A_31 = tpu.memref_slice %arg5[%dma_wait3A_30] : memref<4096xi32, #tpu.memory_space<vmem>> -> memref<512xi32, #tpu.memory_space<vmem>>
    %dma_wait3A_32 = arith.constant 0 : i32
    %dma_wait3A_33 = arith.constant 0 : i32
    %dma_wait3A_34 = tpu.memref_slice %arg2[%dma_wait3A_32, %dma_wait3A_33] : memref<16384x128xf32, #tpu.memory_space<hbm>> -> memref<16384x128xf32, #tpu.memory_space<hbm>>
    tpu.wait_indirect_dma semaphore(%arg7 : memref<!tpu.dma_semaphore, #tpu.memory_space<semaphore_mem>>) src(%dma_wait3A_34 : memref<16384x128xf32, #tpu.memory_space<hbm>>) dst(%arg6 : memref<512x128xf32, #tpu.memory_space<vmem>>)
    %add3A_35 = arith.constant 1024 : i32
    %add3A_36 = arith.addi %mul3A_2, %add3A_35 : i32
    "tpu.region"() ({
      %run_scoped3A = tpu.sem_alloc : memref<!tpu.dma_semaphore, #tpu.memory_space<semaphore_mem>>
      %dma_start3A_97 = arith.constant 0 : i32
      %dma_start3A_98 = tpu.memref_slice %arg4[%add3A_36, %dma_start3A_97] : memref<131072x128xf32, #tpu.memory_space<hbm>> -> memref<512x128xf32, #tpu.memory_space<hbm>>
      %dma_start3A_99 = arith.constant 0 : i32
      %dma_start3A_100 = tpu.memref_slice %arg4[%add3A_36, %dma_start3A_99] : memref<131072x128xf32, #tpu.memory_space<hbm>> -> memref<512x128xf32, #tpu.memory_space<hbm>>
      tpu.enqueue_dma source(%arg6 : memref<512x128xf32, #tpu.memory_space<vmem>>) target(%dma_start3A_100 : memref<512x128xf32, #tpu.memory_space<hbm>>) target_semaphore(%run_scoped3A : memref<!tpu.dma_semaphore, #tpu.memory_space<semaphore_mem>>)
      %dma_wait3A_101 = arith.constant 0 : i32
      %dma_wait3A_102 = tpu.memref_slice %arg4[%add3A_36, %dma_wait3A_101] : memref<131072x128xf32, #tpu.memory_space<hbm>> -> memref<512x128xf32, #tpu.memory_space<hbm>>
      %dma_wait3A_103 = arith.constant 0 : i32
      %dma_wait3A_104 = tpu.memref_slice %arg4[%add3A_36, %dma_wait3A_103] : memref<131072x128xf32, #tpu.memory_space<hbm>> -> memref<512x128xf32, #tpu.memory_space<hbm>>
      tpu.wait_dma2 semaphore(%run_scoped3A : memref<!tpu.dma_semaphore, #tpu.memory_space<semaphore_mem>>) src(%arg6 : memref<512x128xf32, #tpu.memory_space<vmem>>) dst(%dma_wait3A_104 : memref<512x128xf32, #tpu.memory_space<hbm>>)
      tpu.yield
    }) : () -> ()
    %dma_start3A_37 = arith.constant 1536 : i32
    %dma_start3A_38 = tpu.memref_slice %arg5[%dma_start3A_37] : memref<4096xi32, #tpu.memory_space<vmem>> -> memref<512xi32, #tpu.memory_space<vmem>>
    %dma_start3A_39 = arith.constant 0 : i32
    %dma_start3A_40 = arith.constant 0 : i32
    %dma_start3A_41 = tpu.memref_slice %arg2[%dma_start3A_39, %dma_start3A_40] : memref<16384x128xf32, #tpu.memory_space<hbm>> -> memref<16384x128xf32, #tpu.memory_space<hbm>>
    tpu.enqueue_indirect_dma source(%dma_start3A_41 : memref<16384x128xf32, #tpu.memory_space<hbm>>) target(%arg6 : memref<512x128xf32, #tpu.memory_space<vmem>>) offsets(%dma_start3A_38 : memref<512xi32, #tpu.memory_space<vmem>>) semaphore(%arg7 : memref<!tpu.dma_semaphore, #tpu.memory_space<semaphore_mem>>)
    %dma_wait3A_42 = arith.constant 1536 : i32
    %dma_wait3A_43 = tpu.memref_slice %arg5[%dma_wait3A_42] : memref<4096xi32, #tpu.memory_space<vmem>> -> memref<512xi32, #tpu.memory_space<vmem>>
    %dma_wait3A_44 = arith.constant 0 : i32
    %dma_wait3A_45 = arith.constant 0 : i32
    %dma_wait3A_46 = tpu.memref_slice %arg2[%dma_wait3A_44, %dma_wait3A_45] : memref<16384x128xf32, #tpu.memory_space<hbm>> -> memref<16384x128xf32, #tpu.memory_space<hbm>>
    tpu.wait_indirect_dma semaphore(%arg7 : memref<!tpu.dma_semaphore, #tpu.memory_space<semaphore_mem>>) src(%dma_wait3A_46 : memref<16384x128xf32, #tpu.memory_space<hbm>>) dst(%arg6 : memref<512x128xf32, #tpu.memory_space<vmem>>)
    %add3A_47 = arith.constant 1536 : i32
    %add3A_48 = arith.addi %mul3A_2, %add3A_47 : i32
    "tpu.region"() ({
      %run_scoped3A = tpu.sem_alloc : memref<!tpu.dma_semaphore, #tpu.memory_space<semaphore_mem>>
      %dma_start3A_97 = arith.constant 0 : i32
      %dma_start3A_98 = tpu.memref_slice %arg4[%add3A_48, %dma_start3A_97] : memref<131072x128xf32, #tpu.memory_space<hbm>> -> memref<512x128xf32, #tpu.memory_space<hbm>>
      %dma_start3A_99 = arith.constant 0 : i32
      %dma_start3A_100 = tpu.memref_slice %arg4[%add3A_48, %dma_start3A_99] : memref<131072x128xf32, #tpu.memory_space<hbm>> -> memref<512x128xf32, #tpu.memory_space<hbm>>
      tpu.enqueue_dma source(%arg6 : memref<512x128xf32, #tpu.memory_space<vmem>>) target(%dma_start3A_100 : memref<512x128xf32, #tpu.memory_space<hbm>>) target_semaphore(%run_scoped3A : memref<!tpu.dma_semaphore, #tpu.memory_space<semaphore_mem>>)
      %dma_wait3A_101 = arith.constant 0 : i32
      %dma_wait3A_102 = tpu.memref_slice %arg4[%add3A_48, %dma_wait3A_101] : memref<131072x128xf32, #tpu.memory_space<hbm>> -> memref<512x128xf32, #tpu.memory_space<hbm>>
      %dma_wait3A_103 = arith.constant 0 : i32
      %dma_wait3A_104 = tpu.memref_slice %arg4[%add3A_48, %dma_wait3A_103] : memref<131072x128xf32, #tpu.memory_space<hbm>> -> memref<512x128xf32, #tpu.memory_space<hbm>>
      tpu.wait_dma2 semaphore(%run_scoped3A : memref<!tpu.dma_semaphore, #tpu.memory_space<semaphore_mem>>) src(%arg6 : memref<512x128xf32, #tpu.memory_space<vmem>>) dst(%dma_wait3A_104 : memref<512x128xf32, #tpu.memory_space<hbm>>)
      tpu.yield
    }) : () -> ()
    %dma_start3A_49 = arith.constant 2048 : i32
    %dma_start3A_50 = tpu.memref_slice %arg5[%dma_start3A_49] : memref<4096xi32, #tpu.memory_space<vmem>> -> memref<512xi32, #tpu.memory_space<vmem>>
    %dma_start3A_51 = arith.constant 0 : i32
    %dma_start3A_52 = arith.constant 0 : i32
    %dma_start3A_53 = tpu.memref_slice %arg2[%dma_start3A_51, %dma_start3A_52] : memref<16384x128xf32, #tpu.memory_space<hbm>> -> memref<16384x128xf32, #tpu.memory_space<hbm>>
    tpu.enqueue_indirect_dma source(%dma_start3A_53 : memref<16384x128xf32, #tpu.memory_space<hbm>>) target(%arg6 : memref<512x128xf32, #tpu.memory_space<vmem>>) offsets(%dma_start3A_50 : memref<512xi32, #tpu.memory_space<vmem>>) semaphore(%arg7 : memref<!tpu.dma_semaphore, #tpu.memory_space<semaphore_mem>>)
    %dma_wait3A_54 = arith.constant 2048 : i32
    %dma_wait3A_55 = tpu.memref_slice %arg5[%dma_wait3A_54] : memref<4096xi32, #tpu.memory_space<vmem>> -> memref<512xi32, #tpu.memory_space<vmem>>
    %dma_wait3A_56 = arith.constant 0 : i32
    %dma_wait3A_57 = arith.constant 0 : i32
    %dma_wait3A_58 = tpu.memref_slice %arg2[%dma_wait3A_56, %dma_wait3A_57] : memref<16384x128xf32, #tpu.memory_space<hbm>> -> memref<16384x128xf32, #tpu.memory_space<hbm>>
    tpu.wait_indirect_dma semaphore(%arg7 : memref<!tpu.dma_semaphore, #tpu.memory_space<semaphore_mem>>) src(%dma_wait3A_58 : memref<16384x128xf32, #tpu.memory_space<hbm>>) dst(%arg6 : memref<512x128xf32, #tpu.memory_space<vmem>>)
    %add3A_59 = arith.constant 2048 : i32
    %add3A_60 = arith.addi %mul3A_2, %add3A_59 : i32
    "tpu.region"() ({
      %run_scoped3A = tpu.sem_alloc : memref<!tpu.dma_semaphore, #tpu.memory_space<semaphore_mem>>
      %dma_start3A_97 = arith.constant 0 : i32
      %dma_start3A_98 = tpu.memref_slice %arg4[%add3A_60, %dma_start3A_97] : memref<131072x128xf32, #tpu.memory_space<hbm>> -> memref<512x128xf32, #tpu.memory_space<hbm>>
      %dma_start3A_99 = arith.constant 0 : i32
      %dma_start3A_100 = tpu.memref_slice %arg4[%add3A_60, %dma_start3A_99] : memref<131072x128xf32, #tpu.memory_space<hbm>> -> memref<512x128xf32, #tpu.memory_space<hbm>>
      tpu.enqueue_dma source(%arg6 : memref<512x128xf32, #tpu.memory_space<vmem>>) target(%dma_start3A_100 : memref<512x128xf32, #tpu.memory_space<hbm>>) target_semaphore(%run_scoped3A : memref<!tpu.dma_semaphore, #tpu.memory_space<semaphore_mem>>)
      %dma_wait3A_101 = arith.constant 0 : i32
      %dma_wait3A_102 = tpu.memref_slice %arg4[%add3A_60, %dma_wait3A_101] : memref<131072x128xf32, #tpu.memory_space<hbm>> -> memref<512x128xf32, #tpu.memory_space<hbm>>
      %dma_wait3A_103 = arith.constant 0 : i32
      %dma_wait3A_104 = tpu.memref_slice %arg4[%add3A_60, %dma_wait3A_103] : memref<131072x128xf32, #tpu.memory_space<hbm>> -> memref<512x128xf32, #tpu.memory_space<hbm>>
      tpu.wait_dma2 semaphore(%run_scoped3A : memref<!tpu.dma_semaphore, #tpu.memory_space<semaphore_mem>>) src(%arg6 : memref<512x128xf32, #tpu.memory_space<vmem>>) dst(%dma_wait3A_104 : memref<512x128xf32, #tpu.memory_space<hbm>>)
      tpu.yield
    }) : () -> ()
    %dma_start3A_61 = arith.constant 2560 : i32
    %dma_start3A_62 = tpu.memref_slice %arg5[%dma_start3A_61] : memref<4096xi32, #tpu.memory_space<vmem>> -> memref<512xi32, #tpu.memory_space<vmem>>
    %dma_start3A_63 = arith.constant 0 : i32
    %dma_start3A_64 = arith.constant 0 : i32
    %dma_start3A_65 = tpu.memref_slice %arg2[%dma_start3A_63, %dma_start3A_64] : memref<16384x128xf32, #tpu.memory_space<hbm>> -> memref<16384x128xf32, #tpu.memory_space<hbm>>
    tpu.enqueue_indirect_dma source(%dma_start3A_65 : memref<16384x128xf32, #tpu.memory_space<hbm>>) target(%arg6 : memref<512x128xf32, #tpu.memory_space<vmem>>) offsets(%dma_start3A_62 : memref<512xi32, #tpu.memory_space<vmem>>) semaphore(%arg7 : memref<!tpu.dma_semaphore, #tpu.memory_space<semaphore_mem>>)
    %dma_wait3A_66 = arith.constant 2560 : i32
    %dma_wait3A_67 = tpu.memref_slice %arg5[%dma_wait3A_66] : memref<4096xi32, #tpu.memory_space<vmem>> -> memref<512xi32, #tpu.memory_space<vmem>>
    %dma_wait3A_68 = arith.constant 0 : i32
    %dma_wait3A_69 = arith.constant 0 : i32
    %dma_wait3A_70 = tpu.memref_slice %arg2[%dma_wait3A_68, %dma_wait3A_69] : memref<16384x128xf32, #tpu.memory_space<hbm>> -> memref<16384x128xf32, #tpu.memory_space<hbm>>
    tpu.wait_indirect_dma semaphore(%arg7 : memref<!tpu.dma_semaphore, #tpu.memory_space<semaphore_mem>>) src(%dma_wait3A_70 : memref<16384x128xf32, #tpu.memory_space<hbm>>) dst(%arg6 : memref<512x128xf32, #tpu.memory_space<vmem>>)
    %add3A_71 = arith.constant 2560 : i32
    %add3A_72 = arith.addi %mul3A_2, %add3A_71 : i32
    "tpu.region"() ({
      %run_scoped3A = tpu.sem_alloc : memref<!tpu.dma_semaphore, #tpu.memory_space<semaphore_mem>>
      %dma_start3A_97 = arith.constant 0 : i32
      %dma_start3A_98 = tpu.memref_slice %arg4[%add3A_72, %dma_start3A_97] : memref<131072x128xf32, #tpu.memory_space<hbm>> -> memref<512x128xf32, #tpu.memory_space<hbm>>
      %dma_start3A_99 = arith.constant 0 : i32
      %dma_start3A_100 = tpu.memref_slice %arg4[%add3A_72, %dma_start3A_99] : memref<131072x128xf32, #tpu.memory_space<hbm>> -> memref<512x128xf32, #tpu.memory_space<hbm>>
      tpu.enqueue_dma source(%arg6 : memref<512x128xf32, #tpu.memory_space<vmem>>) target(%dma_start3A_100 : memref<512x128xf32, #tpu.memory_space<hbm>>) target_semaphore(%run_scoped3A : memref<!tpu.dma_semaphore, #tpu.memory_space<semaphore_mem>>)
      %dma_wait3A_101 = arith.constant 0 : i32
      %dma_wait3A_102 = tpu.memref_slice %arg4[%add3A_72, %dma_wait3A_101] : memref<131072x128xf32, #tpu.memory_space<hbm>> -> memref<512x128xf32, #tpu.memory_space<hbm>>
      %dma_wait3A_103 = arith.constant 0 : i32
      %dma_wait3A_104 = tpu.memref_slice %arg4[%add3A_72, %dma_wait3A_103] : memref<131072x128xf32, #tpu.memory_space<hbm>> -> memref<512x128xf32, #tpu.memory_space<hbm>>
      tpu.wait_dma2 semaphore(%run_scoped3A : memref<!tpu.dma_semaphore, #tpu.memory_space<semaphore_mem>>) src(%arg6 : memref<512x128xf32, #tpu.memory_space<vmem>>) dst(%dma_wait3A_104 : memref<512x128xf32, #tpu.memory_space<hbm>>)
      tpu.yield
    }) : () -> ()
    %dma_start3A_73 = arith.constant 3072 : i32
    %dma_start3A_74 = tpu.memref_slice %arg5[%dma_start3A_73] : memref<4096xi32, #tpu.memory_space<vmem>> -> memref<512xi32, #tpu.memory_space<vmem>>
    %dma_start3A_75 = arith.constant 0 : i32
    %dma_start3A_76 = arith.constant 0 : i32
    %dma_start3A_77 = tpu.memref_slice %arg2[%dma_start3A_75, %dma_start3A_76] : memref<16384x128xf32, #tpu.memory_space<hbm>> -> memref<16384x128xf32, #tpu.memory_space<hbm>>
    tpu.enqueue_indirect_dma source(%dma_start3A_77 : memref<16384x128xf32, #tpu.memory_space<hbm>>) target(%arg6 : memref<512x128xf32, #tpu.memory_space<vmem>>) offsets(%dma_start3A_74 : memref<512xi32, #tpu.memory_space<vmem>>) semaphore(%arg7 : memref<!tpu.dma_semaphore, #tpu.memory_space<semaphore_mem>>)
    %dma_wait3A_78 = arith.constant 3072 : i32
    %dma_wait3A_79 = tpu.memref_slice %arg5[%dma_wait3A_78] : memref<4096xi32, #tpu.memory_space<vmem>> -> memref<512xi32, #tpu.memory_space<vmem>>
    %dma_wait3A_80 = arith.constant 0 : i32
    %dma_wait3A_81 = arith.constant 0 : i32
    %dma_wait3A_82 = tpu.memref_slice %arg2[%dma_wait3A_80, %dma_wait3A_81] : memref<16384x128xf32, #tpu.memory_space<hbm>> -> memref<16384x128xf32, #tpu.memory_space<hbm>>
    tpu.wait_indirect_dma semaphore(%arg7 : memref<!tpu.dma_semaphore, #tpu.memory_space<semaphore_mem>>) src(%dma_wait3A_82 : memref<16384x128xf32, #tpu.memory_space<hbm>>) dst(%arg6 : memref<512x128xf32, #tpu.memory_space<vmem>>)
    %add3A_83 = arith.constant 3072 : i32
    %add3A_84 = arith.addi %mul3A_2, %add3A_83 : i32
    "tpu.region"() ({
      %run_scoped3A = tpu.sem_alloc : memref<!tpu.dma_semaphore, #tpu.memory_space<semaphore_mem>>
      %dma_start3A_97 = arith.constant 0 : i32
      %dma_start3A_98 = tpu.memref_slice %arg4[%add3A_84, %dma_start3A_97] : memref<131072x128xf32, #tpu.memory_space<hbm>> -> memref<512x128xf32, #tpu.memory_space<hbm>>
      %dma_start3A_99 = arith.constant 0 : i32
      %dma_start3A_100 = tpu.memref_slice %arg4[%add3A_84, %dma_start3A_99] : memref<131072x128xf32, #tpu.memory_space<hbm>> -> memref<512x128xf32, #tpu.memory_space<hbm>>
      tpu.enqueue_dma source(%arg6 : memref<512x128xf32, #tpu.memory_space<vmem>>) target(%dma_start3A_100 : memref<512x128xf32, #tpu.memory_space<hbm>>) target_semaphore(%run_scoped3A : memref<!tpu.dma_semaphore, #tpu.memory_space<semaphore_mem>>)
      %dma_wait3A_101 = arith.constant 0 : i32
      %dma_wait3A_102 = tpu.memref_slice %arg4[%add3A_84, %dma_wait3A_101] : memref<131072x128xf32, #tpu.memory_space<hbm>> -> memref<512x128xf32, #tpu.memory_space<hbm>>
      %dma_wait3A_103 = arith.constant 0 : i32
      %dma_wait3A_104 = tpu.memref_slice %arg4[%add3A_84, %dma_wait3A_103] : memref<131072x128xf32, #tpu.memory_space<hbm>> -> memref<512x128xf32, #tpu.memory_space<hbm>>
      tpu.wait_dma2 semaphore(%run_scoped3A : memref<!tpu.dma_semaphore, #tpu.memory_space<semaphore_mem>>) src(%arg6 : memref<512x128xf32, #tpu.memory_space<vmem>>) dst(%dma_wait3A_104 : memref<512x128xf32, #tpu.memory_space<hbm>>)
      tpu.yield
    }) : () -> ()
    %dma_start3A_85 = arith.constant 3584 : i32
    %dma_start3A_86 = tpu.memref_slice %arg5[%dma_start3A_85] : memref<4096xi32, #tpu.memory_space<vmem>> -> memref<512xi32, #tpu.memory_space<vmem>>
    %dma_start3A_87 = arith.constant 0 : i32
    %dma_start3A_88 = arith.constant 0 : i32
    %dma_start3A_89 = tpu.memref_slice %arg2[%dma_start3A_87, %dma_start3A_88] : memref<16384x128xf32, #tpu.memory_space<hbm>> -> memref<16384x128xf32, #tpu.memory_space<hbm>>
    tpu.enqueue_indirect_dma source(%dma_start3A_89 : memref<16384x128xf32, #tpu.memory_space<hbm>>) target(%arg6 : memref<512x128xf32, #tpu.memory_space<vmem>>) offsets(%dma_start3A_86 : memref<512xi32, #tpu.memory_space<vmem>>) semaphore(%arg7 : memref<!tpu.dma_semaphore, #tpu.memory_space<semaphore_mem>>)
    %dma_wait3A_90 = arith.constant 3584 : i32
    %dma_wait3A_91 = tpu.memref_slice %arg5[%dma_wait3A_90] : memref<4096xi32, #tpu.memory_space<vmem>> -> memref<512xi32, #tpu.memory_space<vmem>>
    %dma_wait3A_92 = arith.constant 0 : i32
    %dma_wait3A_93 = arith.constant 0 : i32
    %dma_wait3A_94 = tpu.memref_slice %arg2[%dma_wait3A_92, %dma_wait3A_93] : memref<16384x128xf32, #tpu.memory_space<hbm>> -> memref<16384x128xf32, #tpu.memory_space<hbm>>
    tpu.wait_indirect_dma semaphore(%arg7 : memref<!tpu.dma_semaphore, #tpu.memory_space<semaphore_mem>>) src(%dma_wait3A_94 : memref<16384x128xf32, #tpu.memory_space<hbm>>) dst(%arg6 : memref<512x128xf32, #tpu.memory_space<vmem>>)
    %add3A_95 = arith.constant 3584 : i32
    %add3A_96 = arith.addi %mul3A_2, %add3A_95 : i32
    "tpu.region"() ({
      %run_scoped3A = tpu.sem_alloc : memref<!tpu.dma_semaphore, #tpu.memory_space<semaphore_mem>>
      %dma_start3A_97 = arith.constant 0 : i32
      %dma_start3A_98 = tpu.memref_slice %arg4[%add3A_96, %dma_start3A_97] : memref<131072x128xf32, #tpu.memory_space<hbm>> -> memref<512x128xf32, #tpu.memory_space<hbm>>
      %dma_start3A_99 = arith.constant 0 : i32
      %dma_start3A_100 = tpu.memref_slice %arg4[%add3A_96, %dma_start3A_99] : memref<131072x128xf32, #tpu.memory_space<hbm>> -> memref<512x128xf32, #tpu.memory_space<hbm>>
      tpu.enqueue_dma source(%arg6 : memref<512x128xf32, #tpu.memory_space<vmem>>) target(%dma_start3A_100 : memref<512x128xf32, #tpu.memory_space<hbm>>) target_semaphore(%run_scoped3A : memref<!tpu.dma_semaphore, #tpu.memory_space<semaphore_mem>>)
      %dma_wait3A_101 = arith.constant 0 : i32
      %dma_wait3A_102 = tpu.memref_slice %arg4[%add3A_96, %dma_wait3A_101] : memref<131072x128xf32, #tpu.memory_space<hbm>> -> memref<512x128xf32, #tpu.memory_space<hbm>>
      %dma_wait3A_103 = arith.constant 0 : i32
      %dma_wait3A_104 = tpu.memref_slice %arg4[%add3A_96, %dma_wait3A_103] : memref<131072x128xf32, #tpu.memory_space<hbm>> -> memref<512x128xf32, #tpu.memory_space<hbm>>
      tpu.wait_dma2 semaphore(%run_scoped3A : memref<!tpu.dma_semaphore, #tpu.memory_space<semaphore_mem>>) src(%arg6 : memref<512x128xf32, #tpu.memory_space<vmem>>) dst(%dma_wait3A_104 : memref<512x128xf32, #tpu.memory_space<hbm>>)
      tpu.yield
    }) : () -> ()
    return
  }
}

#map = affine_map<(d0, d1) -> (0, 0)>
#map1 = affine_map<(d0, d1) -> (0)>
module attributes {stable_mosaic.version = 14 : i64} {
  func.func @k(%arg0: i32, %arg1: i32, %arg2: memref<4096x128xf32, #tpu.memory_space<hbm>>, %arg3: memref<32768xi32, #tpu.memory_space<hbm>>, %arg4: memref<32768x128xf32, #tpu.memory_space<hbm>>, %arg5: memref<1024xi32, #tpu.memory_space<vmem>>, %arg6: memref<512x128xf32, #tpu.memory_space<vmem>>, %arg7: memref<!tpu.dma_semaphore, #tpu.memory_space<semaphore_mem>>) attributes {dimension_semantics = [#tpu.dimension_semantics<core_parallel>, #tpu.dimension_semantics<subcore_parallel>], iteration_bounds = array<i64: 2, 16>, scalar_prefetch = 0 : i64, scratch_operands = 3 : i64, tpu.core_type = #tpu.core_type<sc_vector_subcore>, window_params = [{transform_indices = #map}, {transform_indices = #map1}, {transform_indices = #map}]} {
    %mul3A = arith.constant 2 : i32
    %mul3A_0 = arith.muli %arg1, %mul3A : i32
    %add3A = arith.addi %mul3A_0, %arg0 : i32
    %mul3A_1 = arith.constant 1024 : i32
    %mul3A_2 = arith.muli %add3A, %mul3A_1 : i32
    "tpu.region"() ({
      %run_scoped3A = tpu.sem_alloc : memref<!tpu.dma_semaphore, #tpu.memory_space<semaphore_mem>>
      %dma_start3A_25 = tpu.memref_slice %arg3[%mul3A_2] : memref<32768xi32, #tpu.memory_space<hbm>> -> memref<1024xi32, #tpu.memory_space<hbm>>
      %dma_start3A_26 = tpu.memref_slice %arg3[%mul3A_2] : memref<32768xi32, #tpu.memory_space<hbm>> -> memref<1024xi32, #tpu.memory_space<hbm>>
      tpu.enqueue_dma source(%dma_start3A_26 : memref<1024xi32, #tpu.memory_space<hbm>>) target(%arg5 : memref<1024xi32, #tpu.memory_space<vmem>>) target_semaphore(%run_scoped3A : memref<!tpu.dma_semaphore, #tpu.memory_space<semaphore_mem>>)
      %dma_wait3A_27 = tpu.memref_slice %arg3[%mul3A_2] : memref<32768xi32, #tpu.memory_space<hbm>> -> memref<1024xi32, #tpu.memory_space<hbm>>
      %dma_wait3A_28 = tpu.memref_slice %arg3[%mul3A_2] : memref<32768xi32, #tpu.memory_space<hbm>> -> memref<1024xi32, #tpu.memory_space<hbm>>
      tpu.wait_dma2 semaphore(%run_scoped3A : memref<!tpu.dma_semaphore, #tpu.memory_space<semaphore_mem>>) src(%dma_wait3A_28 : memref<1024xi32, #tpu.memory_space<hbm>>) dst(%arg5 : memref<1024xi32, #tpu.memory_space<vmem>>)
      tpu.yield
    }) : () -> ()
    %dma_start3A = arith.constant 0 : i32
    %dma_start3A_3 = tpu.memref_slice %arg5[%dma_start3A] : memref<1024xi32, #tpu.memory_space<vmem>> -> memref<512xi32, #tpu.memory_space<vmem>>
    %dma_start3A_4 = arith.constant 0 : i32
    %dma_start3A_5 = arith.constant 0 : i32
    %dma_start3A_6 = tpu.memref_slice %arg2[%dma_start3A_4, %dma_start3A_5] : memref<4096x128xf32, #tpu.memory_space<hbm>> -> memref<4096x128xf32, #tpu.memory_space<hbm>>
    tpu.enqueue_indirect_dma source(%dma_start3A_6 : memref<4096x128xf32, #tpu.memory_space<hbm>>) target(%arg6 : memref<512x128xf32, #tpu.memory_space<vmem>>) offsets(%dma_start3A_3 : memref<512xi32, #tpu.memory_space<vmem>>) semaphore(%arg7 : memref<!tpu.dma_semaphore, #tpu.memory_space<semaphore_mem>>)
    %dma_wait3A = arith.constant 0 : i32
    %dma_wait3A_7 = tpu.memref_slice %arg5[%dma_wait3A] : memref<1024xi32, #tpu.memory_space<vmem>> -> memref<512xi32, #tpu.memory_space<vmem>>
    %dma_wait3A_8 = arith.constant 0 : i32
    %dma_wait3A_9 = arith.constant 0 : i32
    %dma_wait3A_10 = tpu.memref_slice %arg2[%dma_wait3A_8, %dma_wait3A_9] : memref<4096x128xf32, #tpu.memory_space<hbm>> -> memref<4096x128xf32, #tpu.memory_space<hbm>>
    tpu.wait_indirect_dma semaphore(%arg7 : memref<!tpu.dma_semaphore, #tpu.memory_space<semaphore_mem>>) src(%dma_wait3A_10 : memref<4096x128xf32, #tpu.memory_space<hbm>>) dst(%arg6 : memref<512x128xf32, #tpu.memory_space<vmem>>)
    %add3A_11 = arith.constant 0 : i32
    %add3A_12 = arith.addi %mul3A_2, %add3A_11 : i32
    "tpu.region"() ({
      %run_scoped3A = tpu.sem_alloc : memref<!tpu.dma_semaphore, #tpu.memory_space<semaphore_mem>>
      %dma_start3A_25 = arith.constant 0 : i32
      %dma_start3A_26 = tpu.memref_slice %arg4[%add3A_12, %dma_start3A_25] : memref<32768x128xf32, #tpu.memory_space<hbm>> -> memref<512x128xf32, #tpu.memory_space<hbm>>
      %dma_start3A_27 = arith.constant 0 : i32
      %dma_start3A_28 = tpu.memref_slice %arg4[%add3A_12, %dma_start3A_27] : memref<32768x128xf32, #tpu.memory_space<hbm>> -> memref<512x128xf32, #tpu.memory_space<hbm>>
      tpu.enqueue_dma source(%arg6 : memref<512x128xf32, #tpu.memory_space<vmem>>) target(%dma_start3A_28 : memref<512x128xf32, #tpu.memory_space<hbm>>) target_semaphore(%run_scoped3A : memref<!tpu.dma_semaphore, #tpu.memory_space<semaphore_mem>>)
      %dma_wait3A_29 = arith.constant 0 : i32
      %dma_wait3A_30 = tpu.memref_slice %arg4[%add3A_12, %dma_wait3A_29] : memref<32768x128xf32, #tpu.memory_space<hbm>> -> memref<512x128xf32, #tpu.memory_space<hbm>>
      %dma_wait3A_31 = arith.constant 0 : i32
      %dma_wait3A_32 = tpu.memref_slice %arg4[%add3A_12, %dma_wait3A_31] : memref<32768x128xf32, #tpu.memory_space<hbm>> -> memref<512x128xf32, #tpu.memory_space<hbm>>
      tpu.wait_dma2 semaphore(%run_scoped3A : memref<!tpu.dma_semaphore, #tpu.memory_space<semaphore_mem>>) src(%arg6 : memref<512x128xf32, #tpu.memory_space<vmem>>) dst(%dma_wait3A_32 : memref<512x128xf32, #tpu.memory_space<hbm>>)
      tpu.yield
    }) : () -> ()
    %dma_start3A_13 = arith.constant 512 : i32
    %dma_start3A_14 = tpu.memref_slice %arg5[%dma_start3A_13] : memref<1024xi32, #tpu.memory_space<vmem>> -> memref<512xi32, #tpu.memory_space<vmem>>
    %dma_start3A_15 = arith.constant 0 : i32
    %dma_start3A_16 = arith.constant 0 : i32
    %dma_start3A_17 = tpu.memref_slice %arg2[%dma_start3A_15, %dma_start3A_16] : memref<4096x128xf32, #tpu.memory_space<hbm>> -> memref<4096x128xf32, #tpu.memory_space<hbm>>
    tpu.enqueue_indirect_dma source(%dma_start3A_17 : memref<4096x128xf32, #tpu.memory_space<hbm>>) target(%arg6 : memref<512x128xf32, #tpu.memory_space<vmem>>) offsets(%dma_start3A_14 : memref<512xi32, #tpu.memory_space<vmem>>) semaphore(%arg7 : memref<!tpu.dma_semaphore, #tpu.memory_space<semaphore_mem>>)
    %dma_wait3A_18 = arith.constant 512 : i32
    %dma_wait3A_19 = tpu.memref_slice %arg5[%dma_wait3A_18] : memref<1024xi32, #tpu.memory_space<vmem>> -> memref<512xi32, #tpu.memory_space<vmem>>
    %dma_wait3A_20 = arith.constant 0 : i32
    %dma_wait3A_21 = arith.constant 0 : i32
    %dma_wait3A_22 = tpu.memref_slice %arg2[%dma_wait3A_20, %dma_wait3A_21] : memref<4096x128xf32, #tpu.memory_space<hbm>> -> memref<4096x128xf32, #tpu.memory_space<hbm>>
    tpu.wait_indirect_dma semaphore(%arg7 : memref<!tpu.dma_semaphore, #tpu.memory_space<semaphore_mem>>) src(%dma_wait3A_22 : memref<4096x128xf32, #tpu.memory_space<hbm>>) dst(%arg6 : memref<512x128xf32, #tpu.memory_space<vmem>>)
    %add3A_23 = arith.constant 512 : i32
    %add3A_24 = arith.addi %mul3A_2, %add3A_23 : i32
    "tpu.region"() ({
      %run_scoped3A = tpu.sem_alloc : memref<!tpu.dma_semaphore, #tpu.memory_space<semaphore_mem>>
      %dma_start3A_25 = arith.constant 0 : i32
      %dma_start3A_26 = tpu.memref_slice %arg4[%add3A_24, %dma_start3A_25] : memref<32768x128xf32, #tpu.memory_space<hbm>> -> memref<512x128xf32, #tpu.memory_space<hbm>>
      %dma_start3A_27 = arith.constant 0 : i32
      %dma_start3A_28 = tpu.memref_slice %arg4[%add3A_24, %dma_start3A_27] : memref<32768x128xf32, #tpu.memory_space<hbm>> -> memref<512x128xf32, #tpu.memory_space<hbm>>
      tpu.enqueue_dma source(%arg6 : memref<512x128xf32, #tpu.memory_space<vmem>>) target(%dma_start3A_28 : memref<512x128xf32, #tpu.memory_space<hbm>>) target_semaphore(%run_scoped3A : memref<!tpu.dma_semaphore, #tpu.memory_space<semaphore_mem>>)
      %dma_wait3A_29 = arith.constant 0 : i32
      %dma_wait3A_30 = tpu.memref_slice %arg4[%add3A_24, %dma_wait3A_29] : memref<32768x128xf32, #tpu.memory_space<hbm>> -> memref<512x128xf32, #tpu.memory_space<hbm>>
      %dma_wait3A_31 = arith.constant 0 : i32
      %dma_wait3A_32 = tpu.memref_slice %arg4[%add3A_24, %dma_wait3A_31] : memref<32768x128xf32, #tpu.memory_space<hbm>> -> memref<512x128xf32, #tpu.memory_space<hbm>>
      tpu.wait_dma2 semaphore(%run_scoped3A : memref<!tpu.dma_semaphore, #tpu.memory_space<semaphore_mem>>) src(%arg6 : memref<512x128xf32, #tpu.memory_space<vmem>>) dst(%dma_wait3A_32 : memref<512x128xf32, #tpu.memory_space<hbm>>)
      tpu.yield
    }) : () -> ()
    return
  }
}

#map = affine_map<(d0, d1) -> (0, 0)>
#map1 = affine_map<(d0, d1) -> (0)>
module attributes {stable_mosaic.version = 14 : i64} {
  func.func @k(%arg0: i32, %arg1: i32, %arg2: memref<1024x256xf32, #tpu.memory_space<hbm>>, %arg3: memref<8192xi32, #tpu.memory_space<hbm>>, %arg4: memref<8192x256xf32, #tpu.memory_space<hbm>>, %arg5: memref<256xi32, #tpu.memory_space<vmem>>, %arg6: memref<256x256xf32, #tpu.memory_space<vmem>>, %arg7: memref<!tpu.dma_semaphore, #tpu.memory_space<semaphore_mem>>) attributes {dimension_semantics = [#tpu.dimension_semantics<core_parallel>, #tpu.dimension_semantics<subcore_parallel>], iteration_bounds = array<i64: 2, 16>, scalar_prefetch = 0 : i64, scratch_operands = 3 : i64, tpu.core_type = #tpu.core_type<sc_vector_subcore>, window_params = [{transform_indices = #map}, {transform_indices = #map1}, {transform_indices = #map}]} {
    %mul3A = arith.constant 2 : i32
    %mul3A_0 = arith.muli %arg1, %mul3A : i32
    %add3A = arith.addi %mul3A_0, %arg0 : i32
    %mul3A_1 = arith.constant 256 : i32
    %mul3A_2 = arith.muli %add3A, %mul3A_1 : i32
    "tpu.region"() ({
      %run_scoped3A = tpu.sem_alloc : memref<!tpu.dma_semaphore, #tpu.memory_space<semaphore_mem>>
      %dma_start3A_9 = tpu.memref_slice %arg3[%mul3A_2] : memref<8192xi32, #tpu.memory_space<hbm>> -> memref<256xi32, #tpu.memory_space<hbm>>
      %dma_start3A_10 = tpu.memref_slice %arg3[%mul3A_2] : memref<8192xi32, #tpu.memory_space<hbm>> -> memref<256xi32, #tpu.memory_space<hbm>>
      tpu.enqueue_dma source(%dma_start3A_10 : memref<256xi32, #tpu.memory_space<hbm>>) target(%arg5 : memref<256xi32, #tpu.memory_space<vmem>>) target_semaphore(%run_scoped3A : memref<!tpu.dma_semaphore, #tpu.memory_space<semaphore_mem>>)
      %dma_wait3A_11 = tpu.memref_slice %arg3[%mul3A_2] : memref<8192xi32, #tpu.memory_space<hbm>> -> memref<256xi32, #tpu.memory_space<hbm>>
      %dma_wait3A_12 = tpu.memref_slice %arg3[%mul3A_2] : memref<8192xi32, #tpu.memory_space<hbm>> -> memref<256xi32, #tpu.memory_space<hbm>>
      tpu.wait_dma2 semaphore(%run_scoped3A : memref<!tpu.dma_semaphore, #tpu.memory_space<semaphore_mem>>) src(%dma_wait3A_12 : memref<256xi32, #tpu.memory_space<hbm>>) dst(%arg5 : memref<256xi32, #tpu.memory_space<vmem>>)
      tpu.yield
    }) : () -> ()
    %dma_start3A = arith.constant 0 : i32
    %dma_start3A_3 = arith.constant 0 : i32
    %dma_start3A_4 = tpu.memref_slice %arg2[%dma_start3A, %dma_start3A_3] : memref<1024x256xf32, #tpu.memory_space<hbm>> -> memref<1024x256xf32, #tpu.memory_space<hbm>>
    tpu.enqueue_indirect_dma source(%dma_start3A_4 : memref<1024x256xf32, #tpu.memory_space<hbm>>) target(%arg6 : memref<256x256xf32, #tpu.memory_space<vmem>>) offsets(%arg5 : memref<256xi32, #tpu.memory_space<vmem>>) semaphore(%arg7 : memref<!tpu.dma_semaphore, #tpu.memory_space<semaphore_mem>>)
    %dma_wait3A = arith.constant 0 : i32
    %dma_wait3A_5 = arith.constant 0 : i32
    %dma_wait3A_6 = tpu.memref_slice %arg2[%dma_wait3A, %dma_wait3A_5] : memref<1024x256xf32, #tpu.memory_space<hbm>> -> memref<1024x256xf32, #tpu.memory_space<hbm>>
    tpu.wait_indirect_dma semaphore(%arg7 : memref<!tpu.dma_semaphore, #tpu.memory_space<semaphore_mem>>) src(%dma_wait3A_6 : memref<1024x256xf32, #tpu.memory_space<hbm>>) dst(%arg6 : memref<256x256xf32, #tpu.memory_space<vmem>>)
    %add3A_7 = arith.constant 0 : i32
    %add3A_8 = arith.addi %mul3A_2, %add3A_7 : i32
    "tpu.region"() ({
      %run_scoped3A = tpu.sem_alloc : memref<!tpu.dma_semaphore, #tpu.memory_space<semaphore_mem>>
      %dma_start3A_9 = arith.constant 0 : i32
      %dma_start3A_10 = tpu.memref_slice %arg4[%add3A_8, %dma_start3A_9] : memref<8192x256xf32, #tpu.memory_space<hbm>> -> memref<256x256xf32, #tpu.memory_space<hbm>>
      %dma_start3A_11 = arith.constant 0 : i32
      %dma_start3A_12 = tpu.memref_slice %arg4[%add3A_8, %dma_start3A_11] : memref<8192x256xf32, #tpu.memory_space<hbm>> -> memref<256x256xf32, #tpu.memory_space<hbm>>
      tpu.enqueue_dma source(%arg6 : memref<256x256xf32, #tpu.memory_space<vmem>>) target(%dma_start3A_12 : memref<256x256xf32, #tpu.memory_space<hbm>>) target_semaphore(%run_scoped3A : memref<!tpu.dma_semaphore, #tpu.memory_space<semaphore_mem>>)
      %dma_wait3A_13 = arith.constant 0 : i32
      %dma_wait3A_14 = tpu.memref_slice %arg4[%add3A_8, %dma_wait3A_13] : memref<8192x256xf32, #tpu.memory_space<hbm>> -> memref<256x256xf32, #tpu.memory_space<hbm>>
      %dma_wait3A_15 = arith.constant 0 : i32
      %dma_wait3A_16 = tpu.memref_slice %arg4[%add3A_8, %dma_wait3A_15] : memref<8192x256xf32, #tpu.memory_space<hbm>> -> memref<256x256xf32, #tpu.memory_space<hbm>>
      tpu.wait_dma2 semaphore(%run_scoped3A : memref<!tpu.dma_semaphore, #tpu.memory_space<semaphore_mem>>) src(%arg6 : memref<256x256xf32, #tpu.memory_space<vmem>>) dst(%dma_wait3A_16 : memref<256x256xf32, #tpu.memory_space<hbm>>)
      tpu.yield
    }) : () -> ()
    return
  }
}

#map = affine_map<(d0, d1) -> (0, 0)>
#map1 = affine_map<(d0, d1) -> (0)>
module attributes {stable_mosaic.version = 14 : i64} {
  func.func @k(%arg0: i32, %arg1: i32, %arg2: memref<64x512xf32, #tpu.memory_space<hbm>>, %arg3: memref<768xi32, #tpu.memory_space<hbm>>, %arg4: memref<768x512xf32, #tpu.memory_space<hbm>>, %arg5: memref<24xi32, #tpu.memory_space<vmem>>, %arg6: memref<24x512xf32, #tpu.memory_space<vmem>>, %arg7: memref<!tpu.dma_semaphore, #tpu.memory_space<semaphore_mem>>) attributes {dimension_semantics = [#tpu.dimension_semantics<core_parallel>, #tpu.dimension_semantics<subcore_parallel>], iteration_bounds = array<i64: 2, 16>, scalar_prefetch = 0 : i64, scratch_operands = 3 : i64, tpu.core_type = #tpu.core_type<sc_vector_subcore>, window_params = [{transform_indices = #map}, {transform_indices = #map1}, {transform_indices = #map}]} {
    %mul3A = arith.constant 2 : i32
    %mul3A_0 = arith.muli %arg1, %mul3A : i32
    %add3A = arith.addi %mul3A_0, %arg0 : i32
    %mul3A_1 = arith.constant 24 : i32
    %mul3A_2 = arith.muli %add3A, %mul3A_1 : i32
    "tpu.region"() ({
      %run_scoped3A = tpu.sem_alloc : memref<!tpu.dma_semaphore, #tpu.memory_space<semaphore_mem>>
      %dma_start3A_9 = tpu.memref_slice %arg3[%mul3A_2] : memref<768xi32, #tpu.memory_space<hbm>> -> memref<24xi32, #tpu.memory_space<hbm>>
      %dma_start3A_10 = tpu.memref_slice %arg3[%mul3A_2] : memref<768xi32, #tpu.memory_space<hbm>> -> memref<24xi32, #tpu.memory_space<hbm>>
      tpu.enqueue_dma source(%dma_start3A_10 : memref<24xi32, #tpu.memory_space<hbm>>) target(%arg5 : memref<24xi32, #tpu.memory_space<vmem>>) target_semaphore(%run_scoped3A : memref<!tpu.dma_semaphore, #tpu.memory_space<semaphore_mem>>)
      %dma_wait3A_11 = tpu.memref_slice %arg3[%mul3A_2] : memref<768xi32, #tpu.memory_space<hbm>> -> memref<24xi32, #tpu.memory_space<hbm>>
      %dma_wait3A_12 = tpu.memref_slice %arg3[%mul3A_2] : memref<768xi32, #tpu.memory_space<hbm>> -> memref<24xi32, #tpu.memory_space<hbm>>
      tpu.wait_dma2 semaphore(%run_scoped3A : memref<!tpu.dma_semaphore, #tpu.memory_space<semaphore_mem>>) src(%dma_wait3A_12 : memref<24xi32, #tpu.memory_space<hbm>>) dst(%arg5 : memref<24xi32, #tpu.memory_space<vmem>>)
      tpu.yield
    }) : () -> ()
    %dma_start3A = arith.constant 0 : i32
    %dma_start3A_3 = arith.constant 0 : i32
    %dma_start3A_4 = tpu.memref_slice %arg2[%dma_start3A, %dma_start3A_3] : memref<64x512xf32, #tpu.memory_space<hbm>> -> memref<64x512xf32, #tpu.memory_space<hbm>>
    tpu.enqueue_indirect_dma source(%dma_start3A_4 : memref<64x512xf32, #tpu.memory_space<hbm>>) target(%arg6 : memref<24x512xf32, #tpu.memory_space<vmem>>) offsets(%arg5 : memref<24xi32, #tpu.memory_space<vmem>>) semaphore(%arg7 : memref<!tpu.dma_semaphore, #tpu.memory_space<semaphore_mem>>)
    %dma_wait3A = arith.constant 0 : i32
    %dma_wait3A_5 = arith.constant 0 : i32
    %dma_wait3A_6 = tpu.memref_slice %arg2[%dma_wait3A, %dma_wait3A_5] : memref<64x512xf32, #tpu.memory_space<hbm>> -> memref<64x512xf32, #tpu.memory_space<hbm>>
    tpu.wait_indirect_dma semaphore(%arg7 : memref<!tpu.dma_semaphore, #tpu.memory_space<semaphore_mem>>) src(%dma_wait3A_6 : memref<64x512xf32, #tpu.memory_space<hbm>>) dst(%arg6 : memref<24x512xf32, #tpu.memory_space<vmem>>)
    %add3A_7 = arith.constant 0 : i32
    %add3A_8 = arith.addi %mul3A_2, %add3A_7 : i32
    "tpu.region"() ({
      %run_scoped3A = tpu.sem_alloc : memref<!tpu.dma_semaphore, #tpu.memory_space<semaphore_mem>>
      %dma_start3A_9 = arith.constant 0 : i32
      %dma_start3A_10 = tpu.memref_slice %arg4[%add3A_8, %dma_start3A_9] : memref<768x512xf32, #tpu.memory_space<hbm>> -> memref<24x512xf32, #tpu.memory_space<hbm>>
      %dma_start3A_11 = arith.constant 0 : i32
      %dma_start3A_12 = tpu.memref_slice %arg4[%add3A_8, %dma_start3A_11] : memref<768x512xf32, #tpu.memory_space<hbm>> -> memref<24x512xf32, #tpu.memory_space<hbm>>
      tpu.enqueue_dma source(%arg6 : memref<24x512xf32, #tpu.memory_space<vmem>>) target(%dma_start3A_12 : memref<24x512xf32, #tpu.memory_space<hbm>>) target_semaphore(%run_scoped3A : memref<!tpu.dma_semaphore, #tpu.memory_space<semaphore_mem>>)
      %dma_wait3A_13 = arith.constant 0 : i32
      %dma_wait3A_14 = tpu.memref_slice %arg4[%add3A_8, %dma_wait3A_13] : memref<768x512xf32, #tpu.memory_space<hbm>> -> memref<24x512xf32, #tpu.memory_space<hbm>>
      %dma_wait3A_15 = arith.constant 0 : i32
      %dma_wait3A_16 = tpu.memref_slice %arg4[%add3A_8, %dma_wait3A_15] : memref<768x512xf32, #tpu.memory_space<hbm>> -> memref<24x512xf32, #tpu.memory_space<hbm>>
      tpu.wait_dma2 semaphore(%run_scoped3A : memref<!tpu.dma_semaphore, #tpu.memory_space<semaphore_mem>>) src(%arg6 : memref<24x512xf32, #tpu.memory_space<vmem>>) dst(%dma_wait3A_16 : memref<24x512xf32, #tpu.memory_space<hbm>>)
      tpu.yield
    }) : () -> ()
    return
  }
}

#map = affine_map<(d0, d1) -> (0, 0)>
#map1 = affine_map<(d0, d1) -> (0)>
module attributes {stable_mosaic.version = 14 : i64} {
  func.func @k(%arg0: i32, %arg1: i32, %arg2: memref<256x256xf32, #tpu.memory_space<hbm>>, %arg3: memref<3072xi32, #tpu.memory_space<hbm>>, %arg4: memref<3072x256xf32, #tpu.memory_space<hbm>>, %arg5: memref<96xi32, #tpu.memory_space<vmem>>, %arg6: memref<96x256xf32, #tpu.memory_space<vmem>>, %arg7: memref<!tpu.dma_semaphore, #tpu.memory_space<semaphore_mem>>) attributes {dimension_semantics = [#tpu.dimension_semantics<core_parallel>, #tpu.dimension_semantics<subcore_parallel>], iteration_bounds = array<i64: 2, 16>, scalar_prefetch = 0 : i64, scratch_operands = 3 : i64, tpu.core_type = #tpu.core_type<sc_vector_subcore>, window_params = [{transform_indices = #map}, {transform_indices = #map1}, {transform_indices = #map}]} {
    %mul3A = arith.constant 2 : i32
    %mul3A_0 = arith.muli %arg1, %mul3A : i32
    %add3A = arith.addi %mul3A_0, %arg0 : i32
    %mul3A_1 = arith.constant 96 : i32
    %mul3A_2 = arith.muli %add3A, %mul3A_1 : i32
    "tpu.region"() ({
      %run_scoped3A = tpu.sem_alloc : memref<!tpu.dma_semaphore, #tpu.memory_space<semaphore_mem>>
      %dma_start3A_9 = tpu.memref_slice %arg3[%mul3A_2] : memref<3072xi32, #tpu.memory_space<hbm>> -> memref<96xi32, #tpu.memory_space<hbm>>
      %dma_start3A_10 = tpu.memref_slice %arg3[%mul3A_2] : memref<3072xi32, #tpu.memory_space<hbm>> -> memref<96xi32, #tpu.memory_space<hbm>>
      tpu.enqueue_dma source(%dma_start3A_10 : memref<96xi32, #tpu.memory_space<hbm>>) target(%arg5 : memref<96xi32, #tpu.memory_space<vmem>>) target_semaphore(%run_scoped3A : memref<!tpu.dma_semaphore, #tpu.memory_space<semaphore_mem>>)
      %dma_wait3A_11 = tpu.memref_slice %arg3[%mul3A_2] : memref<3072xi32, #tpu.memory_space<hbm>> -> memref<96xi32, #tpu.memory_space<hbm>>
      %dma_wait3A_12 = tpu.memref_slice %arg3[%mul3A_2] : memref<3072xi32, #tpu.memory_space<hbm>> -> memref<96xi32, #tpu.memory_space<hbm>>
      tpu.wait_dma2 semaphore(%run_scoped3A : memref<!tpu.dma_semaphore, #tpu.memory_space<semaphore_mem>>) src(%dma_wait3A_12 : memref<96xi32, #tpu.memory_space<hbm>>) dst(%arg5 : memref<96xi32, #tpu.memory_space<vmem>>)
      tpu.yield
    }) : () -> ()
    %dma_start3A = arith.constant 0 : i32
    %dma_start3A_3 = arith.constant 0 : i32
    %dma_start3A_4 = tpu.memref_slice %arg2[%dma_start3A, %dma_start3A_3] : memref<256x256xf32, #tpu.memory_space<hbm>> -> memref<256x256xf32, #tpu.memory_space<hbm>>
    tpu.enqueue_indirect_dma source(%dma_start3A_4 : memref<256x256xf32, #tpu.memory_space<hbm>>) target(%arg6 : memref<96x256xf32, #tpu.memory_space<vmem>>) offsets(%arg5 : memref<96xi32, #tpu.memory_space<vmem>>) semaphore(%arg7 : memref<!tpu.dma_semaphore, #tpu.memory_space<semaphore_mem>>)
    %dma_wait3A = arith.constant 0 : i32
    %dma_wait3A_5 = arith.constant 0 : i32
    %dma_wait3A_6 = tpu.memref_slice %arg2[%dma_wait3A, %dma_wait3A_5] : memref<256x256xf32, #tpu.memory_space<hbm>> -> memref<256x256xf32, #tpu.memory_space<hbm>>
    tpu.wait_indirect_dma semaphore(%arg7 : memref<!tpu.dma_semaphore, #tpu.memory_space<semaphore_mem>>) src(%dma_wait3A_6 : memref<256x256xf32, #tpu.memory_space<hbm>>) dst(%arg6 : memref<96x256xf32, #tpu.memory_space<vmem>>)
    %add3A_7 = arith.constant 0 : i32
    %add3A_8 = arith.addi %mul3A_2, %add3A_7 : i32
    "tpu.region"() ({
      %run_scoped3A = tpu.sem_alloc : memref<!tpu.dma_semaphore, #tpu.memory_space<semaphore_mem>>
      %dma_start3A_9 = arith.constant 0 : i32
      %dma_start3A_10 = tpu.memref_slice %arg4[%add3A_8, %dma_start3A_9] : memref<3072x256xf32, #tpu.memory_space<hbm>> -> memref<96x256xf32, #tpu.memory_space<hbm>>
      %dma_start3A_11 = arith.constant 0 : i32
      %dma_start3A_12 = tpu.memref_slice %arg4[%add3A_8, %dma_start3A_11] : memref<3072x256xf32, #tpu.memory_space<hbm>> -> memref<96x256xf32, #tpu.memory_space<hbm>>
      tpu.enqueue_dma source(%arg6 : memref<96x256xf32, #tpu.memory_space<vmem>>) target(%dma_start3A_12 : memref<96x256xf32, #tpu.memory_space<hbm>>) target_semaphore(%run_scoped3A : memref<!tpu.dma_semaphore, #tpu.memory_space<semaphore_mem>>)
      %dma_wait3A_13 = arith.constant 0 : i32
      %dma_wait3A_14 = tpu.memref_slice %arg4[%add3A_8, %dma_wait3A_13] : memref<3072x256xf32, #tpu.memory_space<hbm>> -> memref<96x256xf32, #tpu.memory_space<hbm>>
      %dma_wait3A_15 = arith.constant 0 : i32
      %dma_wait3A_16 = tpu.memref_slice %arg4[%add3A_8, %dma_wait3A_15] : memref<3072x256xf32, #tpu.memory_space<hbm>> -> memref<96x256xf32, #tpu.memory_space<hbm>>
      tpu.wait_dma2 semaphore(%run_scoped3A : memref<!tpu.dma_semaphore, #tpu.memory_space<semaphore_mem>>) src(%arg6 : memref<96x256xf32, #tpu.memory_space<vmem>>) dst(%dma_wait3A_16 : memref<96x256xf32, #tpu.memory_space<hbm>>)
      tpu.yield
    }) : () -> ()
    return
  }
}

#map = affine_map<(d0, d1) -> (0, 0)>
#map1 = affine_map<(d0, d1) -> (0)>
module attributes {stable_mosaic.version = 14 : i64} {
  func.func @k(%arg0: i32, %arg1: i32, %arg2: memref<1024x256xf32, #tpu.memory_space<hbm>>, %arg3: memref<12288xi32, #tpu.memory_space<hbm>>, %arg4: memref<12288x256xf32, #tpu.memory_space<hbm>>, %arg5: memref<384xi32, #tpu.memory_space<vmem>>, %arg6: memref<384x256xf32, #tpu.memory_space<vmem>>, %arg7: memref<!tpu.dma_semaphore, #tpu.memory_space<semaphore_mem>>) attributes {dimension_semantics = [#tpu.dimension_semantics<core_parallel>, #tpu.dimension_semantics<subcore_parallel>], iteration_bounds = array<i64: 2, 16>, scalar_prefetch = 0 : i64, scratch_operands = 3 : i64, tpu.core_type = #tpu.core_type<sc_vector_subcore>, window_params = [{transform_indices = #map}, {transform_indices = #map1}, {transform_indices = #map}]} {
    %mul3A = arith.constant 2 : i32
    %mul3A_0 = arith.muli %arg1, %mul3A : i32
    %add3A = arith.addi %mul3A_0, %arg0 : i32
    %mul3A_1 = arith.constant 384 : i32
    %mul3A_2 = arith.muli %add3A, %mul3A_1 : i32
    "tpu.region"() ({
      %run_scoped3A = tpu.sem_alloc : memref<!tpu.dma_semaphore, #tpu.memory_space<semaphore_mem>>
      %dma_start3A_9 = tpu.memref_slice %arg3[%mul3A_2] : memref<12288xi32, #tpu.memory_space<hbm>> -> memref<384xi32, #tpu.memory_space<hbm>>
      %dma_start3A_10 = tpu.memref_slice %arg3[%mul3A_2] : memref<12288xi32, #tpu.memory_space<hbm>> -> memref<384xi32, #tpu.memory_space<hbm>>
      tpu.enqueue_dma source(%dma_start3A_10 : memref<384xi32, #tpu.memory_space<hbm>>) target(%arg5 : memref<384xi32, #tpu.memory_space<vmem>>) target_semaphore(%run_scoped3A : memref<!tpu.dma_semaphore, #tpu.memory_space<semaphore_mem>>)
      %dma_wait3A_11 = tpu.memref_slice %arg3[%mul3A_2] : memref<12288xi32, #tpu.memory_space<hbm>> -> memref<384xi32, #tpu.memory_space<hbm>>
      %dma_wait3A_12 = tpu.memref_slice %arg3[%mul3A_2] : memref<12288xi32, #tpu.memory_space<hbm>> -> memref<384xi32, #tpu.memory_space<hbm>>
      tpu.wait_dma2 semaphore(%run_scoped3A : memref<!tpu.dma_semaphore, #tpu.memory_space<semaphore_mem>>) src(%dma_wait3A_12 : memref<384xi32, #tpu.memory_space<hbm>>) dst(%arg5 : memref<384xi32, #tpu.memory_space<vmem>>)
      tpu.yield
    }) : () -> ()
    %dma_start3A = arith.constant 0 : i32
    %dma_start3A_3 = arith.constant 0 : i32
    %dma_start3A_4 = tpu.memref_slice %arg2[%dma_start3A, %dma_start3A_3] : memref<1024x256xf32, #tpu.memory_space<hbm>> -> memref<1024x256xf32, #tpu.memory_space<hbm>>
    tpu.enqueue_indirect_dma source(%dma_start3A_4 : memref<1024x256xf32, #tpu.memory_space<hbm>>) target(%arg6 : memref<384x256xf32, #tpu.memory_space<vmem>>) offsets(%arg5 : memref<384xi32, #tpu.memory_space<vmem>>) semaphore(%arg7 : memref<!tpu.dma_semaphore, #tpu.memory_space<semaphore_mem>>)
    %dma_wait3A = arith.constant 0 : i32
    %dma_wait3A_5 = arith.constant 0 : i32
    %dma_wait3A_6 = tpu.memref_slice %arg2[%dma_wait3A, %dma_wait3A_5] : memref<1024x256xf32, #tpu.memory_space<hbm>> -> memref<1024x256xf32, #tpu.memory_space<hbm>>
    tpu.wait_indirect_dma semaphore(%arg7 : memref<!tpu.dma_semaphore, #tpu.memory_space<semaphore_mem>>) src(%dma_wait3A_6 : memref<1024x256xf32, #tpu.memory_space<hbm>>) dst(%arg6 : memref<384x256xf32, #tpu.memory_space<vmem>>)
    %add3A_7 = arith.constant 0 : i32
    %add3A_8 = arith.addi %mul3A_2, %add3A_7 : i32
    "tpu.region"() ({
      %run_scoped3A = tpu.sem_alloc : memref<!tpu.dma_semaphore, #tpu.memory_space<semaphore_mem>>
      %dma_start3A_9 = arith.constant 0 : i32
      %dma_start3A_10 = tpu.memref_slice %arg4[%add3A_8, %dma_start3A_9] : memref<12288x256xf32, #tpu.memory_space<hbm>> -> memref<384x256xf32, #tpu.memory_space<hbm>>
      %dma_start3A_11 = arith.constant 0 : i32
      %dma_start3A_12 = tpu.memref_slice %arg4[%add3A_8, %dma_start3A_11] : memref<12288x256xf32, #tpu.memory_space<hbm>> -> memref<384x256xf32, #tpu.memory_space<hbm>>
      tpu.enqueue_dma source(%arg6 : memref<384x256xf32, #tpu.memory_space<vmem>>) target(%dma_start3A_12 : memref<384x256xf32, #tpu.memory_space<hbm>>) target_semaphore(%run_scoped3A : memref<!tpu.dma_semaphore, #tpu.memory_space<semaphore_mem>>)
      %dma_wait3A_13 = arith.constant 0 : i32
      %dma_wait3A_14 = tpu.memref_slice %arg4[%add3A_8, %dma_wait3A_13] : memref<12288x256xf32, #tpu.memory_space<hbm>> -> memref<384x256xf32, #tpu.memory_space<hbm>>
      %dma_wait3A_15 = arith.constant 0 : i32
      %dma_wait3A_16 = tpu.memref_slice %arg4[%add3A_8, %dma_wait3A_15] : memref<12288x256xf32, #tpu.memory_space<hbm>> -> memref<384x256xf32, #tpu.memory_space<hbm>>
      tpu.wait_dma2 semaphore(%run_scoped3A : memref<!tpu.dma_semaphore, #tpu.memory_space<semaphore_mem>>) src(%arg6 : memref<384x256xf32, #tpu.memory_space<vmem>>) dst(%dma_wait3A_16 : memref<384x256xf32, #tpu.memory_space<hbm>>)
      tpu.yield
    }) : () -> ()
    return
  }
}

#map = affine_map<(d0, d1) -> (0, 0)>
#map1 = affine_map<(d0, d1) -> (0)>
module attributes {stable_mosaic.version = 14 : i64} {
  func.func @k(%arg0: i32, %arg1: i32, %arg2: memref<4096x128xf32, #tpu.memory_space<hbm>>, %arg3: memref<49152xi32, #tpu.memory_space<hbm>>, %arg4: memref<49152x128xf32, #tpu.memory_space<hbm>>, %arg5: memref<1536xi32, #tpu.memory_space<vmem>>, %arg6: memref<768x128xf32, #tpu.memory_space<vmem>>, %arg7: memref<!tpu.dma_semaphore, #tpu.memory_space<semaphore_mem>>) attributes {dimension_semantics = [#tpu.dimension_semantics<core_parallel>, #tpu.dimension_semantics<subcore_parallel>], iteration_bounds = array<i64: 2, 16>, scalar_prefetch = 0 : i64, scratch_operands = 3 : i64, tpu.core_type = #tpu.core_type<sc_vector_subcore>, window_params = [{transform_indices = #map}, {transform_indices = #map1}, {transform_indices = #map}]} {
    %mul3A = arith.constant 2 : i32
    %mul3A_0 = arith.muli %arg1, %mul3A : i32
    %add3A = arith.addi %mul3A_0, %arg0 : i32
    %mul3A_1 = arith.constant 1536 : i32
    %mul3A_2 = arith.muli %add3A, %mul3A_1 : i32
    "tpu.region"() ({
      %run_scoped3A = tpu.sem_alloc : memref<!tpu.dma_semaphore, #tpu.memory_space<semaphore_mem>>
      %dma_start3A_25 = tpu.memref_slice %arg3[%mul3A_2] : memref<49152xi32, #tpu.memory_space<hbm>> -> memref<1536xi32, #tpu.memory_space<hbm>>
      %dma_start3A_26 = tpu.memref_slice %arg3[%mul3A_2] : memref<49152xi32, #tpu.memory_space<hbm>> -> memref<1536xi32, #tpu.memory_space<hbm>>
      tpu.enqueue_dma source(%dma_start3A_26 : memref<1536xi32, #tpu.memory_space<hbm>>) target(%arg5 : memref<1536xi32, #tpu.memory_space<vmem>>) target_semaphore(%run_scoped3A : memref<!tpu.dma_semaphore, #tpu.memory_space<semaphore_mem>>)
      %dma_wait3A_27 = tpu.memref_slice %arg3[%mul3A_2] : memref<49152xi32, #tpu.memory_space<hbm>> -> memref<1536xi32, #tpu.memory_space<hbm>>
      %dma_wait3A_28 = tpu.memref_slice %arg3[%mul3A_2] : memref<49152xi32, #tpu.memory_space<hbm>> -> memref<1536xi32, #tpu.memory_space<hbm>>
      tpu.wait_dma2 semaphore(%run_scoped3A : memref<!tpu.dma_semaphore, #tpu.memory_space<semaphore_mem>>) src(%dma_wait3A_28 : memref<1536xi32, #tpu.memory_space<hbm>>) dst(%arg5 : memref<1536xi32, #tpu.memory_space<vmem>>)
      tpu.yield
    }) : () -> ()
    %dma_start3A = arith.constant 0 : i32
    %dma_start3A_3 = tpu.memref_slice %arg5[%dma_start3A] : memref<1536xi32, #tpu.memory_space<vmem>> -> memref<768xi32, #tpu.memory_space<vmem>>
    %dma_start3A_4 = arith.constant 0 : i32
    %dma_start3A_5 = arith.constant 0 : i32
    %dma_start3A_6 = tpu.memref_slice %arg2[%dma_start3A_4, %dma_start3A_5] : memref<4096x128xf32, #tpu.memory_space<hbm>> -> memref<4096x128xf32, #tpu.memory_space<hbm>>
    tpu.enqueue_indirect_dma source(%dma_start3A_6 : memref<4096x128xf32, #tpu.memory_space<hbm>>) target(%arg6 : memref<768x128xf32, #tpu.memory_space<vmem>>) offsets(%dma_start3A_3 : memref<768xi32, #tpu.memory_space<vmem>>) semaphore(%arg7 : memref<!tpu.dma_semaphore, #tpu.memory_space<semaphore_mem>>)
    %dma_wait3A = arith.constant 0 : i32
    %dma_wait3A_7 = tpu.memref_slice %arg5[%dma_wait3A] : memref<1536xi32, #tpu.memory_space<vmem>> -> memref<768xi32, #tpu.memory_space<vmem>>
    %dma_wait3A_8 = arith.constant 0 : i32
    %dma_wait3A_9 = arith.constant 0 : i32
    %dma_wait3A_10 = tpu.memref_slice %arg2[%dma_wait3A_8, %dma_wait3A_9] : memref<4096x128xf32, #tpu.memory_space<hbm>> -> memref<4096x128xf32, #tpu.memory_space<hbm>>
    tpu.wait_indirect_dma semaphore(%arg7 : memref<!tpu.dma_semaphore, #tpu.memory_space<semaphore_mem>>) src(%dma_wait3A_10 : memref<4096x128xf32, #tpu.memory_space<hbm>>) dst(%arg6 : memref<768x128xf32, #tpu.memory_space<vmem>>)
    %add3A_11 = arith.constant 0 : i32
    %add3A_12 = arith.addi %mul3A_2, %add3A_11 : i32
    "tpu.region"() ({
      %run_scoped3A = tpu.sem_alloc : memref<!tpu.dma_semaphore, #tpu.memory_space<semaphore_mem>>
      %dma_start3A_25 = arith.constant 0 : i32
      %dma_start3A_26 = tpu.memref_slice %arg4[%add3A_12, %dma_start3A_25] : memref<49152x128xf32, #tpu.memory_space<hbm>> -> memref<768x128xf32, #tpu.memory_space<hbm>>
      %dma_start3A_27 = arith.constant 0 : i32
      %dma_start3A_28 = tpu.memref_slice %arg4[%add3A_12, %dma_start3A_27] : memref<49152x128xf32, #tpu.memory_space<hbm>> -> memref<768x128xf32, #tpu.memory_space<hbm>>
      tpu.enqueue_dma source(%arg6 : memref<768x128xf32, #tpu.memory_space<vmem>>) target(%dma_start3A_28 : memref<768x128xf32, #tpu.memory_space<hbm>>) target_semaphore(%run_scoped3A : memref<!tpu.dma_semaphore, #tpu.memory_space<semaphore_mem>>)
      %dma_wait3A_29 = arith.constant 0 : i32
      %dma_wait3A_30 = tpu.memref_slice %arg4[%add3A_12, %dma_wait3A_29] : memref<49152x128xf32, #tpu.memory_space<hbm>> -> memref<768x128xf32, #tpu.memory_space<hbm>>
      %dma_wait3A_31 = arith.constant 0 : i32
      %dma_wait3A_32 = tpu.memref_slice %arg4[%add3A_12, %dma_wait3A_31] : memref<49152x128xf32, #tpu.memory_space<hbm>> -> memref<768x128xf32, #tpu.memory_space<hbm>>
      tpu.wait_dma2 semaphore(%run_scoped3A : memref<!tpu.dma_semaphore, #tpu.memory_space<semaphore_mem>>) src(%arg6 : memref<768x128xf32, #tpu.memory_space<vmem>>) dst(%dma_wait3A_32 : memref<768x128xf32, #tpu.memory_space<hbm>>)
      tpu.yield
    }) : () -> ()
    %dma_start3A_13 = arith.constant 768 : i32
    %dma_start3A_14 = tpu.memref_slice %arg5[%dma_start3A_13] : memref<1536xi32, #tpu.memory_space<vmem>> -> memref<768xi32, #tpu.memory_space<vmem>>
    %dma_start3A_15 = arith.constant 0 : i32
    %dma_start3A_16 = arith.constant 0 : i32
    %dma_start3A_17 = tpu.memref_slice %arg2[%dma_start3A_15, %dma_start3A_16] : memref<4096x128xf32, #tpu.memory_space<hbm>> -> memref<4096x128xf32, #tpu.memory_space<hbm>>
    tpu.enqueue_indirect_dma source(%dma_start3A_17 : memref<4096x128xf32, #tpu.memory_space<hbm>>) target(%arg6 : memref<768x128xf32, #tpu.memory_space<vmem>>) offsets(%dma_start3A_14 : memref<768xi32, #tpu.memory_space<vmem>>) semaphore(%arg7 : memref<!tpu.dma_semaphore, #tpu.memory_space<semaphore_mem>>)
    %dma_wait3A_18 = arith.constant 768 : i32
    %dma_wait3A_19 = tpu.memref_slice %arg5[%dma_wait3A_18] : memref<1536xi32, #tpu.memory_space<vmem>> -> memref<768xi32, #tpu.memory_space<vmem>>
    %dma_wait3A_20 = arith.constant 0 : i32
    %dma_wait3A_21 = arith.constant 0 : i32
    %dma_wait3A_22 = tpu.memref_slice %arg2[%dma_wait3A_20, %dma_wait3A_21] : memref<4096x128xf32, #tpu.memory_space<hbm>> -> memref<4096x128xf32, #tpu.memory_space<hbm>>
    tpu.wait_indirect_dma semaphore(%arg7 : memref<!tpu.dma_semaphore, #tpu.memory_space<semaphore_mem>>) src(%dma_wait3A_22 : memref<4096x128xf32, #tpu.memory_space<hbm>>) dst(%arg6 : memref<768x128xf32, #tpu.memory_space<vmem>>)
    %add3A_23 = arith.constant 768 : i32
    %add3A_24 = arith.addi %mul3A_2, %add3A_23 : i32
    "tpu.region"() ({
      %run_scoped3A = tpu.sem_alloc : memref<!tpu.dma_semaphore, #tpu.memory_space<semaphore_mem>>
      %dma_start3A_25 = arith.constant 0 : i32
      %dma_start3A_26 = tpu.memref_slice %arg4[%add3A_24, %dma_start3A_25] : memref<49152x128xf32, #tpu.memory_space<hbm>> -> memref<768x128xf32, #tpu.memory_space<hbm>>
      %dma_start3A_27 = arith.constant 0 : i32
      %dma_start3A_28 = tpu.memref_slice %arg4[%add3A_24, %dma_start3A_27] : memref<49152x128xf32, #tpu.memory_space<hbm>> -> memref<768x128xf32, #tpu.memory_space<hbm>>
      tpu.enqueue_dma source(%arg6 : memref<768x128xf32, #tpu.memory_space<vmem>>) target(%dma_start3A_28 : memref<768x128xf32, #tpu.memory_space<hbm>>) target_semaphore(%run_scoped3A : memref<!tpu.dma_semaphore, #tpu.memory_space<semaphore_mem>>)
      %dma_wait3A_29 = arith.constant 0 : i32
      %dma_wait3A_30 = tpu.memref_slice %arg4[%add3A_24, %dma_wait3A_29] : memref<49152x128xf32, #tpu.memory_space<hbm>> -> memref<768x128xf32, #tpu.memory_space<hbm>>
      %dma_wait3A_31 = arith.constant 0 : i32
      %dma_wait3A_32 = tpu.memref_slice %arg4[%add3A_24, %dma_wait3A_31] : memref<49152x128xf32, #tpu.memory_space<hbm>> -> memref<768x128xf32, #tpu.memory_space<hbm>>
      tpu.wait_dma2 semaphore(%run_scoped3A : memref<!tpu.dma_semaphore, #tpu.memory_space<semaphore_mem>>) src(%arg6 : memref<768x128xf32, #tpu.memory_space<vmem>>) dst(%dma_wait3A_32 : memref<768x128xf32, #tpu.memory_space<hbm>>)
      tpu.yield
    }) : () -> ()
    return
  }
}

module attributes {stable_mosaic.version = 14 : i64} {
  func.func @_ballq_kernel(%arg0: i32, %arg1: i32, %arg2: memref<1x128x3xf32, #tpu.memory_space<vmem>>, %arg3: memref<1x3x4096xf32, #tpu.memory_space<vmem>>, %arg4: memref<1x128x32xi32, #tpu.memory_space<vmem>>) attributes {dimension_semantics = [#tpu.dimension_semantics<arbitrary>, #tpu.dimension_semantics<arbitrary>], iteration_bounds = array<i64: 4, 8>, scalar_prefetch = 0 : i64, scratch_operands = 0 : i64, tpu.core_type = #tpu.core_type<tc>, window_params = [{transform_indices = @transform_0, window_bounds = array<i64: 1, 128, 3>}, {transform_indices = @transform_1, window_bounds = array<i64: 1, 3, 4096>}, {transform_indices = @transform_2, window_bounds = array<i64: 1, 128, 32>}]} {
    %get3A = arith.constant 0 : index
    %get3A_0 = arith.constant 0 : index
    %get3A_1 = arith.constant 0 : index
    %get3A_2 = vector.load %arg2[%get3A, %get3A_0, %get3A_1] : memref<1x128x3xf32, #tpu.memory_space<vmem>>, vector<1x128x3xf32>
    %get3A_3 = vector.shape_cast %get3A_2 : vector<1x128x3xf32> to vector<128x3xf32>
    %slice3A = vector.extract_strided_slice %get3A_3 {offsets = [0, 0], sizes = [128, 1], strides = [1, 1]} : vector<128x3xf32> to vector<128x1xf32>
    %slice3A_4 = vector.extract_strided_slice %get3A_3 {offsets = [0, 1], sizes = [128, 1], strides = [1, 1]} : vector<128x3xf32> to vector<128x1xf32>
    %slice3A_5 = vector.extract_strided_slice %get3A_3 {offsets = [0, 2], sizes = [128, 1], strides = [1, 1]} : vector<128x3xf32> to vector<128x1xf32>
    %get3A_6 = arith.constant 0 : index
    %get3A_7 = arith.constant 0 : index
    %get3A_8 = arith.constant 0 : index
    %get3A_9 = vector.load %arg3[%get3A_6, %get3A_7, %get3A_8] : memref<1x3x4096xf32, #tpu.memory_space<vmem>>, vector<1x1x4096xf32>
    %get3A_10 = vector.shape_cast %get3A_9 : vector<1x1x4096xf32> to vector<1x4096xf32>
    %get3A_11 = arith.constant 0 : index
    %get3A_12 = arith.constant 1 : index
    %get3A_13 = arith.constant 0 : index
    %get3A_14 = vector.load %arg3[%get3A_11, %get3A_12, %get3A_13] : memref<1x3x4096xf32, #tpu.memory_space<vmem>>, vector<1x1x4096xf32>
    %get3A_15 = vector.shape_cast %get3A_14 : vector<1x1x4096xf32> to vector<1x4096xf32>
    %get3A_16 = arith.constant 0 : index
    %get3A_17 = arith.constant 2 : index
    %get3A_18 = arith.constant 0 : index
    %get3A_19 = vector.load %arg3[%get3A_16, %get3A_17, %get3A_18] : memref<1x3x4096xf32, #tpu.memory_space<vmem>>, vector<1x1x4096xf32>
    %get3A_20 = vector.shape_cast %get3A_19 : vector<1x1x4096xf32> to vector<1x4096xf32>
    %sub3A = vector.broadcast %slice3A : vector<128x1xf32> to vector<128x4096xf32>
    %sub3A_21 = vector.broadcast %get3A_10 : vector<1x4096xf32> to vector<128x4096xf32>
    %sub3A_22 = arith.subf %sub3A, %sub3A_21 : vector<128x4096xf32>
    %integer_pow3A = arith.mulf %sub3A_22, %sub3A_22 : vector<128x4096xf32>
    %sub3A_23 = vector.broadcast %slice3A_4 : vector<128x1xf32> to vector<128x4096xf32>
    %sub3A_24 = vector.broadcast %get3A_15 : vector<1x4096xf32> to vector<128x4096xf32>
    %sub3A_25 = arith.subf %sub3A_23, %sub3A_24 : vector<128x4096xf32>
    %integer_pow3A_26 = arith.mulf %sub3A_25, %sub3A_25 : vector<128x4096xf32>
    %add3A = arith.addf %integer_pow3A, %integer_pow3A_26 : vector<128x4096xf32>
    %sub3A_27 = vector.broadcast %slice3A_5 : vector<128x1xf32> to vector<128x4096xf32>
    %sub3A_28 = vector.broadcast %get3A_20 : vector<1x4096xf32> to vector<128x4096xf32>
    %sub3A_29 = arith.subf %sub3A_27, %sub3A_28 : vector<128x4096xf32>
    %integer_pow3A_30 = arith.mulf %sub3A_29, %sub3A_29 : vector<128x4096xf32>
    %add3A_31 = arith.addf %add3A, %integer_pow3A_30 : vector<128x4096xf32>
    %iota3A = tpu.iota {dimensions = array<i32: 1>} : vector<128x4096xi32>
    %le3A = arith.constant 0.00999999977 : f32
    %le3A_32 = vector.broadcast %le3A : f32 to vector<128x4096xf32>
    %le3A_33 = arith.cmpf ole, %add3A_31, %le3A_32 : vector<128x4096xf32>
    %jit3A = arith.constant 4096 : i32
    %broadcast_in_dim3A = vector.broadcast %jit3A : i32 to vector<128x4096xi32>
    %select_n3A = arith.select %le3A_33, %iota3A, %broadcast_in_dim3A : vector<128x4096xi1>, vector<128x4096xi32>
    %reduce_min3A = arith.constant dense<2147483647> : vector<128xi32>
    %reduce_min3A_34 = vector.multi_reduction <minsi>, %select_n3A, %reduce_min3A [1] : vector<128x4096xi32> to vector<128xi32>
    %broadcast_in_dim3A_35 = vector.shape_cast %reduce_min3A_34 : vector<128xi32> to vector<128x1xi32>
    %eq3A = vector.broadcast %broadcast_in_dim3A_35 : vector<128x1xi32> to vector<128x4096xi32>
    %eq3A_36 = arith.cmpi eq, %select_n3A, %eq3A : vector<128x4096xi32>
    %jit3A_37 = arith.constant 4096 : i32
    %broadcast_in_dim3A_38 = vector.broadcast %jit3A_37 : i32 to vector<128x4096xi32>
    %select_n3A_39 = arith.select %eq3A_36, %broadcast_in_dim3A_38, %select_n3A : vector<128x4096xi1>, vector<128x4096xi32>
    %reduce_min3A_40 = arith.constant dense<2147483647> : vector<128xi32>
    %reduce_min3A_41 = vector.multi_reduction <minsi>, %select_n3A_39, %reduce_min3A_40 [1] : vector<128x4096xi32> to vector<128xi32>
    %broadcast_in_dim3A_42 = vector.shape_cast %reduce_min3A_41 : vector<128xi32> to vector<128x1xi32>
    %eq3A_43 = vector.broadcast %broadcast_in_dim3A_42 : vector<128x1xi32> to vector<128x4096xi32>
    %eq3A_44 = arith.cmpi eq, %select_n3A_39, %eq3A_43 : vector<128x4096xi32>
    %jit3A_45 = arith.constant 4096 : i32
    %broadcast_in_dim3A_46 = vector.broadcast %jit3A_45 : i32 to vector<128x4096xi32>
    %select_n3A_47 = arith.select %eq3A_44, %broadcast_in_dim3A_46, %select_n3A_39 : vector<128x4096xi1>, vector<128x4096xi32>
    %reduce_min3A_48 = arith.constant dense<2147483647> : vector<128xi32>
    %reduce_min3A_49 = vector.multi_reduction <minsi>, %select_n3A_47, %reduce_min3A_48 [1] : vector<128x4096xi32> to vector<128xi32>
    %broadcast_in_dim3A_50 = vector.shape_cast %reduce_min3A_49 : vector<128xi32> to vector<128x1xi32>
    %eq3A_51 = vector.broadcast %broadcast_in_dim3A_50 : vector<128x1xi32> to vector<128x4096xi32>
    %eq3A_52 = arith.cmpi eq, %select_n3A_47, %eq3A_51 : vector<128x4096xi32>
    %jit3A_53 = arith.constant 4096 : i32
    %broadcast_in_dim3A_54 = vector.broadcast %jit3A_53 : i32 to vector<128x4096xi32>
    %select_n3A_55 = arith.select %eq3A_52, %broadcast_in_dim3A_54, %select_n3A_47 : vector<128x4096xi1>, vector<128x4096xi32>
    %reduce_min3A_56 = arith.constant dense<2147483647> : vector<128xi32>
    %reduce_min3A_57 = vector.multi_reduction <minsi>, %select_n3A_55, %reduce_min3A_56 [1] : vector<128x4096xi32> to vector<128xi32>
    %broadcast_in_dim3A_58 = vector.shape_cast %reduce_min3A_57 : vector<128xi32> to vector<128x1xi32>
    %eq3A_59 = vector.broadcast %broadcast_in_dim3A_58 : vector<128x1xi32> to vector<128x4096xi32>
    %eq3A_60 = arith.cmpi eq, %select_n3A_55, %eq3A_59 : vector<128x4096xi32>
    %jit3A_61 = arith.constant 4096 : i32
    %broadcast_in_dim3A_62 = vector.broadcast %jit3A_61 : i32 to vector<128x4096xi32>
    %select_n3A_63 = arith.select %eq3A_60, %broadcast_in_dim3A_62, %select_n3A_55 : vector<128x4096xi1>, vector<128x4096xi32>
    %reduce_min3A_64 = arith.constant dense<2147483647> : vector<128xi32>
    %reduce_min3A_65 = vector.multi_reduction <minsi>, %select_n3A_63, %reduce_min3A_64 [1] : vector<128x4096xi32> to vector<128xi32>
    %broadcast_in_dim3A_66 = vector.shape_cast %reduce_min3A_65 : vector<128xi32> to vector<128x1xi32>
    %eq3A_67 = vector.broadcast %broadcast_in_dim3A_66 : vector<128x1xi32> to vector<128x4096xi32>
    %eq3A_68 = arith.cmpi eq, %select_n3A_63, %eq3A_67 : vector<128x4096xi32>
    %jit3A_69 = arith.constant 4096 : i32
    %broadcast_in_dim3A_70 = vector.broadcast %jit3A_69 : i32 to vector<128x4096xi32>
    %select_n3A_71 = arith.select %eq3A_68, %broadcast_in_dim3A_70, %select_n3A_63 : vector<128x4096xi1>, vector<128x4096xi32>
    %reduce_min3A_72 = arith.constant dense<2147483647> : vector<128xi32>
    %reduce_min3A_73 = vector.multi_reduction <minsi>, %select_n3A_71, %reduce_min3A_72 [1] : vector<128x4096xi32> to vector<128xi32>
    %broadcast_in_dim3A_74 = vector.shape_cast %reduce_min3A_73 : vector<128xi32> to vector<128x1xi32>
    %eq3A_75 = vector.broadcast %broadcast_in_dim3A_74 : vector<128x1xi32> to vector<128x4096xi32>
    %eq3A_76 = arith.cmpi eq, %select_n3A_71, %eq3A_75 : vector<128x4096xi32>
    %jit3A_77 = arith.constant 4096 : i32
    %broadcast_in_dim3A_78 = vector.broadcast %jit3A_77 : i32 to vector<128x4096xi32>
    %select_n3A_79 = arith.select %eq3A_76, %broadcast_in_dim3A_78, %select_n3A_71 : vector<128x4096xi1>, vector<128x4096xi32>
    %reduce_min3A_80 = arith.constant dense<2147483647> : vector<128xi32>
    %reduce_min3A_81 = vector.multi_reduction <minsi>, %select_n3A_79, %reduce_min3A_80 [1] : vector<128x4096xi32> to vector<128xi32>
    %broadcast_in_dim3A_82 = vector.shape_cast %reduce_min3A_81 : vector<128xi32> to vector<128x1xi32>
    %eq3A_83 = vector.broadcast %broadcast_in_dim3A_82 : vector<128x1xi32> to vector<128x4096xi32>
    %eq3A_84 = arith.cmpi eq, %select_n3A_79, %eq3A_83 : vector<128x4096xi32>
    %jit3A_85 = arith.constant 4096 : i32
    %broadcast_in_dim3A_86 = vector.broadcast %jit3A_85 : i32 to vector<128x4096xi32>
    %select_n3A_87 = arith.select %eq3A_84, %broadcast_in_dim3A_86, %select_n3A_79 : vector<128x4096xi1>, vector<128x4096xi32>
    %reduce_min3A_88 = arith.constant dense<2147483647> : vector<128xi32>
    %reduce_min3A_89 = vector.multi_reduction <minsi>, %select_n3A_87, %reduce_min3A_88 [1] : vector<128x4096xi32> to vector<128xi32>
    %broadcast_in_dim3A_90 = vector.shape_cast %reduce_min3A_89 : vector<128xi32> to vector<128x1xi32>
    %eq3A_91 = vector.broadcast %broadcast_in_dim3A_90 : vector<128x1xi32> to vector<128x4096xi32>
    %eq3A_92 = arith.cmpi eq, %select_n3A_87, %eq3A_91 : vector<128x4096xi32>
    %jit3A_93 = arith.constant 4096 : i32
    %broadcast_in_dim3A_94 = vector.broadcast %jit3A_93 : i32 to vector<128x4096xi32>
    %select_n3A_95 = arith.select %eq3A_92, %broadcast_in_dim3A_94, %select_n3A_87 : vector<128x4096xi1>, vector<128x4096xi32>
    %reduce_min3A_96 = arith.constant dense<2147483647> : vector<128xi32>
    %reduce_min3A_97 = vector.multi_reduction <minsi>, %select_n3A_95, %reduce_min3A_96 [1] : vector<128x4096xi32> to vector<128xi32>
    %broadcast_in_dim3A_98 = vector.shape_cast %reduce_min3A_97 : vector<128xi32> to vector<128x1xi32>
    %eq3A_99 = vector.broadcast %broadcast_in_dim3A_98 : vector<128x1xi32> to vector<128x4096xi32>
    %eq3A_100 = arith.cmpi eq, %select_n3A_95, %eq3A_99 : vector<128x4096xi32>
    %jit3A_101 = arith.constant 4096 : i32
    %broadcast_in_dim3A_102 = vector.broadcast %jit3A_101 : i32 to vector<128x4096xi32>
    %select_n3A_103 = arith.select %eq3A_100, %broadcast_in_dim3A_102, %select_n3A_95 : vector<128x4096xi1>, vector<128x4096xi32>
    %reduce_min3A_104 = arith.constant dense<2147483647> : vector<128xi32>
    %reduce_min3A_105 = vector.multi_reduction <minsi>, %select_n3A_103, %reduce_min3A_104 [1] : vector<128x4096xi32> to vector<128xi32>
    %broadcast_in_dim3A_106 = vector.shape_cast %reduce_min3A_105 : vector<128xi32> to vector<128x1xi32>
    %eq3A_107 = vector.broadcast %broadcast_in_dim3A_106 : vector<128x1xi32> to vector<128x4096xi32>
    %eq3A_108 = arith.cmpi eq, %select_n3A_103, %eq3A_107 : vector<128x4096xi32>
    %jit3A_109 = arith.constant 4096 : i32
    %broadcast_in_dim3A_110 = vector.broadcast %jit3A_109 : i32 to vector<128x4096xi32>
    %select_n3A_111 = arith.select %eq3A_108, %broadcast_in_dim3A_110, %select_n3A_103 : vector<128x4096xi1>, vector<128x4096xi32>
    %reduce_min3A_112 = arith.constant dense<2147483647> : vector<128xi32>
    %reduce_min3A_113 = vector.multi_reduction <minsi>, %select_n3A_111, %reduce_min3A_112 [1] : vector<128x4096xi32> to vector<128xi32>
    %broadcast_in_dim3A_114 = vector.shape_cast %reduce_min3A_113 : vector<128xi32> to vector<128x1xi32>
    %eq3A_115 = vector.broadcast %broadcast_in_dim3A_114 : vector<128x1xi32> to vector<128x4096xi32>
    %eq3A_116 = arith.cmpi eq, %select_n3A_111, %eq3A_115 : vector<128x4096xi32>
    %jit3A_117 = arith.constant 4096 : i32
    %broadcast_in_dim3A_118 = vector.broadcast %jit3A_117 : i32 to vector<128x4096xi32>
    %select_n3A_119 = arith.select %eq3A_116, %broadcast_in_dim3A_118, %select_n3A_111 : vector<128x4096xi1>, vector<128x4096xi32>
    %reduce_min3A_120 = arith.constant dense<2147483647> : vector<128xi32>
    %reduce_min3A_121 = vector.multi_reduction <minsi>, %select_n3A_119, %reduce_min3A_120 [1] : vector<128x4096xi32> to vector<128xi32>
    %broadcast_in_dim3A_122 = vector.shape_cast %reduce_min3A_121 : vector<128xi32> to vector<128x1xi32>
    %eq3A_123 = vector.broadcast %broadcast_in_dim3A_122 : vector<128x1xi32> to vector<128x4096xi32>
    %eq3A_124 = arith.cmpi eq, %select_n3A_119, %eq3A_123 : vector<128x4096xi32>
    %jit3A_125 = arith.constant 4096 : i32
    %broadcast_in_dim3A_126 = vector.broadcast %jit3A_125 : i32 to vector<128x4096xi32>
    %select_n3A_127 = arith.select %eq3A_124, %broadcast_in_dim3A_126, %select_n3A_119 : vector<128x4096xi1>, vector<128x4096xi32>
    %reduce_min3A_128 = arith.constant dense<2147483647> : vector<128xi32>
    %reduce_min3A_129 = vector.multi_reduction <minsi>, %select_n3A_127, %reduce_min3A_128 [1] : vector<128x4096xi32> to vector<128xi32>
    %broadcast_in_dim3A_130 = vector.shape_cast %reduce_min3A_129 : vector<128xi32> to vector<128x1xi32>
    %eq3A_131 = vector.broadcast %broadcast_in_dim3A_130 : vector<128x1xi32> to vector<128x4096xi32>
    %eq3A_132 = arith.cmpi eq, %select_n3A_127, %eq3A_131 : vector<128x4096xi32>
    %jit3A_133 = arith.constant 4096 : i32
    %broadcast_in_dim3A_134 = vector.broadcast %jit3A_133 : i32 to vector<128x4096xi32>
    %select_n3A_135 = arith.select %eq3A_132, %broadcast_in_dim3A_134, %select_n3A_127 : vector<128x4096xi1>, vector<128x4096xi32>
    %reduce_min3A_136 = arith.constant dense<2147483647> : vector<128xi32>
    %reduce_min3A_137 = vector.multi_reduction <minsi>, %select_n3A_135, %reduce_min3A_136 [1] : vector<128x4096xi32> to vector<128xi32>
    %broadcast_in_dim3A_138 = vector.shape_cast %reduce_min3A_137 : vector<128xi32> to vector<128x1xi32>
    %eq3A_139 = vector.broadcast %broadcast_in_dim3A_138 : vector<128x1xi32> to vector<128x4096xi32>
    %eq3A_140 = arith.cmpi eq, %select_n3A_135, %eq3A_139 : vector<128x4096xi32>
    %jit3A_141 = arith.constant 4096 : i32
    %broadcast_in_dim3A_142 = vector.broadcast %jit3A_141 : i32 to vector<128x4096xi32>
    %select_n3A_143 = arith.select %eq3A_140, %broadcast_in_dim3A_142, %select_n3A_135 : vector<128x4096xi1>, vector<128x4096xi32>
    %reduce_min3A_144 = arith.constant dense<2147483647> : vector<128xi32>
    %reduce_min3A_145 = vector.multi_reduction <minsi>, %select_n3A_143, %reduce_min3A_144 [1] : vector<128x4096xi32> to vector<128xi32>
    %broadcast_in_dim3A_146 = vector.shape_cast %reduce_min3A_145 : vector<128xi32> to vector<128x1xi32>
    %eq3A_147 = vector.broadcast %broadcast_in_dim3A_146 : vector<128x1xi32> to vector<128x4096xi32>
    %eq3A_148 = arith.cmpi eq, %select_n3A_143, %eq3A_147 : vector<128x4096xi32>
    %jit3A_149 = arith.constant 4096 : i32
    %broadcast_in_dim3A_150 = vector.broadcast %jit3A_149 : i32 to vector<128x4096xi32>
    %select_n3A_151 = arith.select %eq3A_148, %broadcast_in_dim3A_150, %select_n3A_143 : vector<128x4096xi1>, vector<128x4096xi32>
    %reduce_min3A_152 = arith.constant dense<2147483647> : vector<128xi32>
    %reduce_min3A_153 = vector.multi_reduction <minsi>, %select_n3A_151, %reduce_min3A_152 [1] : vector<128x4096xi32> to vector<128xi32>
    %broadcast_in_dim3A_154 = vector.shape_cast %reduce_min3A_153 : vector<128xi32> to vector<128x1xi32>
    %eq3A_155 = vector.broadcast %broadcast_in_dim3A_154 : vector<128x1xi32> to vector<128x4096xi32>
    %eq3A_156 = arith.cmpi eq, %select_n3A_151, %eq3A_155 : vector<128x4096xi32>
    %jit3A_157 = arith.constant 4096 : i32
    %broadcast_in_dim3A_158 = vector.broadcast %jit3A_157 : i32 to vector<128x4096xi32>
    %select_n3A_159 = arith.select %eq3A_156, %broadcast_in_dim3A_158, %select_n3A_151 : vector<128x4096xi1>, vector<128x4096xi32>
    %reduce_min3A_160 = arith.constant dense<2147483647> : vector<128xi32>
    %reduce_min3A_161 = vector.multi_reduction <minsi>, %select_n3A_159, %reduce_min3A_160 [1] : vector<128x4096xi32> to vector<128xi32>
    %broadcast_in_dim3A_162 = vector.shape_cast %reduce_min3A_161 : vector<128xi32> to vector<128x1xi32>
    %eq3A_163 = vector.broadcast %broadcast_in_dim3A_162 : vector<128x1xi32> to vector<128x4096xi32>
    %eq3A_164 = arith.cmpi eq, %select_n3A_159, %eq3A_163 : vector<128x4096xi32>
    %jit3A_165 = arith.constant 4096 : i32
    %broadcast_in_dim3A_166 = vector.broadcast %jit3A_165 : i32 to vector<128x4096xi32>
    %select_n3A_167 = arith.select %eq3A_164, %broadcast_in_dim3A_166, %select_n3A_159 : vector<128x4096xi1>, vector<128x4096xi32>
    %reduce_min3A_168 = arith.constant dense<2147483647> : vector<128xi32>
    %reduce_min3A_169 = vector.multi_reduction <minsi>, %select_n3A_167, %reduce_min3A_168 [1] : vector<128x4096xi32> to vector<128xi32>
    %broadcast_in_dim3A_170 = vector.shape_cast %reduce_min3A_169 : vector<128xi32> to vector<128x1xi32>
    %eq3A_171 = vector.broadcast %broadcast_in_dim3A_170 : vector<128x1xi32> to vector<128x4096xi32>
    %eq3A_172 = arith.cmpi eq, %select_n3A_167, %eq3A_171 : vector<128x4096xi32>
    %jit3A_173 = arith.constant 4096 : i32
    %broadcast_in_dim3A_174 = vector.broadcast %jit3A_173 : i32 to vector<128x4096xi32>
    %select_n3A_175 = arith.select %eq3A_172, %broadcast_in_dim3A_174, %select_n3A_167 : vector<128x4096xi1>, vector<128x4096xi32>
    %reduce_min3A_176 = arith.constant dense<2147483647> : vector<128xi32>
    %reduce_min3A_177 = vector.multi_reduction <minsi>, %select_n3A_175, %reduce_min3A_176 [1] : vector<128x4096xi32> to vector<128xi32>
    %broadcast_in_dim3A_178 = vector.shape_cast %reduce_min3A_177 : vector<128xi32> to vector<128x1xi32>
    %eq3A_179 = vector.broadcast %broadcast_in_dim3A_178 : vector<128x1xi32> to vector<128x4096xi32>
    %eq3A_180 = arith.cmpi eq, %select_n3A_175, %eq3A_179 : vector<128x4096xi32>
    %jit3A_181 = arith.constant 4096 : i32
    %broadcast_in_dim3A_182 = vector.broadcast %jit3A_181 : i32 to vector<128x4096xi32>
    %select_n3A_183 = arith.select %eq3A_180, %broadcast_in_dim3A_182, %select_n3A_175 : vector<128x4096xi1>, vector<128x4096xi32>
    %reduce_min3A_184 = arith.constant dense<2147483647> : vector<128xi32>
    %reduce_min3A_185 = vector.multi_reduction <minsi>, %select_n3A_183, %reduce_min3A_184 [1] : vector<128x4096xi32> to vector<128xi32>
    %broadcast_in_dim3A_186 = vector.shape_cast %reduce_min3A_185 : vector<128xi32> to vector<128x1xi32>
    %eq3A_187 = vector.broadcast %broadcast_in_dim3A_186 : vector<128x1xi32> to vector<128x4096xi32>
    %eq3A_188 = arith.cmpi eq, %select_n3A_183, %eq3A_187 : vector<128x4096xi32>
    %jit3A_189 = arith.constant 4096 : i32
    %broadcast_in_dim3A_190 = vector.broadcast %jit3A_189 : i32 to vector<128x4096xi32>
    %select_n3A_191 = arith.select %eq3A_188, %broadcast_in_dim3A_190, %select_n3A_183 : vector<128x4096xi1>, vector<128x4096xi32>
    %reduce_min3A_192 = arith.constant dense<2147483647> : vector<128xi32>
    %reduce_min3A_193 = vector.multi_reduction <minsi>, %select_n3A_191, %reduce_min3A_192 [1] : vector<128x4096xi32> to vector<128xi32>
    %broadcast_in_dim3A_194 = vector.shape_cast %reduce_min3A_193 : vector<128xi32> to vector<128x1xi32>
    %eq3A_195 = vector.broadcast %broadcast_in_dim3A_194 : vector<128x1xi32> to vector<128x4096xi32>
    %eq3A_196 = arith.cmpi eq, %select_n3A_191, %eq3A_195 : vector<128x4096xi32>
    %jit3A_197 = arith.constant 4096 : i32
    %broadcast_in_dim3A_198 = vector.broadcast %jit3A_197 : i32 to vector<128x4096xi32>
    %select_n3A_199 = arith.select %eq3A_196, %broadcast_in_dim3A_198, %select_n3A_191 : vector<128x4096xi1>, vector<128x4096xi32>
    %reduce_min3A_200 = arith.constant dense<2147483647> : vector<128xi32>
    %reduce_min3A_201 = vector.multi_reduction <minsi>, %select_n3A_199, %reduce_min3A_200 [1] : vector<128x4096xi32> to vector<128xi32>
    %broadcast_in_dim3A_202 = vector.shape_cast %reduce_min3A_201 : vector<128xi32> to vector<128x1xi32>
    %eq3A_203 = vector.broadcast %broadcast_in_dim3A_202 : vector<128x1xi32> to vector<128x4096xi32>
    %eq3A_204 = arith.cmpi eq, %select_n3A_199, %eq3A_203 : vector<128x4096xi32>
    %jit3A_205 = arith.constant 4096 : i32
    %broadcast_in_dim3A_206 = vector.broadcast %jit3A_205 : i32 to vector<128x4096xi32>
    %select_n3A_207 = arith.select %eq3A_204, %broadcast_in_dim3A_206, %select_n3A_199 : vector<128x4096xi1>, vector<128x4096xi32>
    %reduce_min3A_208 = arith.constant dense<2147483647> : vector<128xi32>
    %reduce_min3A_209 = vector.multi_reduction <minsi>, %select_n3A_207, %reduce_min3A_208 [1] : vector<128x4096xi32> to vector<128xi32>
    %broadcast_in_dim3A_210 = vector.shape_cast %reduce_min3A_209 : vector<128xi32> to vector<128x1xi32>
    %eq3A_211 = vector.broadcast %broadcast_in_dim3A_210 : vector<128x1xi32> to vector<128x4096xi32>
    %eq3A_212 = arith.cmpi eq, %select_n3A_207, %eq3A_211 : vector<128x4096xi32>
    %jit3A_213 = arith.constant 4096 : i32
    %broadcast_in_dim3A_214 = vector.broadcast %jit3A_213 : i32 to vector<128x4096xi32>
    %select_n3A_215 = arith.select %eq3A_212, %broadcast_in_dim3A_214, %select_n3A_207 : vector<128x4096xi1>, vector<128x4096xi32>
    %reduce_min3A_216 = arith.constant dense<2147483647> : vector<128xi32>
    %reduce_min3A_217 = vector.multi_reduction <minsi>, %select_n3A_215, %reduce_min3A_216 [1] : vector<128x4096xi32> to vector<128xi32>
    %broadcast_in_dim3A_218 = vector.shape_cast %reduce_min3A_217 : vector<128xi32> to vector<128x1xi32>
    %eq3A_219 = vector.broadcast %broadcast_in_dim3A_218 : vector<128x1xi32> to vector<128x4096xi32>
    %eq3A_220 = arith.cmpi eq, %select_n3A_215, %eq3A_219 : vector<128x4096xi32>
    %jit3A_221 = arith.constant 4096 : i32
    %broadcast_in_dim3A_222 = vector.broadcast %jit3A_221 : i32 to vector<128x4096xi32>
    %select_n3A_223 = arith.select %eq3A_220, %broadcast_in_dim3A_222, %select_n3A_215 : vector<128x4096xi1>, vector<128x4096xi32>
    %reduce_min3A_224 = arith.constant dense<2147483647> : vector<128xi32>
    %reduce_min3A_225 = vector.multi_reduction <minsi>, %select_n3A_223, %reduce_min3A_224 [1] : vector<128x4096xi32> to vector<128xi32>
    %broadcast_in_dim3A_226 = vector.shape_cast %reduce_min3A_225 : vector<128xi32> to vector<128x1xi32>
    %eq3A_227 = vector.broadcast %broadcast_in_dim3A_226 : vector<128x1xi32> to vector<128x4096xi32>
    %eq3A_228 = arith.cmpi eq, %select_n3A_223, %eq3A_227 : vector<128x4096xi32>
    %jit3A_229 = arith.constant 4096 : i32
    %broadcast_in_dim3A_230 = vector.broadcast %jit3A_229 : i32 to vector<128x4096xi32>
    %select_n3A_231 = arith.select %eq3A_228, %broadcast_in_dim3A_230, %select_n3A_223 : vector<128x4096xi1>, vector<128x4096xi32>
    %reduce_min3A_232 = arith.constant dense<2147483647> : vector<128xi32>
    %reduce_min3A_233 = vector.multi_reduction <minsi>, %select_n3A_231, %reduce_min3A_232 [1] : vector<128x4096xi32> to vector<128xi32>
    %broadcast_in_dim3A_234 = vector.shape_cast %reduce_min3A_233 : vector<128xi32> to vector<128x1xi32>
    %eq3A_235 = vector.broadcast %broadcast_in_dim3A_234 : vector<128x1xi32> to vector<128x4096xi32>
    %eq3A_236 = arith.cmpi eq, %select_n3A_231, %eq3A_235 : vector<128x4096xi32>
    %jit3A_237 = arith.constant 4096 : i32
    %broadcast_in_dim3A_238 = vector.broadcast %jit3A_237 : i32 to vector<128x4096xi32>
    %select_n3A_239 = arith.select %eq3A_236, %broadcast_in_dim3A_238, %select_n3A_231 : vector<128x4096xi1>, vector<128x4096xi32>
    %reduce_min3A_240 = arith.constant dense<2147483647> : vector<128xi32>
    %reduce_min3A_241 = vector.multi_reduction <minsi>, %select_n3A_239, %reduce_min3A_240 [1] : vector<128x4096xi32> to vector<128xi32>
    %broadcast_in_dim3A_242 = vector.shape_cast %reduce_min3A_241 : vector<128xi32> to vector<128x1xi32>
    %eq3A_243 = vector.broadcast %broadcast_in_dim3A_242 : vector<128x1xi32> to vector<128x4096xi32>
    %eq3A_244 = arith.cmpi eq, %select_n3A_239, %eq3A_243 : vector<128x4096xi32>
    %jit3A_245 = arith.constant 4096 : i32
    %broadcast_in_dim3A_246 = vector.broadcast %jit3A_245 : i32 to vector<128x4096xi32>
    %select_n3A_247 = arith.select %eq3A_244, %broadcast_in_dim3A_246, %select_n3A_239 : vector<128x4096xi1>, vector<128x4096xi32>
    %reduce_min3A_248 = arith.constant dense<2147483647> : vector<128xi32>
    %reduce_min3A_249 = vector.multi_reduction <minsi>, %select_n3A_247, %reduce_min3A_248 [1] : vector<128x4096xi32> to vector<128xi32>
    %broadcast_in_dim3A_250 = vector.shape_cast %reduce_min3A_249 : vector<128xi32> to vector<128x1xi32>
    %eq3A_251 = vector.broadcast %broadcast_in_dim3A_250 : vector<128x1xi32> to vector<128x4096xi32>
    %eq3A_252 = arith.cmpi eq, %select_n3A_247, %eq3A_251 : vector<128x4096xi32>
    %jit3A_253 = arith.constant 4096 : i32
    %broadcast_in_dim3A_254 = vector.broadcast %jit3A_253 : i32 to vector<128x4096xi32>
    %select_n3A_255 = arith.select %eq3A_252, %broadcast_in_dim3A_254, %select_n3A_247 : vector<128x4096xi1>, vector<128x4096xi32>
    %reduce_min3A_256 = arith.constant dense<2147483647> : vector<128xi32>
    %reduce_min3A_257 = vector.multi_reduction <minsi>, %select_n3A_255, %reduce_min3A_256 [1] : vector<128x4096xi32> to vector<128xi32>
    %broadcast_in_dim3A_258 = vector.shape_cast %reduce_min3A_257 : vector<128xi32> to vector<128x1xi32>
    %eq3A_259 = vector.broadcast %broadcast_in_dim3A_258 : vector<128x1xi32> to vector<128x4096xi32>
    %eq3A_260 = arith.cmpi eq, %select_n3A_255, %eq3A_259 : vector<128x4096xi32>
    %jit3A_261 = arith.constant 4096 : i32
    %broadcast_in_dim3A_262 = vector.broadcast %jit3A_261 : i32 to vector<128x4096xi32>
    %select_n3A_263 = arith.select %eq3A_260, %broadcast_in_dim3A_262, %select_n3A_255 : vector<128x4096xi1>, vector<128x4096xi32>
    %reduce_min3A_264 = arith.constant dense<2147483647> : vector<128xi32>
    %reduce_min3A_265 = vector.multi_reduction <minsi>, %select_n3A_263, %reduce_min3A_264 [1] : vector<128x4096xi32> to vector<128xi32>
    %broadcast_in_dim3A_266 = vector.shape_cast %reduce_min3A_265 : vector<128xi32> to vector<128x1xi32>
    %eq3A_267 = vector.broadcast %broadcast_in_dim3A_266 : vector<128x1xi32> to vector<128x4096xi32>
    %eq3A_268 = arith.cmpi eq, %select_n3A_263, %eq3A_267 : vector<128x4096xi32>
    %jit3A_269 = arith.constant 4096 : i32
    %broadcast_in_dim3A_270 = vector.broadcast %jit3A_269 : i32 to vector<128x4096xi32>
    %select_n3A_271 = arith.select %eq3A_268, %broadcast_in_dim3A_270, %select_n3A_263 : vector<128x4096xi1>, vector<128x4096xi32>
    %reduce_min3A_272 = arith.constant dense<2147483647> : vector<128xi32>
    %reduce_min3A_273 = vector.multi_reduction <minsi>, %select_n3A_271, %reduce_min3A_272 [1] : vector<128x4096xi32> to vector<128xi32>
    %broadcast_in_dim3A_274 = vector.shape_cast %reduce_min3A_273 : vector<128xi32> to vector<128x1xi32>
    %eq3A_275 = vector.broadcast %broadcast_in_dim3A_274 : vector<128x1xi32> to vector<128x4096xi32>
    %eq3A_276 = arith.cmpi eq, %select_n3A_271, %eq3A_275 : vector<128x4096xi32>
    %jit3A_277 = arith.constant 4096 : i32
    %broadcast_in_dim3A_278 = vector.broadcast %jit3A_277 : i32 to vector<128x4096xi32>
    %select_n3A_279 = arith.select %eq3A_276, %broadcast_in_dim3A_278, %select_n3A_271 : vector<128x4096xi1>, vector<128x4096xi32>
    %reduce_min3A_280 = arith.constant dense<2147483647> : vector<128xi32>
    %reduce_min3A_281 = vector.multi_reduction <minsi>, %select_n3A_279, %reduce_min3A_280 [1] : vector<128x4096xi32> to vector<128xi32>
    %broadcast_in_dim3A_282 = vector.shape_cast %reduce_min3A_281 : vector<128xi32> to vector<128x1xi32>
    %concatenate3A = tpu.concatenate %broadcast_in_dim3A_35, %broadcast_in_dim3A_42, %broadcast_in_dim3A_50, %broadcast_in_dim3A_58, %broadcast_in_dim3A_66, %broadcast_in_dim3A_74, %broadcast_in_dim3A_82, %broadcast_in_dim3A_90, %broadcast_in_dim3A_98, %broadcast_in_dim3A_106, %broadcast_in_dim3A_114, %broadcast_in_dim3A_122, %broadcast_in_dim3A_130, %broadcast_in_dim3A_138, %broadcast_in_dim3A_146, %broadcast_in_dim3A_154, %broadcast_in_dim3A_162, %broadcast_in_dim3A_170, %broadcast_in_dim3A_178, %broadcast_in_dim3A_186, %broadcast_in_dim3A_194, %broadcast_in_dim3A_202, %broadcast_in_dim3A_210, %broadcast_in_dim3A_218, %broadcast_in_dim3A_226, %broadcast_in_dim3A_234, %broadcast_in_dim3A_242, %broadcast_in_dim3A_250, %broadcast_in_dim3A_258, %broadcast_in_dim3A_266, %broadcast_in_dim3A_274, %broadcast_in_dim3A_282 in 1 : vector<128x1xi32>, vector<128x1xi32>, vector<128x1xi32>, vector<128x1xi32>, vector<128x1xi32>, vector<128x1xi32>, vector<128x1xi32>, vector<128x1xi32>, vector<128x1xi32>, vector<128x1xi32>, vector<128x1xi32>, vector<128x1xi32>, vector<128x1xi32>, vector<128x1xi32>, vector<128x1xi32>, vector<128x1xi32>, vector<128x1xi32>, vector<128x1xi32>, vector<128x1xi32>, vector<128x1xi32>, vector<128x1xi32>, vector<128x1xi32>, vector<128x1xi32>, vector<128x1xi32>, vector<128x1xi32>, vector<128x1xi32>, vector<128x1xi32>, vector<128x1xi32>, vector<128x1xi32>, vector<128x1xi32>, vector<128x1xi32>, vector<128x1xi32> -> vector<128x32xi32>
    %slice3A_283 = vector.extract_strided_slice %concatenate3A {offsets = [0, 0], sizes = [128, 1], strides = [1, 1]} : vector<128x32xi32> to vector<128x1xi32>
    %eq3A_284 = arith.constant 4096 : i32
    %eq3A_285 = vector.broadcast %eq3A_284 : i32 to vector<128x32xi32>
    %eq3A_286 = arith.cmpi eq, %concatenate3A, %eq3A_285 : vector<128x32xi32>
    %broadcast_in_dim3A_287 = vector.shape_cast %slice3A_283 : vector<128x1xi32> to vector<128x1xi32>
    %broadcast_in_dim3A_288 = vector.broadcast %broadcast_in_dim3A_287 : vector<128x1xi32> to vector<128x32xi32>
    %select_n3A_289 = arith.select %eq3A_286, %broadcast_in_dim3A_288, %concatenate3A : vector<128x32xi1>, vector<128x32xi32>
    %mul3A = arith.constant 4096 : i32
    %mul3A_290 = arith.muli %arg0, %mul3A : i32
    %add3A_291 = vector.broadcast %mul3A_290 : i32 to vector<128x32xi32>
    %add3A_292 = arith.addi %select_n3A_289, %add3A_291 : vector<128x32xi32>
    %swap3A = arith.constant 0 : index
    %swap3A_293 = arith.constant 0 : index
    %swap3A_294 = arith.constant 0 : index
    %swap3A_295 = vector.load %arg4[%swap3A, %swap3A_293, %swap3A_294] : memref<1x128x32xi32, #tpu.memory_space<vmem>>, vector<1x128x32xi32>
    %swap3A_296 = vector.shape_cast %swap3A_295 : vector<1x128x32xi32> to vector<128x32xi32>
    %swap3A_297 = vector.shape_cast %add3A_292 : vector<128x32xi32> to vector<1x128x32xi32>
    tpu.vector_store %arg4[%swap3A, %swap3A_293, %swap3A_294], %swap3A_297 {strides = array<i32>} : memref<1x128x32xi32, #tpu.memory_space<vmem>>, vector<1x128x32xi32>,
    return
  }
  func.func @transform_0(%arg0: i32, %arg1: i32) -> (i32, i32, i32) {
    %c0_i32 = arith.constant 0 : i32
    %c0_i32_0 = arith.constant 0 : i32
    return %arg0, %arg1, %c0_i32 : i32, i32, i32
  }
  func.func @transform_1(%arg0: i32, %arg1: i32) -> (i32, i32, i32) {
    %c0_i32 = arith.constant 0 : i32
    %c0_i32_0 = arith.constant 0 : i32
    %c0_i32_1 = arith.constant 0 : i32
    return %arg0, %c0_i32, %c0_i32_0 : i32, i32, i32
  }
  func.func @transform_2(%arg0: i32, %arg1: i32) -> (i32, i32, i32) {
    %c0_i32 = arith.constant 0 : i32
    %c0_i32_0 = arith.constant 0 : i32
    return %arg0, %arg1, %c0_i32 : i32, i32, i32
  }
}

module attributes {stable_mosaic.version = 14 : i64} {
  func.func @_fps_kernel(%arg0: memref<4x3x4096xf32, #tpu.memory_space<vmem>>, %arg1: memref<4x1024x3xf32, #tpu.memory_space<vmem>>) attributes {dimension_semantics = [], scalar_prefetch = 0 : i64, scratch_operands = 0 : i64, tpu.core_type = #tpu.core_type<tc>} {
    %get3A = arith.constant 0 : index
    %get3A_0 = arith.constant 0 : index
    %get3A_1 = arith.constant 0 : index
    %get3A_2 = vector.load %arg0[%get3A, %get3A_0, %get3A_1] : memref<4x3x4096xf32, #tpu.memory_space<vmem>>, vector<4x1x4096xf32>
    %get3A_3 = vector.shape_cast %get3A_2 : vector<4x1x4096xf32> to vector<4x4096xf32>
    %get3A_4 = arith.constant 0 : index
    %get3A_5 = arith.constant 1 : index
    %get3A_6 = arith.constant 0 : index
    %get3A_7 = vector.load %arg0[%get3A_4, %get3A_5, %get3A_6] : memref<4x3x4096xf32, #tpu.memory_space<vmem>>, vector<4x1x4096xf32>
    %get3A_8 = vector.shape_cast %get3A_7 : vector<4x1x4096xf32> to vector<4x4096xf32>
    %get3A_9 = arith.constant 0 : index
    %get3A_10 = arith.constant 2 : index
    %get3A_11 = arith.constant 0 : index
    %get3A_12 = vector.load %arg0[%get3A_9, %get3A_10, %get3A_11] : memref<4x3x4096xf32, #tpu.memory_space<vmem>>, vector<4x1x4096xf32>
    %get3A_13 = vector.shape_cast %get3A_12 : vector<4x1x4096xf32> to vector<4x4096xf32>
    %iota3A = tpu.iota {dimensions = array<i32: 1>} : vector<4x4096xi32>
    %broadcast_in_dim3A = arith.constant 1.000000e+10 : f32
    %broadcast_in_dim3A_14 = vector.broadcast %broadcast_in_dim3A : f32 to vector<4x4096xf32>
    %broadcast_in_dim3A_15 = arith.constant 0 : i32
    %broadcast_in_dim3A_16 = vector.broadcast %broadcast_in_dim3A_15 : i32 to vector<4x1xi32>
    %scan3A = arith.constant 0 : i32
    %scan3A_17 = arith.constant 1024 : i32
    %scan3A_18 = arith.addi %scan3A, %scan3A_17 : i32
    %scan3A_19 = arith.constant 1 : i32
    %scan3A_20:2 = scf.for %scan3A_22 = %scan3A to %scan3A_18 step %scan3A_19 iter_args(%scan3A_23 = %broadcast_in_dim3A_14, %scan3A_24 = %broadcast_in_dim3A_16) -> (vector<4x4096xf32>, vector<4x1xi32>)  : i32 {
      %eq3A = vector.broadcast %scan3A_24 : vector<4x1xi32> to vector<4x4096xi32>
      %eq3A_25 = arith.cmpi eq, %iota3A, %eq3A : vector<4x4096xi32>
      %jit3A = arith.constant 0.000000e+00 : f32
      %broadcast_in_dim3A_26 = vector.broadcast %jit3A : f32 to vector<4x4096xf32>
      %select_n3A = arith.select %eq3A_25, %get3A_3, %broadcast_in_dim3A_26 : vector<4x4096xi1>, vector<4x4096xf32>
      %reduce_sum3A = arith.constant dense<0.000000e+00> : vector<4xf32>
      %reduce_sum3A_27 = vector.multi_reduction <add>, %select_n3A, %reduce_sum3A [1] : vector<4x4096xf32> to vector<4xf32>
      %broadcast_in_dim3A_28 = vector.shape_cast %reduce_sum3A_27 : vector<4xf32> to vector<4x1xf32>
      %jit3A_29 = arith.constant 0.000000e+00 : f32
      %broadcast_in_dim3A_30 = vector.broadcast %jit3A_29 : f32 to vector<4x4096xf32>
      %select_n3A_31 = arith.select %eq3A_25, %get3A_8, %broadcast_in_dim3A_30 : vector<4x4096xi1>, vector<4x4096xf32>
      %reduce_sum3A_32 = arith.constant dense<0.000000e+00> : vector<4xf32>
      %reduce_sum3A_33 = vector.multi_reduction <add>, %select_n3A_31, %reduce_sum3A_32 [1] : vector<4x4096xf32> to vector<4xf32>
      %broadcast_in_dim3A_34 = vector.shape_cast %reduce_sum3A_33 : vector<4xf32> to vector<4x1xf32>
      %jit3A_35 = arith.constant 0.000000e+00 : f32
      %broadcast_in_dim3A_36 = vector.broadcast %jit3A_35 : f32 to vector<4x4096xf32>
      %select_n3A_37 = arith.select %eq3A_25, %get3A_13, %broadcast_in_dim3A_36 : vector<4x4096xi1>, vector<4x4096xf32>
      %reduce_sum3A_38 = arith.constant dense<0.000000e+00> : vector<4xf32>
      %reduce_sum3A_39 = vector.multi_reduction <add>, %select_n3A_37, %reduce_sum3A_38 [1] : vector<4x4096xf32> to vector<4xf32>
      %broadcast_in_dim3A_40 = vector.shape_cast %reduce_sum3A_39 : vector<4xf32> to vector<4x1xf32>
      %concatenate3A = tpu.concatenate %broadcast_in_dim3A_28, %broadcast_in_dim3A_34, %broadcast_in_dim3A_40 in 1 : vector<4x1xf32>, vector<4x1xf32>, vector<4x1xf32> -> vector<4x3xf32>
      %broadcast_in_dim3A_41 = vector.shape_cast %concatenate3A : vector<4x3xf32> to vector<4x1x3xf32>
      %swap3A = arith.constant 0 : index
      %swap3A_42 = arith.index_cast %scan3A_22 : i32 to index
      %swap3A_43 = arith.constant 0 : index
      %swap3A_44 = vector.load %arg1[%swap3A, %swap3A_42, %swap3A_43] : memref<4x1024x3xf32, #tpu.memory_space<vmem>>, vector<4x1x3xf32>
      tpu.vector_store %arg1[%swap3A, %swap3A_42, %swap3A_43], %broadcast_in_dim3A_41 {strides = array<i32>} : memref<4x1024x3xf32, #tpu.memory_space<vmem>>, vector<4x1x3xf32>,
      %sub3A = vector.broadcast %broadcast_in_dim3A_28 : vector<4x1xf32> to vector<4x4096xf32>
      %sub3A_45 = arith.subf %get3A_3, %sub3A : vector<4x4096xf32>
      %integer_pow3A = arith.mulf %sub3A_45, %sub3A_45 : vector<4x4096xf32>
      %sub3A_46 = vector.broadcast %broadcast_in_dim3A_34 : vector<4x1xf32> to vector<4x4096xf32>
      %sub3A_47 = arith.subf %get3A_8, %sub3A_46 : vector<4x4096xf32>
      %integer_pow3A_48 = arith.mulf %sub3A_47, %sub3A_47 : vector<4x4096xf32>
      %add3A = arith.addf %integer_pow3A, %integer_pow3A_48 : vector<4x4096xf32>
      %sub3A_49 = vector.broadcast %broadcast_in_dim3A_40 : vector<4x1xf32> to vector<4x4096xf32>
      %sub3A_50 = arith.subf %get3A_13, %sub3A_49 : vector<4x4096xf32>
      %integer_pow3A_51 = arith.mulf %sub3A_50, %sub3A_50 : vector<4x4096xf32>
      %add3A_52 = arith.addf %add3A, %integer_pow3A_51 : vector<4x4096xf32>
      %min3A = arith.minimumf %scan3A_23, %add3A_52 : vector<4x4096xf32>
      %reduce_max3A = arith.constant dense<0xFF800000> : vector<4xf32>
      %reduce_max3A_53 = vector.multi_reduction <maximumf>, %min3A, %reduce_max3A [1] : vector<4x4096xf32> to vector<4xf32>
      %broadcast_in_dim3A_54 = vector.shape_cast %reduce_max3A_53 : vector<4xf32> to vector<4x1xf32>
      %eq3A_55 = vector.broadcast %broadcast_in_dim3A_54 : vector<4x1xf32> to vector<4x4096xf32>
      %eq3A_56 = arith.cmpf oeq, %min3A, %eq3A_55 : vector<4x4096xf32>
      %jit3A_57 = arith.constant 4096 : i32
      %broadcast_in_dim3A_58 = vector.broadcast %jit3A_57 : i32 to vector<4x4096xi32>
      %select_n3A_59 = arith.select %eq3A_56, %iota3A, %broadcast_in_dim3A_58 : vector<4x4096xi1>, vector<4x4096xi32>
      %reduce_min3A = arith.constant dense<2147483647> : vector<4xi32>
      %reduce_min3A_60 = vector.multi_reduction <minsi>, %select_n3A_59, %reduce_min3A [1] : vector<4x4096xi32> to vector<4xi32>
      %broadcast_in_dim3A_61 = vector.shape_cast %reduce_min3A_60 : vector<4xi32> to vector<4x1xi32>
      scf.yield %min3A, %broadcast_in_dim3A_61 : vector<4x4096xf32>, vector<4x1xi32>
    }
    %scan3A_21 = arith.constant 1024 : i32
    return
  }
}

module attributes {stable_mosaic.version = 14 : i64} {
  func.func @_fps_kernel(%arg0: memref<4x3x1024xf32, #tpu.memory_space<vmem>>, %arg1: memref<4x256x3xf32, #tpu.memory_space<vmem>>) attributes {dimension_semantics = [], scalar_prefetch = 0 : i64, scratch_operands = 0 : i64, tpu.core_type = #tpu.core_type<tc>} {
    %get3A = arith.constant 0 : index
    %get3A_0 = arith.constant 0 : index
    %get3A_1 = arith.constant 0 : index
    %get3A_2 = vector.load %arg0[%get3A, %get3A_0, %get3A_1] : memref<4x3x1024xf32, #tpu.memory_space<vmem>>, vector<4x1x1024xf32>
    %get3A_3 = vector.shape_cast %get3A_2 : vector<4x1x1024xf32> to vector<4x1024xf32>
    %get3A_4 = arith.constant 0 : index
    %get3A_5 = arith.constant 1 : index
    %get3A_6 = arith.constant 0 : index
    %get3A_7 = vector.load %arg0[%get3A_4, %get3A_5, %get3A_6] : memref<4x3x1024xf32, #tpu.memory_space<vmem>>, vector<4x1x1024xf32>
    %get3A_8 = vector.shape_cast %get3A_7 : vector<4x1x1024xf32> to vector<4x1024xf32>
    %get3A_9 = arith.constant 0 : index
    %get3A_10 = arith.constant 2 : index
    %get3A_11 = arith.constant 0 : index
    %get3A_12 = vector.load %arg0[%get3A_9, %get3A_10, %get3A_11] : memref<4x3x1024xf32, #tpu.memory_space<vmem>>, vector<4x1x1024xf32>
    %get3A_13 = vector.shape_cast %get3A_12 : vector<4x1x1024xf32> to vector<4x1024xf32>
    %iota3A = tpu.iota {dimensions = array<i32: 1>} : vector<4x1024xi32>
    %broadcast_in_dim3A = arith.constant 1.000000e+10 : f32
    %broadcast_in_dim3A_14 = vector.broadcast %broadcast_in_dim3A : f32 to vector<4x1024xf32>
    %broadcast_in_dim3A_15 = arith.constant 0 : i32
    %broadcast_in_dim3A_16 = vector.broadcast %broadcast_in_dim3A_15 : i32 to vector<4x1xi32>
    %scan3A = arith.constant 0 : i32
    %scan3A_17 = arith.constant 256 : i32
    %scan3A_18 = arith.addi %scan3A, %scan3A_17 : i32
    %scan3A_19 = arith.constant 1 : i32
    %scan3A_20:2 = scf.for %scan3A_22 = %scan3A to %scan3A_18 step %scan3A_19 iter_args(%scan3A_23 = %broadcast_in_dim3A_14, %scan3A_24 = %broadcast_in_dim3A_16) -> (vector<4x1024xf32>, vector<4x1xi32>)  : i32 {
      %eq3A = vector.broadcast %scan3A_24 : vector<4x1xi32> to vector<4x1024xi32>
      %eq3A_25 = arith.cmpi eq, %iota3A, %eq3A : vector<4x1024xi32>
      %jit3A = arith.constant 0.000000e+00 : f32
      %broadcast_in_dim3A_26 = vector.broadcast %jit3A : f32 to vector<4x1024xf32>
      %select_n3A = arith.select %eq3A_25, %get3A_3, %broadcast_in_dim3A_26 : vector<4x1024xi1>, vector<4x1024xf32>
      %reduce_sum3A = arith.constant dense<0.000000e+00> : vector<4xf32>
      %reduce_sum3A_27 = vector.multi_reduction <add>, %select_n3A, %reduce_sum3A [1] : vector<4x1024xf32> to vector<4xf32>
      %broadcast_in_dim3A_28 = vector.shape_cast %reduce_sum3A_27 : vector<4xf32> to vector<4x1xf32>
      %jit3A_29 = arith.constant 0.000000e+00 : f32
      %broadcast_in_dim3A_30 = vector.broadcast %jit3A_29 : f32 to vector<4x1024xf32>
      %select_n3A_31 = arith.select %eq3A_25, %get3A_8, %broadcast_in_dim3A_30 : vector<4x1024xi1>, vector<4x1024xf32>
      %reduce_sum3A_32 = arith.constant dense<0.000000e+00> : vector<4xf32>
      %reduce_sum3A_33 = vector.multi_reduction <add>, %select_n3A_31, %reduce_sum3A_32 [1] : vector<4x1024xf32> to vector<4xf32>
      %broadcast_in_dim3A_34 = vector.shape_cast %reduce_sum3A_33 : vector<4xf32> to vector<4x1xf32>
      %jit3A_35 = arith.constant 0.000000e+00 : f32
      %broadcast_in_dim3A_36 = vector.broadcast %jit3A_35 : f32 to vector<4x1024xf32>
      %select_n3A_37 = arith.select %eq3A_25, %get3A_13, %broadcast_in_dim3A_36 : vector<4x1024xi1>, vector<4x1024xf32>
      %reduce_sum3A_38 = arith.constant dense<0.000000e+00> : vector<4xf32>
      %reduce_sum3A_39 = vector.multi_reduction <add>, %select_n3A_37, %reduce_sum3A_38 [1] : vector<4x1024xf32> to vector<4xf32>
      %broadcast_in_dim3A_40 = vector.shape_cast %reduce_sum3A_39 : vector<4xf32> to vector<4x1xf32>
      %concatenate3A = tpu.concatenate %broadcast_in_dim3A_28, %broadcast_in_dim3A_34, %broadcast_in_dim3A_40 in 1 : vector<4x1xf32>, vector<4x1xf32>, vector<4x1xf32> -> vector<4x3xf32>
      %broadcast_in_dim3A_41 = vector.shape_cast %concatenate3A : vector<4x3xf32> to vector<4x1x3xf32>
      %swap3A = arith.constant 0 : index
      %swap3A_42 = arith.index_cast %scan3A_22 : i32 to index
      %swap3A_43 = arith.constant 0 : index
      %swap3A_44 = vector.load %arg1[%swap3A, %swap3A_42, %swap3A_43] : memref<4x256x3xf32, #tpu.memory_space<vmem>>, vector<4x1x3xf32>
      tpu.vector_store %arg1[%swap3A, %swap3A_42, %swap3A_43], %broadcast_in_dim3A_41 {strides = array<i32>} : memref<4x256x3xf32, #tpu.memory_space<vmem>>, vector<4x1x3xf32>,
      %sub3A = vector.broadcast %broadcast_in_dim3A_28 : vector<4x1xf32> to vector<4x1024xf32>
      %sub3A_45 = arith.subf %get3A_3, %sub3A : vector<4x1024xf32>
      %integer_pow3A = arith.mulf %sub3A_45, %sub3A_45 : vector<4x1024xf32>
      %sub3A_46 = vector.broadcast %broadcast_in_dim3A_34 : vector<4x1xf32> to vector<4x1024xf32>
      %sub3A_47 = arith.subf %get3A_8, %sub3A_46 : vector<4x1024xf32>
      %integer_pow3A_48 = arith.mulf %sub3A_47, %sub3A_47 : vector<4x1024xf32>
      %add3A = arith.addf %integer_pow3A, %integer_pow3A_48 : vector<4x1024xf32>
      %sub3A_49 = vector.broadcast %broadcast_in_dim3A_40 : vector<4x1xf32> to vector<4x1024xf32>
      %sub3A_50 = arith.subf %get3A_13, %sub3A_49 : vector<4x1024xf32>
      %integer_pow3A_51 = arith.mulf %sub3A_50, %sub3A_50 : vector<4x1024xf32>
      %add3A_52 = arith.addf %add3A, %integer_pow3A_51 : vector<4x1024xf32>
      %min3A = arith.minimumf %scan3A_23, %add3A_52 : vector<4x1024xf32>
      %reduce_max3A = arith.constant dense<0xFF800000> : vector<4xf32>
      %reduce_max3A_53 = vector.multi_reduction <maximumf>, %min3A, %reduce_max3A [1] : vector<4x1024xf32> to vector<4xf32>
      %broadcast_in_dim3A_54 = vector.shape_cast %reduce_max3A_53 : vector<4xf32> to vector<4x1xf32>
      %eq3A_55 = vector.broadcast %broadcast_in_dim3A_54 : vector<4x1xf32> to vector<4x1024xf32>
      %eq3A_56 = arith.cmpf oeq, %min3A, %eq3A_55 : vector<4x1024xf32>
      %jit3A_57 = arith.constant 1024 : i32
      %broadcast_in_dim3A_58 = vector.broadcast %jit3A_57 : i32 to vector<4x1024xi32>
      %select_n3A_59 = arith.select %eq3A_56, %iota3A, %broadcast_in_dim3A_58 : vector<4x1024xi1>, vector<4x1024xi32>
      %reduce_min3A = arith.constant dense<2147483647> : vector<4xi32>
      %reduce_min3A_60 = vector.multi_reduction <minsi>, %select_n3A_59, %reduce_min3A [1] : vector<4x1024xi32> to vector<4xi32>
      %broadcast_in_dim3A_61 = vector.shape_cast %reduce_min3A_60 : vector<4xi32> to vector<4x1xi32>
      scf.yield %min3A, %broadcast_in_dim3A_61 : vector<4x1024xf32>, vector<4x1xi32>
    }
    %scan3A_21 = arith.constant 256 : i32
    return
  }
}

module attributes {stable_mosaic.version = 14 : i64} {
  func.func @_ballq_kernel(%arg0: i32, %arg1: i32, %arg2: memref<1x128x3xf32, #tpu.memory_space<vmem>>, %arg3: memref<1x3x1024xf32, #tpu.memory_space<vmem>>, %arg4: memref<1x128x32xi32, #tpu.memory_space<vmem>>) attributes {dimension_semantics = [#tpu.dimension_semantics<arbitrary>, #tpu.dimension_semantics<arbitrary>], iteration_bounds = array<i64: 4, 2>, scalar_prefetch = 0 : i64, scratch_operands = 0 : i64, tpu.core_type = #tpu.core_type<tc>, window_params = [{transform_indices = @transform_0, window_bounds = array<i64: 1, 128, 3>}, {transform_indices = @transform_1, window_bounds = array<i64: 1, 3, 1024>}, {transform_indices = @transform_2, window_bounds = array<i64: 1, 128, 32>}]} {
    %get3A = arith.constant 0 : index
    %get3A_0 = arith.constant 0 : index
    %get3A_1 = arith.constant 0 : index
    %get3A_2 = vector.load %arg2[%get3A, %get3A_0, %get3A_1] : memref<1x128x3xf32, #tpu.memory_space<vmem>>, vector<1x128x3xf32>
    %get3A_3 = vector.shape_cast %get3A_2 : vector<1x128x3xf32> to vector<128x3xf32>
    %slice3A = vector.extract_strided_slice %get3A_3 {offsets = [0, 0], sizes = [128, 1], strides = [1, 1]} : vector<128x3xf32> to vector<128x1xf32>
    %slice3A_4 = vector.extract_strided_slice %get3A_3 {offsets = [0, 1], sizes = [128, 1], strides = [1, 1]} : vector<128x3xf32> to vector<128x1xf32>
    %slice3A_5 = vector.extract_strided_slice %get3A_3 {offsets = [0, 2], sizes = [128, 1], strides = [1, 1]} : vector<128x3xf32> to vector<128x1xf32>
    %get3A_6 = arith.constant 0 : index
    %get3A_7 = arith.constant 0 : index
    %get3A_8 = arith.constant 0 : index
    %get3A_9 = vector.load %arg3[%get3A_6, %get3A_7, %get3A_8] : memref<1x3x1024xf32, #tpu.memory_space<vmem>>, vector<1x1x1024xf32>
    %get3A_10 = vector.shape_cast %get3A_9 : vector<1x1x1024xf32> to vector<1x1024xf32>
    %get3A_11 = arith.constant 0 : index
    %get3A_12 = arith.constant 1 : index
    %get3A_13 = arith.constant 0 : index
    %get3A_14 = vector.load %arg3[%get3A_11, %get3A_12, %get3A_13] : memref<1x3x1024xf32, #tpu.memory_space<vmem>>, vector<1x1x1024xf32>
    %get3A_15 = vector.shape_cast %get3A_14 : vector<1x1x1024xf32> to vector<1x1024xf32>
    %get3A_16 = arith.constant 0 : index
    %get3A_17 = arith.constant 2 : index
    %get3A_18 = arith.constant 0 : index
    %get3A_19 = vector.load %arg3[%get3A_16, %get3A_17, %get3A_18] : memref<1x3x1024xf32, #tpu.memory_space<vmem>>, vector<1x1x1024xf32>
    %get3A_20 = vector.shape_cast %get3A_19 : vector<1x1x1024xf32> to vector<1x1024xf32>
    %sub3A = vector.broadcast %slice3A : vector<128x1xf32> to vector<128x1024xf32>
    %sub3A_21 = vector.broadcast %get3A_10 : vector<1x1024xf32> to vector<128x1024xf32>
    %sub3A_22 = arith.subf %sub3A, %sub3A_21 : vector<128x1024xf32>
    %integer_pow3A = arith.mulf %sub3A_22, %sub3A_22 : vector<128x1024xf32>
    %sub3A_23 = vector.broadcast %slice3A_4 : vector<128x1xf32> to vector<128x1024xf32>
    %sub3A_24 = vector.broadcast %get3A_15 : vector<1x1024xf32> to vector<128x1024xf32>
    %sub3A_25 = arith.subf %sub3A_23, %sub3A_24 : vector<128x1024xf32>
    %integer_pow3A_26 = arith.mulf %sub3A_25, %sub3A_25 : vector<128x1024xf32>
    %add3A = arith.addf %integer_pow3A, %integer_pow3A_26 : vector<128x1024xf32>
    %sub3A_27 = vector.broadcast %slice3A_5 : vector<128x1xf32> to vector<128x1024xf32>
    %sub3A_28 = vector.broadcast %get3A_20 : vector<1x1024xf32> to vector<128x1024xf32>
    %sub3A_29 = arith.subf %sub3A_27, %sub3A_28 : vector<128x1024xf32>
    %integer_pow3A_30 = arith.mulf %sub3A_29, %sub3A_29 : vector<128x1024xf32>
    %add3A_31 = arith.addf %add3A, %integer_pow3A_30 : vector<128x1024xf32>
    %iota3A = tpu.iota {dimensions = array<i32: 1>} : vector<128x1024xi32>
    %le3A = arith.constant 4.000000e-02 : f32
    %le3A_32 = vector.broadcast %le3A : f32 to vector<128x1024xf32>
    %le3A_33 = arith.cmpf ole, %add3A_31, %le3A_32 : vector<128x1024xf32>
    %jit3A = arith.constant 1024 : i32
    %broadcast_in_dim3A = vector.broadcast %jit3A : i32 to vector<128x1024xi32>
    %select_n3A = arith.select %le3A_33, %iota3A, %broadcast_in_dim3A : vector<128x1024xi1>, vector<128x1024xi32>
    %reduce_min3A = arith.constant dense<2147483647> : vector<128xi32>
    %reduce_min3A_34 = vector.multi_reduction <minsi>, %select_n3A, %reduce_min3A [1] : vector<128x1024xi32> to vector<128xi32>
    %broadcast_in_dim3A_35 = vector.shape_cast %reduce_min3A_34 : vector<128xi32> to vector<128x1xi32>
    %eq3A = vector.broadcast %broadcast_in_dim3A_35 : vector<128x1xi32> to vector<128x1024xi32>
    %eq3A_36 = arith.cmpi eq, %select_n3A, %eq3A : vector<128x1024xi32>
    %jit3A_37 = arith.constant 1024 : i32
    %broadcast_in_dim3A_38 = vector.broadcast %jit3A_37 : i32 to vector<128x1024xi32>
    %select_n3A_39 = arith.select %eq3A_36, %broadcast_in_dim3A_38, %select_n3A : vector<128x1024xi1>, vector<128x1024xi32>
    %reduce_min3A_40 = arith.constant dense<2147483647> : vector<128xi32>
    %reduce_min3A_41 = vector.multi_reduction <minsi>, %select_n3A_39, %reduce_min3A_40 [1] : vector<128x1024xi32> to vector<128xi32>
    %broadcast_in_dim3A_42 = vector.shape_cast %reduce_min3A_41 : vector<128xi32> to vector<128x1xi32>
    %eq3A_43 = vector.broadcast %broadcast_in_dim3A_42 : vector<128x1xi32> to vector<128x1024xi32>
    %eq3A_44 = arith.cmpi eq, %select_n3A_39, %eq3A_43 : vector<128x1024xi32>
    %jit3A_45 = arith.constant 1024 : i32
    %broadcast_in_dim3A_46 = vector.broadcast %jit3A_45 : i32 to vector<128x1024xi32>
    %select_n3A_47 = arith.select %eq3A_44, %broadcast_in_dim3A_46, %select_n3A_39 : vector<128x1024xi1>, vector<128x1024xi32>
    %reduce_min3A_48 = arith.constant dense<2147483647> : vector<128xi32>
    %reduce_min3A_49 = vector.multi_reduction <minsi>, %select_n3A_47, %reduce_min3A_48 [1] : vector<128x1024xi32> to vector<128xi32>
    %broadcast_in_dim3A_50 = vector.shape_cast %reduce_min3A_49 : vector<128xi32> to vector<128x1xi32>
    %eq3A_51 = vector.broadcast %broadcast_in_dim3A_50 : vector<128x1xi32> to vector<128x1024xi32>
    %eq3A_52 = arith.cmpi eq, %select_n3A_47, %eq3A_51 : vector<128x1024xi32>
    %jit3A_53 = arith.constant 1024 : i32
    %broadcast_in_dim3A_54 = vector.broadcast %jit3A_53 : i32 to vector<128x1024xi32>
    %select_n3A_55 = arith.select %eq3A_52, %broadcast_in_dim3A_54, %select_n3A_47 : vector<128x1024xi1>, vector<128x1024xi32>
    %reduce_min3A_56 = arith.constant dense<2147483647> : vector<128xi32>
    %reduce_min3A_57 = vector.multi_reduction <minsi>, %select_n3A_55, %reduce_min3A_56 [1] : vector<128x1024xi32> to vector<128xi32>
    %broadcast_in_dim3A_58 = vector.shape_cast %reduce_min3A_57 : vector<128xi32> to vector<128x1xi32>
    %eq3A_59 = vector.broadcast %broadcast_in_dim3A_58 : vector<128x1xi32> to vector<128x1024xi32>
    %eq3A_60 = arith.cmpi eq, %select_n3A_55, %eq3A_59 : vector<128x1024xi32>
    %jit3A_61 = arith.constant 1024 : i32
    %broadcast_in_dim3A_62 = vector.broadcast %jit3A_61 : i32 to vector<128x1024xi32>
    %select_n3A_63 = arith.select %eq3A_60, %broadcast_in_dim3A_62, %select_n3A_55 : vector<128x1024xi1>, vector<128x1024xi32>
    %reduce_min3A_64 = arith.constant dense<2147483647> : vector<128xi32>
    %reduce_min3A_65 = vector.multi_reduction <minsi>, %select_n3A_63, %reduce_min3A_64 [1] : vector<128x1024xi32> to vector<128xi32>
    %broadcast_in_dim3A_66 = vector.shape_cast %reduce_min3A_65 : vector<128xi32> to vector<128x1xi32>
    %eq3A_67 = vector.broadcast %broadcast_in_dim3A_66 : vector<128x1xi32> to vector<128x1024xi32>
    %eq3A_68 = arith.cmpi eq, %select_n3A_63, %eq3A_67 : vector<128x1024xi32>
    %jit3A_69 = arith.constant 1024 : i32
    %broadcast_in_dim3A_70 = vector.broadcast %jit3A_69 : i32 to vector<128x1024xi32>
    %select_n3A_71 = arith.select %eq3A_68, %broadcast_in_dim3A_70, %select_n3A_63 : vector<128x1024xi1>, vector<128x1024xi32>
    %reduce_min3A_72 = arith.constant dense<2147483647> : vector<128xi32>
    %reduce_min3A_73 = vector.multi_reduction <minsi>, %select_n3A_71, %reduce_min3A_72 [1] : vector<128x1024xi32> to vector<128xi32>
    %broadcast_in_dim3A_74 = vector.shape_cast %reduce_min3A_73 : vector<128xi32> to vector<128x1xi32>
    %eq3A_75 = vector.broadcast %broadcast_in_dim3A_74 : vector<128x1xi32> to vector<128x1024xi32>
    %eq3A_76 = arith.cmpi eq, %select_n3A_71, %eq3A_75 : vector<128x1024xi32>
    %jit3A_77 = arith.constant 1024 : i32
    %broadcast_in_dim3A_78 = vector.broadcast %jit3A_77 : i32 to vector<128x1024xi32>
    %select_n3A_79 = arith.select %eq3A_76, %broadcast_in_dim3A_78, %select_n3A_71 : vector<128x1024xi1>, vector<128x1024xi32>
    %reduce_min3A_80 = arith.constant dense<2147483647> : vector<128xi32>
    %reduce_min3A_81 = vector.multi_reduction <minsi>, %select_n3A_79, %reduce_min3A_80 [1] : vector<128x1024xi32> to vector<128xi32>
    %broadcast_in_dim3A_82 = vector.shape_cast %reduce_min3A_81 : vector<128xi32> to vector<128x1xi32>
    %eq3A_83 = vector.broadcast %broadcast_in_dim3A_82 : vector<128x1xi32> to vector<128x1024xi32>
    %eq3A_84 = arith.cmpi eq, %select_n3A_79, %eq3A_83 : vector<128x1024xi32>
    %jit3A_85 = arith.constant 1024 : i32
    %broadcast_in_dim3A_86 = vector.broadcast %jit3A_85 : i32 to vector<128x1024xi32>
    %select_n3A_87 = arith.select %eq3A_84, %broadcast_in_dim3A_86, %select_n3A_79 : vector<128x1024xi1>, vector<128x1024xi32>
    %reduce_min3A_88 = arith.constant dense<2147483647> : vector<128xi32>
    %reduce_min3A_89 = vector.multi_reduction <minsi>, %select_n3A_87, %reduce_min3A_88 [1] : vector<128x1024xi32> to vector<128xi32>
    %broadcast_in_dim3A_90 = vector.shape_cast %reduce_min3A_89 : vector<128xi32> to vector<128x1xi32>
    %eq3A_91 = vector.broadcast %broadcast_in_dim3A_90 : vector<128x1xi32> to vector<128x1024xi32>
    %eq3A_92 = arith.cmpi eq, %select_n3A_87, %eq3A_91 : vector<128x1024xi32>
    %jit3A_93 = arith.constant 1024 : i32
    %broadcast_in_dim3A_94 = vector.broadcast %jit3A_93 : i32 to vector<128x1024xi32>
    %select_n3A_95 = arith.select %eq3A_92, %broadcast_in_dim3A_94, %select_n3A_87 : vector<128x1024xi1>, vector<128x1024xi32>
    %reduce_min3A_96 = arith.constant dense<2147483647> : vector<128xi32>
    %reduce_min3A_97 = vector.multi_reduction <minsi>, %select_n3A_95, %reduce_min3A_96 [1] : vector<128x1024xi32> to vector<128xi32>
    %broadcast_in_dim3A_98 = vector.shape_cast %reduce_min3A_97 : vector<128xi32> to vector<128x1xi32>
    %eq3A_99 = vector.broadcast %broadcast_in_dim3A_98 : vector<128x1xi32> to vector<128x1024xi32>
    %eq3A_100 = arith.cmpi eq, %select_n3A_95, %eq3A_99 : vector<128x1024xi32>
    %jit3A_101 = arith.constant 1024 : i32
    %broadcast_in_dim3A_102 = vector.broadcast %jit3A_101 : i32 to vector<128x1024xi32>
    %select_n3A_103 = arith.select %eq3A_100, %broadcast_in_dim3A_102, %select_n3A_95 : vector<128x1024xi1>, vector<128x1024xi32>
    %reduce_min3A_104 = arith.constant dense<2147483647> : vector<128xi32>
    %reduce_min3A_105 = vector.multi_reduction <minsi>, %select_n3A_103, %reduce_min3A_104 [1] : vector<128x1024xi32> to vector<128xi32>
    %broadcast_in_dim3A_106 = vector.shape_cast %reduce_min3A_105 : vector<128xi32> to vector<128x1xi32>
    %eq3A_107 = vector.broadcast %broadcast_in_dim3A_106 : vector<128x1xi32> to vector<128x1024xi32>
    %eq3A_108 = arith.cmpi eq, %select_n3A_103, %eq3A_107 : vector<128x1024xi32>
    %jit3A_109 = arith.constant 1024 : i32
    %broadcast_in_dim3A_110 = vector.broadcast %jit3A_109 : i32 to vector<128x1024xi32>
    %select_n3A_111 = arith.select %eq3A_108, %broadcast_in_dim3A_110, %select_n3A_103 : vector<128x1024xi1>, vector<128x1024xi32>
    %reduce_min3A_112 = arith.constant dense<2147483647> : vector<128xi32>
    %reduce_min3A_113 = vector.multi_reduction <minsi>, %select_n3A_111, %reduce_min3A_112 [1] : vector<128x1024xi32> to vector<128xi32>
    %broadcast_in_dim3A_114 = vector.shape_cast %reduce_min3A_113 : vector<128xi32> to vector<128x1xi32>
    %eq3A_115 = vector.broadcast %broadcast_in_dim3A_114 : vector<128x1xi32> to vector<128x1024xi32>
    %eq3A_116 = arith.cmpi eq, %select_n3A_111, %eq3A_115 : vector<128x1024xi32>
    %jit3A_117 = arith.constant 1024 : i32
    %broadcast_in_dim3A_118 = vector.broadcast %jit3A_117 : i32 to vector<128x1024xi32>
    %select_n3A_119 = arith.select %eq3A_116, %broadcast_in_dim3A_118, %select_n3A_111 : vector<128x1024xi1>, vector<128x1024xi32>
    %reduce_min3A_120 = arith.constant dense<2147483647> : vector<128xi32>
    %reduce_min3A_121 = vector.multi_reduction <minsi>, %select_n3A_119, %reduce_min3A_120 [1] : vector<128x1024xi32> to vector<128xi32>
    %broadcast_in_dim3A_122 = vector.shape_cast %reduce_min3A_121 : vector<128xi32> to vector<128x1xi32>
    %eq3A_123 = vector.broadcast %broadcast_in_dim3A_122 : vector<128x1xi32> to vector<128x1024xi32>
    %eq3A_124 = arith.cmpi eq, %select_n3A_119, %eq3A_123 : vector<128x1024xi32>
    %jit3A_125 = arith.constant 1024 : i32
    %broadcast_in_dim3A_126 = vector.broadcast %jit3A_125 : i32 to vector<128x1024xi32>
    %select_n3A_127 = arith.select %eq3A_124, %broadcast_in_dim3A_126, %select_n3A_119 : vector<128x1024xi1>, vector<128x1024xi32>
    %reduce_min3A_128 = arith.constant dense<2147483647> : vector<128xi32>
    %reduce_min3A_129 = vector.multi_reduction <minsi>, %select_n3A_127, %reduce_min3A_128 [1] : vector<128x1024xi32> to vector<128xi32>
    %broadcast_in_dim3A_130 = vector.shape_cast %reduce_min3A_129 : vector<128xi32> to vector<128x1xi32>
    %eq3A_131 = vector.broadcast %broadcast_in_dim3A_130 : vector<128x1xi32> to vector<128x1024xi32>
    %eq3A_132 = arith.cmpi eq, %select_n3A_127, %eq3A_131 : vector<128x1024xi32>
    %jit3A_133 = arith.constant 1024 : i32
    %broadcast_in_dim3A_134 = vector.broadcast %jit3A_133 : i32 to vector<128x1024xi32>
    %select_n3A_135 = arith.select %eq3A_132, %broadcast_in_dim3A_134, %select_n3A_127 : vector<128x1024xi1>, vector<128x1024xi32>
    %reduce_min3A_136 = arith.constant dense<2147483647> : vector<128xi32>
    %reduce_min3A_137 = vector.multi_reduction <minsi>, %select_n3A_135, %reduce_min3A_136 [1] : vector<128x1024xi32> to vector<128xi32>
    %broadcast_in_dim3A_138 = vector.shape_cast %reduce_min3A_137 : vector<128xi32> to vector<128x1xi32>
    %eq3A_139 = vector.broadcast %broadcast_in_dim3A_138 : vector<128x1xi32> to vector<128x1024xi32>
    %eq3A_140 = arith.cmpi eq, %select_n3A_135, %eq3A_139 : vector<128x1024xi32>
    %jit3A_141 = arith.constant 1024 : i32
    %broadcast_in_dim3A_142 = vector.broadcast %jit3A_141 : i32 to vector<128x1024xi32>
    %select_n3A_143 = arith.select %eq3A_140, %broadcast_in_dim3A_142, %select_n3A_135 : vector<128x1024xi1>, vector<128x1024xi32>
    %reduce_min3A_144 = arith.constant dense<2147483647> : vector<128xi32>
    %reduce_min3A_145 = vector.multi_reduction <minsi>, %select_n3A_143, %reduce_min3A_144 [1] : vector<128x1024xi32> to vector<128xi32>
    %broadcast_in_dim3A_146 = vector.shape_cast %reduce_min3A_145 : vector<128xi32> to vector<128x1xi32>
    %eq3A_147 = vector.broadcast %broadcast_in_dim3A_146 : vector<128x1xi32> to vector<128x1024xi32>
    %eq3A_148 = arith.cmpi eq, %select_n3A_143, %eq3A_147 : vector<128x1024xi32>
    %jit3A_149 = arith.constant 1024 : i32
    %broadcast_in_dim3A_150 = vector.broadcast %jit3A_149 : i32 to vector<128x1024xi32>
    %select_n3A_151 = arith.select %eq3A_148, %broadcast_in_dim3A_150, %select_n3A_143 : vector<128x1024xi1>, vector<128x1024xi32>
    %reduce_min3A_152 = arith.constant dense<2147483647> : vector<128xi32>
    %reduce_min3A_153 = vector.multi_reduction <minsi>, %select_n3A_151, %reduce_min3A_152 [1] : vector<128x1024xi32> to vector<128xi32>
    %broadcast_in_dim3A_154 = vector.shape_cast %reduce_min3A_153 : vector<128xi32> to vector<128x1xi32>
    %eq3A_155 = vector.broadcast %broadcast_in_dim3A_154 : vector<128x1xi32> to vector<128x1024xi32>
    %eq3A_156 = arith.cmpi eq, %select_n3A_151, %eq3A_155 : vector<128x1024xi32>
    %jit3A_157 = arith.constant 1024 : i32
    %broadcast_in_dim3A_158 = vector.broadcast %jit3A_157 : i32 to vector<128x1024xi32>
    %select_n3A_159 = arith.select %eq3A_156, %broadcast_in_dim3A_158, %select_n3A_151 : vector<128x1024xi1>, vector<128x1024xi32>
    %reduce_min3A_160 = arith.constant dense<2147483647> : vector<128xi32>
    %reduce_min3A_161 = vector.multi_reduction <minsi>, %select_n3A_159, %reduce_min3A_160 [1] : vector<128x1024xi32> to vector<128xi32>
    %broadcast_in_dim3A_162 = vector.shape_cast %reduce_min3A_161 : vector<128xi32> to vector<128x1xi32>
    %eq3A_163 = vector.broadcast %broadcast_in_dim3A_162 : vector<128x1xi32> to vector<128x1024xi32>
    %eq3A_164 = arith.cmpi eq, %select_n3A_159, %eq3A_163 : vector<128x1024xi32>
    %jit3A_165 = arith.constant 1024 : i32
    %broadcast_in_dim3A_166 = vector.broadcast %jit3A_165 : i32 to vector<128x1024xi32>
    %select_n3A_167 = arith.select %eq3A_164, %broadcast_in_dim3A_166, %select_n3A_159 : vector<128x1024xi1>, vector<128x1024xi32>
    %reduce_min3A_168 = arith.constant dense<2147483647> : vector<128xi32>
    %reduce_min3A_169 = vector.multi_reduction <minsi>, %select_n3A_167, %reduce_min3A_168 [1] : vector<128x1024xi32> to vector<128xi32>
    %broadcast_in_dim3A_170 = vector.shape_cast %reduce_min3A_169 : vector<128xi32> to vector<128x1xi32>
    %eq3A_171 = vector.broadcast %broadcast_in_dim3A_170 : vector<128x1xi32> to vector<128x1024xi32>
    %eq3A_172 = arith.cmpi eq, %select_n3A_167, %eq3A_171 : vector<128x1024xi32>
    %jit3A_173 = arith.constant 1024 : i32
    %broadcast_in_dim3A_174 = vector.broadcast %jit3A_173 : i32 to vector<128x1024xi32>
    %select_n3A_175 = arith.select %eq3A_172, %broadcast_in_dim3A_174, %select_n3A_167 : vector<128x1024xi1>, vector<128x1024xi32>
    %reduce_min3A_176 = arith.constant dense<2147483647> : vector<128xi32>
    %reduce_min3A_177 = vector.multi_reduction <minsi>, %select_n3A_175, %reduce_min3A_176 [1] : vector<128x1024xi32> to vector<128xi32>
    %broadcast_in_dim3A_178 = vector.shape_cast %reduce_min3A_177 : vector<128xi32> to vector<128x1xi32>
    %eq3A_179 = vector.broadcast %broadcast_in_dim3A_178 : vector<128x1xi32> to vector<128x1024xi32>
    %eq3A_180 = arith.cmpi eq, %select_n3A_175, %eq3A_179 : vector<128x1024xi32>
    %jit3A_181 = arith.constant 1024 : i32
    %broadcast_in_dim3A_182 = vector.broadcast %jit3A_181 : i32 to vector<128x1024xi32>
    %select_n3A_183 = arith.select %eq3A_180, %broadcast_in_dim3A_182, %select_n3A_175 : vector<128x1024xi1>, vector<128x1024xi32>
    %reduce_min3A_184 = arith.constant dense<2147483647> : vector<128xi32>
    %reduce_min3A_185 = vector.multi_reduction <minsi>, %select_n3A_183, %reduce_min3A_184 [1] : vector<128x1024xi32> to vector<128xi32>
    %broadcast_in_dim3A_186 = vector.shape_cast %reduce_min3A_185 : vector<128xi32> to vector<128x1xi32>
    %eq3A_187 = vector.broadcast %broadcast_in_dim3A_186 : vector<128x1xi32> to vector<128x1024xi32>
    %eq3A_188 = arith.cmpi eq, %select_n3A_183, %eq3A_187 : vector<128x1024xi32>
    %jit3A_189 = arith.constant 1024 : i32
    %broadcast_in_dim3A_190 = vector.broadcast %jit3A_189 : i32 to vector<128x1024xi32>
    %select_n3A_191 = arith.select %eq3A_188, %broadcast_in_dim3A_190, %select_n3A_183 : vector<128x1024xi1>, vector<128x1024xi32>
    %reduce_min3A_192 = arith.constant dense<2147483647> : vector<128xi32>
    %reduce_min3A_193 = vector.multi_reduction <minsi>, %select_n3A_191, %reduce_min3A_192 [1] : vector<128x1024xi32> to vector<128xi32>
    %broadcast_in_dim3A_194 = vector.shape_cast %reduce_min3A_193 : vector<128xi32> to vector<128x1xi32>
    %eq3A_195 = vector.broadcast %broadcast_in_dim3A_194 : vector<128x1xi32> to vector<128x1024xi32>
    %eq3A_196 = arith.cmpi eq, %select_n3A_191, %eq3A_195 : vector<128x1024xi32>
    %jit3A_197 = arith.constant 1024 : i32
    %broadcast_in_dim3A_198 = vector.broadcast %jit3A_197 : i32 to vector<128x1024xi32>
    %select_n3A_199 = arith.select %eq3A_196, %broadcast_in_dim3A_198, %select_n3A_191 : vector<128x1024xi1>, vector<128x1024xi32>
    %reduce_min3A_200 = arith.constant dense<2147483647> : vector<128xi32>
    %reduce_min3A_201 = vector.multi_reduction <minsi>, %select_n3A_199, %reduce_min3A_200 [1] : vector<128x1024xi32> to vector<128xi32>
    %broadcast_in_dim3A_202 = vector.shape_cast %reduce_min3A_201 : vector<128xi32> to vector<128x1xi32>
    %eq3A_203 = vector.broadcast %broadcast_in_dim3A_202 : vector<128x1xi32> to vector<128x1024xi32>
    %eq3A_204 = arith.cmpi eq, %select_n3A_199, %eq3A_203 : vector<128x1024xi32>
    %jit3A_205 = arith.constant 1024 : i32
    %broadcast_in_dim3A_206 = vector.broadcast %jit3A_205 : i32 to vector<128x1024xi32>
    %select_n3A_207 = arith.select %eq3A_204, %broadcast_in_dim3A_206, %select_n3A_199 : vector<128x1024xi1>, vector<128x1024xi32>
    %reduce_min3A_208 = arith.constant dense<2147483647> : vector<128xi32>
    %reduce_min3A_209 = vector.multi_reduction <minsi>, %select_n3A_207, %reduce_min3A_208 [1] : vector<128x1024xi32> to vector<128xi32>
    %broadcast_in_dim3A_210 = vector.shape_cast %reduce_min3A_209 : vector<128xi32> to vector<128x1xi32>
    %eq3A_211 = vector.broadcast %broadcast_in_dim3A_210 : vector<128x1xi32> to vector<128x1024xi32>
    %eq3A_212 = arith.cmpi eq, %select_n3A_207, %eq3A_211 : vector<128x1024xi32>
    %jit3A_213 = arith.constant 1024 : i32
    %broadcast_in_dim3A_214 = vector.broadcast %jit3A_213 : i32 to vector<128x1024xi32>
    %select_n3A_215 = arith.select %eq3A_212, %broadcast_in_dim3A_214, %select_n3A_207 : vector<128x1024xi1>, vector<128x1024xi32>
    %reduce_min3A_216 = arith.constant dense<2147483647> : vector<128xi32>
    %reduce_min3A_217 = vector.multi_reduction <minsi>, %select_n3A_215, %reduce_min3A_216 [1] : vector<128x1024xi32> to vector<128xi32>
    %broadcast_in_dim3A_218 = vector.shape_cast %reduce_min3A_217 : vector<128xi32> to vector<128x1xi32>
    %eq3A_219 = vector.broadcast %broadcast_in_dim3A_218 : vector<128x1xi32> to vector<128x1024xi32>
    %eq3A_220 = arith.cmpi eq, %select_n3A_215, %eq3A_219 : vector<128x1024xi32>
    %jit3A_221 = arith.constant 1024 : i32
    %broadcast_in_dim3A_222 = vector.broadcast %jit3A_221 : i32 to vector<128x1024xi32>
    %select_n3A_223 = arith.select %eq3A_220, %broadcast_in_dim3A_222, %select_n3A_215 : vector<128x1024xi1>, vector<128x1024xi32>
    %reduce_min3A_224 = arith.constant dense<2147483647> : vector<128xi32>
    %reduce_min3A_225 = vector.multi_reduction <minsi>, %select_n3A_223, %reduce_min3A_224 [1] : vector<128x1024xi32> to vector<128xi32>
    %broadcast_in_dim3A_226 = vector.shape_cast %reduce_min3A_225 : vector<128xi32> to vector<128x1xi32>
    %eq3A_227 = vector.broadcast %broadcast_in_dim3A_226 : vector<128x1xi32> to vector<128x1024xi32>
    %eq3A_228 = arith.cmpi eq, %select_n3A_223, %eq3A_227 : vector<128x1024xi32>
    %jit3A_229 = arith.constant 1024 : i32
    %broadcast_in_dim3A_230 = vector.broadcast %jit3A_229 : i32 to vector<128x1024xi32>
    %select_n3A_231 = arith.select %eq3A_228, %broadcast_in_dim3A_230, %select_n3A_223 : vector<128x1024xi1>, vector<128x1024xi32>
    %reduce_min3A_232 = arith.constant dense<2147483647> : vector<128xi32>
    %reduce_min3A_233 = vector.multi_reduction <minsi>, %select_n3A_231, %reduce_min3A_232 [1] : vector<128x1024xi32> to vector<128xi32>
    %broadcast_in_dim3A_234 = vector.shape_cast %reduce_min3A_233 : vector<128xi32> to vector<128x1xi32>
    %eq3A_235 = vector.broadcast %broadcast_in_dim3A_234 : vector<128x1xi32> to vector<128x1024xi32>
    %eq3A_236 = arith.cmpi eq, %select_n3A_231, %eq3A_235 : vector<128x1024xi32>
    %jit3A_237 = arith.constant 1024 : i32
    %broadcast_in_dim3A_238 = vector.broadcast %jit3A_237 : i32 to vector<128x1024xi32>
    %select_n3A_239 = arith.select %eq3A_236, %broadcast_in_dim3A_238, %select_n3A_231 : vector<128x1024xi1>, vector<128x1024xi32>
    %reduce_min3A_240 = arith.constant dense<2147483647> : vector<128xi32>
    %reduce_min3A_241 = vector.multi_reduction <minsi>, %select_n3A_239, %reduce_min3A_240 [1] : vector<128x1024xi32> to vector<128xi32>
    %broadcast_in_dim3A_242 = vector.shape_cast %reduce_min3A_241 : vector<128xi32> to vector<128x1xi32>
    %eq3A_243 = vector.broadcast %broadcast_in_dim3A_242 : vector<128x1xi32> to vector<128x1024xi32>
    %eq3A_244 = arith.cmpi eq, %select_n3A_239, %eq3A_243 : vector<128x1024xi32>
    %jit3A_245 = arith.constant 1024 : i32
    %broadcast_in_dim3A_246 = vector.broadcast %jit3A_245 : i32 to vector<128x1024xi32>
    %select_n3A_247 = arith.select %eq3A_244, %broadcast_in_dim3A_246, %select_n3A_239 : vector<128x1024xi1>, vector<128x1024xi32>
    %reduce_min3A_248 = arith.constant dense<2147483647> : vector<128xi32>
    %reduce_min3A_249 = vector.multi_reduction <minsi>, %select_n3A_247, %reduce_min3A_248 [1] : vector<128x1024xi32> to vector<128xi32>
    %broadcast_in_dim3A_250 = vector.shape_cast %reduce_min3A_249 : vector<128xi32> to vector<128x1xi32>
    %eq3A_251 = vector.broadcast %broadcast_in_dim3A_250 : vector<128x1xi32> to vector<128x1024xi32>
    %eq3A_252 = arith.cmpi eq, %select_n3A_247, %eq3A_251 : vector<128x1024xi32>
    %jit3A_253 = arith.constant 1024 : i32
    %broadcast_in_dim3A_254 = vector.broadcast %jit3A_253 : i32 to vector<128x1024xi32>
    %select_n3A_255 = arith.select %eq3A_252, %broadcast_in_dim3A_254, %select_n3A_247 : vector<128x1024xi1>, vector<128x1024xi32>
    %reduce_min3A_256 = arith.constant dense<2147483647> : vector<128xi32>
    %reduce_min3A_257 = vector.multi_reduction <minsi>, %select_n3A_255, %reduce_min3A_256 [1] : vector<128x1024xi32> to vector<128xi32>
    %broadcast_in_dim3A_258 = vector.shape_cast %reduce_min3A_257 : vector<128xi32> to vector<128x1xi32>
    %eq3A_259 = vector.broadcast %broadcast_in_dim3A_258 : vector<128x1xi32> to vector<128x1024xi32>
    %eq3A_260 = arith.cmpi eq, %select_n3A_255, %eq3A_259 : vector<128x1024xi32>
    %jit3A_261 = arith.constant 1024 : i32
    %broadcast_in_dim3A_262 = vector.broadcast %jit3A_261 : i32 to vector<128x1024xi32>
    %select_n3A_263 = arith.select %eq3A_260, %broadcast_in_dim3A_262, %select_n3A_255 : vector<128x1024xi1>, vector<128x1024xi32>
    %reduce_min3A_264 = arith.constant dense<2147483647> : vector<128xi32>
    %reduce_min3A_265 = vector.multi_reduction <minsi>, %select_n3A_263, %reduce_min3A_264 [1] : vector<128x1024xi32> to vector<128xi32>
    %broadcast_in_dim3A_266 = vector.shape_cast %reduce_min3A_265 : vector<128xi32> to vector<128x1xi32>
    %eq3A_267 = vector.broadcast %broadcast_in_dim3A_266 : vector<128x1xi32> to vector<128x1024xi32>
    %eq3A_268 = arith.cmpi eq, %select_n3A_263, %eq3A_267 : vector<128x1024xi32>
    %jit3A_269 = arith.constant 1024 : i32
    %broadcast_in_dim3A_270 = vector.broadcast %jit3A_269 : i32 to vector<128x1024xi32>
    %select_n3A_271 = arith.select %eq3A_268, %broadcast_in_dim3A_270, %select_n3A_263 : vector<128x1024xi1>, vector<128x1024xi32>
    %reduce_min3A_272 = arith.constant dense<2147483647> : vector<128xi32>
    %reduce_min3A_273 = vector.multi_reduction <minsi>, %select_n3A_271, %reduce_min3A_272 [1] : vector<128x1024xi32> to vector<128xi32>
    %broadcast_in_dim3A_274 = vector.shape_cast %reduce_min3A_273 : vector<128xi32> to vector<128x1xi32>
    %eq3A_275 = vector.broadcast %broadcast_in_dim3A_274 : vector<128x1xi32> to vector<128x1024xi32>
    %eq3A_276 = arith.cmpi eq, %select_n3A_271, %eq3A_275 : vector<128x1024xi32>
    %jit3A_277 = arith.constant 1024 : i32
    %broadcast_in_dim3A_278 = vector.broadcast %jit3A_277 : i32 to vector<128x1024xi32>
    %select_n3A_279 = arith.select %eq3A_276, %broadcast_in_dim3A_278, %select_n3A_271 : vector<128x1024xi1>, vector<128x1024xi32>
    %reduce_min3A_280 = arith.constant dense<2147483647> : vector<128xi32>
    %reduce_min3A_281 = vector.multi_reduction <minsi>, %select_n3A_279, %reduce_min3A_280 [1] : vector<128x1024xi32> to vector<128xi32>
    %broadcast_in_dim3A_282 = vector.shape_cast %reduce_min3A_281 : vector<128xi32> to vector<128x1xi32>
    %concatenate3A = tpu.concatenate %broadcast_in_dim3A_35, %broadcast_in_dim3A_42, %broadcast_in_dim3A_50, %broadcast_in_dim3A_58, %broadcast_in_dim3A_66, %broadcast_in_dim3A_74, %broadcast_in_dim3A_82, %broadcast_in_dim3A_90, %broadcast_in_dim3A_98, %broadcast_in_dim3A_106, %broadcast_in_dim3A_114, %broadcast_in_dim3A_122, %broadcast_in_dim3A_130, %broadcast_in_dim3A_138, %broadcast_in_dim3A_146, %broadcast_in_dim3A_154, %broadcast_in_dim3A_162, %broadcast_in_dim3A_170, %broadcast_in_dim3A_178, %broadcast_in_dim3A_186, %broadcast_in_dim3A_194, %broadcast_in_dim3A_202, %broadcast_in_dim3A_210, %broadcast_in_dim3A_218, %broadcast_in_dim3A_226, %broadcast_in_dim3A_234, %broadcast_in_dim3A_242, %broadcast_in_dim3A_250, %broadcast_in_dim3A_258, %broadcast_in_dim3A_266, %broadcast_in_dim3A_274, %broadcast_in_dim3A_282 in 1 : vector<128x1xi32>, vector<128x1xi32>, vector<128x1xi32>, vector<128x1xi32>, vector<128x1xi32>, vector<128x1xi32>, vector<128x1xi32>, vector<128x1xi32>, vector<128x1xi32>, vector<128x1xi32>, vector<128x1xi32>, vector<128x1xi32>, vector<128x1xi32>, vector<128x1xi32>, vector<128x1xi32>, vector<128x1xi32>, vector<128x1xi32>, vector<128x1xi32>, vector<128x1xi32>, vector<128x1xi32>, vector<128x1xi32>, vector<128x1xi32>, vector<128x1xi32>, vector<128x1xi32>, vector<128x1xi32>, vector<128x1xi32>, vector<128x1xi32>, vector<128x1xi32>, vector<128x1xi32>, vector<128x1xi32>, vector<128x1xi32>, vector<128x1xi32> -> vector<128x32xi32>
    %slice3A_283 = vector.extract_strided_slice %concatenate3A {offsets = [0, 0], sizes = [128, 1], strides = [1, 1]} : vector<128x32xi32> to vector<128x1xi32>
    %eq3A_284 = arith.constant 1024 : i32
    %eq3A_285 = vector.broadcast %eq3A_284 : i32 to vector<128x32xi32>
    %eq3A_286 = arith.cmpi eq, %concatenate3A, %eq3A_285 : vector<128x32xi32>
    %broadcast_in_dim3A_287 = vector.shape_cast %slice3A_283 : vector<128x1xi32> to vector<128x1xi32>
    %broadcast_in_dim3A_288 = vector.broadcast %broadcast_in_dim3A_287 : vector<128x1xi32> to vector<128x32xi32>
    %select_n3A_289 = arith.select %eq3A_286, %broadcast_in_dim3A_288, %concatenate3A : vector<128x32xi1>, vector<128x32xi32>
    %mul3A = arith.constant 1024 : i32
    %mul3A_290 = arith.muli %arg0, %mul3A : i32
    %add3A_291 = vector.broadcast %mul3A_290 : i32 to vector<128x32xi32>
    %add3A_292 = arith.addi %select_n3A_289, %add3A_291 : vector<128x32xi32>
    %swap3A = arith.constant 0 : index
    %swap3A_293 = arith.constant 0 : index
    %swap3A_294 = arith.constant 0 : index
    %swap3A_295 = vector.load %arg4[%swap3A, %swap3A_293, %swap3A_294] : memref<1x128x32xi32, #tpu.memory_space<vmem>>, vector<1x128x32xi32>
    %swap3A_296 = vector.shape_cast %swap3A_295 : vector<1x128x32xi32> to vector<128x32xi32>
    %swap3A_297 = vector.shape_cast %add3A_292 : vector<128x32xi32> to vector<1x128x32xi32>
    tpu.vector_store %arg4[%swap3A, %swap3A_293, %swap3A_294], %swap3A_297 {strides = array<i32>} : memref<1x128x32xi32, #tpu.memory_space<vmem>>, vector<1x128x32xi32>,
    return
  }
  func.func @transform_0(%arg0: i32, %arg1: i32) -> (i32, i32, i32) {
    %c0_i32 = arith.constant 0 : i32
    %c0_i32_0 = arith.constant 0 : i32
    return %arg0, %arg1, %c0_i32 : i32, i32, i32
  }
  func.func @transform_1(%arg0: i32, %arg1: i32) -> (i32, i32, i32) {
    %c0_i32 = arith.constant 0 : i32
    %c0_i32_0 = arith.constant 0 : i32
    %c0_i32_1 = arith.constant 0 : i32
    return %arg0, %c0_i32, %c0_i32_0 : i32, i32, i32
  }
  func.func @transform_2(%arg0: i32, %arg1: i32) -> (i32, i32, i32) {
    %c0_i32 = arith.constant 0 : i32
    %c0_i32_0 = arith.constant 0 : i32
    return %arg0, %arg1, %c0_i32 : i32, i32, i32
  }
}

module attributes {stable_mosaic.version = 14 : i64} {
  func.func @_sal1_kernel(%arg0: i32, %arg1: i32, %arg2: memref<512x128xf32, #tpu.memory_space<vmem>>, %arg3: memref<512x3xf32, #tpu.memory_space<vmem>>, %arg4: memref<128x32xf32, #tpu.memory_space<vmem>>, %arg5: memref<1x16x32x32xf32, #tpu.memory_space<vmem>>) attributes {dimension_semantics = [#tpu.dimension_semantics<arbitrary>, #tpu.dimension_semantics<arbitrary>], iteration_bounds = array<i64: 4, 64>, scalar_prefetch = 0 : i64, scratch_operands = 0 : i64, tpu.core_type = #tpu.core_type<tc>, window_params = [{transform_indices = @transform_0, window_bounds = array<i64: 512, 128>}, {transform_indices = @transform_1, window_bounds = array<i64: 512, 3>}, {pipeline_mode = #tpu.pipeline_mode<synchronous>, transform_indices = @transform_2, window_bounds = array<i64: 128, 32>}, {transform_indices = @transform_3, window_bounds = array<i64: 1, 16, 32, 32>}]} {
    %get3A = arith.constant 0 : index
    %get3A_0 = arith.constant 0 : index
    %get3A_1 = vector.load %arg2[%get3A, %get3A_0] : memref<512x128xf32, #tpu.memory_space<vmem>>, vector<512x128xf32>
    %get3A_2 = arith.constant 0 : index
    %get3A_3 = arith.constant 0 : index
    %get3A_4 = vector.load %arg3[%get3A_2, %get3A_3] : memref<512x3xf32, #tpu.memory_space<vmem>>, vector<512x3xf32>
    %broadcast_in_dim3A = arith.constant 0.000000e+00 : f32
    %broadcast_in_dim3A_5 = vector.broadcast %broadcast_in_dim3A : f32 to vector<512x6xf32>
    %broadcast_in_dim3A_6 = arith.constant 0.000000e+00 : f32
    %broadcast_in_dim3A_7 = vector.broadcast %broadcast_in_dim3A_6 : f32 to vector<512x119xf32>
    %concatenate3A = tpu.concatenate %broadcast_in_dim3A_5, %get3A_4, %broadcast_in_dim3A_7 in 1 : vector<512x6xf32>, vector<512x3xf32>, vector<512x119xf32> -> vector<512x128xf32>
    %sub3A = arith.subf %get3A_1, %concatenate3A : vector<512x128xf32>
    %get3A_8 = arith.constant 0 : index
    %get3A_9 = arith.constant 0 : index
    %get3A_10 = vector.load %arg4[%get3A_8, %get3A_9] : memref<128x32xf32, #tpu.memory_space<vmem>>, vector<128x32xf32>
    %dot_general3A = arith.constant dense<0.000000e+00> : vector<512x32xf32>
    %dot_general3A_11 = tpu.matmul %sub3A, %get3A_10, %dot_general3A {dimension_numbers = #tpu.dot_dimension_numbers<[1], [0], [0], [1], [0, 0, 1, 1], [], []>, transpose_lhs_hint = false} : vector<512x128xf32>, vector<128x32xf32>, vector<512x32xf32> -> vector<512x32xf32>
    %reshape3A = vector.shape_cast %dot_general3A_11 : vector<512x32xf32> to vector<1x16x32x32xf32>
    %swap3A = arith.constant 0 : index
    %swap3A_12 = arith.constant 0 : index
    %swap3A_13 = arith.constant 0 : index
    %swap3A_14 = arith.constant 0 : index
    %swap3A_15 = vector.load %arg5[%swap3A, %swap3A_12, %swap3A_13, %swap3A_14] : memref<1x16x32x32xf32, #tpu.memory_space<vmem>>, vector<1x16x32x32xf32>
    tpu.vector_store %arg5[%swap3A, %swap3A_12, %swap3A_13, %swap3A_14], %reshape3A {strides = array<i32>} : memref<1x16x32x32xf32, #tpu.memory_space<vmem>>, vector<1x16x32x32xf32>,
    return
  }
  func.func @transform_0(%arg0: i32, %arg1: i32) -> (i32, i32) {
    %mul3A = arith.constant 64 : i32
    %mul3A_0 = arith.muli %arg0, %mul3A : i32
    %add3A = arith.addi %mul3A_0, %arg1 : i32
    %c0_i32 = arith.constant 0 : i32
    %c0_i32_1 = arith.constant 0 : i32
    return %add3A, %c0_i32 : i32, i32
  }
  func.func @transform_1(%arg0: i32, %arg1: i32) -> (i32, i32) {
    %mul3A = arith.constant 64 : i32
    %mul3A_0 = arith.muli %arg0, %mul3A : i32
    %add3A = arith.addi %mul3A_0, %arg1 : i32
    %c0_i32 = arith.constant 0 : i32
    %c0_i32_1 = arith.constant 0 : i32
    return %add3A, %c0_i32 : i32, i32
  }
  func.func @transform_2(%arg0: i32, %arg1: i32) -> (i32, i32) {
    %c0_i32 = arith.constant 0 : i32
    %c0_i32_0 = arith.constant 0 : i32
    %c0_i32_1 = arith.constant 0 : i32
    return %c0_i32, %c0_i32_0 : i32, i32
  }
  func.func @transform_3(%arg0: i32, %arg1: i32) -> (i32, i32, i32, i32) {
    %c0_i32 = arith.constant 0 : i32
    %c0_i32_0 = arith.constant 0 : i32
    %c0_i32_1 = arith.constant 0 : i32
    return %arg0, %arg1, %c0_i32, %c0_i32_0 : i32, i32, i32, i32
  }
}

module attributes {stable_mosaic.version = 14 : i64} {
  func.func @_mm_kernel(%arg0: i32, %arg1: i32, %arg2: memref<512x32xf32, #tpu.memory_space<vmem>>, %arg3: memref<32x32xf32, #tpu.memory_space<vmem>>, %arg4: memref<1x16x32x32xf32, #tpu.memory_space<vmem>>) attributes {dimension_semantics = [#tpu.dimension_semantics<arbitrary>, #tpu.dimension_semantics<arbitrary>], iteration_bounds = array<i64: 4, 64>, scalar_prefetch = 0 : i64, scratch_operands = 0 : i64, tpu.core_type = #tpu.core_type<tc>, window_params = [{transform_indices = @transform_0, window_bounds = array<i64: 512, 32>}, {pipeline_mode = #tpu.pipeline_mode<synchronous>, transform_indices = @transform_1, window_bounds = array<i64: 32, 32>}, {transform_indices = @transform_2, window_bounds = array<i64: 1, 16, 32, 32>}]} {
    %get3A = arith.constant 0 : index
    %get3A_0 = arith.constant 0 : index
    %get3A_1 = vector.load %arg2[%get3A, %get3A_0] : memref<512x32xf32, #tpu.memory_space<vmem>>, vector<512x32xf32>
    %get3A_2 = arith.constant 0 : index
    %get3A_3 = arith.constant 0 : index
    %get3A_4 = vector.load %arg3[%get3A_2, %get3A_3] : memref<32x32xf32, #tpu.memory_space<vmem>>, vector<32x32xf32>
    %dot_general3A = arith.constant dense<0.000000e+00> : vector<512x32xf32>
    %dot_general3A_5 = tpu.matmul %get3A_1, %get3A_4, %dot_general3A {dimension_numbers = #tpu.dot_dimension_numbers<[1], [0], [0], [1], [0, 0, 1, 1], [], []>, transpose_lhs_hint = false} : vector<512x32xf32>, vector<32x32xf32>, vector<512x32xf32> -> vector<512x32xf32>
    %reshape3A = vector.shape_cast %dot_general3A_5 : vector<512x32xf32> to vector<1x16x32x32xf32>
    %swap3A = arith.constant 0 : index
    %swap3A_6 = arith.constant 0 : index
    %swap3A_7 = arith.constant 0 : index
    %swap3A_8 = arith.constant 0 : index
    %swap3A_9 = vector.load %arg4[%swap3A, %swap3A_6, %swap3A_7, %swap3A_8] : memref<1x16x32x32xf32, #tpu.memory_space<vmem>>, vector<1x16x32x32xf32>
    tpu.vector_store %arg4[%swap3A, %swap3A_6, %swap3A_7, %swap3A_8], %reshape3A {strides = array<i32>} : memref<1x16x32x32xf32, #tpu.memory_space<vmem>>, vector<1x16x32x32xf32>,
    return
  }
  func.func @transform_0(%arg0: i32, %arg1: i32) -> (i32, i32) {
    %mul3A = arith.constant 64 : i32
    %mul3A_0 = arith.muli %arg0, %mul3A : i32
    %add3A = arith.addi %mul3A_0, %arg1 : i32
    %c0_i32 = arith.constant 0 : i32
    %c0_i32_1 = arith.constant 0 : i32
    return %add3A, %c0_i32 : i32, i32
  }
  func.func @transform_1(%arg0: i32, %arg1: i32) -> (i32, i32) {
    %c0_i32 = arith.constant 0 : i32
    %c0_i32_0 = arith.constant 0 : i32
    %c0_i32_1 = arith.constant 0 : i32
    return %c0_i32, %c0_i32_0 : i32, i32
  }
  func.func @transform_2(%arg0: i32, %arg1: i32) -> (i32, i32, i32, i32) {
    %c0_i32 = arith.constant 0 : i32
    %c0_i32_0 = arith.constant 0 : i32
    %c0_i32_1 = arith.constant 0 : i32
    return %arg0, %arg1, %c0_i32, %c0_i32_0 : i32, i32, i32, i32
  }
}

module attributes {stable_mosaic.version = 14 : i64} {
  func.func @_mm_kernel(%arg0: i32, %arg1: i32, %arg2: memref<512x32xf32, #tpu.memory_space<vmem>>, %arg3: memref<32x64xf32, #tpu.memory_space<vmem>>, %arg4: memref<1x16x32x64xf32, #tpu.memory_space<vmem>>) attributes {dimension_semantics = [#tpu.dimension_semantics<arbitrary>, #tpu.dimension_semantics<arbitrary>], iteration_bounds = array<i64: 4, 64>, scalar_prefetch = 0 : i64, scratch_operands = 0 : i64, tpu.core_type = #tpu.core_type<tc>, window_params = [{transform_indices = @transform_0, window_bounds = array<i64: 512, 32>}, {pipeline_mode = #tpu.pipeline_mode<synchronous>, transform_indices = @transform_1, window_bounds = array<i64: 32, 64>}, {transform_indices = @transform_2, window_bounds = array<i64: 1, 16, 32, 64>}]} {
    %get3A = arith.constant 0 : index
    %get3A_0 = arith.constant 0 : index
    %get3A_1 = vector.load %arg2[%get3A, %get3A_0] : memref<512x32xf32, #tpu.memory_space<vmem>>, vector<512x32xf32>
    %get3A_2 = arith.constant 0 : index
    %get3A_3 = arith.constant 0 : index
    %get3A_4 = vector.load %arg3[%get3A_2, %get3A_3] : memref<32x64xf32, #tpu.memory_space<vmem>>, vector<32x64xf32>
    %dot_general3A = arith.constant dense<0.000000e+00> : vector<512x64xf32>
    %dot_general3A_5 = tpu.matmul %get3A_1, %get3A_4, %dot_general3A {dimension_numbers = #tpu.dot_dimension_numbers<[1], [0], [0], [1], [0, 0, 1, 1], [], []>, transpose_lhs_hint = false} : vector<512x32xf32>, vector<32x64xf32>, vector<512x64xf32> -> vector<512x64xf32>
    %reshape3A = vector.shape_cast %dot_general3A_5 : vector<512x64xf32> to vector<1x16x32x64xf32>
    %swap3A = arith.constant 0 : index
    %swap3A_6 = arith.constant 0 : index
    %swap3A_7 = arith.constant 0 : index
    %swap3A_8 = arith.constant 0 : index
    %swap3A_9 = vector.load %arg4[%swap3A, %swap3A_6, %swap3A_7, %swap3A_8] : memref<1x16x32x64xf32, #tpu.memory_space<vmem>>, vector<1x16x32x64xf32>
    tpu.vector_store %arg4[%swap3A, %swap3A_6, %swap3A_7, %swap3A_8], %reshape3A {strides = array<i32>} : memref<1x16x32x64xf32, #tpu.memory_space<vmem>>, vector<1x16x32x64xf32>,
    return
  }
  func.func @transform_0(%arg0: i32, %arg1: i32) -> (i32, i32) {
    %mul3A = arith.constant 64 : i32
    %mul3A_0 = arith.muli %arg0, %mul3A : i32
    %add3A = arith.addi %mul3A_0, %arg1 : i32
    %c0_i32 = arith.constant 0 : i32
    %c0_i32_1 = arith.constant 0 : i32
    return %add3A, %c0_i32 : i32, i32
  }
  func.func @transform_1(%arg0: i32, %arg1: i32) -> (i32, i32) {
    %c0_i32 = arith.constant 0 : i32
    %c0_i32_0 = arith.constant 0 : i32
    %c0_i32_1 = arith.constant 0 : i32
    return %c0_i32, %c0_i32_0 : i32, i32
  }
  func.func @transform_2(%arg0: i32, %arg1: i32) -> (i32, i32, i32, i32) {
    %c0_i32 = arith.constant 0 : i32
    %c0_i32_0 = arith.constant 0 : i32
    %c0_i32_1 = arith.constant 0 : i32
    return %arg0, %arg1, %c0_i32, %c0_i32_0 : i32, i32, i32, i32
  }
}

module attributes {stable_mosaic.version = 14 : i64} {
  func.func @_pool_kernel(%arg0: i32, %arg1: i32, %arg2: memref<1x64x32x64xf32, #tpu.memory_space<vmem>>, %arg3: memref<1x64x64xf32, #tpu.memory_space<vmem>>) attributes {dimension_semantics = [#tpu.dimension_semantics<arbitrary>, #tpu.dimension_semantics<arbitrary>], iteration_bounds = array<i64: 4, 16>, scalar_prefetch = 0 : i64, scratch_operands = 0 : i64, tpu.core_type = #tpu.core_type<tc>, window_params = [{transform_indices = @transform_0, window_bounds = array<i64: 1, 64, 32, 64>}, {transform_indices = @transform_1, window_bounds = array<i64: 1, 64, 64>}]} {
    %get3A = arith.constant 0 : index
    %get3A_0 = arith.constant 0 : index
    %get3A_1 = arith.constant 0 : index
    %get3A_2 = arith.constant 0 : index
    %get3A_3 = vector.load %arg2[%get3A, %get3A_0, %get3A_1, %get3A_2] : memref<1x64x32x64xf32, #tpu.memory_space<vmem>>, vector<1x64x32x64xf32>
    %reduce_max3A = arith.constant dense<0xFF800000> : vector<1x64x64xf32>
    %reduce_max3A_4 = vector.multi_reduction <maximumf>, %get3A_3, %reduce_max3A [2] : vector<1x64x32x64xf32> to vector<1x64x64xf32>
    %swap3A = arith.constant 0 : index
    %swap3A_5 = arith.constant 0 : index
    %swap3A_6 = arith.constant 0 : index
    %swap3A_7 = vector.load %arg3[%swap3A, %swap3A_5, %swap3A_6] : memref<1x64x64xf32, #tpu.memory_space<vmem>>, vector<1x64x64xf32>
    tpu.vector_store %arg3[%swap3A, %swap3A_5, %swap3A_6], %reduce_max3A_4 {strides = array<i32>} : memref<1x64x64xf32, #tpu.memory_space<vmem>>, vector<1x64x64xf32>,
    return
  }
  func.func @transform_0(%arg0: i32, %arg1: i32) -> (i32, i32, i32, i32) {
    %c0_i32 = arith.constant 0 : i32
    %c0_i32_0 = arith.constant 0 : i32
    %c0_i32_1 = arith.constant 0 : i32
    return %arg0, %arg1, %c0_i32, %c0_i32_0 : i32, i32, i32, i32
  }
  func.func @transform_1(%arg0: i32, %arg1: i32) -> (i32, i32, i32) {
    %c0_i32 = arith.constant 0 : i32
    %c0_i32_0 = arith.constant 0 : i32
    return %arg0, %arg1, %c0_i32 : i32, i32, i32
  }
}

module attributes {stable_mosaic.version = 14 : i64} {
  func.func @_fps_kernel(%arg0: memref<4x3x256xf32, #tpu.memory_space<vmem>>, %arg1: memref<4x64x3xf32, #tpu.memory_space<vmem>>) attributes {dimension_semantics = [], scalar_prefetch = 0 : i64, scratch_operands = 0 : i64, tpu.core_type = #tpu.core_type<tc>} {
    %get3A = arith.constant 0 : index
    %get3A_0 = arith.constant 0 : index
    %get3A_1 = arith.constant 0 : index
    %get3A_2 = vector.load %arg0[%get3A, %get3A_0, %get3A_1] : memref<4x3x256xf32, #tpu.memory_space<vmem>>, vector<4x1x256xf32>
    %get3A_3 = vector.shape_cast %get3A_2 : vector<4x1x256xf32> to vector<4x256xf32>
    %get3A_4 = arith.constant 0 : index
    %get3A_5 = arith.constant 1 : index
    %get3A_6 = arith.constant 0 : index
    %get3A_7 = vector.load %arg0[%get3A_4, %get3A_5, %get3A_6] : memref<4x3x256xf32, #tpu.memory_space<vmem>>, vector<4x1x256xf32>
    %get3A_8 = vector.shape_cast %get3A_7 : vector<4x1x256xf32> to vector<4x256xf32>
    %get3A_9 = arith.constant 0 : index
    %get3A_10 = arith.constant 2 : index
    %get3A_11 = arith.constant 0 : index
    %get3A_12 = vector.load %arg0[%get3A_9, %get3A_10, %get3A_11] : memref<4x3x256xf32, #tpu.memory_space<vmem>>, vector<4x1x256xf32>
    %get3A_13 = vector.shape_cast %get3A_12 : vector<4x1x256xf32> to vector<4x256xf32>
    %iota3A = tpu.iota {dimensions = array<i32: 1>} : vector<4x256xi32>
    %broadcast_in_dim3A = arith.constant 1.000000e+10 : f32
    %broadcast_in_dim3A_14 = vector.broadcast %broadcast_in_dim3A : f32 to vector<4x256xf32>
    %broadcast_in_dim3A_15 = arith.constant 0 : i32
    %broadcast_in_dim3A_16 = vector.broadcast %broadcast_in_dim3A_15 : i32 to vector<4x1xi32>
    %scan3A = arith.constant 0 : i32
    %scan3A_17 = arith.constant 64 : i32
    %scan3A_18 = arith.addi %scan3A, %scan3A_17 : i32
    %scan3A_19 = arith.constant 1 : i32
    %scan3A_20:2 = scf.for %scan3A_22 = %scan3A to %scan3A_18 step %scan3A_19 iter_args(%scan3A_23 = %broadcast_in_dim3A_14, %scan3A_24 = %broadcast_in_dim3A_16) -> (vector<4x256xf32>, vector<4x1xi32>)  : i32 {
      %eq3A = vector.broadcast %scan3A_24 : vector<4x1xi32> to vector<4x256xi32>
      %eq3A_25 = arith.cmpi eq, %iota3A, %eq3A : vector<4x256xi32>
      %jit3A = arith.constant 0.000000e+00 : f32
      %broadcast_in_dim3A_26 = vector.broadcast %jit3A : f32 to vector<4x256xf32>
      %select_n3A = arith.select %eq3A_25, %get3A_3, %broadcast_in_dim3A_26 : vector<4x256xi1>, vector<4x256xf32>
      %reduce_sum3A = arith.constant dense<0.000000e+00> : vector<4xf32>
      %reduce_sum3A_27 = vector.multi_reduction <add>, %select_n3A, %reduce_sum3A [1] : vector<4x256xf32> to vector<4xf32>
      %broadcast_in_dim3A_28 = vector.shape_cast %reduce_sum3A_27 : vector<4xf32> to vector<4x1xf32>
      %jit3A_29 = arith.constant 0.000000e+00 : f32
      %broadcast_in_dim3A_30 = vector.broadcast %jit3A_29 : f32 to vector<4x256xf32>
      %select_n3A_31 = arith.select %eq3A_25, %get3A_8, %broadcast_in_dim3A_30 : vector<4x256xi1>, vector<4x256xf32>
      %reduce_sum3A_32 = arith.constant dense<0.000000e+00> : vector<4xf32>
      %reduce_sum3A_33 = vector.multi_reduction <add>, %select_n3A_31, %reduce_sum3A_32 [1] : vector<4x256xf32> to vector<4xf32>
      %broadcast_in_dim3A_34 = vector.shape_cast %reduce_sum3A_33 : vector<4xf32> to vector<4x1xf32>
      %jit3A_35 = arith.constant 0.000000e+00 : f32
      %broadcast_in_dim3A_36 = vector.broadcast %jit3A_35 : f32 to vector<4x256xf32>
      %select_n3A_37 = arith.select %eq3A_25, %get3A_13, %broadcast_in_dim3A_36 : vector<4x256xi1>, vector<4x256xf32>
      %reduce_sum3A_38 = arith.constant dense<0.000000e+00> : vector<4xf32>
      %reduce_sum3A_39 = vector.multi_reduction <add>, %select_n3A_37, %reduce_sum3A_38 [1] : vector<4x256xf32> to vector<4xf32>
      %broadcast_in_dim3A_40 = vector.shape_cast %reduce_sum3A_39 : vector<4xf32> to vector<4x1xf32>
      %concatenate3A = tpu.concatenate %broadcast_in_dim3A_28, %broadcast_in_dim3A_34, %broadcast_in_dim3A_40 in 1 : vector<4x1xf32>, vector<4x1xf32>, vector<4x1xf32> -> vector<4x3xf32>
      %broadcast_in_dim3A_41 = vector.shape_cast %concatenate3A : vector<4x3xf32> to vector<4x1x3xf32>
      %swap3A = arith.constant 0 : index
      %swap3A_42 = arith.index_cast %scan3A_22 : i32 to index
      %swap3A_43 = arith.constant 0 : index
      %swap3A_44 = vector.load %arg1[%swap3A, %swap3A_42, %swap3A_43] : memref<4x64x3xf32, #tpu.memory_space<vmem>>, vector<4x1x3xf32>
      tpu.vector_store %arg1[%swap3A, %swap3A_42, %swap3A_43], %broadcast_in_dim3A_41 {strides = array<i32>} : memref<4x64x3xf32, #tpu.memory_space<vmem>>, vector<4x1x3xf32>,
      %sub3A = vector.broadcast %broadcast_in_dim3A_28 : vector<4x1xf32> to vector<4x256xf32>
      %sub3A_45 = arith.subf %get3A_3, %sub3A : vector<4x256xf32>
      %integer_pow3A = arith.mulf %sub3A_45, %sub3A_45 : vector<4x256xf32>
      %sub3A_46 = vector.broadcast %broadcast_in_dim3A_34 : vector<4x1xf32> to vector<4x256xf32>
      %sub3A_47 = arith.subf %get3A_8, %sub3A_46 : vector<4x256xf32>
      %integer_pow3A_48 = arith.mulf %sub3A_47, %sub3A_47 : vector<4x256xf32>
      %add3A = arith.addf %integer_pow3A, %integer_pow3A_48 : vector<4x256xf32>
      %sub3A_49 = vector.broadcast %broadcast_in_dim3A_40 : vector<4x1xf32> to vector<4x256xf32>
      %sub3A_50 = arith.subf %get3A_13, %sub3A_49 : vector<4x256xf32>
      %integer_pow3A_51 = arith.mulf %sub3A_50, %sub3A_50 : vector<4x256xf32>
      %add3A_52 = arith.addf %add3A, %integer_pow3A_51 : vector<4x256xf32>
      %min3A = arith.minimumf %scan3A_23, %add3A_52 : vector<4x256xf32>
      %reduce_max3A = arith.constant dense<0xFF800000> : vector<4xf32>
      %reduce_max3A_53 = vector.multi_reduction <maximumf>, %min3A, %reduce_max3A [1] : vector<4x256xf32> to vector<4xf32>
      %broadcast_in_dim3A_54 = vector.shape_cast %reduce_max3A_53 : vector<4xf32> to vector<4x1xf32>
      %eq3A_55 = vector.broadcast %broadcast_in_dim3A_54 : vector<4x1xf32> to vector<4x256xf32>
      %eq3A_56 = arith.cmpf oeq, %min3A, %eq3A_55 : vector<4x256xf32>
      %jit3A_57 = arith.constant 256 : i32
      %broadcast_in_dim3A_58 = vector.broadcast %jit3A_57 : i32 to vector<4x256xi32>
      %select_n3A_59 = arith.select %eq3A_56, %iota3A, %broadcast_in_dim3A_58 : vector<4x256xi1>, vector<4x256xi32>
      %reduce_min3A = arith.constant dense<2147483647> : vector<4xi32>
      %reduce_min3A_60 = vector.multi_reduction <minsi>, %select_n3A_59, %reduce_min3A [1] : vector<4x256xi32> to vector<4xi32>
      %broadcast_in_dim3A_61 = vector.shape_cast %reduce_min3A_60 : vector<4xi32> to vector<4x1xi32>
      scf.yield %min3A, %broadcast_in_dim3A_61 : vector<4x256xf32>, vector<4x1xi32>
    }
    %scan3A_21 = arith.constant 64 : i32
    return
  }
}

module attributes {stable_mosaic.version = 14 : i64} {
  func.func @_ballq_kernel(%arg0: i32, %arg1: i32, %arg2: memref<1x64x3xf32, #tpu.memory_space<vmem>>, %arg3: memref<1x3x256xf32, #tpu.memory_space<vmem>>, %arg4: memref<1x64x32xi32, #tpu.memory_space<vmem>>) attributes {dimension_semantics = [#tpu.dimension_semantics<arbitrary>, #tpu.dimension_semantics<arbitrary>], iteration_bounds = array<i64: 4, 1>, scalar_prefetch = 0 : i64, scratch_operands = 0 : i64, tpu.core_type = #tpu.core_type<tc>, window_params = [{transform_indices = @transform_0, window_bounds = array<i64: 1, 64, 3>}, {transform_indices = @transform_1, window_bounds = array<i64: 1, 3, 256>}, {transform_indices = @transform_2, window_bounds = array<i64: 1, 64, 32>}]} {
    %get3A = arith.constant 0 : index
    %get3A_0 = arith.constant 0 : index
    %get3A_1 = arith.constant 0 : index
    %get3A_2 = vector.load %arg2[%get3A, %get3A_0, %get3A_1] : memref<1x64x3xf32, #tpu.memory_space<vmem>>, vector<1x64x3xf32>
    %get3A_3 = vector.shape_cast %get3A_2 : vector<1x64x3xf32> to vector<64x3xf32>
    %slice3A = vector.extract_strided_slice %get3A_3 {offsets = [0, 0], sizes = [64, 1], strides = [1, 1]} : vector<64x3xf32> to vector<64x1xf32>
    %slice3A_4 = vector.extract_strided_slice %get3A_3 {offsets = [0, 1], sizes = [64, 1], strides = [1, 1]} : vector<64x3xf32> to vector<64x1xf32>
    %slice3A_5 = vector.extract_strided_slice %get3A_3 {offsets = [0, 2], sizes = [64, 1], strides = [1, 1]} : vector<64x3xf32> to vector<64x1xf32>
    %get3A_6 = arith.constant 0 : index
    %get3A_7 = arith.constant 0 : index
    %get3A_8 = arith.constant 0 : index
    %get3A_9 = vector.load %arg3[%get3A_6, %get3A_7, %get3A_8] : memref<1x3x256xf32, #tpu.memory_space<vmem>>, vector<1x1x256xf32>
    %get3A_10 = vector.shape_cast %get3A_9 : vector<1x1x256xf32> to vector<1x256xf32>
    %get3A_11 = arith.constant 0 : index
    %get3A_12 = arith.constant 1 : index
    %get3A_13 = arith.constant 0 : index
    %get3A_14 = vector.load %arg3[%get3A_11, %get3A_12, %get3A_13] : memref<1x3x256xf32, #tpu.memory_space<vmem>>, vector<1x1x256xf32>
    %get3A_15 = vector.shape_cast %get3A_14 : vector<1x1x256xf32> to vector<1x256xf32>
    %get3A_16 = arith.constant 0 : index
    %get3A_17 = arith.constant 2 : index
    %get3A_18 = arith.constant 0 : index
    %get3A_19 = vector.load %arg3[%get3A_16, %get3A_17, %get3A_18] : memref<1x3x256xf32, #tpu.memory_space<vmem>>, vector<1x1x256xf32>
    %get3A_20 = vector.shape_cast %get3A_19 : vector<1x1x256xf32> to vector<1x256xf32>
    %sub3A = vector.broadcast %slice3A : vector<64x1xf32> to vector<64x256xf32>
    %sub3A_21 = vector.broadcast %get3A_10 : vector<1x256xf32> to vector<64x256xf32>
    %sub3A_22 = arith.subf %sub3A, %sub3A_21 : vector<64x256xf32>
    %integer_pow3A = arith.mulf %sub3A_22, %sub3A_22 : vector<64x256xf32>
    %sub3A_23 = vector.broadcast %slice3A_4 : vector<64x1xf32> to vector<64x256xf32>
    %sub3A_24 = vector.broadcast %get3A_15 : vector<1x256xf32> to vector<64x256xf32>
    %sub3A_25 = arith.subf %sub3A_23, %sub3A_24 : vector<64x256xf32>
    %integer_pow3A_26 = arith.mulf %sub3A_25, %sub3A_25 : vector<64x256xf32>
    %add3A = arith.addf %integer_pow3A, %integer_pow3A_26 : vector<64x256xf32>
    %sub3A_27 = vector.broadcast %slice3A_5 : vector<64x1xf32> to vector<64x256xf32>
    %sub3A_28 = vector.broadcast %get3A_20 : vector<1x256xf32> to vector<64x256xf32>
    %sub3A_29 = arith.subf %sub3A_27, %sub3A_28 : vector<64x256xf32>
    %integer_pow3A_30 = arith.mulf %sub3A_29, %sub3A_29 : vector<64x256xf32>
    %add3A_31 = arith.addf %add3A, %integer_pow3A_30 : vector<64x256xf32>
    %iota3A = tpu.iota {dimensions = array<i32: 1>} : vector<64x256xi32>
    %le3A = arith.constant 1.600000e-01 : f32
    %le3A_32 = vector.broadcast %le3A : f32 to vector<64x256xf32>
    %le3A_33 = arith.cmpf ole, %add3A_31, %le3A_32 : vector<64x256xf32>
    %jit3A = arith.constant 256 : i32
    %broadcast_in_dim3A = vector.broadcast %jit3A : i32 to vector<64x256xi32>
    %select_n3A = arith.select %le3A_33, %iota3A, %broadcast_in_dim3A : vector<64x256xi1>, vector<64x256xi32>
    %reduce_min3A = arith.constant dense<2147483647> : vector<64xi32>
    %reduce_min3A_34 = vector.multi_reduction <minsi>, %select_n3A, %reduce_min3A [1] : vector<64x256xi32> to vector<64xi32>
    %broadcast_in_dim3A_35 = vector.shape_cast %reduce_min3A_34 : vector<64xi32> to vector<64x1xi32>
    %eq3A = vector.broadcast %broadcast_in_dim3A_35 : vector<64x1xi32> to vector<64x256xi32>
    %eq3A_36 = arith.cmpi eq, %select_n3A, %eq3A : vector<64x256xi32>
    %jit3A_37 = arith.constant 256 : i32
    %broadcast_in_dim3A_38 = vector.broadcast %jit3A_37 : i32 to vector<64x256xi32>
    %select_n3A_39 = arith.select %eq3A_36, %broadcast_in_dim3A_38, %select_n3A : vector<64x256xi1>, vector<64x256xi32>
    %reduce_min3A_40 = arith.constant dense<2147483647> : vector<64xi32>
    %reduce_min3A_41 = vector.multi_reduction <minsi>, %select_n3A_39, %reduce_min3A_40 [1] : vector<64x256xi32> to vector<64xi32>
    %broadcast_in_dim3A_42 = vector.shape_cast %reduce_min3A_41 : vector<64xi32> to vector<64x1xi32>
    %eq3A_43 = vector.broadcast %broadcast_in_dim3A_42 : vector<64x1xi32> to vector<64x256xi32>
    %eq3A_44 = arith.cmpi eq, %select_n3A_39, %eq3A_43 : vector<64x256xi32>
    %jit3A_45 = arith.constant 256 : i32
    %broadcast_in_dim3A_46 = vector.broadcast %jit3A_45 : i32 to vector<64x256xi32>
    %select_n3A_47 = arith.select %eq3A_44, %broadcast_in_dim3A_46, %select_n3A_39 : vector<64x256xi1>, vector<64x256xi32>
    %reduce_min3A_48 = arith.constant dense<2147483647> : vector<64xi32>
    %reduce_min3A_49 = vector.multi_reduction <minsi>, %select_n3A_47, %reduce_min3A_48 [1] : vector<64x256xi32> to vector<64xi32>
    %broadcast_in_dim3A_50 = vector.shape_cast %reduce_min3A_49 : vector<64xi32> to vector<64x1xi32>
    %eq3A_51 = vector.broadcast %broadcast_in_dim3A_50 : vector<64x1xi32> to vector<64x256xi32>
    %eq3A_52 = arith.cmpi eq, %select_n3A_47, %eq3A_51 : vector<64x256xi32>
    %jit3A_53 = arith.constant 256 : i32
    %broadcast_in_dim3A_54 = vector.broadcast %jit3A_53 : i32 to vector<64x256xi32>
    %select_n3A_55 = arith.select %eq3A_52, %broadcast_in_dim3A_54, %select_n3A_47 : vector<64x256xi1>, vector<64x256xi32>
    %reduce_min3A_56 = arith.constant dense<2147483647> : vector<64xi32>
    %reduce_min3A_57 = vector.multi_reduction <minsi>, %select_n3A_55, %reduce_min3A_56 [1] : vector<64x256xi32> to vector<64xi32>
    %broadcast_in_dim3A_58 = vector.shape_cast %reduce_min3A_57 : vector<64xi32> to vector<64x1xi32>
    %eq3A_59 = vector.broadcast %broadcast_in_dim3A_58 : vector<64x1xi32> to vector<64x256xi32>
    %eq3A_60 = arith.cmpi eq, %select_n3A_55, %eq3A_59 : vector<64x256xi32>
    %jit3A_61 = arith.constant 256 : i32
    %broadcast_in_dim3A_62 = vector.broadcast %jit3A_61 : i32 to vector<64x256xi32>
    %select_n3A_63 = arith.select %eq3A_60, %broadcast_in_dim3A_62, %select_n3A_55 : vector<64x256xi1>, vector<64x256xi32>
    %reduce_min3A_64 = arith.constant dense<2147483647> : vector<64xi32>
    %reduce_min3A_65 = vector.multi_reduction <minsi>, %select_n3A_63, %reduce_min3A_64 [1] : vector<64x256xi32> to vector<64xi32>
    %broadcast_in_dim3A_66 = vector.shape_cast %reduce_min3A_65 : vector<64xi32> to vector<64x1xi32>
    %eq3A_67 = vector.broadcast %broadcast_in_dim3A_66 : vector<64x1xi32> to vector<64x256xi32>
    %eq3A_68 = arith.cmpi eq, %select_n3A_63, %eq3A_67 : vector<64x256xi32>
    %jit3A_69 = arith.constant 256 : i32
    %broadcast_in_dim3A_70 = vector.broadcast %jit3A_69 : i32 to vector<64x256xi32>
    %select_n3A_71 = arith.select %eq3A_68, %broadcast_in_dim3A_70, %select_n3A_63 : vector<64x256xi1>, vector<64x256xi32>
    %reduce_min3A_72 = arith.constant dense<2147483647> : vector<64xi32>
    %reduce_min3A_73 = vector.multi_reduction <minsi>, %select_n3A_71, %reduce_min3A_72 [1] : vector<64x256xi32> to vector<64xi32>
    %broadcast_in_dim3A_74 = vector.shape_cast %reduce_min3A_73 : vector<64xi32> to vector<64x1xi32>
    %eq3A_75 = vector.broadcast %broadcast_in_dim3A_74 : vector<64x1xi32> to vector<64x256xi32>
    %eq3A_76 = arith.cmpi eq, %select_n3A_71, %eq3A_75 : vector<64x256xi32>
    %jit3A_77 = arith.constant 256 : i32
    %broadcast_in_dim3A_78 = vector.broadcast %jit3A_77 : i32 to vector<64x256xi32>
    %select_n3A_79 = arith.select %eq3A_76, %broadcast_in_dim3A_78, %select_n3A_71 : vector<64x256xi1>, vector<64x256xi32>
    %reduce_min3A_80 = arith.constant dense<2147483647> : vector<64xi32>
    %reduce_min3A_81 = vector.multi_reduction <minsi>, %select_n3A_79, %reduce_min3A_80 [1] : vector<64x256xi32> to vector<64xi32>
    %broadcast_in_dim3A_82 = vector.shape_cast %reduce_min3A_81 : vector<64xi32> to vector<64x1xi32>
    %eq3A_83 = vector.broadcast %broadcast_in_dim3A_82 : vector<64x1xi32> to vector<64x256xi32>
    %eq3A_84 = arith.cmpi eq, %select_n3A_79, %eq3A_83 : vector<64x256xi32>
    %jit3A_85 = arith.constant 256 : i32
    %broadcast_in_dim3A_86 = vector.broadcast %jit3A_85 : i32 to vector<64x256xi32>
    %select_n3A_87 = arith.select %eq3A_84, %broadcast_in_dim3A_86, %select_n3A_79 : vector<64x256xi1>, vector<64x256xi32>
    %reduce_min3A_88 = arith.constant dense<2147483647> : vector<64xi32>
    %reduce_min3A_89 = vector.multi_reduction <minsi>, %select_n3A_87, %reduce_min3A_88 [1] : vector<64x256xi32> to vector<64xi32>
    %broadcast_in_dim3A_90 = vector.shape_cast %reduce_min3A_89 : vector<64xi32> to vector<64x1xi32>
    %eq3A_91 = vector.broadcast %broadcast_in_dim3A_90 : vector<64x1xi32> to vector<64x256xi32>
    %eq3A_92 = arith.cmpi eq, %select_n3A_87, %eq3A_91 : vector<64x256xi32>
    %jit3A_93 = arith.constant 256 : i32
    %broadcast_in_dim3A_94 = vector.broadcast %jit3A_93 : i32 to vector<64x256xi32>
    %select_n3A_95 = arith.select %eq3A_92, %broadcast_in_dim3A_94, %select_n3A_87 : vector<64x256xi1>, vector<64x256xi32>
    %reduce_min3A_96 = arith.constant dense<2147483647> : vector<64xi32>
    %reduce_min3A_97 = vector.multi_reduction <minsi>, %select_n3A_95, %reduce_min3A_96 [1] : vector<64x256xi32> to vector<64xi32>
    %broadcast_in_dim3A_98 = vector.shape_cast %reduce_min3A_97 : vector<64xi32> to vector<64x1xi32>
    %eq3A_99 = vector.broadcast %broadcast_in_dim3A_98 : vector<64x1xi32> to vector<64x256xi32>
    %eq3A_100 = arith.cmpi eq, %select_n3A_95, %eq3A_99 : vector<64x256xi32>
    %jit3A_101 = arith.constant 256 : i32
    %broadcast_in_dim3A_102 = vector.broadcast %jit3A_101 : i32 to vector<64x256xi32>
    %select_n3A_103 = arith.select %eq3A_100, %broadcast_in_dim3A_102, %select_n3A_95 : vector<64x256xi1>, vector<64x256xi32>
    %reduce_min3A_104 = arith.constant dense<2147483647> : vector<64xi32>
    %reduce_min3A_105 = vector.multi_reduction <minsi>, %select_n3A_103, %reduce_min3A_104 [1] : vector<64x256xi32> to vector<64xi32>
    %broadcast_in_dim3A_106 = vector.shape_cast %reduce_min3A_105 : vector<64xi32> to vector<64x1xi32>
    %eq3A_107 = vector.broadcast %broadcast_in_dim3A_106 : vector<64x1xi32> to vector<64x256xi32>
    %eq3A_108 = arith.cmpi eq, %select_n3A_103, %eq3A_107 : vector<64x256xi32>
    %jit3A_109 = arith.constant 256 : i32
    %broadcast_in_dim3A_110 = vector.broadcast %jit3A_109 : i32 to vector<64x256xi32>
    %select_n3A_111 = arith.select %eq3A_108, %broadcast_in_dim3A_110, %select_n3A_103 : vector<64x256xi1>, vector<64x256xi32>
    %reduce_min3A_112 = arith.constant dense<2147483647> : vector<64xi32>
    %reduce_min3A_113 = vector.multi_reduction <minsi>, %select_n3A_111, %reduce_min3A_112 [1] : vector<64x256xi32> to vector<64xi32>
    %broadcast_in_dim3A_114 = vector.shape_cast %reduce_min3A_113 : vector<64xi32> to vector<64x1xi32>
    %eq3A_115 = vector.broadcast %broadcast_in_dim3A_114 : vector<64x1xi32> to vector<64x256xi32>
    %eq3A_116 = arith.cmpi eq, %select_n3A_111, %eq3A_115 : vector<64x256xi32>
    %jit3A_117 = arith.constant 256 : i32
    %broadcast_in_dim3A_118 = vector.broadcast %jit3A_117 : i32 to vector<64x256xi32>
    %select_n3A_119 = arith.select %eq3A_116, %broadcast_in_dim3A_118, %select_n3A_111 : vector<64x256xi1>, vector<64x256xi32>
    %reduce_min3A_120 = arith.constant dense<2147483647> : vector<64xi32>
    %reduce_min3A_121 = vector.multi_reduction <minsi>, %select_n3A_119, %reduce_min3A_120 [1] : vector<64x256xi32> to vector<64xi32>
    %broadcast_in_dim3A_122 = vector.shape_cast %reduce_min3A_121 : vector<64xi32> to vector<64x1xi32>
    %eq3A_123 = vector.broadcast %broadcast_in_dim3A_122 : vector<64x1xi32> to vector<64x256xi32>
    %eq3A_124 = arith.cmpi eq, %select_n3A_119, %eq3A_123 : vector<64x256xi32>
    %jit3A_125 = arith.constant 256 : i32
    %broadcast_in_dim3A_126 = vector.broadcast %jit3A_125 : i32 to vector<64x256xi32>
    %select_n3A_127 = arith.select %eq3A_124, %broadcast_in_dim3A_126, %select_n3A_119 : vector<64x256xi1>, vector<64x256xi32>
    %reduce_min3A_128 = arith.constant dense<2147483647> : vector<64xi32>
    %reduce_min3A_129 = vector.multi_reduction <minsi>, %select_n3A_127, %reduce_min3A_128 [1] : vector<64x256xi32> to vector<64xi32>
    %broadcast_in_dim3A_130 = vector.shape_cast %reduce_min3A_129 : vector<64xi32> to vector<64x1xi32>
    %eq3A_131 = vector.broadcast %broadcast_in_dim3A_130 : vector<64x1xi32> to vector<64x256xi32>
    %eq3A_132 = arith.cmpi eq, %select_n3A_127, %eq3A_131 : vector<64x256xi32>
    %jit3A_133 = arith.constant 256 : i32
    %broadcast_in_dim3A_134 = vector.broadcast %jit3A_133 : i32 to vector<64x256xi32>
    %select_n3A_135 = arith.select %eq3A_132, %broadcast_in_dim3A_134, %select_n3A_127 : vector<64x256xi1>, vector<64x256xi32>
    %reduce_min3A_136 = arith.constant dense<2147483647> : vector<64xi32>
    %reduce_min3A_137 = vector.multi_reduction <minsi>, %select_n3A_135, %reduce_min3A_136 [1] : vector<64x256xi32> to vector<64xi32>
    %broadcast_in_dim3A_138 = vector.shape_cast %reduce_min3A_137 : vector<64xi32> to vector<64x1xi32>
    %eq3A_139 = vector.broadcast %broadcast_in_dim3A_138 : vector<64x1xi32> to vector<64x256xi32>
    %eq3A_140 = arith.cmpi eq, %select_n3A_135, %eq3A_139 : vector<64x256xi32>
    %jit3A_141 = arith.constant 256 : i32
    %broadcast_in_dim3A_142 = vector.broadcast %jit3A_141 : i32 to vector<64x256xi32>
    %select_n3A_143 = arith.select %eq3A_140, %broadcast_in_dim3A_142, %select_n3A_135 : vector<64x256xi1>, vector<64x256xi32>
    %reduce_min3A_144 = arith.constant dense<2147483647> : vector<64xi32>
    %reduce_min3A_145 = vector.multi_reduction <minsi>, %select_n3A_143, %reduce_min3A_144 [1] : vector<64x256xi32> to vector<64xi32>
    %broadcast_in_dim3A_146 = vector.shape_cast %reduce_min3A_145 : vector<64xi32> to vector<64x1xi32>
    %eq3A_147 = vector.broadcast %broadcast_in_dim3A_146 : vector<64x1xi32> to vector<64x256xi32>
    %eq3A_148 = arith.cmpi eq, %select_n3A_143, %eq3A_147 : vector<64x256xi32>
    %jit3A_149 = arith.constant 256 : i32
    %broadcast_in_dim3A_150 = vector.broadcast %jit3A_149 : i32 to vector<64x256xi32>
    %select_n3A_151 = arith.select %eq3A_148, %broadcast_in_dim3A_150, %select_n3A_143 : vector<64x256xi1>, vector<64x256xi32>
    %reduce_min3A_152 = arith.constant dense<2147483647> : vector<64xi32>
    %reduce_min3A_153 = vector.multi_reduction <minsi>, %select_n3A_151, %reduce_min3A_152 [1] : vector<64x256xi32> to vector<64xi32>
    %broadcast_in_dim3A_154 = vector.shape_cast %reduce_min3A_153 : vector<64xi32> to vector<64x1xi32>
    %eq3A_155 = vector.broadcast %broadcast_in_dim3A_154 : vector<64x1xi32> to vector<64x256xi32>
    %eq3A_156 = arith.cmpi eq, %select_n3A_151, %eq3A_155 : vector<64x256xi32>
    %jit3A_157 = arith.constant 256 : i32
    %broadcast_in_dim3A_158 = vector.broadcast %jit3A_157 : i32 to vector<64x256xi32>
    %select_n3A_159 = arith.select %eq3A_156, %broadcast_in_dim3A_158, %select_n3A_151 : vector<64x256xi1>, vector<64x256xi32>
    %reduce_min3A_160 = arith.constant dense<2147483647> : vector<64xi32>
    %reduce_min3A_161 = vector.multi_reduction <minsi>, %select_n3A_159, %reduce_min3A_160 [1] : vector<64x256xi32> to vector<64xi32>
    %broadcast_in_dim3A_162 = vector.shape_cast %reduce_min3A_161 : vector<64xi32> to vector<64x1xi32>
    %eq3A_163 = vector.broadcast %broadcast_in_dim3A_162 : vector<64x1xi32> to vector<64x256xi32>
    %eq3A_164 = arith.cmpi eq, %select_n3A_159, %eq3A_163 : vector<64x256xi32>
    %jit3A_165 = arith.constant 256 : i32
    %broadcast_in_dim3A_166 = vector.broadcast %jit3A_165 : i32 to vector<64x256xi32>
    %select_n3A_167 = arith.select %eq3A_164, %broadcast_in_dim3A_166, %select_n3A_159 : vector<64x256xi1>, vector<64x256xi32>
    %reduce_min3A_168 = arith.constant dense<2147483647> : vector<64xi32>
    %reduce_min3A_169 = vector.multi_reduction <minsi>, %select_n3A_167, %reduce_min3A_168 [1] : vector<64x256xi32> to vector<64xi32>
    %broadcast_in_dim3A_170 = vector.shape_cast %reduce_min3A_169 : vector<64xi32> to vector<64x1xi32>
    %eq3A_171 = vector.broadcast %broadcast_in_dim3A_170 : vector<64x1xi32> to vector<64x256xi32>
    %eq3A_172 = arith.cmpi eq, %select_n3A_167, %eq3A_171 : vector<64x256xi32>
    %jit3A_173 = arith.constant 256 : i32
    %broadcast_in_dim3A_174 = vector.broadcast %jit3A_173 : i32 to vector<64x256xi32>
    %select_n3A_175 = arith.select %eq3A_172, %broadcast_in_dim3A_174, %select_n3A_167 : vector<64x256xi1>, vector<64x256xi32>
    %reduce_min3A_176 = arith.constant dense<2147483647> : vector<64xi32>
    %reduce_min3A_177 = vector.multi_reduction <minsi>, %select_n3A_175, %reduce_min3A_176 [1] : vector<64x256xi32> to vector<64xi32>
    %broadcast_in_dim3A_178 = vector.shape_cast %reduce_min3A_177 : vector<64xi32> to vector<64x1xi32>
    %eq3A_179 = vector.broadcast %broadcast_in_dim3A_178 : vector<64x1xi32> to vector<64x256xi32>
    %eq3A_180 = arith.cmpi eq, %select_n3A_175, %eq3A_179 : vector<64x256xi32>
    %jit3A_181 = arith.constant 256 : i32
    %broadcast_in_dim3A_182 = vector.broadcast %jit3A_181 : i32 to vector<64x256xi32>
    %select_n3A_183 = arith.select %eq3A_180, %broadcast_in_dim3A_182, %select_n3A_175 : vector<64x256xi1>, vector<64x256xi32>
    %reduce_min3A_184 = arith.constant dense<2147483647> : vector<64xi32>
    %reduce_min3A_185 = vector.multi_reduction <minsi>, %select_n3A_183, %reduce_min3A_184 [1] : vector<64x256xi32> to vector<64xi32>
    %broadcast_in_dim3A_186 = vector.shape_cast %reduce_min3A_185 : vector<64xi32> to vector<64x1xi32>
    %eq3A_187 = vector.broadcast %broadcast_in_dim3A_186 : vector<64x1xi32> to vector<64x256xi32>
    %eq3A_188 = arith.cmpi eq, %select_n3A_183, %eq3A_187 : vector<64x256xi32>
    %jit3A_189 = arith.constant 256 : i32
    %broadcast_in_dim3A_190 = vector.broadcast %jit3A_189 : i32 to vector<64x256xi32>
    %select_n3A_191 = arith.select %eq3A_188, %broadcast_in_dim3A_190, %select_n3A_183 : vector<64x256xi1>, vector<64x256xi32>
    %reduce_min3A_192 = arith.constant dense<2147483647> : vector<64xi32>
    %reduce_min3A_193 = vector.multi_reduction <minsi>, %select_n3A_191, %reduce_min3A_192 [1] : vector<64x256xi32> to vector<64xi32>
    %broadcast_in_dim3A_194 = vector.shape_cast %reduce_min3A_193 : vector<64xi32> to vector<64x1xi32>
    %eq3A_195 = vector.broadcast %broadcast_in_dim3A_194 : vector<64x1xi32> to vector<64x256xi32>
    %eq3A_196 = arith.cmpi eq, %select_n3A_191, %eq3A_195 : vector<64x256xi32>
    %jit3A_197 = arith.constant 256 : i32
    %broadcast_in_dim3A_198 = vector.broadcast %jit3A_197 : i32 to vector<64x256xi32>
    %select_n3A_199 = arith.select %eq3A_196, %broadcast_in_dim3A_198, %select_n3A_191 : vector<64x256xi1>, vector<64x256xi32>
    %reduce_min3A_200 = arith.constant dense<2147483647> : vector<64xi32>
    %reduce_min3A_201 = vector.multi_reduction <minsi>, %select_n3A_199, %reduce_min3A_200 [1] : vector<64x256xi32> to vector<64xi32>
    %broadcast_in_dim3A_202 = vector.shape_cast %reduce_min3A_201 : vector<64xi32> to vector<64x1xi32>
    %eq3A_203 = vector.broadcast %broadcast_in_dim3A_202 : vector<64x1xi32> to vector<64x256xi32>
    %eq3A_204 = arith.cmpi eq, %select_n3A_199, %eq3A_203 : vector<64x256xi32>
    %jit3A_205 = arith.constant 256 : i32
    %broadcast_in_dim3A_206 = vector.broadcast %jit3A_205 : i32 to vector<64x256xi32>
    %select_n3A_207 = arith.select %eq3A_204, %broadcast_in_dim3A_206, %select_n3A_199 : vector<64x256xi1>, vector<64x256xi32>
    %reduce_min3A_208 = arith.constant dense<2147483647> : vector<64xi32>
    %reduce_min3A_209 = vector.multi_reduction <minsi>, %select_n3A_207, %reduce_min3A_208 [1] : vector<64x256xi32> to vector<64xi32>
    %broadcast_in_dim3A_210 = vector.shape_cast %reduce_min3A_209 : vector<64xi32> to vector<64x1xi32>
    %eq3A_211 = vector.broadcast %broadcast_in_dim3A_210 : vector<64x1xi32> to vector<64x256xi32>
    %eq3A_212 = arith.cmpi eq, %select_n3A_207, %eq3A_211 : vector<64x256xi32>
    %jit3A_213 = arith.constant 256 : i32
    %broadcast_in_dim3A_214 = vector.broadcast %jit3A_213 : i32 to vector<64x256xi32>
    %select_n3A_215 = arith.select %eq3A_212, %broadcast_in_dim3A_214, %select_n3A_207 : vector<64x256xi1>, vector<64x256xi32>
    %reduce_min3A_216 = arith.constant dense<2147483647> : vector<64xi32>
    %reduce_min3A_217 = vector.multi_reduction <minsi>, %select_n3A_215, %reduce_min3A_216 [1] : vector<64x256xi32> to vector<64xi32>
    %broadcast_in_dim3A_218 = vector.shape_cast %reduce_min3A_217 : vector<64xi32> to vector<64x1xi32>
    %eq3A_219 = vector.broadcast %broadcast_in_dim3A_218 : vector<64x1xi32> to vector<64x256xi32>
    %eq3A_220 = arith.cmpi eq, %select_n3A_215, %eq3A_219 : vector<64x256xi32>
    %jit3A_221 = arith.constant 256 : i32
    %broadcast_in_dim3A_222 = vector.broadcast %jit3A_221 : i32 to vector<64x256xi32>
    %select_n3A_223 = arith.select %eq3A_220, %broadcast_in_dim3A_222, %select_n3A_215 : vector<64x256xi1>, vector<64x256xi32>
    %reduce_min3A_224 = arith.constant dense<2147483647> : vector<64xi32>
    %reduce_min3A_225 = vector.multi_reduction <minsi>, %select_n3A_223, %reduce_min3A_224 [1] : vector<64x256xi32> to vector<64xi32>
    %broadcast_in_dim3A_226 = vector.shape_cast %reduce_min3A_225 : vector<64xi32> to vector<64x1xi32>
    %eq3A_227 = vector.broadcast %broadcast_in_dim3A_226 : vector<64x1xi32> to vector<64x256xi32>
    %eq3A_228 = arith.cmpi eq, %select_n3A_223, %eq3A_227 : vector<64x256xi32>
    %jit3A_229 = arith.constant 256 : i32
    %broadcast_in_dim3A_230 = vector.broadcast %jit3A_229 : i32 to vector<64x256xi32>
    %select_n3A_231 = arith.select %eq3A_228, %broadcast_in_dim3A_230, %select_n3A_223 : vector<64x256xi1>, vector<64x256xi32>
    %reduce_min3A_232 = arith.constant dense<2147483647> : vector<64xi32>
    %reduce_min3A_233 = vector.multi_reduction <minsi>, %select_n3A_231, %reduce_min3A_232 [1] : vector<64x256xi32> to vector<64xi32>
    %broadcast_in_dim3A_234 = vector.shape_cast %reduce_min3A_233 : vector<64xi32> to vector<64x1xi32>
    %eq3A_235 = vector.broadcast %broadcast_in_dim3A_234 : vector<64x1xi32> to vector<64x256xi32>
    %eq3A_236 = arith.cmpi eq, %select_n3A_231, %eq3A_235 : vector<64x256xi32>
    %jit3A_237 = arith.constant 256 : i32
    %broadcast_in_dim3A_238 = vector.broadcast %jit3A_237 : i32 to vector<64x256xi32>
    %select_n3A_239 = arith.select %eq3A_236, %broadcast_in_dim3A_238, %select_n3A_231 : vector<64x256xi1>, vector<64x256xi32>
    %reduce_min3A_240 = arith.constant dense<2147483647> : vector<64xi32>
    %reduce_min3A_241 = vector.multi_reduction <minsi>, %select_n3A_239, %reduce_min3A_240 [1] : vector<64x256xi32> to vector<64xi32>
    %broadcast_in_dim3A_242 = vector.shape_cast %reduce_min3A_241 : vector<64xi32> to vector<64x1xi32>
    %eq3A_243 = vector.broadcast %broadcast_in_dim3A_242 : vector<64x1xi32> to vector<64x256xi32>
    %eq3A_244 = arith.cmpi eq, %select_n3A_239, %eq3A_243 : vector<64x256xi32>
    %jit3A_245 = arith.constant 256 : i32
    %broadcast_in_dim3A_246 = vector.broadcast %jit3A_245 : i32 to vector<64x256xi32>
    %select_n3A_247 = arith.select %eq3A_244, %broadcast_in_dim3A_246, %select_n3A_239 : vector<64x256xi1>, vector<64x256xi32>
    %reduce_min3A_248 = arith.constant dense<2147483647> : vector<64xi32>
    %reduce_min3A_249 = vector.multi_reduction <minsi>, %select_n3A_247, %reduce_min3A_248 [1] : vector<64x256xi32> to vector<64xi32>
    %broadcast_in_dim3A_250 = vector.shape_cast %reduce_min3A_249 : vector<64xi32> to vector<64x1xi32>
    %eq3A_251 = vector.broadcast %broadcast_in_dim3A_250 : vector<64x1xi32> to vector<64x256xi32>
    %eq3A_252 = arith.cmpi eq, %select_n3A_247, %eq3A_251 : vector<64x256xi32>
    %jit3A_253 = arith.constant 256 : i32
    %broadcast_in_dim3A_254 = vector.broadcast %jit3A_253 : i32 to vector<64x256xi32>
    %select_n3A_255 = arith.select %eq3A_252, %broadcast_in_dim3A_254, %select_n3A_247 : vector<64x256xi1>, vector<64x256xi32>
    %reduce_min3A_256 = arith.constant dense<2147483647> : vector<64xi32>
    %reduce_min3A_257 = vector.multi_reduction <minsi>, %select_n3A_255, %reduce_min3A_256 [1] : vector<64x256xi32> to vector<64xi32>
    %broadcast_in_dim3A_258 = vector.shape_cast %reduce_min3A_257 : vector<64xi32> to vector<64x1xi32>
    %eq3A_259 = vector.broadcast %broadcast_in_dim3A_258 : vector<64x1xi32> to vector<64x256xi32>
    %eq3A_260 = arith.cmpi eq, %select_n3A_255, %eq3A_259 : vector<64x256xi32>
    %jit3A_261 = arith.constant 256 : i32
    %broadcast_in_dim3A_262 = vector.broadcast %jit3A_261 : i32 to vector<64x256xi32>
    %select_n3A_263 = arith.select %eq3A_260, %broadcast_in_dim3A_262, %select_n3A_255 : vector<64x256xi1>, vector<64x256xi32>
    %reduce_min3A_264 = arith.constant dense<2147483647> : vector<64xi32>
    %reduce_min3A_265 = vector.multi_reduction <minsi>, %select_n3A_263, %reduce_min3A_264 [1] : vector<64x256xi32> to vector<64xi32>
    %broadcast_in_dim3A_266 = vector.shape_cast %reduce_min3A_265 : vector<64xi32> to vector<64x1xi32>
    %eq3A_267 = vector.broadcast %broadcast_in_dim3A_266 : vector<64x1xi32> to vector<64x256xi32>
    %eq3A_268 = arith.cmpi eq, %select_n3A_263, %eq3A_267 : vector<64x256xi32>
    %jit3A_269 = arith.constant 256 : i32
    %broadcast_in_dim3A_270 = vector.broadcast %jit3A_269 : i32 to vector<64x256xi32>
    %select_n3A_271 = arith.select %eq3A_268, %broadcast_in_dim3A_270, %select_n3A_263 : vector<64x256xi1>, vector<64x256xi32>
    %reduce_min3A_272 = arith.constant dense<2147483647> : vector<64xi32>
    %reduce_min3A_273 = vector.multi_reduction <minsi>, %select_n3A_271, %reduce_min3A_272 [1] : vector<64x256xi32> to vector<64xi32>
    %broadcast_in_dim3A_274 = vector.shape_cast %reduce_min3A_273 : vector<64xi32> to vector<64x1xi32>
    %eq3A_275 = vector.broadcast %broadcast_in_dim3A_274 : vector<64x1xi32> to vector<64x256xi32>
    %eq3A_276 = arith.cmpi eq, %select_n3A_271, %eq3A_275 : vector<64x256xi32>
    %jit3A_277 = arith.constant 256 : i32
    %broadcast_in_dim3A_278 = vector.broadcast %jit3A_277 : i32 to vector<64x256xi32>
    %select_n3A_279 = arith.select %eq3A_276, %broadcast_in_dim3A_278, %select_n3A_271 : vector<64x256xi1>, vector<64x256xi32>
    %reduce_min3A_280 = arith.constant dense<2147483647> : vector<64xi32>
    %reduce_min3A_281 = vector.multi_reduction <minsi>, %select_n3A_279, %reduce_min3A_280 [1] : vector<64x256xi32> to vector<64xi32>
    %broadcast_in_dim3A_282 = vector.shape_cast %reduce_min3A_281 : vector<64xi32> to vector<64x1xi32>
    %concatenate3A = tpu.concatenate %broadcast_in_dim3A_35, %broadcast_in_dim3A_42, %broadcast_in_dim3A_50, %broadcast_in_dim3A_58, %broadcast_in_dim3A_66, %broadcast_in_dim3A_74, %broadcast_in_dim3A_82, %broadcast_in_dim3A_90, %broadcast_in_dim3A_98, %broadcast_in_dim3A_106, %broadcast_in_dim3A_114, %broadcast_in_dim3A_122, %broadcast_in_dim3A_130, %broadcast_in_dim3A_138, %broadcast_in_dim3A_146, %broadcast_in_dim3A_154, %broadcast_in_dim3A_162, %broadcast_in_dim3A_170, %broadcast_in_dim3A_178, %broadcast_in_dim3A_186, %broadcast_in_dim3A_194, %broadcast_in_dim3A_202, %broadcast_in_dim3A_210, %broadcast_in_dim3A_218, %broadcast_in_dim3A_226, %broadcast_in_dim3A_234, %broadcast_in_dim3A_242, %broadcast_in_dim3A_250, %broadcast_in_dim3A_258, %broadcast_in_dim3A_266, %broadcast_in_dim3A_274, %broadcast_in_dim3A_282 in 1 : vector<64x1xi32>, vector<64x1xi32>, vector<64x1xi32>, vector<64x1xi32>, vector<64x1xi32>, vector<64x1xi32>, vector<64x1xi32>, vector<64x1xi32>, vector<64x1xi32>, vector<64x1xi32>, vector<64x1xi32>, vector<64x1xi32>, vector<64x1xi32>, vector<64x1xi32>, vector<64x1xi32>, vector<64x1xi32>, vector<64x1xi32>, vector<64x1xi32>, vector<64x1xi32>, vector<64x1xi32>, vector<64x1xi32>, vector<64x1xi32>, vector<64x1xi32>, vector<64x1xi32>, vector<64x1xi32>, vector<64x1xi32>, vector<64x1xi32>, vector<64x1xi32>, vector<64x1xi32>, vector<64x1xi32>, vector<64x1xi32>, vector<64x1xi32> -> vector<64x32xi32>
    %slice3A_283 = vector.extract_strided_slice %concatenate3A {offsets = [0, 0], sizes = [64, 1], strides = [1, 1]} : vector<64x32xi32> to vector<64x1xi32>
    %eq3A_284 = arith.constant 256 : i32
    %eq3A_285 = vector.broadcast %eq3A_284 : i32 to vector<64x32xi32>
    %eq3A_286 = arith.cmpi eq, %concatenate3A, %eq3A_285 : vector<64x32xi32>
    %broadcast_in_dim3A_287 = vector.shape_cast %slice3A_283 : vector<64x1xi32> to vector<64x1xi32>
    %broadcast_in_dim3A_288 = vector.broadcast %broadcast_in_dim3A_287 : vector<64x1xi32> to vector<64x32xi32>
    %select_n3A_289 = arith.select %eq3A_286, %broadcast_in_dim3A_288, %concatenate3A : vector<64x32xi1>, vector<64x32xi32>
    %mul3A = arith.constant 256 : i32
    %mul3A_290 = arith.muli %arg0, %mul3A : i32
    %add3A_291 = vector.broadcast %mul3A_290 : i32 to vector<64x32xi32>
    %add3A_292 = arith.addi %select_n3A_289, %add3A_291 : vector<64x32xi32>
    %swap3A = arith.constant 0 : index
    %swap3A_293 = arith.constant 0 : index
    %swap3A_294 = arith.constant 0 : index
    %swap3A_295 = vector.load %arg4[%swap3A, %swap3A_293, %swap3A_294] : memref<1x64x32xi32, #tpu.memory_space<vmem>>, vector<1x64x32xi32>
    %swap3A_296 = vector.shape_cast %swap3A_295 : vector<1x64x32xi32> to vector<64x32xi32>
    %swap3A_297 = vector.shape_cast %add3A_292 : vector<64x32xi32> to vector<1x64x32xi32>
    tpu.vector_store %arg4[%swap3A, %swap3A_293, %swap3A_294], %swap3A_297 {strides = array<i32>} : memref<1x64x32xi32, #tpu.memory_space<vmem>>, vector<1x64x32xi32>,
    return
  }
  func.func @transform_0(%arg0: i32, %arg1: i32) -> (i32, i32, i32) {
    %c0_i32 = arith.constant 0 : i32
    %c0_i32_0 = arith.constant 0 : i32
    return %arg0, %arg1, %c0_i32 : i32, i32, i32
  }
  func.func @transform_1(%arg0: i32, %arg1: i32) -> (i32, i32, i32) {
    %c0_i32 = arith.constant 0 : i32
    %c0_i32_0 = arith.constant 0 : i32
    %c0_i32_1 = arith.constant 0 : i32
    return %arg0, %c0_i32, %c0_i32_0 : i32, i32, i32
  }
  func.func @transform_2(%arg0: i32, %arg1: i32) -> (i32, i32, i32) {
    %c0_i32 = arith.constant 0 : i32
    %c0_i32_0 = arith.constant 0 : i32
    return %arg0, %arg1, %c0_i32 : i32, i32, i32
  }
}

module attributes {stable_mosaic.version = 14 : i64} {
  func.func @_sal1_kernel(%arg0: i32, %arg1: i32, %arg2: memref<512x128xf32, #tpu.memory_space<vmem>>, %arg3: memref<512x3xf32, #tpu.memory_space<vmem>>, %arg4: memref<128x64xf32, #tpu.memory_space<vmem>>, %arg5: memref<1x16x32x64xf32, #tpu.memory_space<vmem>>) attributes {dimension_semantics = [#tpu.dimension_semantics<arbitrary>, #tpu.dimension_semantics<arbitrary>], iteration_bounds = array<i64: 4, 16>, scalar_prefetch = 0 : i64, scratch_operands = 0 : i64, tpu.core_type = #tpu.core_type<tc>, window_params = [{transform_indices = @transform_0, window_bounds = array<i64: 512, 128>}, {transform_indices = @transform_1, window_bounds = array<i64: 512, 3>}, {pipeline_mode = #tpu.pipeline_mode<synchronous>, transform_indices = @transform_2, window_bounds = array<i64: 128, 64>}, {transform_indices = @transform_3, window_bounds = array<i64: 1, 16, 32, 64>}]} {
    %get3A = arith.constant 0 : index
    %get3A_0 = arith.constant 0 : index
    %get3A_1 = vector.load %arg2[%get3A, %get3A_0] : memref<512x128xf32, #tpu.memory_space<vmem>>, vector<512x128xf32>
    %get3A_2 = arith.constant 0 : index
    %get3A_3 = arith.constant 0 : index
    %get3A_4 = vector.load %arg3[%get3A_2, %get3A_3] : memref<512x3xf32, #tpu.memory_space<vmem>>, vector<512x3xf32>
    %broadcast_in_dim3A = arith.constant 0.000000e+00 : f32
    %broadcast_in_dim3A_5 = vector.broadcast %broadcast_in_dim3A : f32 to vector<512x64xf32>
    %broadcast_in_dim3A_6 = arith.constant 0.000000e+00 : f32
    %broadcast_in_dim3A_7 = vector.broadcast %broadcast_in_dim3A_6 : f32 to vector<512x61xf32>
    %concatenate3A = tpu.concatenate %broadcast_in_dim3A_5, %get3A_4, %broadcast_in_dim3A_7 in 1 : vector<512x64xf32>, vector<512x3xf32>, vector<512x61xf32> -> vector<512x128xf32>
    %sub3A = arith.subf %get3A_1, %concatenate3A : vector<512x128xf32>
    %get3A_8 = arith.constant 0 : index
    %get3A_9 = arith.constant 0 : index
    %get3A_10 = vector.load %arg4[%get3A_8, %get3A_9] : memref<128x64xf32, #tpu.memory_space<vmem>>, vector<128x64xf32>
    %dot_general3A = arith.constant dense<0.000000e+00> : vector<512x64xf32>
    %dot_general3A_11 = tpu.matmul %sub3A, %get3A_10, %dot_general3A {dimension_numbers = #tpu.dot_dimension_numbers<[1], [0], [0], [1], [0, 0, 1, 1], [], []>, transpose_lhs_hint = false} : vector<512x128xf32>, vector<128x64xf32>, vector<512x64xf32> -> vector<512x64xf32>
    %reshape3A = vector.shape_cast %dot_general3A_11 : vector<512x64xf32> to vector<1x16x32x64xf32>
    %swap3A = arith.constant 0 : index
    %swap3A_12 = arith.constant 0 : index
    %swap3A_13 = arith.constant 0 : index
    %swap3A_14 = arith.constant 0 : index
    %swap3A_15 = vector.load %arg5[%swap3A, %swap3A_12, %swap3A_13, %swap3A_14] : memref<1x16x32x64xf32, #tpu.memory_space<vmem>>, vector<1x16x32x64xf32>
    tpu.vector_store %arg5[%swap3A, %swap3A_12, %swap3A_13, %swap3A_14], %reshape3A {strides = array<i32>} : memref<1x16x32x64xf32, #tpu.memory_space<vmem>>, vector<1x16x32x64xf32>,
    return
  }
  func.func @transform_0(%arg0: i32, %arg1: i32) -> (i32, i32) {
    %mul3A = arith.constant 16 : i32
    %mul3A_0 = arith.muli %arg0, %mul3A : i32
    %add3A = arith.addi %mul3A_0, %arg1 : i32
    %c0_i32 = arith.constant 0 : i32
    %c0_i32_1 = arith.constant 0 : i32
    return %add3A, %c0_i32 : i32, i32
  }
  func.func @transform_1(%arg0: i32, %arg1: i32) -> (i32, i32) {
    %mul3A = arith.constant 16 : i32
    %mul3A_0 = arith.muli %arg0, %mul3A : i32
    %add3A = arith.addi %mul3A_0, %arg1 : i32
    %c0_i32 = arith.constant 0 : i32
    %c0_i32_1 = arith.constant 0 : i32
    return %add3A, %c0_i32 : i32, i32
  }
  func.func @transform_2(%arg0: i32, %arg1: i32) -> (i32, i32) {
    %c0_i32 = arith.constant 0 : i32
    %c0_i32_0 = arith.constant 0 : i32
    %c0_i32_1 = arith.constant 0 : i32
    return %c0_i32, %c0_i32_0 : i32, i32
  }
  func.func @transform_3(%arg0: i32, %arg1: i32) -> (i32, i32, i32, i32) {
    %c0_i32 = arith.constant 0 : i32
    %c0_i32_0 = arith.constant 0 : i32
    %c0_i32_1 = arith.constant 0 : i32
    return %arg0, %arg1, %c0_i32, %c0_i32_0 : i32, i32, i32, i32
  }
}

module attributes {stable_mosaic.version = 14 : i64} {
  func.func @_mm_kernel(%arg0: i32, %arg1: i32, %arg2: memref<512x64xf32, #tpu.memory_space<vmem>>, %arg3: memref<64x64xf32, #tpu.memory_space<vmem>>, %arg4: memref<1x16x32x64xf32, #tpu.memory_space<vmem>>) attributes {dimension_semantics = [#tpu.dimension_semantics<arbitrary>, #tpu.dimension_semantics<arbitrary>], iteration_bounds = array<i64: 4, 16>, scalar_prefetch = 0 : i64, scratch_operands = 0 : i64, tpu.core_type = #tpu.core_type<tc>, window_params = [{transform_indices = @transform_0, window_bounds = array<i64: 512, 64>}, {pipeline_mode = #tpu.pipeline_mode<synchronous>, transform_indices = @transform_1, window_bounds = array<i64: 64, 64>}, {transform_indices = @transform_2, window_bounds = array<i64: 1, 16, 32, 64>}]} {
    %get3A = arith.constant 0 : index
    %get3A_0 = arith.constant 0 : index
    %get3A_1 = vector.load %arg2[%get3A, %get3A_0] : memref<512x64xf32, #tpu.memory_space<vmem>>, vector<512x64xf32>
    %get3A_2 = arith.constant 0 : index
    %get3A_3 = arith.constant 0 : index
    %get3A_4 = vector.load %arg3[%get3A_2, %get3A_3] : memref<64x64xf32, #tpu.memory_space<vmem>>, vector<64x64xf32>
    %dot_general3A = arith.constant dense<0.000000e+00> : vector<512x64xf32>
    %dot_general3A_5 = tpu.matmul %get3A_1, %get3A_4, %dot_general3A {dimension_numbers = #tpu.dot_dimension_numbers<[1], [0], [0], [1], [0, 0, 1, 1], [], []>, transpose_lhs_hint = false} : vector<512x64xf32>, vector<64x64xf32>, vector<512x64xf32> -> vector<512x64xf32>
    %reshape3A = vector.shape_cast %dot_general3A_5 : vector<512x64xf32> to vector<1x16x32x64xf32>
    %swap3A = arith.constant 0 : index
    %swap3A_6 = arith.constant 0 : index
    %swap3A_7 = arith.constant 0 : index
    %swap3A_8 = arith.constant 0 : index
    %swap3A_9 = vector.load %arg4[%swap3A, %swap3A_6, %swap3A_7, %swap3A_8] : memref<1x16x32x64xf32, #tpu.memory_space<vmem>>, vector<1x16x32x64xf32>
    tpu.vector_store %arg4[%swap3A, %swap3A_6, %swap3A_7, %swap3A_8], %reshape3A {strides = array<i32>} : memref<1x16x32x64xf32, #tpu.memory_space<vmem>>, vector<1x16x32x64xf32>,
    return
  }
  func.func @transform_0(%arg0: i32, %arg1: i32) -> (i32, i32) {
    %mul3A = arith.constant 16 : i32
    %mul3A_0 = arith.muli %arg0, %mul3A : i32
    %add3A = arith.addi %mul3A_0, %arg1 : i32
    %c0_i32 = arith.constant 0 : i32
    %c0_i32_1 = arith.constant 0 : i32
    return %add3A, %c0_i32 : i32, i32
  }
  func.func @transform_1(%arg0: i32, %arg1: i32) -> (i32, i32) {
    %c0_i32 = arith.constant 0 : i32
    %c0_i32_0 = arith.constant 0 : i32
    %c0_i32_1 = arith.constant 0 : i32
    return %c0_i32, %c0_i32_0 : i32, i32
  }
  func.func @transform_2(%arg0: i32, %arg1: i32) -> (i32, i32, i32, i32) {
    %c0_i32 = arith.constant 0 : i32
    %c0_i32_0 = arith.constant 0 : i32
    %c0_i32_1 = arith.constant 0 : i32
    return %arg0, %arg1, %c0_i32, %c0_i32_0 : i32, i32, i32, i32
  }
}

module attributes {stable_mosaic.version = 14 : i64} {
  func.func @_mm_kernel(%arg0: i32, %arg1: i32, %arg2: memref<512x64xf32, #tpu.memory_space<vmem>>, %arg3: memref<64x128xf32, #tpu.memory_space<vmem>>, %arg4: memref<1x16x32x128xf32, #tpu.memory_space<vmem>>) attributes {dimension_semantics = [#tpu.dimension_semantics<arbitrary>, #tpu.dimension_semantics<arbitrary>], iteration_bounds = array<i64: 4, 16>, scalar_prefetch = 0 : i64, scratch_operands = 0 : i64, tpu.core_type = #tpu.core_type<tc>, window_params = [{transform_indices = @transform_0, window_bounds = array<i64: 512, 64>}, {pipeline_mode = #tpu.pipeline_mode<synchronous>, transform_indices = @transform_1, window_bounds = array<i64: 64, 128>}, {transform_indices = @transform_2, window_bounds = array<i64: 1, 16, 32, 128>}]} {
    %get3A = arith.constant 0 : index
    %get3A_0 = arith.constant 0 : index
    %get3A_1 = vector.load %arg2[%get3A, %get3A_0] : memref<512x64xf32, #tpu.memory_space<vmem>>, vector<512x64xf32>
    %get3A_2 = arith.constant 0 : index
    %get3A_3 = arith.constant 0 : index
    %get3A_4 = vector.load %arg3[%get3A_2, %get3A_3] : memref<64x128xf32, #tpu.memory_space<vmem>>, vector<64x128xf32>
    %dot_general3A = arith.constant dense<0.000000e+00> : vector<512x128xf32>
    %dot_general3A_5 = tpu.matmul %get3A_1, %get3A_4, %dot_general3A {dimension_numbers = #tpu.dot_dimension_numbers<[1], [0], [0], [1], [0, 0, 1, 1], [], []>, transpose_lhs_hint = false} : vector<512x64xf32>, vector<64x128xf32>, vector<512x128xf32> -> vector<512x128xf32>
    %reshape3A = vector.shape_cast %dot_general3A_5 : vector<512x128xf32> to vector<1x16x32x128xf32>
    %swap3A = arith.constant 0 : index
    %swap3A_6 = arith.constant 0 : index
    %swap3A_7 = arith.constant 0 : index
    %swap3A_8 = arith.constant 0 : index
    %swap3A_9 = vector.load %arg4[%swap3A, %swap3A_6, %swap3A_7, %swap3A_8] : memref<1x16x32x128xf32, #tpu.memory_space<vmem>>, vector<1x16x32x128xf32>
    tpu.vector_store %arg4[%swap3A, %swap3A_6, %swap3A_7, %swap3A_8], %reshape3A {strides = array<i32>} : memref<1x16x32x128xf32, #tpu.memory_space<vmem>>, vector<1x16x32x128xf32>,
    return
  }
  func.func @transform_0(%arg0: i32, %arg1: i32) -> (i32, i32) {
    %mul3A = arith.constant 16 : i32
    %mul3A_0 = arith.muli %arg0, %mul3A : i32
    %add3A = arith.addi %mul3A_0, %arg1 : i32
    %c0_i32 = arith.constant 0 : i32
    %c0_i32_1 = arith.constant 0 : i32
    return %add3A, %c0_i32 : i32, i32
  }
  func.func @transform_1(%arg0: i32, %arg1: i32) -> (i32, i32) {
    %c0_i32 = arith.constant 0 : i32
    %c0_i32_0 = arith.constant 0 : i32
    %c0_i32_1 = arith.constant 0 : i32
    return %c0_i32, %c0_i32_0 : i32, i32
  }
  func.func @transform_2(%arg0: i32, %arg1: i32) -> (i32, i32, i32, i32) {
    %c0_i32 = arith.constant 0 : i32
    %c0_i32_0 = arith.constant 0 : i32
    %c0_i32_1 = arith.constant 0 : i32
    return %arg0, %arg1, %c0_i32, %c0_i32_0 : i32, i32, i32, i32
  }
}

module attributes {stable_mosaic.version = 14 : i64} {
  func.func @_pool_kernel(%arg0: i32, %arg1: i32, %arg2: memref<1x64x32x128xf32, #tpu.memory_space<vmem>>, %arg3: memref<1x64x128xf32, #tpu.memory_space<vmem>>) attributes {dimension_semantics = [#tpu.dimension_semantics<arbitrary>, #tpu.dimension_semantics<arbitrary>], iteration_bounds = array<i64: 4, 4>, scalar_prefetch = 0 : i64, scratch_operands = 0 : i64, tpu.core_type = #tpu.core_type<tc>, window_params = [{transform_indices = @transform_0, window_bounds = array<i64: 1, 64, 32, 128>}, {transform_indices = @transform_1, window_bounds = array<i64: 1, 64, 128>}]} {
    %get3A = arith.constant 0 : index
    %get3A_0 = arith.constant 0 : index
    %get3A_1 = arith.constant 0 : index
    %get3A_2 = arith.constant 0 : index
    %get3A_3 = vector.load %arg2[%get3A, %get3A_0, %get3A_1, %get3A_2] : memref<1x64x32x128xf32, #tpu.memory_space<vmem>>, vector<1x64x32x128xf32>
    %reduce_max3A = arith.constant dense<0xFF800000> : vector<1x64x128xf32>
    %reduce_max3A_4 = vector.multi_reduction <maximumf>, %get3A_3, %reduce_max3A [2] : vector<1x64x32x128xf32> to vector<1x64x128xf32>
    %swap3A = arith.constant 0 : index
    %swap3A_5 = arith.constant 0 : index
    %swap3A_6 = arith.constant 0 : index
    %swap3A_7 = vector.load %arg3[%swap3A, %swap3A_5, %swap3A_6] : memref<1x64x128xf32, #tpu.memory_space<vmem>>, vector<1x64x128xf32>
    tpu.vector_store %arg3[%swap3A, %swap3A_5, %swap3A_6], %reduce_max3A_4 {strides = array<i32>} : memref<1x64x128xf32, #tpu.memory_space<vmem>>, vector<1x64x128xf32>,
    return
  }
  func.func @transform_0(%arg0: i32, %arg1: i32) -> (i32, i32, i32, i32) {
    %c0_i32 = arith.constant 0 : i32
    %c0_i32_0 = arith.constant 0 : i32
    %c0_i32_1 = arith.constant 0 : i32
    return %arg0, %arg1, %c0_i32, %c0_i32_0 : i32, i32, i32, i32
  }
  func.func @transform_1(%arg0: i32, %arg1: i32) -> (i32, i32, i32) {
    %c0_i32 = arith.constant 0 : i32
    %c0_i32_0 = arith.constant 0 : i32
    return %arg0, %arg1, %c0_i32 : i32, i32, i32
  }
}

module attributes {stable_mosaic.version = 14 : i64} {
  func.func @_fps_kernel(%arg0: memref<4x3x64xf32, #tpu.memory_space<vmem>>, %arg1: memref<4x16x3xf32, #tpu.memory_space<vmem>>) attributes {dimension_semantics = [], scalar_prefetch = 0 : i64, scratch_operands = 0 : i64, tpu.core_type = #tpu.core_type<tc>} {
    %get3A = arith.constant 0 : index
    %get3A_0 = arith.constant 0 : index
    %get3A_1 = arith.constant 0 : index
    %get3A_2 = vector.load %arg0[%get3A, %get3A_0, %get3A_1] : memref<4x3x64xf32, #tpu.memory_space<vmem>>, vector<4x1x64xf32>
    %get3A_3 = vector.shape_cast %get3A_2 : vector<4x1x64xf32> to vector<4x64xf32>
    %get3A_4 = arith.constant 0 : index
    %get3A_5 = arith.constant 1 : index
    %get3A_6 = arith.constant 0 : index
    %get3A_7 = vector.load %arg0[%get3A_4, %get3A_5, %get3A_6] : memref<4x3x64xf32, #tpu.memory_space<vmem>>, vector<4x1x64xf32>
    %get3A_8 = vector.shape_cast %get3A_7 : vector<4x1x64xf32> to vector<4x64xf32>
    %get3A_9 = arith.constant 0 : index
    %get3A_10 = arith.constant 2 : index
    %get3A_11 = arith.constant 0 : index
    %get3A_12 = vector.load %arg0[%get3A_9, %get3A_10, %get3A_11] : memref<4x3x64xf32, #tpu.memory_space<vmem>>, vector<4x1x64xf32>
    %get3A_13 = vector.shape_cast %get3A_12 : vector<4x1x64xf32> to vector<4x64xf32>
    %iota3A = tpu.iota {dimensions = array<i32: 1>} : vector<4x64xi32>
    %broadcast_in_dim3A = arith.constant 1.000000e+10 : f32
    %broadcast_in_dim3A_14 = vector.broadcast %broadcast_in_dim3A : f32 to vector<4x64xf32>
    %broadcast_in_dim3A_15 = arith.constant 0 : i32
    %broadcast_in_dim3A_16 = vector.broadcast %broadcast_in_dim3A_15 : i32 to vector<4x1xi32>
    %scan3A = arith.constant 0 : i32
    %scan3A_17 = arith.constant 16 : i32
    %scan3A_18 = arith.addi %scan3A, %scan3A_17 : i32
    %scan3A_19 = arith.constant 1 : i32
    %scan3A_20:2 = scf.for %scan3A_22 = %scan3A to %scan3A_18 step %scan3A_19 iter_args(%scan3A_23 = %broadcast_in_dim3A_14, %scan3A_24 = %broadcast_in_dim3A_16) -> (vector<4x64xf32>, vector<4x1xi32>)  : i32 {
      %eq3A = vector.broadcast %scan3A_24 : vector<4x1xi32> to vector<4x64xi32>
      %eq3A_25 = arith.cmpi eq, %iota3A, %eq3A : vector<4x64xi32>
      %jit3A = arith.constant 0.000000e+00 : f32
      %broadcast_in_dim3A_26 = vector.broadcast %jit3A : f32 to vector<4x64xf32>
      %select_n3A = arith.select %eq3A_25, %get3A_3, %broadcast_in_dim3A_26 : vector<4x64xi1>, vector<4x64xf32>
      %reduce_sum3A = arith.constant dense<0.000000e+00> : vector<4xf32>
      %reduce_sum3A_27 = vector.multi_reduction <add>, %select_n3A, %reduce_sum3A [1] : vector<4x64xf32> to vector<4xf32>
      %broadcast_in_dim3A_28 = vector.shape_cast %reduce_sum3A_27 : vector<4xf32> to vector<4x1xf32>
      %jit3A_29 = arith.constant 0.000000e+00 : f32
      %broadcast_in_dim3A_30 = vector.broadcast %jit3A_29 : f32 to vector<4x64xf32>
      %select_n3A_31 = arith.select %eq3A_25, %get3A_8, %broadcast_in_dim3A_30 : vector<4x64xi1>, vector<4x64xf32>
      %reduce_sum3A_32 = arith.constant dense<0.000000e+00> : vector<4xf32>
      %reduce_sum3A_33 = vector.multi_reduction <add>, %select_n3A_31, %reduce_sum3A_32 [1] : vector<4x64xf32> to vector<4xf32>
      %broadcast_in_dim3A_34 = vector.shape_cast %reduce_sum3A_33 : vector<4xf32> to vector<4x1xf32>
      %jit3A_35 = arith.constant 0.000000e+00 : f32
      %broadcast_in_dim3A_36 = vector.broadcast %jit3A_35 : f32 to vector<4x64xf32>
      %select_n3A_37 = arith.select %eq3A_25, %get3A_13, %broadcast_in_dim3A_36 : vector<4x64xi1>, vector<4x64xf32>
      %reduce_sum3A_38 = arith.constant dense<0.000000e+00> : vector<4xf32>
      %reduce_sum3A_39 = vector.multi_reduction <add>, %select_n3A_37, %reduce_sum3A_38 [1] : vector<4x64xf32> to vector<4xf32>
      %broadcast_in_dim3A_40 = vector.shape_cast %reduce_sum3A_39 : vector<4xf32> to vector<4x1xf32>
      %concatenate3A = tpu.concatenate %broadcast_in_dim3A_28, %broadcast_in_dim3A_34, %broadcast_in_dim3A_40 in 1 : vector<4x1xf32>, vector<4x1xf32>, vector<4x1xf32> -> vector<4x3xf32>
      %broadcast_in_dim3A_41 = vector.shape_cast %concatenate3A : vector<4x3xf32> to vector<4x1x3xf32>
      %swap3A = arith.constant 0 : index
      %swap3A_42 = arith.index_cast %scan3A_22 : i32 to index
      %swap3A_43 = arith.constant 0 : index
      %swap3A_44 = vector.load %arg1[%swap3A, %swap3A_42, %swap3A_43] : memref<4x16x3xf32, #tpu.memory_space<vmem>>, vector<4x1x3xf32>
      tpu.vector_store %arg1[%swap3A, %swap3A_42, %swap3A_43], %broadcast_in_dim3A_41 {strides = array<i32>} : memref<4x16x3xf32, #tpu.memory_space<vmem>>, vector<4x1x3xf32>,
      %sub3A = vector.broadcast %broadcast_in_dim3A_28 : vector<4x1xf32> to vector<4x64xf32>
      %sub3A_45 = arith.subf %get3A_3, %sub3A : vector<4x64xf32>
      %integer_pow3A = arith.mulf %sub3A_45, %sub3A_45 : vector<4x64xf32>
      %sub3A_46 = vector.broadcast %broadcast_in_dim3A_34 : vector<4x1xf32> to vector<4x64xf32>
      %sub3A_47 = arith.subf %get3A_8, %sub3A_46 : vector<4x64xf32>
      %integer_pow3A_48 = arith.mulf %sub3A_47, %sub3A_47 : vector<4x64xf32>
      %add3A = arith.addf %integer_pow3A, %integer_pow3A_48 : vector<4x64xf32>
      %sub3A_49 = vector.broadcast %broadcast_in_dim3A_40 : vector<4x1xf32> to vector<4x64xf32>
      %sub3A_50 = arith.subf %get3A_13, %sub3A_49 : vector<4x64xf32>
      %integer_pow3A_51 = arith.mulf %sub3A_50, %sub3A_50 : vector<4x64xf32>
      %add3A_52 = arith.addf %add3A, %integer_pow3A_51 : vector<4x64xf32>
      %min3A = arith.minimumf %scan3A_23, %add3A_52 : vector<4x64xf32>
      %reduce_max3A = arith.constant dense<0xFF800000> : vector<4xf32>
      %reduce_max3A_53 = vector.multi_reduction <maximumf>, %min3A, %reduce_max3A [1] : vector<4x64xf32> to vector<4xf32>
      %broadcast_in_dim3A_54 = vector.shape_cast %reduce_max3A_53 : vector<4xf32> to vector<4x1xf32>
      %eq3A_55 = vector.broadcast %broadcast_in_dim3A_54 : vector<4x1xf32> to vector<4x64xf32>
      %eq3A_56 = arith.cmpf oeq, %min3A, %eq3A_55 : vector<4x64xf32>
      %jit3A_57 = arith.constant 64 : i32
      %broadcast_in_dim3A_58 = vector.broadcast %jit3A_57 : i32 to vector<4x64xi32>
      %select_n3A_59 = arith.select %eq3A_56, %iota3A, %broadcast_in_dim3A_58 : vector<4x64xi1>, vector<4x64xi32>
      %reduce_min3A = arith.constant dense<2147483647> : vector<4xi32>
      %reduce_min3A_60 = vector.multi_reduction <minsi>, %select_n3A_59, %reduce_min3A [1] : vector<4x64xi32> to vector<4xi32>
      %broadcast_in_dim3A_61 = vector.shape_cast %reduce_min3A_60 : vector<4xi32> to vector<4x1xi32>
      scf.yield %min3A, %broadcast_in_dim3A_61 : vector<4x64xf32>, vector<4x1xi32>
    }
    %scan3A_21 = arith.constant 16 : i32
    return
  }
}

module attributes {stable_mosaic.version = 14 : i64} {
  func.func @_ballq_kernel(%arg0: i32, %arg1: i32, %arg2: memref<1x16x3xf32, #tpu.memory_space<vmem>>, %arg3: memref<1x3x64xf32, #tpu.memory_space<vmem>>, %arg4: memref<1x16x32xi32, #tpu.memory_space<vmem>>) attributes {dimension_semantics = [#tpu.dimension_semantics<arbitrary>, #tpu.dimension_semantics<arbitrary>], iteration_bounds = array<i64: 4, 1>, scalar_prefetch = 0 : i64, scratch_operands = 0 : i64, tpu.core_type = #tpu.core_type<tc>, window_params = [{transform_indices = @transform_0, window_bounds = array<i64: 1, 16, 3>}, {transform_indices = @transform_1, window_bounds = array<i64: 1, 3, 64>}, {transform_indices = @transform_2, window_bounds = array<i64: 1, 16, 32>}]} {
    %get3A = arith.constant 0 : index
    %get3A_0 = arith.constant 0 : index
    %get3A_1 = arith.constant 0 : index
    %get3A_2 = vector.load %arg2[%get3A, %get3A_0, %get3A_1] : memref<1x16x3xf32, #tpu.memory_space<vmem>>, vector<1x16x3xf32>
    %get3A_3 = vector.shape_cast %get3A_2 : vector<1x16x3xf32> to vector<16x3xf32>
    %slice3A = vector.extract_strided_slice %get3A_3 {offsets = [0, 0], sizes = [16, 1], strides = [1, 1]} : vector<16x3xf32> to vector<16x1xf32>
    %slice3A_4 = vector.extract_strided_slice %get3A_3 {offsets = [0, 1], sizes = [16, 1], strides = [1, 1]} : vector<16x3xf32> to vector<16x1xf32>
    %slice3A_5 = vector.extract_strided_slice %get3A_3 {offsets = [0, 2], sizes = [16, 1], strides = [1, 1]} : vector<16x3xf32> to vector<16x1xf32>
    %get3A_6 = arith.constant 0 : index
    %get3A_7 = arith.constant 0 : index
    %get3A_8 = arith.constant 0 : index
    %get3A_9 = vector.load %arg3[%get3A_6, %get3A_7, %get3A_8] : memref<1x3x64xf32, #tpu.memory_space<vmem>>, vector<1x1x64xf32>
    %get3A_10 = vector.shape_cast %get3A_9 : vector<1x1x64xf32> to vector<1x64xf32>
    %get3A_11 = arith.constant 0 : index
    %get3A_12 = arith.constant 1 : index
    %get3A_13 = arith.constant 0 : index
    %get3A_14 = vector.load %arg3[%get3A_11, %get3A_12, %get3A_13] : memref<1x3x64xf32, #tpu.memory_space<vmem>>, vector<1x1x64xf32>
    %get3A_15 = vector.shape_cast %get3A_14 : vector<1x1x64xf32> to vector<1x64xf32>
    %get3A_16 = arith.constant 0 : index
    %get3A_17 = arith.constant 2 : index
    %get3A_18 = arith.constant 0 : index
    %get3A_19 = vector.load %arg3[%get3A_16, %get3A_17, %get3A_18] : memref<1x3x64xf32, #tpu.memory_space<vmem>>, vector<1x1x64xf32>
    %get3A_20 = vector.shape_cast %get3A_19 : vector<1x1x64xf32> to vector<1x64xf32>
    %sub3A = vector.broadcast %slice3A : vector<16x1xf32> to vector<16x64xf32>
    %sub3A_21 = vector.broadcast %get3A_10 : vector<1x64xf32> to vector<16x64xf32>
    %sub3A_22 = arith.subf %sub3A, %sub3A_21 : vector<16x64xf32>
    %integer_pow3A = arith.mulf %sub3A_22, %sub3A_22 : vector<16x64xf32>
    %sub3A_23 = vector.broadcast %slice3A_4 : vector<16x1xf32> to vector<16x64xf32>
    %sub3A_24 = vector.broadcast %get3A_15 : vector<1x64xf32> to vector<16x64xf32>
    %sub3A_25 = arith.subf %sub3A_23, %sub3A_24 : vector<16x64xf32>
    %integer_pow3A_26 = arith.mulf %sub3A_25, %sub3A_25 : vector<16x64xf32>
    %add3A = arith.addf %integer_pow3A, %integer_pow3A_26 : vector<16x64xf32>
    %sub3A_27 = vector.broadcast %slice3A_5 : vector<16x1xf32> to vector<16x64xf32>
    %sub3A_28 = vector.broadcast %get3A_20 : vector<1x64xf32> to vector<16x64xf32>
    %sub3A_29 = arith.subf %sub3A_27, %sub3A_28 : vector<16x64xf32>
    %integer_pow3A_30 = arith.mulf %sub3A_29, %sub3A_29 : vector<16x64xf32>
    %add3A_31 = arith.addf %add3A, %integer_pow3A_30 : vector<16x64xf32>
    %iota3A = tpu.iota {dimensions = array<i32: 1>} : vector<16x64xi32>
    %le3A = arith.constant 6.400000e-01 : f32
    %le3A_32 = vector.broadcast %le3A : f32 to vector<16x64xf32>
    %le3A_33 = arith.cmpf ole, %add3A_31, %le3A_32 : vector<16x64xf32>
    %jit3A = arith.constant 64 : i32
    %broadcast_in_dim3A = vector.broadcast %jit3A : i32 to vector<16x64xi32>
    %select_n3A = arith.select %le3A_33, %iota3A, %broadcast_in_dim3A : vector<16x64xi1>, vector<16x64xi32>
    %reduce_min3A = arith.constant dense<2147483647> : vector<16xi32>
    %reduce_min3A_34 = vector.multi_reduction <minsi>, %select_n3A, %reduce_min3A [1] : vector<16x64xi32> to vector<16xi32>
    %broadcast_in_dim3A_35 = vector.shape_cast %reduce_min3A_34 : vector<16xi32> to vector<16x1xi32>
    %eq3A = vector.broadcast %broadcast_in_dim3A_35 : vector<16x1xi32> to vector<16x64xi32>
    %eq3A_36 = arith.cmpi eq, %select_n3A, %eq3A : vector<16x64xi32>
    %jit3A_37 = arith.constant 64 : i32
    %broadcast_in_dim3A_38 = vector.broadcast %jit3A_37 : i32 to vector<16x64xi32>
    %select_n3A_39 = arith.select %eq3A_36, %broadcast_in_dim3A_38, %select_n3A : vector<16x64xi1>, vector<16x64xi32>
    %reduce_min3A_40 = arith.constant dense<2147483647> : vector<16xi32>
    %reduce_min3A_41 = vector.multi_reduction <minsi>, %select_n3A_39, %reduce_min3A_40 [1] : vector<16x64xi32> to vector<16xi32>
    %broadcast_in_dim3A_42 = vector.shape_cast %reduce_min3A_41 : vector<16xi32> to vector<16x1xi32>
    %eq3A_43 = vector.broadcast %broadcast_in_dim3A_42 : vector<16x1xi32> to vector<16x64xi32>
    %eq3A_44 = arith.cmpi eq, %select_n3A_39, %eq3A_43 : vector<16x64xi32>
    %jit3A_45 = arith.constant 64 : i32
    %broadcast_in_dim3A_46 = vector.broadcast %jit3A_45 : i32 to vector<16x64xi32>
    %select_n3A_47 = arith.select %eq3A_44, %broadcast_in_dim3A_46, %select_n3A_39 : vector<16x64xi1>, vector<16x64xi32>
    %reduce_min3A_48 = arith.constant dense<2147483647> : vector<16xi32>
    %reduce_min3A_49 = vector.multi_reduction <minsi>, %select_n3A_47, %reduce_min3A_48 [1] : vector<16x64xi32> to vector<16xi32>
    %broadcast_in_dim3A_50 = vector.shape_cast %reduce_min3A_49 : vector<16xi32> to vector<16x1xi32>
    %eq3A_51 = vector.broadcast %broadcast_in_dim3A_50 : vector<16x1xi32> to vector<16x64xi32>
    %eq3A_52 = arith.cmpi eq, %select_n3A_47, %eq3A_51 : vector<16x64xi32>
    %jit3A_53 = arith.constant 64 : i32
    %broadcast_in_dim3A_54 = vector.broadcast %jit3A_53 : i32 to vector<16x64xi32>
    %select_n3A_55 = arith.select %eq3A_52, %broadcast_in_dim3A_54, %select_n3A_47 : vector<16x64xi1>, vector<16x64xi32>
    %reduce_min3A_56 = arith.constant dense<2147483647> : vector<16xi32>
    %reduce_min3A_57 = vector.multi_reduction <minsi>, %select_n3A_55, %reduce_min3A_56 [1] : vector<16x64xi32> to vector<16xi32>
    %broadcast_in_dim3A_58 = vector.shape_cast %reduce_min3A_57 : vector<16xi32> to vector<16x1xi32>
    %eq3A_59 = vector.broadcast %broadcast_in_dim3A_58 : vector<16x1xi32> to vector<16x64xi32>
    %eq3A_60 = arith.cmpi eq, %select_n3A_55, %eq3A_59 : vector<16x64xi32>
    %jit3A_61 = arith.constant 64 : i32
    %broadcast_in_dim3A_62 = vector.broadcast %jit3A_61 : i32 to vector<16x64xi32>
    %select_n3A_63 = arith.select %eq3A_60, %broadcast_in_dim3A_62, %select_n3A_55 : vector<16x64xi1>, vector<16x64xi32>
    %reduce_min3A_64 = arith.constant dense<2147483647> : vector<16xi32>
    %reduce_min3A_65 = vector.multi_reduction <minsi>, %select_n3A_63, %reduce_min3A_64 [1] : vector<16x64xi32> to vector<16xi32>
    %broadcast_in_dim3A_66 = vector.shape_cast %reduce_min3A_65 : vector<16xi32> to vector<16x1xi32>
    %eq3A_67 = vector.broadcast %broadcast_in_dim3A_66 : vector<16x1xi32> to vector<16x64xi32>
    %eq3A_68 = arith.cmpi eq, %select_n3A_63, %eq3A_67 : vector<16x64xi32>
    %jit3A_69 = arith.constant 64 : i32
    %broadcast_in_dim3A_70 = vector.broadcast %jit3A_69 : i32 to vector<16x64xi32>
    %select_n3A_71 = arith.select %eq3A_68, %broadcast_in_dim3A_70, %select_n3A_63 : vector<16x64xi1>, vector<16x64xi32>
    %reduce_min3A_72 = arith.constant dense<2147483647> : vector<16xi32>
    %reduce_min3A_73 = vector.multi_reduction <minsi>, %select_n3A_71, %reduce_min3A_72 [1] : vector<16x64xi32> to vector<16xi32>
    %broadcast_in_dim3A_74 = vector.shape_cast %reduce_min3A_73 : vector<16xi32> to vector<16x1xi32>
    %eq3A_75 = vector.broadcast %broadcast_in_dim3A_74 : vector<16x1xi32> to vector<16x64xi32>
    %eq3A_76 = arith.cmpi eq, %select_n3A_71, %eq3A_75 : vector<16x64xi32>
    %jit3A_77 = arith.constant 64 : i32
    %broadcast_in_dim3A_78 = vector.broadcast %jit3A_77 : i32 to vector<16x64xi32>
    %select_n3A_79 = arith.select %eq3A_76, %broadcast_in_dim3A_78, %select_n3A_71 : vector<16x64xi1>, vector<16x64xi32>
    %reduce_min3A_80 = arith.constant dense<2147483647> : vector<16xi32>
    %reduce_min3A_81 = vector.multi_reduction <minsi>, %select_n3A_79, %reduce_min3A_80 [1] : vector<16x64xi32> to vector<16xi32>
    %broadcast_in_dim3A_82 = vector.shape_cast %reduce_min3A_81 : vector<16xi32> to vector<16x1xi32>
    %eq3A_83 = vector.broadcast %broadcast_in_dim3A_82 : vector<16x1xi32> to vector<16x64xi32>
    %eq3A_84 = arith.cmpi eq, %select_n3A_79, %eq3A_83 : vector<16x64xi32>
    %jit3A_85 = arith.constant 64 : i32
    %broadcast_in_dim3A_86 = vector.broadcast %jit3A_85 : i32 to vector<16x64xi32>
    %select_n3A_87 = arith.select %eq3A_84, %broadcast_in_dim3A_86, %select_n3A_79 : vector<16x64xi1>, vector<16x64xi32>
    %reduce_min3A_88 = arith.constant dense<2147483647> : vector<16xi32>
    %reduce_min3A_89 = vector.multi_reduction <minsi>, %select_n3A_87, %reduce_min3A_88 [1] : vector<16x64xi32> to vector<16xi32>
    %broadcast_in_dim3A_90 = vector.shape_cast %reduce_min3A_89 : vector<16xi32> to vector<16x1xi32>
    %eq3A_91 = vector.broadcast %broadcast_in_dim3A_90 : vector<16x1xi32> to vector<16x64xi32>
    %eq3A_92 = arith.cmpi eq, %select_n3A_87, %eq3A_91 : vector<16x64xi32>
    %jit3A_93 = arith.constant 64 : i32
    %broadcast_in_dim3A_94 = vector.broadcast %jit3A_93 : i32 to vector<16x64xi32>
    %select_n3A_95 = arith.select %eq3A_92, %broadcast_in_dim3A_94, %select_n3A_87 : vector<16x64xi1>, vector<16x64xi32>
    %reduce_min3A_96 = arith.constant dense<2147483647> : vector<16xi32>
    %reduce_min3A_97 = vector.multi_reduction <minsi>, %select_n3A_95, %reduce_min3A_96 [1] : vector<16x64xi32> to vector<16xi32>
    %broadcast_in_dim3A_98 = vector.shape_cast %reduce_min3A_97 : vector<16xi32> to vector<16x1xi32>
    %eq3A_99 = vector.broadcast %broadcast_in_dim3A_98 : vector<16x1xi32> to vector<16x64xi32>
    %eq3A_100 = arith.cmpi eq, %select_n3A_95, %eq3A_99 : vector<16x64xi32>
    %jit3A_101 = arith.constant 64 : i32
    %broadcast_in_dim3A_102 = vector.broadcast %jit3A_101 : i32 to vector<16x64xi32>
    %select_n3A_103 = arith.select %eq3A_100, %broadcast_in_dim3A_102, %select_n3A_95 : vector<16x64xi1>, vector<16x64xi32>
    %reduce_min3A_104 = arith.constant dense<2147483647> : vector<16xi32>
    %reduce_min3A_105 = vector.multi_reduction <minsi>, %select_n3A_103, %reduce_min3A_104 [1] : vector<16x64xi32> to vector<16xi32>
    %broadcast_in_dim3A_106 = vector.shape_cast %reduce_min3A_105 : vector<16xi32> to vector<16x1xi32>
    %eq3A_107 = vector.broadcast %broadcast_in_dim3A_106 : vector<16x1xi32> to vector<16x64xi32>
    %eq3A_108 = arith.cmpi eq, %select_n3A_103, %eq3A_107 : vector<16x64xi32>
    %jit3A_109 = arith.constant 64 : i32
    %broadcast_in_dim3A_110 = vector.broadcast %jit3A_109 : i32 to vector<16x64xi32>
    %select_n3A_111 = arith.select %eq3A_108, %broadcast_in_dim3A_110, %select_n3A_103 : vector<16x64xi1>, vector<16x64xi32>
    %reduce_min3A_112 = arith.constant dense<2147483647> : vector<16xi32>
    %reduce_min3A_113 = vector.multi_reduction <minsi>, %select_n3A_111, %reduce_min3A_112 [1] : vector<16x64xi32> to vector<16xi32>
    %broadcast_in_dim3A_114 = vector.shape_cast %reduce_min3A_113 : vector<16xi32> to vector<16x1xi32>
    %eq3A_115 = vector.broadcast %broadcast_in_dim3A_114 : vector<16x1xi32> to vector<16x64xi32>
    %eq3A_116 = arith.cmpi eq, %select_n3A_111, %eq3A_115 : vector<16x64xi32>
    %jit3A_117 = arith.constant 64 : i32
    %broadcast_in_dim3A_118 = vector.broadcast %jit3A_117 : i32 to vector<16x64xi32>
    %select_n3A_119 = arith.select %eq3A_116, %broadcast_in_dim3A_118, %select_n3A_111 : vector<16x64xi1>, vector<16x64xi32>
    %reduce_min3A_120 = arith.constant dense<2147483647> : vector<16xi32>
    %reduce_min3A_121 = vector.multi_reduction <minsi>, %select_n3A_119, %reduce_min3A_120 [1] : vector<16x64xi32> to vector<16xi32>
    %broadcast_in_dim3A_122 = vector.shape_cast %reduce_min3A_121 : vector<16xi32> to vector<16x1xi32>
    %eq3A_123 = vector.broadcast %broadcast_in_dim3A_122 : vector<16x1xi32> to vector<16x64xi32>
    %eq3A_124 = arith.cmpi eq, %select_n3A_119, %eq3A_123 : vector<16x64xi32>
    %jit3A_125 = arith.constant 64 : i32
    %broadcast_in_dim3A_126 = vector.broadcast %jit3A_125 : i32 to vector<16x64xi32>
    %select_n3A_127 = arith.select %eq3A_124, %broadcast_in_dim3A_126, %select_n3A_119 : vector<16x64xi1>, vector<16x64xi32>
    %reduce_min3A_128 = arith.constant dense<2147483647> : vector<16xi32>
    %reduce_min3A_129 = vector.multi_reduction <minsi>, %select_n3A_127, %reduce_min3A_128 [1] : vector<16x64xi32> to vector<16xi32>
    %broadcast_in_dim3A_130 = vector.shape_cast %reduce_min3A_129 : vector<16xi32> to vector<16x1xi32>
    %eq3A_131 = vector.broadcast %broadcast_in_dim3A_130 : vector<16x1xi32> to vector<16x64xi32>
    %eq3A_132 = arith.cmpi eq, %select_n3A_127, %eq3A_131 : vector<16x64xi32>
    %jit3A_133 = arith.constant 64 : i32
    %broadcast_in_dim3A_134 = vector.broadcast %jit3A_133 : i32 to vector<16x64xi32>
    %select_n3A_135 = arith.select %eq3A_132, %broadcast_in_dim3A_134, %select_n3A_127 : vector<16x64xi1>, vector<16x64xi32>
    %reduce_min3A_136 = arith.constant dense<2147483647> : vector<16xi32>
    %reduce_min3A_137 = vector.multi_reduction <minsi>, %select_n3A_135, %reduce_min3A_136 [1] : vector<16x64xi32> to vector<16xi32>
    %broadcast_in_dim3A_138 = vector.shape_cast %reduce_min3A_137 : vector<16xi32> to vector<16x1xi32>
    %eq3A_139 = vector.broadcast %broadcast_in_dim3A_138 : vector<16x1xi32> to vector<16x64xi32>
    %eq3A_140 = arith.cmpi eq, %select_n3A_135, %eq3A_139 : vector<16x64xi32>
    %jit3A_141 = arith.constant 64 : i32
    %broadcast_in_dim3A_142 = vector.broadcast %jit3A_141 : i32 to vector<16x64xi32>
    %select_n3A_143 = arith.select %eq3A_140, %broadcast_in_dim3A_142, %select_n3A_135 : vector<16x64xi1>, vector<16x64xi32>
    %reduce_min3A_144 = arith.constant dense<2147483647> : vector<16xi32>
    %reduce_min3A_145 = vector.multi_reduction <minsi>, %select_n3A_143, %reduce_min3A_144 [1] : vector<16x64xi32> to vector<16xi32>
    %broadcast_in_dim3A_146 = vector.shape_cast %reduce_min3A_145 : vector<16xi32> to vector<16x1xi32>
    %eq3A_147 = vector.broadcast %broadcast_in_dim3A_146 : vector<16x1xi32> to vector<16x64xi32>
    %eq3A_148 = arith.cmpi eq, %select_n3A_143, %eq3A_147 : vector<16x64xi32>
    %jit3A_149 = arith.constant 64 : i32
    %broadcast_in_dim3A_150 = vector.broadcast %jit3A_149 : i32 to vector<16x64xi32>
    %select_n3A_151 = arith.select %eq3A_148, %broadcast_in_dim3A_150, %select_n3A_143 : vector<16x64xi1>, vector<16x64xi32>
    %reduce_min3A_152 = arith.constant dense<2147483647> : vector<16xi32>
    %reduce_min3A_153 = vector.multi_reduction <minsi>, %select_n3A_151, %reduce_min3A_152 [1] : vector<16x64xi32> to vector<16xi32>
    %broadcast_in_dim3A_154 = vector.shape_cast %reduce_min3A_153 : vector<16xi32> to vector<16x1xi32>
    %eq3A_155 = vector.broadcast %broadcast_in_dim3A_154 : vector<16x1xi32> to vector<16x64xi32>
    %eq3A_156 = arith.cmpi eq, %select_n3A_151, %eq3A_155 : vector<16x64xi32>
    %jit3A_157 = arith.constant 64 : i32
    %broadcast_in_dim3A_158 = vector.broadcast %jit3A_157 : i32 to vector<16x64xi32>
    %select_n3A_159 = arith.select %eq3A_156, %broadcast_in_dim3A_158, %select_n3A_151 : vector<16x64xi1>, vector<16x64xi32>
    %reduce_min3A_160 = arith.constant dense<2147483647> : vector<16xi32>
    %reduce_min3A_161 = vector.multi_reduction <minsi>, %select_n3A_159, %reduce_min3A_160 [1] : vector<16x64xi32> to vector<16xi32>
    %broadcast_in_dim3A_162 = vector.shape_cast %reduce_min3A_161 : vector<16xi32> to vector<16x1xi32>
    %eq3A_163 = vector.broadcast %broadcast_in_dim3A_162 : vector<16x1xi32> to vector<16x64xi32>
    %eq3A_164 = arith.cmpi eq, %select_n3A_159, %eq3A_163 : vector<16x64xi32>
    %jit3A_165 = arith.constant 64 : i32
    %broadcast_in_dim3A_166 = vector.broadcast %jit3A_165 : i32 to vector<16x64xi32>
    %select_n3A_167 = arith.select %eq3A_164, %broadcast_in_dim3A_166, %select_n3A_159 : vector<16x64xi1>, vector<16x64xi32>
    %reduce_min3A_168 = arith.constant dense<2147483647> : vector<16xi32>
    %reduce_min3A_169 = vector.multi_reduction <minsi>, %select_n3A_167, %reduce_min3A_168 [1] : vector<16x64xi32> to vector<16xi32>
    %broadcast_in_dim3A_170 = vector.shape_cast %reduce_min3A_169 : vector<16xi32> to vector<16x1xi32>
    %eq3A_171 = vector.broadcast %broadcast_in_dim3A_170 : vector<16x1xi32> to vector<16x64xi32>
    %eq3A_172 = arith.cmpi eq, %select_n3A_167, %eq3A_171 : vector<16x64xi32>
    %jit3A_173 = arith.constant 64 : i32
    %broadcast_in_dim3A_174 = vector.broadcast %jit3A_173 : i32 to vector<16x64xi32>
    %select_n3A_175 = arith.select %eq3A_172, %broadcast_in_dim3A_174, %select_n3A_167 : vector<16x64xi1>, vector<16x64xi32>
    %reduce_min3A_176 = arith.constant dense<2147483647> : vector<16xi32>
    %reduce_min3A_177 = vector.multi_reduction <minsi>, %select_n3A_175, %reduce_min3A_176 [1] : vector<16x64xi32> to vector<16xi32>
    %broadcast_in_dim3A_178 = vector.shape_cast %reduce_min3A_177 : vector<16xi32> to vector<16x1xi32>
    %eq3A_179 = vector.broadcast %broadcast_in_dim3A_178 : vector<16x1xi32> to vector<16x64xi32>
    %eq3A_180 = arith.cmpi eq, %select_n3A_175, %eq3A_179 : vector<16x64xi32>
    %jit3A_181 = arith.constant 64 : i32
    %broadcast_in_dim3A_182 = vector.broadcast %jit3A_181 : i32 to vector<16x64xi32>
    %select_n3A_183 = arith.select %eq3A_180, %broadcast_in_dim3A_182, %select_n3A_175 : vector<16x64xi1>, vector<16x64xi32>
    %reduce_min3A_184 = arith.constant dense<2147483647> : vector<16xi32>
    %reduce_min3A_185 = vector.multi_reduction <minsi>, %select_n3A_183, %reduce_min3A_184 [1] : vector<16x64xi32> to vector<16xi32>
    %broadcast_in_dim3A_186 = vector.shape_cast %reduce_min3A_185 : vector<16xi32> to vector<16x1xi32>
    %eq3A_187 = vector.broadcast %broadcast_in_dim3A_186 : vector<16x1xi32> to vector<16x64xi32>
    %eq3A_188 = arith.cmpi eq, %select_n3A_183, %eq3A_187 : vector<16x64xi32>
    %jit3A_189 = arith.constant 64 : i32
    %broadcast_in_dim3A_190 = vector.broadcast %jit3A_189 : i32 to vector<16x64xi32>
    %select_n3A_191 = arith.select %eq3A_188, %broadcast_in_dim3A_190, %select_n3A_183 : vector<16x64xi1>, vector<16x64xi32>
    %reduce_min3A_192 = arith.constant dense<2147483647> : vector<16xi32>
    %reduce_min3A_193 = vector.multi_reduction <minsi>, %select_n3A_191, %reduce_min3A_192 [1] : vector<16x64xi32> to vector<16xi32>
    %broadcast_in_dim3A_194 = vector.shape_cast %reduce_min3A_193 : vector<16xi32> to vector<16x1xi32>
    %eq3A_195 = vector.broadcast %broadcast_in_dim3A_194 : vector<16x1xi32> to vector<16x64xi32>
    %eq3A_196 = arith.cmpi eq, %select_n3A_191, %eq3A_195 : vector<16x64xi32>
    %jit3A_197 = arith.constant 64 : i32
    %broadcast_in_dim3A_198 = vector.broadcast %jit3A_197 : i32 to vector<16x64xi32>
    %select_n3A_199 = arith.select %eq3A_196, %broadcast_in_dim3A_198, %select_n3A_191 : vector<16x64xi1>, vector<16x64xi32>
    %reduce_min3A_200 = arith.constant dense<2147483647> : vector<16xi32>
    %reduce_min3A_201 = vector.multi_reduction <minsi>, %select_n3A_199, %reduce_min3A_200 [1] : vector<16x64xi32> to vector<16xi32>
    %broadcast_in_dim3A_202 = vector.shape_cast %reduce_min3A_201 : vector<16xi32> to vector<16x1xi32>
    %eq3A_203 = vector.broadcast %broadcast_in_dim3A_202 : vector<16x1xi32> to vector<16x64xi32>
    %eq3A_204 = arith.cmpi eq, %select_n3A_199, %eq3A_203 : vector<16x64xi32>
    %jit3A_205 = arith.constant 64 : i32
    %broadcast_in_dim3A_206 = vector.broadcast %jit3A_205 : i32 to vector<16x64xi32>
    %select_n3A_207 = arith.select %eq3A_204, %broadcast_in_dim3A_206, %select_n3A_199 : vector<16x64xi1>, vector<16x64xi32>
    %reduce_min3A_208 = arith.constant dense<2147483647> : vector<16xi32>
    %reduce_min3A_209 = vector.multi_reduction <minsi>, %select_n3A_207, %reduce_min3A_208 [1] : vector<16x64xi32> to vector<16xi32>
    %broadcast_in_dim3A_210 = vector.shape_cast %reduce_min3A_209 : vector<16xi32> to vector<16x1xi32>
    %eq3A_211 = vector.broadcast %broadcast_in_dim3A_210 : vector<16x1xi32> to vector<16x64xi32>
    %eq3A_212 = arith.cmpi eq, %select_n3A_207, %eq3A_211 : vector<16x64xi32>
    %jit3A_213 = arith.constant 64 : i32
    %broadcast_in_dim3A_214 = vector.broadcast %jit3A_213 : i32 to vector<16x64xi32>
    %select_n3A_215 = arith.select %eq3A_212, %broadcast_in_dim3A_214, %select_n3A_207 : vector<16x64xi1>, vector<16x64xi32>
    %reduce_min3A_216 = arith.constant dense<2147483647> : vector<16xi32>
    %reduce_min3A_217 = vector.multi_reduction <minsi>, %select_n3A_215, %reduce_min3A_216 [1] : vector<16x64xi32> to vector<16xi32>
    %broadcast_in_dim3A_218 = vector.shape_cast %reduce_min3A_217 : vector<16xi32> to vector<16x1xi32>
    %eq3A_219 = vector.broadcast %broadcast_in_dim3A_218 : vector<16x1xi32> to vector<16x64xi32>
    %eq3A_220 = arith.cmpi eq, %select_n3A_215, %eq3A_219 : vector<16x64xi32>
    %jit3A_221 = arith.constant 64 : i32
    %broadcast_in_dim3A_222 = vector.broadcast %jit3A_221 : i32 to vector<16x64xi32>
    %select_n3A_223 = arith.select %eq3A_220, %broadcast_in_dim3A_222, %select_n3A_215 : vector<16x64xi1>, vector<16x64xi32>
    %reduce_min3A_224 = arith.constant dense<2147483647> : vector<16xi32>
    %reduce_min3A_225 = vector.multi_reduction <minsi>, %select_n3A_223, %reduce_min3A_224 [1] : vector<16x64xi32> to vector<16xi32>
    %broadcast_in_dim3A_226 = vector.shape_cast %reduce_min3A_225 : vector<16xi32> to vector<16x1xi32>
    %eq3A_227 = vector.broadcast %broadcast_in_dim3A_226 : vector<16x1xi32> to vector<16x64xi32>
    %eq3A_228 = arith.cmpi eq, %select_n3A_223, %eq3A_227 : vector<16x64xi32>
    %jit3A_229 = arith.constant 64 : i32
    %broadcast_in_dim3A_230 = vector.broadcast %jit3A_229 : i32 to vector<16x64xi32>
    %select_n3A_231 = arith.select %eq3A_228, %broadcast_in_dim3A_230, %select_n3A_223 : vector<16x64xi1>, vector<16x64xi32>
    %reduce_min3A_232 = arith.constant dense<2147483647> : vector<16xi32>
    %reduce_min3A_233 = vector.multi_reduction <minsi>, %select_n3A_231, %reduce_min3A_232 [1] : vector<16x64xi32> to vector<16xi32>
    %broadcast_in_dim3A_234 = vector.shape_cast %reduce_min3A_233 : vector<16xi32> to vector<16x1xi32>
    %eq3A_235 = vector.broadcast %broadcast_in_dim3A_234 : vector<16x1xi32> to vector<16x64xi32>
    %eq3A_236 = arith.cmpi eq, %select_n3A_231, %eq3A_235 : vector<16x64xi32>
    %jit3A_237 = arith.constant 64 : i32
    %broadcast_in_dim3A_238 = vector.broadcast %jit3A_237 : i32 to vector<16x64xi32>
    %select_n3A_239 = arith.select %eq3A_236, %broadcast_in_dim3A_238, %select_n3A_231 : vector<16x64xi1>, vector<16x64xi32>
    %reduce_min3A_240 = arith.constant dense<2147483647> : vector<16xi32>
    %reduce_min3A_241 = vector.multi_reduction <minsi>, %select_n3A_239, %reduce_min3A_240 [1] : vector<16x64xi32> to vector<16xi32>
    %broadcast_in_dim3A_242 = vector.shape_cast %reduce_min3A_241 : vector<16xi32> to vector<16x1xi32>
    %eq3A_243 = vector.broadcast %broadcast_in_dim3A_242 : vector<16x1xi32> to vector<16x64xi32>
    %eq3A_244 = arith.cmpi eq, %select_n3A_239, %eq3A_243 : vector<16x64xi32>
    %jit3A_245 = arith.constant 64 : i32
    %broadcast_in_dim3A_246 = vector.broadcast %jit3A_245 : i32 to vector<16x64xi32>
    %select_n3A_247 = arith.select %eq3A_244, %broadcast_in_dim3A_246, %select_n3A_239 : vector<16x64xi1>, vector<16x64xi32>
    %reduce_min3A_248 = arith.constant dense<2147483647> : vector<16xi32>
    %reduce_min3A_249 = vector.multi_reduction <minsi>, %select_n3A_247, %reduce_min3A_248 [1] : vector<16x64xi32> to vector<16xi32>
    %broadcast_in_dim3A_250 = vector.shape_cast %reduce_min3A_249 : vector<16xi32> to vector<16x1xi32>
    %eq3A_251 = vector.broadcast %broadcast_in_dim3A_250 : vector<16x1xi32> to vector<16x64xi32>
    %eq3A_252 = arith.cmpi eq, %select_n3A_247, %eq3A_251 : vector<16x64xi32>
    %jit3A_253 = arith.constant 64 : i32
    %broadcast_in_dim3A_254 = vector.broadcast %jit3A_253 : i32 to vector<16x64xi32>
    %select_n3A_255 = arith.select %eq3A_252, %broadcast_in_dim3A_254, %select_n3A_247 : vector<16x64xi1>, vector<16x64xi32>
    %reduce_min3A_256 = arith.constant dense<2147483647> : vector<16xi32>
    %reduce_min3A_257 = vector.multi_reduction <minsi>, %select_n3A_255, %reduce_min3A_256 [1] : vector<16x64xi32> to vector<16xi32>
    %broadcast_in_dim3A_258 = vector.shape_cast %reduce_min3A_257 : vector<16xi32> to vector<16x1xi32>
    %eq3A_259 = vector.broadcast %broadcast_in_dim3A_258 : vector<16x1xi32> to vector<16x64xi32>
    %eq3A_260 = arith.cmpi eq, %select_n3A_255, %eq3A_259 : vector<16x64xi32>
    %jit3A_261 = arith.constant 64 : i32
    %broadcast_in_dim3A_262 = vector.broadcast %jit3A_261 : i32 to vector<16x64xi32>
    %select_n3A_263 = arith.select %eq3A_260, %broadcast_in_dim3A_262, %select_n3A_255 : vector<16x64xi1>, vector<16x64xi32>
    %reduce_min3A_264 = arith.constant dense<2147483647> : vector<16xi32>
    %reduce_min3A_265 = vector.multi_reduction <minsi>, %select_n3A_263, %reduce_min3A_264 [1] : vector<16x64xi32> to vector<16xi32>
    %broadcast_in_dim3A_266 = vector.shape_cast %reduce_min3A_265 : vector<16xi32> to vector<16x1xi32>
    %eq3A_267 = vector.broadcast %broadcast_in_dim3A_266 : vector<16x1xi32> to vector<16x64xi32>
    %eq3A_268 = arith.cmpi eq, %select_n3A_263, %eq3A_267 : vector<16x64xi32>
    %jit3A_269 = arith.constant 64 : i32
    %broadcast_in_dim3A_270 = vector.broadcast %jit3A_269 : i32 to vector<16x64xi32>
    %select_n3A_271 = arith.select %eq3A_268, %broadcast_in_dim3A_270, %select_n3A_263 : vector<16x64xi1>, vector<16x64xi32>
    %reduce_min3A_272 = arith.constant dense<2147483647> : vector<16xi32>
    %reduce_min3A_273 = vector.multi_reduction <minsi>, %select_n3A_271, %reduce_min3A_272 [1] : vector<16x64xi32> to vector<16xi32>
    %broadcast_in_dim3A_274 = vector.shape_cast %reduce_min3A_273 : vector<16xi32> to vector<16x1xi32>
    %eq3A_275 = vector.broadcast %broadcast_in_dim3A_274 : vector<16x1xi32> to vector<16x64xi32>
    %eq3A_276 = arith.cmpi eq, %select_n3A_271, %eq3A_275 : vector<16x64xi32>
    %jit3A_277 = arith.constant 64 : i32
    %broadcast_in_dim3A_278 = vector.broadcast %jit3A_277 : i32 to vector<16x64xi32>
    %select_n3A_279 = arith.select %eq3A_276, %broadcast_in_dim3A_278, %select_n3A_271 : vector<16x64xi1>, vector<16x64xi32>
    %reduce_min3A_280 = arith.constant dense<2147483647> : vector<16xi32>
    %reduce_min3A_281 = vector.multi_reduction <minsi>, %select_n3A_279, %reduce_min3A_280 [1] : vector<16x64xi32> to vector<16xi32>
    %broadcast_in_dim3A_282 = vector.shape_cast %reduce_min3A_281 : vector<16xi32> to vector<16x1xi32>
    %concatenate3A = tpu.concatenate %broadcast_in_dim3A_35, %broadcast_in_dim3A_42, %broadcast_in_dim3A_50, %broadcast_in_dim3A_58, %broadcast_in_dim3A_66, %broadcast_in_dim3A_74, %broadcast_in_dim3A_82, %broadcast_in_dim3A_90, %broadcast_in_dim3A_98, %broadcast_in_dim3A_106, %broadcast_in_dim3A_114, %broadcast_in_dim3A_122, %broadcast_in_dim3A_130, %broadcast_in_dim3A_138, %broadcast_in_dim3A_146, %broadcast_in_dim3A_154, %broadcast_in_dim3A_162, %broadcast_in_dim3A_170, %broadcast_in_dim3A_178, %broadcast_in_dim3A_186, %broadcast_in_dim3A_194, %broadcast_in_dim3A_202, %broadcast_in_dim3A_210, %broadcast_in_dim3A_218, %broadcast_in_dim3A_226, %broadcast_in_dim3A_234, %broadcast_in_dim3A_242, %broadcast_in_dim3A_250, %broadcast_in_dim3A_258, %broadcast_in_dim3A_266, %broadcast_in_dim3A_274, %broadcast_in_dim3A_282 in 1 : vector<16x1xi32>, vector<16x1xi32>, vector<16x1xi32>, vector<16x1xi32>, vector<16x1xi32>, vector<16x1xi32>, vector<16x1xi32>, vector<16x1xi32>, vector<16x1xi32>, vector<16x1xi32>, vector<16x1xi32>, vector<16x1xi32>, vector<16x1xi32>, vector<16x1xi32>, vector<16x1xi32>, vector<16x1xi32>, vector<16x1xi32>, vector<16x1xi32>, vector<16x1xi32>, vector<16x1xi32>, vector<16x1xi32>, vector<16x1xi32>, vector<16x1xi32>, vector<16x1xi32>, vector<16x1xi32>, vector<16x1xi32>, vector<16x1xi32>, vector<16x1xi32>, vector<16x1xi32>, vector<16x1xi32>, vector<16x1xi32>, vector<16x1xi32> -> vector<16x32xi32>
    %slice3A_283 = vector.extract_strided_slice %concatenate3A {offsets = [0, 0], sizes = [16, 1], strides = [1, 1]} : vector<16x32xi32> to vector<16x1xi32>
    %eq3A_284 = arith.constant 64 : i32
    %eq3A_285 = vector.broadcast %eq3A_284 : i32 to vector<16x32xi32>
    %eq3A_286 = arith.cmpi eq, %concatenate3A, %eq3A_285 : vector<16x32xi32>
    %broadcast_in_dim3A_287 = vector.shape_cast %slice3A_283 : vector<16x1xi32> to vector<16x1xi32>
    %broadcast_in_dim3A_288 = vector.broadcast %broadcast_in_dim3A_287 : vector<16x1xi32> to vector<16x32xi32>
    %select_n3A_289 = arith.select %eq3A_286, %broadcast_in_dim3A_288, %concatenate3A : vector<16x32xi1>, vector<16x32xi32>
    %mul3A = arith.constant 64 : i32
    %mul3A_290 = arith.muli %arg0, %mul3A : i32
    %add3A_291 = vector.broadcast %mul3A_290 : i32 to vector<16x32xi32>
    %add3A_292 = arith.addi %select_n3A_289, %add3A_291 : vector<16x32xi32>
    %swap3A = arith.constant 0 : index
    %swap3A_293 = arith.constant 0 : index
    %swap3A_294 = arith.constant 0 : index
    %swap3A_295 = vector.load %arg4[%swap3A, %swap3A_293, %swap3A_294] : memref<1x16x32xi32, #tpu.memory_space<vmem>>, vector<1x16x32xi32>
    %swap3A_296 = vector.shape_cast %swap3A_295 : vector<1x16x32xi32> to vector<16x32xi32>
    %swap3A_297 = vector.shape_cast %add3A_292 : vector<16x32xi32> to vector<1x16x32xi32>
    tpu.vector_store %arg4[%swap3A, %swap3A_293, %swap3A_294], %swap3A_297 {strides = array<i32>} : memref<1x16x32xi32, #tpu.memory_space<vmem>>, vector<1x16x32xi32>,
    return
  }
  func.func @transform_0(%arg0: i32, %arg1: i32) -> (i32, i32, i32) {
    %c0_i32 = arith.constant 0 : i32
    %c0_i32_0 = arith.constant 0 : i32
    return %arg0, %arg1, %c0_i32 : i32, i32, i32
  }
  func.func @transform_1(%arg0: i32, %arg1: i32) -> (i32, i32, i32) {
    %c0_i32 = arith.constant 0 : i32
    %c0_i32_0 = arith.constant 0 : i32
    %c0_i32_1 = arith.constant 0 : i32
    return %arg0, %c0_i32, %c0_i32_0 : i32, i32, i32
  }
  func.func @transform_2(%arg0: i32, %arg1: i32) -> (i32, i32, i32) {
    %c0_i32 = arith.constant 0 : i32
    %c0_i32_0 = arith.constant 0 : i32
    return %arg0, %arg1, %c0_i32 : i32, i32, i32
  }
}

module attributes {stable_mosaic.version = 14 : i64} {
  func.func @_sal1_kernel(%arg0: i32, %arg1: i32, %arg2: memref<512x256xf32, #tpu.memory_space<vmem>>, %arg3: memref<512x3xf32, #tpu.memory_space<vmem>>, %arg4: memref<256x128xf32, #tpu.memory_space<vmem>>, %arg5: memref<1x16x32x128xf32, #tpu.memory_space<vmem>>) attributes {dimension_semantics = [#tpu.dimension_semantics<arbitrary>, #tpu.dimension_semantics<arbitrary>], iteration_bounds = array<i64: 4, 4>, scalar_prefetch = 0 : i64, scratch_operands = 0 : i64, tpu.core_type = #tpu.core_type<tc>, window_params = [{transform_indices = @transform_0, window_bounds = array<i64: 512, 256>}, {transform_indices = @transform_1, window_bounds = array<i64: 512, 3>}, {pipeline_mode = #tpu.pipeline_mode<synchronous>, transform_indices = @transform_2, window_bounds = array<i64: 256, 128>}, {transform_indices = @transform_3, window_bounds = array<i64: 1, 16, 32, 128>}]} {
    %get3A = arith.constant 0 : index
    %get3A_0 = arith.constant 0 : index
    %get3A_1 = vector.load %arg2[%get3A, %get3A_0] : memref<512x256xf32, #tpu.memory_space<vmem>>, vector<512x256xf32>
    %get3A_2 = arith.constant 0 : index
    %get3A_3 = arith.constant 0 : index
    %get3A_4 = vector.load %arg3[%get3A_2, %get3A_3] : memref<512x3xf32, #tpu.memory_space<vmem>>, vector<512x3xf32>
    %broadcast_in_dim3A = arith.constant 0.000000e+00 : f32
    %broadcast_in_dim3A_5 = vector.broadcast %broadcast_in_dim3A : f32 to vector<512x128xf32>
    %broadcast_in_dim3A_6 = arith.constant 0.000000e+00 : f32
    %broadcast_in_dim3A_7 = vector.broadcast %broadcast_in_dim3A_6 : f32 to vector<512x125xf32>
    %concatenate3A = tpu.concatenate %broadcast_in_dim3A_5, %get3A_4, %broadcast_in_dim3A_7 in 1 : vector<512x128xf32>, vector<512x3xf32>, vector<512x125xf32> -> vector<512x256xf32>
    %sub3A = arith.subf %get3A_1, %concatenate3A : vector<512x256xf32>
    %get3A_8 = arith.constant 0 : index
    %get3A_9 = arith.constant 0 : index
    %get3A_10 = vector.load %arg4[%get3A_8, %get3A_9] : memref<256x128xf32, #tpu.memory_space<vmem>>, vector<256x128xf32>
    %dot_general3A = arith.constant dense<0.000000e+00> : vector<512x128xf32>
    %dot_general3A_11 = tpu.matmul %sub3A, %get3A_10, %dot_general3A {dimension_numbers = #tpu.dot_dimension_numbers<[1], [0], [0], [1], [0, 0, 1, 1], [], []>, transpose_lhs_hint = false} : vector<512x256xf32>, vector<256x128xf32>, vector<512x128xf32> -> vector<512x128xf32>
    %reshape3A = vector.shape_cast %dot_general3A_11 : vector<512x128xf32> to vector<1x16x32x128xf32>
    %swap3A = arith.constant 0 : index
    %swap3A_12 = arith.constant 0 : index
    %swap3A_13 = arith.constant 0 : index
    %swap3A_14 = arith.constant 0 : index
    %swap3A_15 = vector.load %arg5[%swap3A, %swap3A_12, %swap3A_13, %swap3A_14] : memref<1x16x32x128xf32, #tpu.memory_space<vmem>>, vector<1x16x32x128xf32>
    tpu.vector_store %arg5[%swap3A, %swap3A_12, %swap3A_13, %swap3A_14], %reshape3A {strides = array<i32>} : memref<1x16x32x128xf32, #tpu.memory_space<vmem>>, vector<1x16x32x128xf32>,
    return
  }
  func.func @transform_0(%arg0: i32, %arg1: i32) -> (i32, i32) {
    %mul3A = arith.constant 4 : i32
    %mul3A_0 = arith.muli %arg0, %mul3A : i32
    %add3A = arith.addi %mul3A_0, %arg1 : i32
    %c0_i32 = arith.constant 0 : i32
    %c0_i32_1 = arith.constant 0 : i32
    return %add3A, %c0_i32 : i32, i32
  }
  func.func @transform_1(%arg0: i32, %arg1: i32) -> (i32, i32) {
    %mul3A = arith.constant 4 : i32
    %mul3A_0 = arith.muli %arg0, %mul3A : i32
    %add3A = arith.addi %mul3A_0, %arg1 : i32
    %c0_i32 = arith.constant 0 : i32
    %c0_i32_1 = arith.constant 0 : i32
    return %add3A, %c0_i32 : i32, i32
  }
  func.func @transform_2(%arg0: i32, %arg1: i32) -> (i32, i32) {
    %c0_i32 = arith.constant 0 : i32
    %c0_i32_0 = arith.constant 0 : i32
    %c0_i32_1 = arith.constant 0 : i32
    return %c0_i32, %c0_i32_0 : i32, i32
  }
  func.func @transform_3(%arg0: i32, %arg1: i32) -> (i32, i32, i32, i32) {
    %c0_i32 = arith.constant 0 : i32
    %c0_i32_0 = arith.constant 0 : i32
    %c0_i32_1 = arith.constant 0 : i32
    return %arg0, %arg1, %c0_i32, %c0_i32_0 : i32, i32, i32, i32
  }
}

module attributes {stable_mosaic.version = 14 : i64} {
  func.func @_mm_kernel(%arg0: i32, %arg1: i32, %arg2: memref<512x128xf32, #tpu.memory_space<vmem>>, %arg3: memref<128x128xf32, #tpu.memory_space<vmem>>, %arg4: memref<1x16x32x128xf32, #tpu.memory_space<vmem>>) attributes {dimension_semantics = [#tpu.dimension_semantics<arbitrary>, #tpu.dimension_semantics<arbitrary>], iteration_bounds = array<i64: 4, 4>, scalar_prefetch = 0 : i64, scratch_operands = 0 : i64, tpu.core_type = #tpu.core_type<tc>, window_params = [{transform_indices = @transform_0, window_bounds = array<i64: 512, 128>}, {pipeline_mode = #tpu.pipeline_mode<synchronous>, transform_indices = @transform_1, window_bounds = array<i64: 128, 128>}, {transform_indices = @transform_2, window_bounds = array<i64: 1, 16, 32, 128>}]} {
    %get3A = arith.constant 0 : index
    %get3A_0 = arith.constant 0 : index
    %get3A_1 = vector.load %arg2[%get3A, %get3A_0] : memref<512x128xf32, #tpu.memory_space<vmem>>, vector<512x128xf32>
    %get3A_2 = arith.constant 0 : index
    %get3A_3 = arith.constant 0 : index
    %get3A_4 = vector.load %arg3[%get3A_2, %get3A_3] : memref<128x128xf32, #tpu.memory_space<vmem>>, vector<128x128xf32>
    %dot_general3A = arith.constant dense<0.000000e+00> : vector<512x128xf32>
    %dot_general3A_5 = tpu.matmul %get3A_1, %get3A_4, %dot_general3A {dimension_numbers = #tpu.dot_dimension_numbers<[1], [0], [0], [1], [0, 0, 1, 1], [], []>, transpose_lhs_hint = false} : vector<512x128xf32>, vector<128x128xf32>, vector<512x128xf32> -> vector<512x128xf32>
    %reshape3A = vector.shape_cast %dot_general3A_5 : vector<512x128xf32> to vector<1x16x32x128xf32>
    %swap3A = arith.constant 0 : index
    %swap3A_6 = arith.constant 0 : index
    %swap3A_7 = arith.constant 0 : index
    %swap3A_8 = arith.constant 0 : index
    %swap3A_9 = vector.load %arg4[%swap3A, %swap3A_6, %swap3A_7, %swap3A_8] : memref<1x16x32x128xf32, #tpu.memory_space<vmem>>, vector<1x16x32x128xf32>
    tpu.vector_store %arg4[%swap3A, %swap3A_6, %swap3A_7, %swap3A_8], %reshape3A {strides = array<i32>} : memref<1x16x32x128xf32, #tpu.memory_space<vmem>>, vector<1x16x32x128xf32>,
    return
  }
  func.func @transform_0(%arg0: i32, %arg1: i32) -> (i32, i32) {
    %mul3A = arith.constant 4 : i32
    %mul3A_0 = arith.muli %arg0, %mul3A : i32
    %add3A = arith.addi %mul3A_0, %arg1 : i32
    %c0_i32 = arith.constant 0 : i32
    %c0_i32_1 = arith.constant 0 : i32
    return %add3A, %c0_i32 : i32, i32
  }
  func.func @transform_1(%arg0: i32, %arg1: i32) -> (i32, i32) {
    %c0_i32 = arith.constant 0 : i32
    %c0_i32_0 = arith.constant 0 : i32
    %c0_i32_1 = arith.constant 0 : i32
    return %c0_i32, %c0_i32_0 : i32, i32
  }
  func.func @transform_2(%arg0: i32, %arg1: i32) -> (i32, i32, i32, i32) {
    %c0_i32 = arith.constant 0 : i32
    %c0_i32_0 = arith.constant 0 : i32
    %c0_i32_1 = arith.constant 0 : i32
    return %arg0, %arg1, %c0_i32, %c0_i32_0 : i32, i32, i32, i32
  }
}

module attributes {stable_mosaic.version = 14 : i64} {
  func.func @_mm_kernel(%arg0: i32, %arg1: i32, %arg2: memref<512x128xf32, #tpu.memory_space<vmem>>, %arg3: memref<128x256xf32, #tpu.memory_space<vmem>>, %arg4: memref<1x16x32x256xf32, #tpu.memory_space<vmem>>) attributes {dimension_semantics = [#tpu.dimension_semantics<arbitrary>, #tpu.dimension_semantics<arbitrary>], iteration_bounds = array<i64: 4, 4>, scalar_prefetch = 0 : i64, scratch_operands = 0 : i64, tpu.core_type = #tpu.core_type<tc>, window_params = [{transform_indices = @transform_0, window_bounds = array<i64: 512, 128>}, {pipeline_mode = #tpu.pipeline_mode<synchronous>, transform_indices = @transform_1, window_bounds = array<i64: 128, 256>}, {transform_indices = @transform_2, window_bounds = array<i64: 1, 16, 32, 256>}]} {
    %get3A = arith.constant 0 : index
    %get3A_0 = arith.constant 0 : index
    %get3A_1 = vector.load %arg2[%get3A, %get3A_0] : memref<512x128xf32, #tpu.memory_space<vmem>>, vector<512x128xf32>
    %get3A_2 = arith.constant 0 : index
    %get3A_3 = arith.constant 0 : index
    %get3A_4 = vector.load %arg3[%get3A_2, %get3A_3] : memref<128x256xf32, #tpu.memory_space<vmem>>, vector<128x256xf32>
    %dot_general3A = arith.constant dense<0.000000e+00> : vector<512x256xf32>
    %dot_general3A_5 = tpu.matmul %get3A_1, %get3A_4, %dot_general3A {dimension_numbers = #tpu.dot_dimension_numbers<[1], [0], [0], [1], [0, 0, 1, 1], [], []>, transpose_lhs_hint = false} : vector<512x128xf32>, vector<128x256xf32>, vector<512x256xf32> -> vector<512x256xf32>
    %reshape3A = vector.shape_cast %dot_general3A_5 : vector<512x256xf32> to vector<1x16x32x256xf32>
    %swap3A = arith.constant 0 : index
    %swap3A_6 = arith.constant 0 : index
    %swap3A_7 = arith.constant 0 : index
    %swap3A_8 = arith.constant 0 : index
    %swap3A_9 = vector.load %arg4[%swap3A, %swap3A_6, %swap3A_7, %swap3A_8] : memref<1x16x32x256xf32, #tpu.memory_space<vmem>>, vector<1x16x32x256xf32>
    tpu.vector_store %arg4[%swap3A, %swap3A_6, %swap3A_7, %swap3A_8], %reshape3A {strides = array<i32>} : memref<1x16x32x256xf32, #tpu.memory_space<vmem>>, vector<1x16x32x256xf32>,
    return
  }
  func.func @transform_0(%arg0: i32, %arg1: i32) -> (i32, i32) {
    %mul3A = arith.constant 4 : i32
    %mul3A_0 = arith.muli %arg0, %mul3A : i32
    %add3A = arith.addi %mul3A_0, %arg1 : i32
    %c0_i32 = arith.constant 0 : i32
    %c0_i32_1 = arith.constant 0 : i32
    return %add3A, %c0_i32 : i32, i32
  }
  func.func @transform_1(%arg0: i32, %arg1: i32) -> (i32, i32) {
    %c0_i32 = arith.constant 0 : i32
    %c0_i32_0 = arith.constant 0 : i32
    %c0_i32_1 = arith.constant 0 : i32
    return %c0_i32, %c0_i32_0 : i32, i32
  }
  func.func @transform_2(%arg0: i32, %arg1: i32) -> (i32, i32, i32, i32) {
    %c0_i32 = arith.constant 0 : i32
    %c0_i32_0 = arith.constant 0 : i32
    %c0_i32_1 = arith.constant 0 : i32
    return %arg0, %arg1, %c0_i32, %c0_i32_0 : i32, i32, i32, i32
  }
}

module attributes {stable_mosaic.version = 14 : i64} {
  func.func @_pool_kernel(%arg0: i32, %arg1: i32, %arg2: memref<1x64x32x256xf32, #tpu.memory_space<vmem>>, %arg3: memref<1x64x256xf32, #tpu.memory_space<vmem>>) attributes {dimension_semantics = [#tpu.dimension_semantics<arbitrary>, #tpu.dimension_semantics<arbitrary>], iteration_bounds = array<i64: 4, 1>, scalar_prefetch = 0 : i64, scratch_operands = 0 : i64, tpu.core_type = #tpu.core_type<tc>, window_params = [{transform_indices = @transform_0, window_bounds = array<i64: 1, 64, 32, 256>}, {transform_indices = @transform_1, window_bounds = array<i64: 1, 64, 256>}]} {
    %get3A = arith.constant 0 : index
    %get3A_0 = arith.constant 0 : index
    %get3A_1 = arith.constant 0 : index
    %get3A_2 = arith.constant 0 : index
    %get3A_3 = vector.load %arg2[%get3A, %get3A_0, %get3A_1, %get3A_2] : memref<1x64x32x256xf32, #tpu.memory_space<vmem>>, vector<1x64x32x256xf32>
    %reduce_max3A = arith.constant dense<0xFF800000> : vector<1x64x256xf32>
    %reduce_max3A_4 = vector.multi_reduction <maximumf>, %get3A_3, %reduce_max3A [2] : vector<1x64x32x256xf32> to vector<1x64x256xf32>
    %swap3A = arith.constant 0 : index
    %swap3A_5 = arith.constant 0 : index
    %swap3A_6 = arith.constant 0 : index
    %swap3A_7 = vector.load %arg3[%swap3A, %swap3A_5, %swap3A_6] : memref<1x64x256xf32, #tpu.memory_space<vmem>>, vector<1x64x256xf32>
    tpu.vector_store %arg3[%swap3A, %swap3A_5, %swap3A_6], %reduce_max3A_4 {strides = array<i32>} : memref<1x64x256xf32, #tpu.memory_space<vmem>>, vector<1x64x256xf32>,
    return
  }
  func.func @transform_0(%arg0: i32, %arg1: i32) -> (i32, i32, i32, i32) {
    %c0_i32 = arith.constant 0 : i32
    %c0_i32_0 = arith.constant 0 : i32
    %c0_i32_1 = arith.constant 0 : i32
    return %arg0, %arg1, %c0_i32, %c0_i32_0 : i32, i32, i32, i32
  }
  func.func @transform_1(%arg0: i32, %arg1: i32) -> (i32, i32, i32) {
    %c0_i32 = arith.constant 0 : i32
    %c0_i32_0 = arith.constant 0 : i32
    return %arg0, %arg1, %c0_i32 : i32, i32, i32
  }
}

module attributes {stable_mosaic.version = 14 : i64} {
  func.func @_fp3nn_kernel(%arg0: i32, %arg1: i32, %arg2: memref<1x64x3xf32, #tpu.memory_space<vmem>>, %arg3: memref<1x3x16xf32, #tpu.memory_space<vmem>>, %arg4: memref<1x64x3xi32, #tpu.memory_space<vmem>>, %arg5: memref<1x64x3xf32, #tpu.memory_space<vmem>>) attributes {dimension_semantics = [#tpu.dimension_semantics<arbitrary>, #tpu.dimension_semantics<arbitrary>], iteration_bounds = array<i64: 4, 1>, scalar_prefetch = 0 : i64, scratch_operands = 0 : i64, tpu.core_type = #tpu.core_type<tc>, window_params = [{transform_indices = @transform_0, window_bounds = array<i64: 1, 64, 3>}, {transform_indices = @transform_1, window_bounds = array<i64: 1, 3, 16>}, {transform_indices = @transform_2, window_bounds = array<i64: 1, 64, 3>}, {transform_indices = @transform_3, window_bounds = array<i64: 1, 64, 3>}]} {
    %get3A = arith.constant 0 : index
    %get3A_0 = arith.constant 0 : index
    %get3A_1 = arith.constant 0 : index
    %get3A_2 = vector.load %arg2[%get3A, %get3A_0, %get3A_1] : memref<1x64x3xf32, #tpu.memory_space<vmem>>, vector<1x64x3xf32>
    %get3A_3 = vector.shape_cast %get3A_2 : vector<1x64x3xf32> to vector<64x3xf32>
    %slice3A = vector.extract_strided_slice %get3A_3 {offsets = [0, 0], sizes = [64, 1], strides = [1, 1]} : vector<64x3xf32> to vector<64x1xf32>
    %slice3A_4 = vector.extract_strided_slice %get3A_3 {offsets = [0, 1], sizes = [64, 1], strides = [1, 1]} : vector<64x3xf32> to vector<64x1xf32>
    %slice3A_5 = vector.extract_strided_slice %get3A_3 {offsets = [0, 2], sizes = [64, 1], strides = [1, 1]} : vector<64x3xf32> to vector<64x1xf32>
    %get3A_6 = arith.constant 0 : index
    %get3A_7 = arith.constant 0 : index
    %get3A_8 = arith.constant 0 : index
    %get3A_9 = vector.load %arg3[%get3A_6, %get3A_7, %get3A_8] : memref<1x3x16xf32, #tpu.memory_space<vmem>>, vector<1x1x16xf32>
    %get3A_10 = vector.shape_cast %get3A_9 : vector<1x1x16xf32> to vector<1x16xf32>
    %get3A_11 = arith.constant 0 : index
    %get3A_12 = arith.constant 1 : index
    %get3A_13 = arith.constant 0 : index
    %get3A_14 = vector.load %arg3[%get3A_11, %get3A_12, %get3A_13] : memref<1x3x16xf32, #tpu.memory_space<vmem>>, vector<1x1x16xf32>
    %get3A_15 = vector.shape_cast %get3A_14 : vector<1x1x16xf32> to vector<1x16xf32>
    %get3A_16 = arith.constant 0 : index
    %get3A_17 = arith.constant 2 : index
    %get3A_18 = arith.constant 0 : index
    %get3A_19 = vector.load %arg3[%get3A_16, %get3A_17, %get3A_18] : memref<1x3x16xf32, #tpu.memory_space<vmem>>, vector<1x1x16xf32>
    %get3A_20 = vector.shape_cast %get3A_19 : vector<1x1x16xf32> to vector<1x16xf32>
    %sub3A = vector.broadcast %slice3A : vector<64x1xf32> to vector<64x16xf32>
    %sub3A_21 = vector.broadcast %get3A_10 : vector<1x16xf32> to vector<64x16xf32>
    %sub3A_22 = arith.subf %sub3A, %sub3A_21 : vector<64x16xf32>
    %integer_pow3A = arith.mulf %sub3A_22, %sub3A_22 : vector<64x16xf32>
    %sub3A_23 = vector.broadcast %slice3A_4 : vector<64x1xf32> to vector<64x16xf32>
    %sub3A_24 = vector.broadcast %get3A_15 : vector<1x16xf32> to vector<64x16xf32>
    %sub3A_25 = arith.subf %sub3A_23, %sub3A_24 : vector<64x16xf32>
    %integer_pow3A_26 = arith.mulf %sub3A_25, %sub3A_25 : vector<64x16xf32>
    %add3A = arith.addf %integer_pow3A, %integer_pow3A_26 : vector<64x16xf32>
    %sub3A_27 = vector.broadcast %slice3A_5 : vector<64x1xf32> to vector<64x16xf32>
    %sub3A_28 = vector.broadcast %get3A_20 : vector<1x16xf32> to vector<64x16xf32>
    %sub3A_29 = arith.subf %sub3A_27, %sub3A_28 : vector<64x16xf32>
    %integer_pow3A_30 = arith.mulf %sub3A_29, %sub3A_29 : vector<64x16xf32>
    %add3A_31 = arith.addf %add3A, %integer_pow3A_30 : vector<64x16xf32>
    %iota3A = tpu.iota {dimensions = array<i32: 1>} : vector<64x16xi32>
    %reduce_min3A = arith.constant dense<0x7F800000> : vector<64xf32>
    %reduce_min3A_32 = vector.multi_reduction <minimumf>, %add3A_31, %reduce_min3A [1] : vector<64x16xf32> to vector<64xf32>
    %broadcast_in_dim3A = vector.shape_cast %reduce_min3A_32 : vector<64xf32> to vector<64x1xf32>
    %eq3A = vector.broadcast %broadcast_in_dim3A : vector<64x1xf32> to vector<64x16xf32>
    %eq3A_33 = arith.cmpf oeq, %add3A_31, %eq3A : vector<64x16xf32>
    %jit3A = arith.constant 16 : i32
    %broadcast_in_dim3A_34 = vector.broadcast %jit3A : i32 to vector<64x16xi32>
    %select_n3A = arith.select %eq3A_33, %iota3A, %broadcast_in_dim3A_34 : vector<64x16xi1>, vector<64x16xi32>
    %reduce_min3A_35 = arith.constant dense<2147483647> : vector<64xi32>
    %reduce_min3A_36 = vector.multi_reduction <minsi>, %select_n3A, %reduce_min3A_35 [1] : vector<64x16xi32> to vector<64xi32>
    %broadcast_in_dim3A_37 = vector.shape_cast %reduce_min3A_36 : vector<64xi32> to vector<64x1xi32>
    %eq3A_38 = vector.broadcast %broadcast_in_dim3A_37 : vector<64x1xi32> to vector<64x16xi32>
    %eq3A_39 = arith.cmpi eq, %iota3A, %eq3A_38 : vector<64x16xi32>
    %jit3A_40 = arith.constant 1.000000e+30 : f32
    %broadcast_in_dim3A_41 = vector.broadcast %jit3A_40 : f32 to vector<64x16xf32>
    %select_n3A_42 = arith.select %eq3A_39, %broadcast_in_dim3A_41, %add3A_31 : vector<64x16xi1>, vector<64x16xf32>
    %reduce_min3A_43 = arith.constant dense<0x7F800000> : vector<64xf32>
    %reduce_min3A_44 = vector.multi_reduction <minimumf>, %select_n3A_42, %reduce_min3A_43 [1] : vector<64x16xf32> to vector<64xf32>
    %broadcast_in_dim3A_45 = vector.shape_cast %reduce_min3A_44 : vector<64xf32> to vector<64x1xf32>
    %eq3A_46 = vector.broadcast %broadcast_in_dim3A_45 : vector<64x1xf32> to vector<64x16xf32>
    %eq3A_47 = arith.cmpf oeq, %select_n3A_42, %eq3A_46 : vector<64x16xf32>
    %jit3A_48 = arith.constant 16 : i32
    %broadcast_in_dim3A_49 = vector.broadcast %jit3A_48 : i32 to vector<64x16xi32>
    %select_n3A_50 = arith.select %eq3A_47, %iota3A, %broadcast_in_dim3A_49 : vector<64x16xi1>, vector<64x16xi32>
    %reduce_min3A_51 = arith.constant dense<2147483647> : vector<64xi32>
    %reduce_min3A_52 = vector.multi_reduction <minsi>, %select_n3A_50, %reduce_min3A_51 [1] : vector<64x16xi32> to vector<64xi32>
    %broadcast_in_dim3A_53 = vector.shape_cast %reduce_min3A_52 : vector<64xi32> to vector<64x1xi32>
    %eq3A_54 = vector.broadcast %broadcast_in_dim3A_53 : vector<64x1xi32> to vector<64x16xi32>
    %eq3A_55 = arith.cmpi eq, %iota3A, %eq3A_54 : vector<64x16xi32>
    %jit3A_56 = arith.constant 1.000000e+30 : f32
    %broadcast_in_dim3A_57 = vector.broadcast %jit3A_56 : f32 to vector<64x16xf32>
    %select_n3A_58 = arith.select %eq3A_55, %broadcast_in_dim3A_57, %select_n3A_42 : vector<64x16xi1>, vector<64x16xf32>
    %reduce_min3A_59 = arith.constant dense<0x7F800000> : vector<64xf32>
    %reduce_min3A_60 = vector.multi_reduction <minimumf>, %select_n3A_58, %reduce_min3A_59 [1] : vector<64x16xf32> to vector<64xf32>
    %broadcast_in_dim3A_61 = vector.shape_cast %reduce_min3A_60 : vector<64xf32> to vector<64x1xf32>
    %eq3A_62 = vector.broadcast %broadcast_in_dim3A_61 : vector<64x1xf32> to vector<64x16xf32>
    %eq3A_63 = arith.cmpf oeq, %select_n3A_58, %eq3A_62 : vector<64x16xf32>
    %jit3A_64 = arith.constant 16 : i32
    %broadcast_in_dim3A_65 = vector.broadcast %jit3A_64 : i32 to vector<64x16xi32>
    %select_n3A_66 = arith.select %eq3A_63, %iota3A, %broadcast_in_dim3A_65 : vector<64x16xi1>, vector<64x16xi32>
    %reduce_min3A_67 = arith.constant dense<2147483647> : vector<64xi32>
    %reduce_min3A_68 = vector.multi_reduction <minsi>, %select_n3A_66, %reduce_min3A_67 [1] : vector<64x16xi32> to vector<64xi32>
    %broadcast_in_dim3A_69 = vector.shape_cast %reduce_min3A_68 : vector<64xi32> to vector<64x1xi32>
    %concatenate3A = tpu.concatenate %broadcast_in_dim3A, %broadcast_in_dim3A_45, %broadcast_in_dim3A_61 in 1 : vector<64x1xf32>, vector<64x1xf32>, vector<64x1xf32> -> vector<64x3xf32>
    %max3A = arith.constant 1.000000e-10 : f32
    %max3A_70 = vector.broadcast %max3A : f32 to vector<64x3xf32>
    %max3A_71 = arith.maximumf %concatenate3A, %max3A_70 : vector<64x3xf32>
    %div3A = arith.constant 1.000000e+00 : f32
    %div3A_72 = vector.broadcast %div3A : f32 to vector<64x3xf32>
    %div3A_73 = arith.divf %div3A_72, %max3A_71 : vector<64x3xf32>
    %reduce_sum3A = arith.constant dense<0.000000e+00> : vector<64xf32>
    %reduce_sum3A_74 = vector.multi_reduction <add>, %div3A_73, %reduce_sum3A [1] : vector<64x3xf32> to vector<64xf32>
    %broadcast_in_dim3A_75 = vector.shape_cast %reduce_sum3A_74 : vector<64xf32> to vector<64x1xf32>
    %div3A_76 = vector.broadcast %broadcast_in_dim3A_75 : vector<64x1xf32> to vector<64x3xf32>
    %div3A_77 = arith.divf %div3A_73, %div3A_76 : vector<64x3xf32>
    %concatenate3A_78 = tpu.concatenate %broadcast_in_dim3A_37, %broadcast_in_dim3A_53, %broadcast_in_dim3A_69 in 1 : vector<64x1xi32>, vector<64x1xi32>, vector<64x1xi32> -> vector<64x3xi32>
    %mul3A = arith.constant 16 : i32
    %mul3A_79 = arith.muli %arg0, %mul3A : i32
    %add3A_80 = vector.broadcast %mul3A_79 : i32 to vector<64x3xi32>
    %add3A_81 = arith.addi %concatenate3A_78, %add3A_80 : vector<64x3xi32>
    %swap3A = arith.constant 0 : index
    %swap3A_82 = arith.constant 0 : index
    %swap3A_83 = arith.constant 0 : index
    %swap3A_84 = vector.load %arg4[%swap3A, %swap3A_82, %swap3A_83] : memref<1x64x3xi32, #tpu.memory_space<vmem>>, vector<1x64x3xi32>
    %swap3A_85 = vector.shape_cast %swap3A_84 : vector<1x64x3xi32> to vector<64x3xi32>
    %swap3A_86 = vector.shape_cast %add3A_81 : vector<64x3xi32> to vector<1x64x3xi32>
    tpu.vector_store %arg4[%swap3A, %swap3A_82, %swap3A_83], %swap3A_86 {strides = array<i32>} : memref<1x64x3xi32, #tpu.memory_space<vmem>>, vector<1x64x3xi32>,
    %swap3A_87 = arith.constant 0 : index
    %swap3A_88 = arith.constant 0 : index
    %swap3A_89 = arith.constant 0 : index
    %swap3A_90 = vector.load %arg5[%swap3A_87, %swap3A_88, %swap3A_89] : memref<1x64x3xf32, #tpu.memory_space<vmem>>, vector<1x64x3xf32>
    %swap3A_91 = vector.shape_cast %swap3A_90 : vector<1x64x3xf32> to vector<64x3xf32>
    %swap3A_92 = vector.shape_cast %div3A_77 : vector<64x3xf32> to vector<1x64x3xf32>
    tpu.vector_store %arg5[%swap3A_87, %swap3A_88, %swap3A_89], %swap3A_92 {strides = array<i32>} : memref<1x64x3xf32, #tpu.memory_space<vmem>>, vector<1x64x3xf32>,
    return
  }
  func.func @transform_0(%arg0: i32, %arg1: i32) -> (i32, i32, i32) {
    %c0_i32 = arith.constant 0 : i32
    %c0_i32_0 = arith.constant 0 : i32
    return %arg0, %arg1, %c0_i32 : i32, i32, i32
  }
  func.func @transform_1(%arg0: i32, %arg1: i32) -> (i32, i32, i32) {
    %c0_i32 = arith.constant 0 : i32
    %c0_i32_0 = arith.constant 0 : i32
    %c0_i32_1 = arith.constant 0 : i32
    return %arg0, %c0_i32, %c0_i32_0 : i32, i32, i32
  }
  func.func @transform_2(%arg0: i32, %arg1: i32) -> (i32, i32, i32) {
    %c0_i32 = arith.constant 0 : i32
    %c0_i32_0 = arith.constant 0 : i32
    return %arg0, %arg1, %c0_i32 : i32, i32, i32
  }
  func.func @transform_3(%arg0: i32, %arg1: i32) -> (i32, i32, i32) {
    %c0_i32 = arith.constant 0 : i32
    %c0_i32_0 = arith.constant 0 : i32
    return %arg0, %arg1, %c0_i32 : i32, i32, i32
  }
}

module attributes {stable_mosaic.version = 14 : i64} {
  func.func @_sal1_kernel(%arg0: i32, %arg1: i32, %arg2: memref<512x384xf32, #tpu.memory_space<vmem>>, %arg3: memref<512x3xf32, #tpu.memory_space<vmem>>, %arg4: memref<384x256xf32, #tpu.memory_space<vmem>>, %arg5: memref<1x16x32x256xf32, #tpu.memory_space<vmem>>) attributes {dimension_semantics = [#tpu.dimension_semantics<arbitrary>, #tpu.dimension_semantics<arbitrary>], iteration_bounds = array<i64: 4, 1>, scalar_prefetch = 0 : i64, scratch_operands = 0 : i64, tpu.core_type = #tpu.core_type<tc>, window_params = [{transform_indices = @transform_0, window_bounds = array<i64: 512, 384>}, {transform_indices = @transform_1, window_bounds = array<i64: 512, 3>}, {pipeline_mode = #tpu.pipeline_mode<synchronous>, transform_indices = @transform_2, window_bounds = array<i64: 384, 256>}, {transform_indices = @transform_3, window_bounds = array<i64: 1, 16, 32, 256>}]} {
    %get3A = arith.constant 0 : index
    %get3A_0 = arith.constant 0 : index
    %get3A_1 = vector.load %arg2[%get3A, %get3A_0] : memref<512x384xf32, #tpu.memory_space<vmem>>, vector<512x384xf32>
    %get3A_2 = arith.constant 0 : index
    %get3A_3 = arith.constant 0 : index
    %get3A_4 = vector.load %arg3[%get3A_2, %get3A_3] : memref<512x3xf32, #tpu.memory_space<vmem>>, vector<512x3xf32>
    %broadcast_in_dim3A = arith.constant 0.000000e+00 : f32
    %broadcast_in_dim3A_5 = vector.broadcast %broadcast_in_dim3A : f32 to vector<512x256xf32>
    %broadcast_in_dim3A_6 = arith.constant 0.000000e+00 : f32
    %broadcast_in_dim3A_7 = vector.broadcast %broadcast_in_dim3A_6 : f32 to vector<512x125xf32>
    %concatenate3A = tpu.concatenate %broadcast_in_dim3A_5, %get3A_4, %broadcast_in_dim3A_7 in 1 : vector<512x256xf32>, vector<512x3xf32>, vector<512x125xf32> -> vector<512x384xf32>
    %sub3A = arith.subf %get3A_1, %concatenate3A : vector<512x384xf32>
    %get3A_8 = arith.constant 0 : index
    %get3A_9 = arith.constant 0 : index
    %get3A_10 = vector.load %arg4[%get3A_8, %get3A_9] : memref<384x256xf32, #tpu.memory_space<vmem>>, vector<384x256xf32>
    %dot_general3A = arith.constant dense<0.000000e+00> : vector<512x256xf32>
    %dot_general3A_11 = tpu.matmul %sub3A, %get3A_10, %dot_general3A {dimension_numbers = #tpu.dot_dimension_numbers<[1], [0], [0], [1], [0, 0, 1, 1], [], []>, transpose_lhs_hint = false} : vector<512x384xf32>, vector<384x256xf32>, vector<512x256xf32> -> vector<512x256xf32>
    %reshape3A = vector.shape_cast %dot_general3A_11 : vector<512x256xf32> to vector<1x16x32x256xf32>
    %swap3A = arith.constant 0 : index
    %swap3A_12 = arith.constant 0 : index
    %swap3A_13 = arith.constant 0 : index
    %swap3A_14 = arith.constant 0 : index
    %swap3A_15 = vector.load %arg5[%swap3A, %swap3A_12, %swap3A_13, %swap3A_14] : memref<1x16x32x256xf32, #tpu.memory_space<vmem>>, vector<1x16x32x256xf32>
    tpu.vector_store %arg5[%swap3A, %swap3A_12, %swap3A_13, %swap3A_14], %reshape3A {strides = array<i32>} : memref<1x16x32x256xf32, #tpu.memory_space<vmem>>, vector<1x16x32x256xf32>,
    return
  }
  func.func @transform_0(%arg0: i32, %arg1: i32) -> (i32, i32) {
    %mul3A = arith.constant 1 : i32
    %mul3A_0 = arith.muli %arg0, %mul3A : i32
    %add3A = arith.addi %mul3A_0, %arg1 : i32
    %c0_i32 = arith.constant 0 : i32
    %c0_i32_1 = arith.constant 0 : i32
    return %add3A, %c0_i32 : i32, i32
  }
  func.func @transform_1(%arg0: i32, %arg1: i32) -> (i32, i32) {
    %mul3A = arith.constant 1 : i32
    %mul3A_0 = arith.muli %arg0, %mul3A : i32
    %add3A = arith.addi %mul3A_0, %arg1 : i32
    %c0_i32 = arith.constant 0 : i32
    %c0_i32_1 = arith.constant 0 : i32
    return %add3A, %c0_i32 : i32, i32
  }
  func.func @transform_2(%arg0: i32, %arg1: i32) -> (i32, i32) {
    %c0_i32 = arith.constant 0 : i32
    %c0_i32_0 = arith.constant 0 : i32
    %c0_i32_1 = arith.constant 0 : i32
    return %c0_i32, %c0_i32_0 : i32, i32
  }
  func.func @transform_3(%arg0: i32, %arg1: i32) -> (i32, i32, i32, i32) {
    %c0_i32 = arith.constant 0 : i32
    %c0_i32_0 = arith.constant 0 : i32
    %c0_i32_1 = arith.constant 0 : i32
    return %arg0, %arg1, %c0_i32, %c0_i32_0 : i32, i32, i32, i32
  }
}

module attributes {stable_mosaic.version = 14 : i64} {
  func.func @_mm_kernel(%arg0: i32, %arg1: i32, %arg2: memref<512x256xf32, #tpu.memory_space<vmem>>, %arg3: memref<256x256xf32, #tpu.memory_space<vmem>>, %arg4: memref<1x16x32x256xf32, #tpu.memory_space<vmem>>) attributes {dimension_semantics = [#tpu.dimension_semantics<arbitrary>, #tpu.dimension_semantics<arbitrary>], iteration_bounds = array<i64: 4, 1>, scalar_prefetch = 0 : i64, scratch_operands = 0 : i64, tpu.core_type = #tpu.core_type<tc>, window_params = [{transform_indices = @transform_0, window_bounds = array<i64: 512, 256>}, {pipeline_mode = #tpu.pipeline_mode<synchronous>, transform_indices = @transform_1, window_bounds = array<i64: 256, 256>}, {transform_indices = @transform_2, window_bounds = array<i64: 1, 16, 32, 256>}]} {
    %get3A = arith.constant 0 : index
    %get3A_0 = arith.constant 0 : index
    %get3A_1 = vector.load %arg2[%get3A, %get3A_0] : memref<512x256xf32, #tpu.memory_space<vmem>>, vector<512x256xf32>
    %get3A_2 = arith.constant 0 : index
    %get3A_3 = arith.constant 0 : index
    %get3A_4 = vector.load %arg3[%get3A_2, %get3A_3] : memref<256x256xf32, #tpu.memory_space<vmem>>, vector<256x256xf32>
    %dot_general3A = arith.constant dense<0.000000e+00> : vector<512x256xf32>
    %dot_general3A_5 = tpu.matmul %get3A_1, %get3A_4, %dot_general3A {dimension_numbers = #tpu.dot_dimension_numbers<[1], [0], [0], [1], [0, 0, 1, 1], [], []>, transpose_lhs_hint = false} : vector<512x256xf32>, vector<256x256xf32>, vector<512x256xf32> -> vector<512x256xf32>
    %reshape3A = vector.shape_cast %dot_general3A_5 : vector<512x256xf32> to vector<1x16x32x256xf32>
    %swap3A = arith.constant 0 : index
    %swap3A_6 = arith.constant 0 : index
    %swap3A_7 = arith.constant 0 : index
    %swap3A_8 = arith.constant 0 : index
    %swap3A_9 = vector.load %arg4[%swap3A, %swap3A_6, %swap3A_7, %swap3A_8] : memref<1x16x32x256xf32, #tpu.memory_space<vmem>>, vector<1x16x32x256xf32>
    tpu.vector_store %arg4[%swap3A, %swap3A_6, %swap3A_7, %swap3A_8], %reshape3A {strides = array<i32>} : memref<1x16x32x256xf32, #tpu.memory_space<vmem>>, vector<1x16x32x256xf32>,
    return
  }
  func.func @transform_0(%arg0: i32, %arg1: i32) -> (i32, i32) {
    %mul3A = arith.constant 1 : i32
    %mul3A_0 = arith.muli %arg0, %mul3A : i32
    %add3A = arith.addi %mul3A_0, %arg1 : i32
    %c0_i32 = arith.constant 0 : i32
    %c0_i32_1 = arith.constant 0 : i32
    return %add3A, %c0_i32 : i32, i32
  }
  func.func @transform_1(%arg0: i32, %arg1: i32) -> (i32, i32) {
    %c0_i32 = arith.constant 0 : i32
    %c0_i32_0 = arith.constant 0 : i32
    %c0_i32_1 = arith.constant 0 : i32
    return %c0_i32, %c0_i32_0 : i32, i32
  }
  func.func @transform_2(%arg0: i32, %arg1: i32) -> (i32, i32, i32, i32) {
    %c0_i32 = arith.constant 0 : i32
    %c0_i32_0 = arith.constant 0 : i32
    %c0_i32_1 = arith.constant 0 : i32
    return %arg0, %arg1, %c0_i32, %c0_i32_0 : i32, i32, i32, i32
  }
}

module attributes {stable_mosaic.version = 14 : i64} {
  func.func @_mm_kernel(%arg0: i32, %arg1: i32, %arg2: memref<512x256xf32, #tpu.memory_space<vmem>>, %arg3: memref<256x512xf32, #tpu.memory_space<vmem>>, %arg4: memref<1x16x32x512xf32, #tpu.memory_space<vmem>>) attributes {dimension_semantics = [#tpu.dimension_semantics<arbitrary>, #tpu.dimension_semantics<arbitrary>], iteration_bounds = array<i64: 4, 1>, scalar_prefetch = 0 : i64, scratch_operands = 0 : i64, tpu.core_type = #tpu.core_type<tc>, window_params = [{transform_indices = @transform_0, window_bounds = array<i64: 512, 256>}, {pipeline_mode = #tpu.pipeline_mode<synchronous>, transform_indices = @transform_1, window_bounds = array<i64: 256, 512>}, {transform_indices = @transform_2, window_bounds = array<i64: 1, 16, 32, 512>}]} {
    %get3A = arith.constant 0 : index
    %get3A_0 = arith.constant 0 : index
    %get3A_1 = vector.load %arg2[%get3A, %get3A_0] : memref<512x256xf32, #tpu.memory_space<vmem>>, vector<512x256xf32>
    %get3A_2 = arith.constant 0 : index
    %get3A_3 = arith.constant 0 : index
    %get3A_4 = vector.load %arg3[%get3A_2, %get3A_3] : memref<256x512xf32, #tpu.memory_space<vmem>>, vector<256x512xf32>
    %dot_general3A = arith.constant dense<0.000000e+00> : vector<512x512xf32>
    %dot_general3A_5 = tpu.matmul %get3A_1, %get3A_4, %dot_general3A {dimension_numbers = #tpu.dot_dimension_numbers<[1], [0], [0], [1], [0, 0, 1, 1], [], []>, transpose_lhs_hint = false} : vector<512x256xf32>, vector<256x512xf32>, vector<512x512xf32> -> vector<512x512xf32>
    %reshape3A = vector.shape_cast %dot_general3A_5 : vector<512x512xf32> to vector<1x16x32x512xf32>
    %swap3A = arith.constant 0 : index
    %swap3A_6 = arith.constant 0 : index
    %swap3A_7 = arith.constant 0 : index
    %swap3A_8 = arith.constant 0 : index
    %swap3A_9 = vector.load %arg4[%swap3A, %swap3A_6, %swap3A_7, %swap3A_8] : memref<1x16x32x512xf32, #tpu.memory_space<vmem>>, vector<1x16x32x512xf32>
    tpu.vector_store %arg4[%swap3A, %swap3A_6, %swap3A_7, %swap3A_8], %reshape3A {strides = array<i32>} : memref<1x16x32x512xf32, #tpu.memory_space<vmem>>, vector<1x16x32x512xf32>,
    return
  }
  func.func @transform_0(%arg0: i32, %arg1: i32) -> (i32, i32) {
    %mul3A = arith.constant 1 : i32
    %mul3A_0 = arith.muli %arg0, %mul3A : i32
    %add3A = arith.addi %mul3A_0, %arg1 : i32
    %c0_i32 = arith.constant 0 : i32
    %c0_i32_1 = arith.constant 0 : i32
    return %add3A, %c0_i32 : i32, i32
  }
  func.func @transform_1(%arg0: i32, %arg1: i32) -> (i32, i32) {
    %c0_i32 = arith.constant 0 : i32
    %c0_i32_0 = arith.constant 0 : i32
    %c0_i32_1 = arith.constant 0 : i32
    return %c0_i32, %c0_i32_0 : i32, i32
  }
  func.func @transform_2(%arg0: i32, %arg1: i32) -> (i32, i32, i32, i32) {
    %c0_i32 = arith.constant 0 : i32
    %c0_i32_0 = arith.constant 0 : i32
    %c0_i32_1 = arith.constant 0 : i32
    return %arg0, %arg1, %c0_i32, %c0_i32_0 : i32, i32, i32, i32
  }
}

module attributes {stable_mosaic.version = 14 : i64} {
  func.func @_pool_kernel(%arg0: i32, %arg1: i32, %arg2: memref<1x16x32x512xf32, #tpu.memory_space<vmem>>, %arg3: memref<1x16x512xf32, #tpu.memory_space<vmem>>) attributes {dimension_semantics = [#tpu.dimension_semantics<arbitrary>, #tpu.dimension_semantics<arbitrary>], iteration_bounds = array<i64: 4, 1>, scalar_prefetch = 0 : i64, scratch_operands = 0 : i64, tpu.core_type = #tpu.core_type<tc>, window_params = [{transform_indices = @transform_0, window_bounds = array<i64: 1, 16, 32, 512>}, {transform_indices = @transform_1, window_bounds = array<i64: 1, 16, 512>}]} {
    %get3A = arith.constant 0 : index
    %get3A_0 = arith.constant 0 : index
    %get3A_1 = arith.constant 0 : index
    %get3A_2 = arith.constant 0 : index
    %get3A_3 = vector.load %arg2[%get3A, %get3A_0, %get3A_1, %get3A_2] : memref<1x16x32x512xf32, #tpu.memory_space<vmem>>, vector<1x16x32x512xf32>
    %reduce_max3A = arith.constant dense<0xFF800000> : vector<1x16x512xf32>
    %reduce_max3A_4 = vector.multi_reduction <maximumf>, %get3A_3, %reduce_max3A [2] : vector<1x16x32x512xf32> to vector<1x16x512xf32>
    %swap3A = arith.constant 0 : index
    %swap3A_5 = arith.constant 0 : index
    %swap3A_6 = arith.constant 0 : index
    %swap3A_7 = vector.load %arg3[%swap3A, %swap3A_5, %swap3A_6] : memref<1x16x512xf32, #tpu.memory_space<vmem>>, vector<1x16x512xf32>
    tpu.vector_store %arg3[%swap3A, %swap3A_5, %swap3A_6], %reduce_max3A_4 {strides = array<i32>} : memref<1x16x512xf32, #tpu.memory_space<vmem>>, vector<1x16x512xf32>,
    return
  }
  func.func @transform_0(%arg0: i32, %arg1: i32) -> (i32, i32, i32, i32) {
    %c0_i32 = arith.constant 0 : i32
    %c0_i32_0 = arith.constant 0 : i32
    %c0_i32_1 = arith.constant 0 : i32
    return %arg0, %arg1, %c0_i32, %c0_i32_0 : i32, i32, i32, i32
  }
  func.func @transform_1(%arg0: i32, %arg1: i32) -> (i32, i32, i32) {
    %c0_i32 = arith.constant 0 : i32
    %c0_i32_0 = arith.constant 0 : i32
    return %arg0, %arg1, %c0_i32 : i32, i32, i32
  }
}

module attributes {stable_mosaic.version = 14 : i64} {
  func.func @_fp3nn_kernel(%arg0: i32, %arg1: i32, %arg2: memref<1x128x3xf32, #tpu.memory_space<vmem>>, %arg3: memref<1x3x64xf32, #tpu.memory_space<vmem>>, %arg4: memref<1x128x3xi32, #tpu.memory_space<vmem>>, %arg5: memref<1x128x3xf32, #tpu.memory_space<vmem>>) attributes {dimension_semantics = [#tpu.dimension_semantics<arbitrary>, #tpu.dimension_semantics<arbitrary>], iteration_bounds = array<i64: 4, 2>, scalar_prefetch = 0 : i64, scratch_operands = 0 : i64, tpu.core_type = #tpu.core_type<tc>, window_params = [{transform_indices = @transform_0, window_bounds = array<i64: 1, 128, 3>}, {transform_indices = @transform_1, window_bounds = array<i64: 1, 3, 64>}, {transform_indices = @transform_2, window_bounds = array<i64: 1, 128, 3>}, {transform_indices = @transform_3, window_bounds = array<i64: 1, 128, 3>}]} {
    %get3A = arith.constant 0 : index
    %get3A_0 = arith.constant 0 : index
    %get3A_1 = arith.constant 0 : index
    %get3A_2 = vector.load %arg2[%get3A, %get3A_0, %get3A_1] : memref<1x128x3xf32, #tpu.memory_space<vmem>>, vector<1x128x3xf32>
    %get3A_3 = vector.shape_cast %get3A_2 : vector<1x128x3xf32> to vector<128x3xf32>
    %slice3A = vector.extract_strided_slice %get3A_3 {offsets = [0, 0], sizes = [128, 1], strides = [1, 1]} : vector<128x3xf32> to vector<128x1xf32>
    %slice3A_4 = vector.extract_strided_slice %get3A_3 {offsets = [0, 1], sizes = [128, 1], strides = [1, 1]} : vector<128x3xf32> to vector<128x1xf32>
    %slice3A_5 = vector.extract_strided_slice %get3A_3 {offsets = [0, 2], sizes = [128, 1], strides = [1, 1]} : vector<128x3xf32> to vector<128x1xf32>
    %get3A_6 = arith.constant 0 : index
    %get3A_7 = arith.constant 0 : index
    %get3A_8 = arith.constant 0 : index
    %get3A_9 = vector.load %arg3[%get3A_6, %get3A_7, %get3A_8] : memref<1x3x64xf32, #tpu.memory_space<vmem>>, vector<1x1x64xf32>
    %get3A_10 = vector.shape_cast %get3A_9 : vector<1x1x64xf32> to vector<1x64xf32>
    %get3A_11 = arith.constant 0 : index
    %get3A_12 = arith.constant 1 : index
    %get3A_13 = arith.constant 0 : index
    %get3A_14 = vector.load %arg3[%get3A_11, %get3A_12, %get3A_13] : memref<1x3x64xf32, #tpu.memory_space<vmem>>, vector<1x1x64xf32>
    %get3A_15 = vector.shape_cast %get3A_14 : vector<1x1x64xf32> to vector<1x64xf32>
    %get3A_16 = arith.constant 0 : index
    %get3A_17 = arith.constant 2 : index
    %get3A_18 = arith.constant 0 : index
    %get3A_19 = vector.load %arg3[%get3A_16, %get3A_17, %get3A_18] : memref<1x3x64xf32, #tpu.memory_space<vmem>>, vector<1x1x64xf32>
    %get3A_20 = vector.shape_cast %get3A_19 : vector<1x1x64xf32> to vector<1x64xf32>
    %sub3A = vector.broadcast %slice3A : vector<128x1xf32> to vector<128x64xf32>
    %sub3A_21 = vector.broadcast %get3A_10 : vector<1x64xf32> to vector<128x64xf32>
    %sub3A_22 = arith.subf %sub3A, %sub3A_21 : vector<128x64xf32>
    %integer_pow3A = arith.mulf %sub3A_22, %sub3A_22 : vector<128x64xf32>
    %sub3A_23 = vector.broadcast %slice3A_4 : vector<128x1xf32> to vector<128x64xf32>
    %sub3A_24 = vector.broadcast %get3A_15 : vector<1x64xf32> to vector<128x64xf32>
    %sub3A_25 = arith.subf %sub3A_23, %sub3A_24 : vector<128x64xf32>
    %integer_pow3A_26 = arith.mulf %sub3A_25, %sub3A_25 : vector<128x64xf32>
    %add3A = arith.addf %integer_pow3A, %integer_pow3A_26 : vector<128x64xf32>
    %sub3A_27 = vector.broadcast %slice3A_5 : vector<128x1xf32> to vector<128x64xf32>
    %sub3A_28 = vector.broadcast %get3A_20 : vector<1x64xf32> to vector<128x64xf32>
    %sub3A_29 = arith.subf %sub3A_27, %sub3A_28 : vector<128x64xf32>
    %integer_pow3A_30 = arith.mulf %sub3A_29, %sub3A_29 : vector<128x64xf32>
    %add3A_31 = arith.addf %add3A, %integer_pow3A_30 : vector<128x64xf32>
    %iota3A = tpu.iota {dimensions = array<i32: 1>} : vector<128x64xi32>
    %reduce_min3A = arith.constant dense<0x7F800000> : vector<128xf32>
    %reduce_min3A_32 = vector.multi_reduction <minimumf>, %add3A_31, %reduce_min3A [1] : vector<128x64xf32> to vector<128xf32>
    %broadcast_in_dim3A = vector.shape_cast %reduce_min3A_32 : vector<128xf32> to vector<128x1xf32>
    %eq3A = vector.broadcast %broadcast_in_dim3A : vector<128x1xf32> to vector<128x64xf32>
    %eq3A_33 = arith.cmpf oeq, %add3A_31, %eq3A : vector<128x64xf32>
    %jit3A = arith.constant 64 : i32
    %broadcast_in_dim3A_34 = vector.broadcast %jit3A : i32 to vector<128x64xi32>
    %select_n3A = arith.select %eq3A_33, %iota3A, %broadcast_in_dim3A_34 : vector<128x64xi1>, vector<128x64xi32>
    %reduce_min3A_35 = arith.constant dense<2147483647> : vector<128xi32>
    %reduce_min3A_36 = vector.multi_reduction <minsi>, %select_n3A, %reduce_min3A_35 [1] : vector<128x64xi32> to vector<128xi32>
    %broadcast_in_dim3A_37 = vector.shape_cast %reduce_min3A_36 : vector<128xi32> to vector<128x1xi32>
    %eq3A_38 = vector.broadcast %broadcast_in_dim3A_37 : vector<128x1xi32> to vector<128x64xi32>
    %eq3A_39 = arith.cmpi eq, %iota3A, %eq3A_38 : vector<128x64xi32>
    %jit3A_40 = arith.constant 1.000000e+30 : f32
    %broadcast_in_dim3A_41 = vector.broadcast %jit3A_40 : f32 to vector<128x64xf32>
    %select_n3A_42 = arith.select %eq3A_39, %broadcast_in_dim3A_41, %add3A_31 : vector<128x64xi1>, vector<128x64xf32>
    %reduce_min3A_43 = arith.constant dense<0x7F800000> : vector<128xf32>
    %reduce_min3A_44 = vector.multi_reduction <minimumf>, %select_n3A_42, %reduce_min3A_43 [1] : vector<128x64xf32> to vector<128xf32>
    %broadcast_in_dim3A_45 = vector.shape_cast %reduce_min3A_44 : vector<128xf32> to vector<128x1xf32>
    %eq3A_46 = vector.broadcast %broadcast_in_dim3A_45 : vector<128x1xf32> to vector<128x64xf32>
    %eq3A_47 = arith.cmpf oeq, %select_n3A_42, %eq3A_46 : vector<128x64xf32>
    %jit3A_48 = arith.constant 64 : i32
    %broadcast_in_dim3A_49 = vector.broadcast %jit3A_48 : i32 to vector<128x64xi32>
    %select_n3A_50 = arith.select %eq3A_47, %iota3A, %broadcast_in_dim3A_49 : vector<128x64xi1>, vector<128x64xi32>
    %reduce_min3A_51 = arith.constant dense<2147483647> : vector<128xi32>
    %reduce_min3A_52 = vector.multi_reduction <minsi>, %select_n3A_50, %reduce_min3A_51 [1] : vector<128x64xi32> to vector<128xi32>
    %broadcast_in_dim3A_53 = vector.shape_cast %reduce_min3A_52 : vector<128xi32> to vector<128x1xi32>
    %eq3A_54 = vector.broadcast %broadcast_in_dim3A_53 : vector<128x1xi32> to vector<128x64xi32>
    %eq3A_55 = arith.cmpi eq, %iota3A, %eq3A_54 : vector<128x64xi32>
    %jit3A_56 = arith.constant 1.000000e+30 : f32
    %broadcast_in_dim3A_57 = vector.broadcast %jit3A_56 : f32 to vector<128x64xf32>
    %select_n3A_58 = arith.select %eq3A_55, %broadcast_in_dim3A_57, %select_n3A_42 : vector<128x64xi1>, vector<128x64xf32>
    %reduce_min3A_59 = arith.constant dense<0x7F800000> : vector<128xf32>
    %reduce_min3A_60 = vector.multi_reduction <minimumf>, %select_n3A_58, %reduce_min3A_59 [1] : vector<128x64xf32> to vector<128xf32>
    %broadcast_in_dim3A_61 = vector.shape_cast %reduce_min3A_60 : vector<128xf32> to vector<128x1xf32>
    %eq3A_62 = vector.broadcast %broadcast_in_dim3A_61 : vector<128x1xf32> to vector<128x64xf32>
    %eq3A_63 = arith.cmpf oeq, %select_n3A_58, %eq3A_62 : vector<128x64xf32>
    %jit3A_64 = arith.constant 64 : i32
    %broadcast_in_dim3A_65 = vector.broadcast %jit3A_64 : i32 to vector<128x64xi32>
    %select_n3A_66 = arith.select %eq3A_63, %iota3A, %broadcast_in_dim3A_65 : vector<128x64xi1>, vector<128x64xi32>
    %reduce_min3A_67 = arith.constant dense<2147483647> : vector<128xi32>
    %reduce_min3A_68 = vector.multi_reduction <minsi>, %select_n3A_66, %reduce_min3A_67 [1] : vector<128x64xi32> to vector<128xi32>
    %broadcast_in_dim3A_69 = vector.shape_cast %reduce_min3A_68 : vector<128xi32> to vector<128x1xi32>
    %concatenate3A = tpu.concatenate %broadcast_in_dim3A, %broadcast_in_dim3A_45, %broadcast_in_dim3A_61 in 1 : vector<128x1xf32>, vector<128x1xf32>, vector<128x1xf32> -> vector<128x3xf32>
    %max3A = arith.constant 1.000000e-10 : f32
    %max3A_70 = vector.broadcast %max3A : f32 to vector<128x3xf32>
    %max3A_71 = arith.maximumf %concatenate3A, %max3A_70 : vector<128x3xf32>
    %div3A = arith.constant 1.000000e+00 : f32
    %div3A_72 = vector.broadcast %div3A : f32 to vector<128x3xf32>
    %div3A_73 = arith.divf %div3A_72, %max3A_71 : vector<128x3xf32>
    %reduce_sum3A = arith.constant dense<0.000000e+00> : vector<128xf32>
    %reduce_sum3A_74 = vector.multi_reduction <add>, %div3A_73, %reduce_sum3A [1] : vector<128x3xf32> to vector<128xf32>
    %broadcast_in_dim3A_75 = vector.shape_cast %reduce_sum3A_74 : vector<128xf32> to vector<128x1xf32>
    %div3A_76 = vector.broadcast %broadcast_in_dim3A_75 : vector<128x1xf32> to vector<128x3xf32>
    %div3A_77 = arith.divf %div3A_73, %div3A_76 : vector<128x3xf32>
    %concatenate3A_78 = tpu.concatenate %broadcast_in_dim3A_37, %broadcast_in_dim3A_53, %broadcast_in_dim3A_69 in 1 : vector<128x1xi32>, vector<128x1xi32>, vector<128x1xi32> -> vector<128x3xi32>
    %mul3A = arith.constant 64 : i32
    %mul3A_79 = arith.muli %arg0, %mul3A : i32
    %add3A_80 = vector.broadcast %mul3A_79 : i32 to vector<128x3xi32>
    %add3A_81 = arith.addi %concatenate3A_78, %add3A_80 : vector<128x3xi32>
    %swap3A = arith.constant 0 : index
    %swap3A_82 = arith.constant 0 : index
    %swap3A_83 = arith.constant 0 : index
    %swap3A_84 = vector.load %arg4[%swap3A, %swap3A_82, %swap3A_83] : memref<1x128x3xi32, #tpu.memory_space<vmem>>, vector<1x128x3xi32>
    %swap3A_85 = vector.shape_cast %swap3A_84 : vector<1x128x3xi32> to vector<128x3xi32>
    %swap3A_86 = vector.shape_cast %add3A_81 : vector<128x3xi32> to vector<1x128x3xi32>
    tpu.vector_store %arg4[%swap3A, %swap3A_82, %swap3A_83], %swap3A_86 {strides = array<i32>} : memref<1x128x3xi32, #tpu.memory_space<vmem>>, vector<1x128x3xi32>,
    %swap3A_87 = arith.constant 0 : index
    %swap3A_88 = arith.constant 0 : index
    %swap3A_89 = arith.constant 0 : index
    %swap3A_90 = vector.load %arg5[%swap3A_87, %swap3A_88, %swap3A_89] : memref<1x128x3xf32, #tpu.memory_space<vmem>>, vector<1x128x3xf32>
    %swap3A_91 = vector.shape_cast %swap3A_90 : vector<1x128x3xf32> to vector<128x3xf32>
    %swap3A_92 = vector.shape_cast %div3A_77 : vector<128x3xf32> to vector<1x128x3xf32>
    tpu.vector_store %arg5[%swap3A_87, %swap3A_88, %swap3A_89], %swap3A_92 {strides = array<i32>} : memref<1x128x3xf32, #tpu.memory_space<vmem>>, vector<1x128x3xf32>,
    return
  }
  func.func @transform_0(%arg0: i32, %arg1: i32) -> (i32, i32, i32) {
    %c0_i32 = arith.constant 0 : i32
    %c0_i32_0 = arith.constant 0 : i32
    return %arg0, %arg1, %c0_i32 : i32, i32, i32
  }
  func.func @transform_1(%arg0: i32, %arg1: i32) -> (i32, i32, i32) {
    %c0_i32 = arith.constant 0 : i32
    %c0_i32_0 = arith.constant 0 : i32
    %c0_i32_1 = arith.constant 0 : i32
    return %arg0, %c0_i32, %c0_i32_0 : i32, i32, i32
  }
  func.func @transform_2(%arg0: i32, %arg1: i32) -> (i32, i32, i32) {
    %c0_i32 = arith.constant 0 : i32
    %c0_i32_0 = arith.constant 0 : i32
    return %arg0, %arg1, %c0_i32 : i32, i32, i32
  }
  func.func @transform_3(%arg0: i32, %arg1: i32) -> (i32, i32, i32) {
    %c0_i32 = arith.constant 0 : i32
    %c0_i32_0 = arith.constant 0 : i32
    return %arg0, %arg1, %c0_i32 : i32, i32, i32
  }
}

module attributes {stable_mosaic.version = 14 : i64} {
  func.func @_fpl1_kernel(%arg0: i32, %arg1: i32, %arg2: memref<64x3x512xf32, #tpu.memory_space<vmem>>, %arg3: memref<64x3xf32, #tpu.memory_space<vmem>>, %arg4: memref<64x256xf32, #tpu.memory_space<vmem>>, %arg5: memref<512x256xf32, #tpu.memory_space<vmem>>, %arg6: memref<256x256xf32, #tpu.memory_space<vmem>>, %arg7: memref<1x64x256xf32, #tpu.memory_space<vmem>>) attributes {dimension_semantics = [#tpu.dimension_semantics<arbitrary>, #tpu.dimension_semantics<arbitrary>], iteration_bounds = array<i64: 4, 1>, scalar_prefetch = 0 : i64, scratch_operands = 0 : i64, tpu.core_type = #tpu.core_type<tc>, window_params = [{transform_indices = @transform_0, window_bounds = array<i64: 64, 3, 512>}, {transform_indices = @transform_1, window_bounds = array<i64: 64, 3>}, {transform_indices = @transform_2, window_bounds = array<i64: 64, 256>}, {pipeline_mode = #tpu.pipeline_mode<synchronous>, transform_indices = @transform_3, window_bounds = array<i64: 512, 256>}, {pipeline_mode = #tpu.pipeline_mode<synchronous>, transform_indices = @transform_4, window_bounds = array<i64: 256, 256>}, {transform_indices = @transform_5, window_bounds = array<i64: 1, 64, 256>}]} {
    %get3A = arith.constant 0 : index
    %get3A_0 = arith.constant 0 : index
    %get3A_1 = arith.constant 0 : index
    %get3A_2 = vector.load %arg2[%get3A, %get3A_0, %get3A_1] : memref<64x3x512xf32, #tpu.memory_space<vmem>>, vector<64x3x512xf32>
    %get3A_3 = arith.constant 0 : index
    %get3A_4 = arith.constant 0 : index
    %get3A_5 = vector.load %arg3[%get3A_3, %get3A_4] : memref<64x3xf32, #tpu.memory_space<vmem>>, vector<64x3xf32>
    %broadcast_in_dim3A = vector.shape_cast %get3A_5 : vector<64x3xf32> to vector<64x3x1xf32>
    %mul3A = vector.broadcast %broadcast_in_dim3A : vector<64x3x1xf32> to vector<64x3x512xf32>
    %mul3A_6 = arith.mulf %get3A_2, %mul3A : vector<64x3x512xf32>
    %reduce_sum3A = arith.constant dense<0.000000e+00> : vector<64x512xf32>
    %reduce_sum3A_7 = vector.multi_reduction <add>, %mul3A_6, %reduce_sum3A [1] : vector<64x3x512xf32> to vector<64x512xf32>
    %get3A_8 = arith.constant 0 : index
    %get3A_9 = arith.constant 0 : index
    %get3A_10 = vector.load %arg5[%get3A_8, %get3A_9] : memref<512x256xf32, #tpu.memory_space<vmem>>, vector<512x256xf32>
    %dot_general3A = arith.constant dense<0.000000e+00> : vector<64x256xf32>
    %dot_general3A_11 = tpu.matmul %reduce_sum3A_7, %get3A_10, %dot_general3A {dimension_numbers = #tpu.dot_dimension_numbers<[1], [0], [0], [1], [0, 0, 1, 1], [], []>, transpose_lhs_hint = false} : vector<64x512xf32>, vector<512x256xf32>, vector<64x256xf32> -> vector<64x256xf32>
    %get3A_12 = arith.constant 0 : index
    %get3A_13 = arith.constant 0 : index
    %get3A_14 = vector.load %arg4[%get3A_12, %get3A_13] : memref<64x256xf32, #tpu.memory_space<vmem>>, vector<64x256xf32>
    %get3A_15 = arith.constant 0 : index
    %get3A_16 = arith.constant 0 : index
    %get3A_17 = vector.load %arg6[%get3A_15, %get3A_16] : memref<256x256xf32, #tpu.memory_space<vmem>>, vector<256x256xf32>
    %dot_general3A_18 = arith.constant dense<0.000000e+00> : vector<64x256xf32>
    %dot_general3A_19 = tpu.matmul %get3A_14, %get3A_17, %dot_general3A_18 {dimension_numbers = #tpu.dot_dimension_numbers<[1], [0], [0], [1], [0, 0, 1, 1], [], []>, transpose_lhs_hint = false} : vector<64x256xf32>, vector<256x256xf32>, vector<64x256xf32> -> vector<64x256xf32>
    %add3A = arith.addf %dot_general3A_11, %dot_general3A_19 : vector<64x256xf32>
    %reshape3A = vector.shape_cast %add3A : vector<64x256xf32> to vector<1x64x256xf32>
    %swap3A = arith.constant 0 : index
    %swap3A_20 = arith.constant 0 : index
    %swap3A_21 = arith.constant 0 : index
    %swap3A_22 = vector.load %arg7[%swap3A, %swap3A_20, %swap3A_21] : memref<1x64x256xf32, #tpu.memory_space<vmem>>, vector<1x64x256xf32>
    tpu.vector_store %arg7[%swap3A, %swap3A_20, %swap3A_21], %reshape3A {strides = array<i32>} : memref<1x64x256xf32, #tpu.memory_space<vmem>>, vector<1x64x256xf32>,
    return
  }
  func.func @transform_0(%arg0: i32, %arg1: i32) -> (i32, i32, i32) {
    %mul3A = arith.constant 1 : i32
    %mul3A_0 = arith.muli %arg0, %mul3A : i32
    %add3A = arith.addi %mul3A_0, %arg1 : i32
    %c0_i32 = arith.constant 0 : i32
    %c0_i32_1 = arith.constant 0 : i32
    %c0_i32_2 = arith.constant 0 : i32
    return %add3A, %c0_i32, %c0_i32_1 : i32, i32, i32
  }
  func.func @transform_1(%arg0: i32, %arg1: i32) -> (i32, i32) {
    %mul3A = arith.constant 1 : i32
    %mul3A_0 = arith.muli %arg0, %mul3A : i32
    %add3A = arith.addi %mul3A_0, %arg1 : i32
    %c0_i32 = arith.constant 0 : i32
    %c0_i32_1 = arith.constant 0 : i32
    return %add3A, %c0_i32 : i32, i32
  }
  func.func @transform_2(%arg0: i32, %arg1: i32) -> (i32, i32) {
    %mul3A = arith.constant 1 : i32
    %mul3A_0 = arith.muli %arg0, %mul3A : i32
    %add3A = arith.addi %mul3A_0, %arg1 : i32
    %c0_i32 = arith.constant 0 : i32
    %c0_i32_1 = arith.constant 0 : i32
    return %add3A, %c0_i32 : i32, i32
  }
  func.func @transform_3(%arg0: i32, %arg1: i32) -> (i32, i32) {
    %c0_i32 = arith.constant 0 : i32
    %c0_i32_0 = arith.constant 0 : i32
    %c0_i32_1 = arith.constant 0 : i32
    return %c0_i32, %c0_i32_0 : i32, i32
  }
  func.func @transform_4(%arg0: i32, %arg1: i32) -> (i32, i32) {
    %c0_i32 = arith.constant 0 : i32
    %c0_i32_0 = arith.constant 0 : i32
    %c0_i32_1 = arith.constant 0 : i32
    return %c0_i32, %c0_i32_0 : i32, i32
  }
  func.func @transform_5(%arg0: i32, %arg1: i32) -> (i32, i32, i32) {
    %c0_i32 = arith.constant 0 : i32
    %c0_i32_0 = arith.constant 0 : i32
    return %arg0, %arg1, %c0_i32 : i32, i32, i32
  }
}

module attributes {stable_mosaic.version = 14 : i64} {
  func.func @_mm_kernel(%arg0: i32, %arg1: i32, %arg2: memref<64x256xf32, #tpu.memory_space<vmem>>, %arg3: memref<256x256xf32, #tpu.memory_space<vmem>>, %arg4: memref<1x64x256xf32, #tpu.memory_space<vmem>>) attributes {dimension_semantics = [#tpu.dimension_semantics<arbitrary>, #tpu.dimension_semantics<arbitrary>], iteration_bounds = array<i64: 4, 1>, scalar_prefetch = 0 : i64, scratch_operands = 0 : i64, tpu.core_type = #tpu.core_type<tc>, window_params = [{transform_indices = @transform_0, window_bounds = array<i64: 64, 256>}, {pipeline_mode = #tpu.pipeline_mode<synchronous>, transform_indices = @transform_1, window_bounds = array<i64: 256, 256>}, {transform_indices = @transform_2, window_bounds = array<i64: 1, 64, 256>}]} {
    %get3A = arith.constant 0 : index
    %get3A_0 = arith.constant 0 : index
    %get3A_1 = vector.load %arg2[%get3A, %get3A_0] : memref<64x256xf32, #tpu.memory_space<vmem>>, vector<64x256xf32>
    %get3A_2 = arith.constant 0 : index
    %get3A_3 = arith.constant 0 : index
    %get3A_4 = vector.load %arg3[%get3A_2, %get3A_3] : memref<256x256xf32, #tpu.memory_space<vmem>>, vector<256x256xf32>
    %dot_general3A = arith.constant dense<0.000000e+00> : vector<64x256xf32>
    %dot_general3A_5 = tpu.matmul %get3A_1, %get3A_4, %dot_general3A {dimension_numbers = #tpu.dot_dimension_numbers<[1], [0], [0], [1], [0, 0, 1, 1], [], []>, transpose_lhs_hint = false} : vector<64x256xf32>, vector<256x256xf32>, vector<64x256xf32> -> vector<64x256xf32>
    %reshape3A = vector.shape_cast %dot_general3A_5 : vector<64x256xf32> to vector<1x64x256xf32>
    %swap3A = arith.constant 0 : index
    %swap3A_6 = arith.constant 0 : index
    %swap3A_7 = arith.constant 0 : index
    %swap3A_8 = vector.load %arg4[%swap3A, %swap3A_6, %swap3A_7] : memref<1x64x256xf32, #tpu.memory_space<vmem>>, vector<1x64x256xf32>
    tpu.vector_store %arg4[%swap3A, %swap3A_6, %swap3A_7], %reshape3A {strides = array<i32>} : memref<1x64x256xf32, #tpu.memory_space<vmem>>, vector<1x64x256xf32>,
    return
  }
  func.func @transform_0(%arg0: i32, %arg1: i32) -> (i32, i32) {
    %mul3A = arith.constant 1 : i32
    %mul3A_0 = arith.muli %arg0, %mul3A : i32
    %add3A = arith.addi %mul3A_0, %arg1 : i32
    %c0_i32 = arith.constant 0 : i32
    %c0_i32_1 = arith.constant 0 : i32
    return %add3A, %c0_i32 : i32, i32
  }
  func.func @transform_1(%arg0: i32, %arg1: i32) -> (i32, i32) {
    %c0_i32 = arith.constant 0 : i32
    %c0_i32_0 = arith.constant 0 : i32
    %c0_i32_1 = arith.constant 0 : i32
    return %c0_i32, %c0_i32_0 : i32, i32
  }
  func.func @transform_2(%arg0: i32, %arg1: i32) -> (i32, i32, i32) {
    %c0_i32 = arith.constant 0 : i32
    %c0_i32_0 = arith.constant 0 : i32
    return %arg0, %arg1, %c0_i32 : i32, i32, i32
  }
}

module attributes {stable_mosaic.version = 14 : i64} {
  func.func @_fp3nn_kernel(%arg0: i32, %arg1: i32, %arg2: memref<1x128x3xf32, #tpu.memory_space<vmem>>, %arg3: memref<1x3x256xf32, #tpu.memory_space<vmem>>, %arg4: memref<1x128x3xi32, #tpu.memory_space<vmem>>, %arg5: memref<1x128x3xf32, #tpu.memory_space<vmem>>) attributes {dimension_semantics = [#tpu.dimension_semantics<arbitrary>, #tpu.dimension_semantics<arbitrary>], iteration_bounds = array<i64: 4, 8>, scalar_prefetch = 0 : i64, scratch_operands = 0 : i64, tpu.core_type = #tpu.core_type<tc>, window_params = [{transform_indices = @transform_0, window_bounds = array<i64: 1, 128, 3>}, {transform_indices = @transform_1, window_bounds = array<i64: 1, 3, 256>}, {transform_indices = @transform_2, window_bounds = array<i64: 1, 128, 3>}, {transform_indices = @transform_3, window_bounds = array<i64: 1, 128, 3>}]} {
    %get3A = arith.constant 0 : index
    %get3A_0 = arith.constant 0 : index
    %get3A_1 = arith.constant 0 : index
    %get3A_2 = vector.load %arg2[%get3A, %get3A_0, %get3A_1] : memref<1x128x3xf32, #tpu.memory_space<vmem>>, vector<1x128x3xf32>
    %get3A_3 = vector.shape_cast %get3A_2 : vector<1x128x3xf32> to vector<128x3xf32>
    %slice3A = vector.extract_strided_slice %get3A_3 {offsets = [0, 0], sizes = [128, 1], strides = [1, 1]} : vector<128x3xf32> to vector<128x1xf32>
    %slice3A_4 = vector.extract_strided_slice %get3A_3 {offsets = [0, 1], sizes = [128, 1], strides = [1, 1]} : vector<128x3xf32> to vector<128x1xf32>
    %slice3A_5 = vector.extract_strided_slice %get3A_3 {offsets = [0, 2], sizes = [128, 1], strides = [1, 1]} : vector<128x3xf32> to vector<128x1xf32>
    %get3A_6 = arith.constant 0 : index
    %get3A_7 = arith.constant 0 : index
    %get3A_8 = arith.constant 0 : index
    %get3A_9 = vector.load %arg3[%get3A_6, %get3A_7, %get3A_8] : memref<1x3x256xf32, #tpu.memory_space<vmem>>, vector<1x1x256xf32>
    %get3A_10 = vector.shape_cast %get3A_9 : vector<1x1x256xf32> to vector<1x256xf32>
    %get3A_11 = arith.constant 0 : index
    %get3A_12 = arith.constant 1 : index
    %get3A_13 = arith.constant 0 : index
    %get3A_14 = vector.load %arg3[%get3A_11, %get3A_12, %get3A_13] : memref<1x3x256xf32, #tpu.memory_space<vmem>>, vector<1x1x256xf32>
    %get3A_15 = vector.shape_cast %get3A_14 : vector<1x1x256xf32> to vector<1x256xf32>
    %get3A_16 = arith.constant 0 : index
    %get3A_17 = arith.constant 2 : index
    %get3A_18 = arith.constant 0 : index
    %get3A_19 = vector.load %arg3[%get3A_16, %get3A_17, %get3A_18] : memref<1x3x256xf32, #tpu.memory_space<vmem>>, vector<1x1x256xf32>
    %get3A_20 = vector.shape_cast %get3A_19 : vector<1x1x256xf32> to vector<1x256xf32>
    %sub3A = vector.broadcast %slice3A : vector<128x1xf32> to vector<128x256xf32>
    %sub3A_21 = vector.broadcast %get3A_10 : vector<1x256xf32> to vector<128x256xf32>
    %sub3A_22 = arith.subf %sub3A, %sub3A_21 : vector<128x256xf32>
    %integer_pow3A = arith.mulf %sub3A_22, %sub3A_22 : vector<128x256xf32>
    %sub3A_23 = vector.broadcast %slice3A_4 : vector<128x1xf32> to vector<128x256xf32>
    %sub3A_24 = vector.broadcast %get3A_15 : vector<1x256xf32> to vector<128x256xf32>
    %sub3A_25 = arith.subf %sub3A_23, %sub3A_24 : vector<128x256xf32>
    %integer_pow3A_26 = arith.mulf %sub3A_25, %sub3A_25 : vector<128x256xf32>
    %add3A = arith.addf %integer_pow3A, %integer_pow3A_26 : vector<128x256xf32>
    %sub3A_27 = vector.broadcast %slice3A_5 : vector<128x1xf32> to vector<128x256xf32>
    %sub3A_28 = vector.broadcast %get3A_20 : vector<1x256xf32> to vector<128x256xf32>
    %sub3A_29 = arith.subf %sub3A_27, %sub3A_28 : vector<128x256xf32>
    %integer_pow3A_30 = arith.mulf %sub3A_29, %sub3A_29 : vector<128x256xf32>
    %add3A_31 = arith.addf %add3A, %integer_pow3A_30 : vector<128x256xf32>
    %iota3A = tpu.iota {dimensions = array<i32: 1>} : vector<128x256xi32>
    %reduce_min3A = arith.constant dense<0x7F800000> : vector<128xf32>
    %reduce_min3A_32 = vector.multi_reduction <minimumf>, %add3A_31, %reduce_min3A [1] : vector<128x256xf32> to vector<128xf32>
    %broadcast_in_dim3A = vector.shape_cast %reduce_min3A_32 : vector<128xf32> to vector<128x1xf32>
    %eq3A = vector.broadcast %broadcast_in_dim3A : vector<128x1xf32> to vector<128x256xf32>
    %eq3A_33 = arith.cmpf oeq, %add3A_31, %eq3A : vector<128x256xf32>
    %jit3A = arith.constant 256 : i32
    %broadcast_in_dim3A_34 = vector.broadcast %jit3A : i32 to vector<128x256xi32>
    %select_n3A = arith.select %eq3A_33, %iota3A, %broadcast_in_dim3A_34 : vector<128x256xi1>, vector<128x256xi32>
    %reduce_min3A_35 = arith.constant dense<2147483647> : vector<128xi32>
    %reduce_min3A_36 = vector.multi_reduction <minsi>, %select_n3A, %reduce_min3A_35 [1] : vector<128x256xi32> to vector<128xi32>
    %broadcast_in_dim3A_37 = vector.shape_cast %reduce_min3A_36 : vector<128xi32> to vector<128x1xi32>
    %eq3A_38 = vector.broadcast %broadcast_in_dim3A_37 : vector<128x1xi32> to vector<128x256xi32>
    %eq3A_39 = arith.cmpi eq, %iota3A, %eq3A_38 : vector<128x256xi32>
    %jit3A_40 = arith.constant 1.000000e+30 : f32
    %broadcast_in_dim3A_41 = vector.broadcast %jit3A_40 : f32 to vector<128x256xf32>
    %select_n3A_42 = arith.select %eq3A_39, %broadcast_in_dim3A_41, %add3A_31 : vector<128x256xi1>, vector<128x256xf32>
    %reduce_min3A_43 = arith.constant dense<0x7F800000> : vector<128xf32>
    %reduce_min3A_44 = vector.multi_reduction <minimumf>, %select_n3A_42, %reduce_min3A_43 [1] : vector<128x256xf32> to vector<128xf32>
    %broadcast_in_dim3A_45 = vector.shape_cast %reduce_min3A_44 : vector<128xf32> to vector<128x1xf32>
    %eq3A_46 = vector.broadcast %broadcast_in_dim3A_45 : vector<128x1xf32> to vector<128x256xf32>
    %eq3A_47 = arith.cmpf oeq, %select_n3A_42, %eq3A_46 : vector<128x256xf32>
    %jit3A_48 = arith.constant 256 : i32
    %broadcast_in_dim3A_49 = vector.broadcast %jit3A_48 : i32 to vector<128x256xi32>
    %select_n3A_50 = arith.select %eq3A_47, %iota3A, %broadcast_in_dim3A_49 : vector<128x256xi1>, vector<128x256xi32>
    %reduce_min3A_51 = arith.constant dense<2147483647> : vector<128xi32>
    %reduce_min3A_52 = vector.multi_reduction <minsi>, %select_n3A_50, %reduce_min3A_51 [1] : vector<128x256xi32> to vector<128xi32>
    %broadcast_in_dim3A_53 = vector.shape_cast %reduce_min3A_52 : vector<128xi32> to vector<128x1xi32>
    %eq3A_54 = vector.broadcast %broadcast_in_dim3A_53 : vector<128x1xi32> to vector<128x256xi32>
    %eq3A_55 = arith.cmpi eq, %iota3A, %eq3A_54 : vector<128x256xi32>
    %jit3A_56 = arith.constant 1.000000e+30 : f32
    %broadcast_in_dim3A_57 = vector.broadcast %jit3A_56 : f32 to vector<128x256xf32>
    %select_n3A_58 = arith.select %eq3A_55, %broadcast_in_dim3A_57, %select_n3A_42 : vector<128x256xi1>, vector<128x256xf32>
    %reduce_min3A_59 = arith.constant dense<0x7F800000> : vector<128xf32>
    %reduce_min3A_60 = vector.multi_reduction <minimumf>, %select_n3A_58, %reduce_min3A_59 [1] : vector<128x256xf32> to vector<128xf32>
    %broadcast_in_dim3A_61 = vector.shape_cast %reduce_min3A_60 : vector<128xf32> to vector<128x1xf32>
    %eq3A_62 = vector.broadcast %broadcast_in_dim3A_61 : vector<128x1xf32> to vector<128x256xf32>
    %eq3A_63 = arith.cmpf oeq, %select_n3A_58, %eq3A_62 : vector<128x256xf32>
    %jit3A_64 = arith.constant 256 : i32
    %broadcast_in_dim3A_65 = vector.broadcast %jit3A_64 : i32 to vector<128x256xi32>
    %select_n3A_66 = arith.select %eq3A_63, %iota3A, %broadcast_in_dim3A_65 : vector<128x256xi1>, vector<128x256xi32>
    %reduce_min3A_67 = arith.constant dense<2147483647> : vector<128xi32>
    %reduce_min3A_68 = vector.multi_reduction <minsi>, %select_n3A_66, %reduce_min3A_67 [1] : vector<128x256xi32> to vector<128xi32>
    %broadcast_in_dim3A_69 = vector.shape_cast %reduce_min3A_68 : vector<128xi32> to vector<128x1xi32>
    %concatenate3A = tpu.concatenate %broadcast_in_dim3A, %broadcast_in_dim3A_45, %broadcast_in_dim3A_61 in 1 : vector<128x1xf32>, vector<128x1xf32>, vector<128x1xf32> -> vector<128x3xf32>
    %max3A = arith.constant 1.000000e-10 : f32
    %max3A_70 = vector.broadcast %max3A : f32 to vector<128x3xf32>
    %max3A_71 = arith.maximumf %concatenate3A, %max3A_70 : vector<128x3xf32>
    %div3A = arith.constant 1.000000e+00 : f32
    %div3A_72 = vector.broadcast %div3A : f32 to vector<128x3xf32>
    %div3A_73 = arith.divf %div3A_72, %max3A_71 : vector<128x3xf32>
    %reduce_sum3A = arith.constant dense<0.000000e+00> : vector<128xf32>
    %reduce_sum3A_74 = vector.multi_reduction <add>, %div3A_73, %reduce_sum3A [1] : vector<128x3xf32> to vector<128xf32>
    %broadcast_in_dim3A_75 = vector.shape_cast %reduce_sum3A_74 : vector<128xf32> to vector<128x1xf32>
    %div3A_76 = vector.broadcast %broadcast_in_dim3A_75 : vector<128x1xf32> to vector<128x3xf32>
    %div3A_77 = arith.divf %div3A_73, %div3A_76 : vector<128x3xf32>
    %concatenate3A_78 = tpu.concatenate %broadcast_in_dim3A_37, %broadcast_in_dim3A_53, %broadcast_in_dim3A_69 in 1 : vector<128x1xi32>, vector<128x1xi32>, vector<128x1xi32> -> vector<128x3xi32>
    %mul3A = arith.constant 256 : i32
    %mul3A_79 = arith.muli %arg0, %mul3A : i32
    %add3A_80 = vector.broadcast %mul3A_79 : i32 to vector<128x3xi32>
    %add3A_81 = arith.addi %concatenate3A_78, %add3A_80 : vector<128x3xi32>
    %swap3A = arith.constant 0 : index
    %swap3A_82 = arith.constant 0 : index
    %swap3A_83 = arith.constant 0 : index
    %swap3A_84 = vector.load %arg4[%swap3A, %swap3A_82, %swap3A_83] : memref<1x128x3xi32, #tpu.memory_space<vmem>>, vector<1x128x3xi32>
    %swap3A_85 = vector.shape_cast %swap3A_84 : vector<1x128x3xi32> to vector<128x3xi32>
    %swap3A_86 = vector.shape_cast %add3A_81 : vector<128x3xi32> to vector<1x128x3xi32>
    tpu.vector_store %arg4[%swap3A, %swap3A_82, %swap3A_83], %swap3A_86 {strides = array<i32>} : memref<1x128x3xi32, #tpu.memory_space<vmem>>, vector<1x128x3xi32>,
    %swap3A_87 = arith.constant 0 : index
    %swap3A_88 = arith.constant 0 : index
    %swap3A_89 = arith.constant 0 : index
    %swap3A_90 = vector.load %arg5[%swap3A_87, %swap3A_88, %swap3A_89] : memref<1x128x3xf32, #tpu.memory_space<vmem>>, vector<1x128x3xf32>
    %swap3A_91 = vector.shape_cast %swap3A_90 : vector<1x128x3xf32> to vector<128x3xf32>
    %swap3A_92 = vector.shape_cast %div3A_77 : vector<128x3xf32> to vector<1x128x3xf32>
    tpu.vector_store %arg5[%swap3A_87, %swap3A_88, %swap3A_89], %swap3A_92 {strides = array<i32>} : memref<1x128x3xf32, #tpu.memory_space<vmem>>, vector<1x128x3xf32>,
    return
  }
  func.func @transform_0(%arg0: i32, %arg1: i32) -> (i32, i32, i32) {
    %c0_i32 = arith.constant 0 : i32
    %c0_i32_0 = arith.constant 0 : i32
    return %arg0, %arg1, %c0_i32 : i32, i32, i32
  }
  func.func @transform_1(%arg0: i32, %arg1: i32) -> (i32, i32, i32) {
    %c0_i32 = arith.constant 0 : i32
    %c0_i32_0 = arith.constant 0 : i32
    %c0_i32_1 = arith.constant 0 : i32
    return %arg0, %c0_i32, %c0_i32_0 : i32, i32, i32
  }
  func.func @transform_2(%arg0: i32, %arg1: i32) -> (i32, i32, i32) {
    %c0_i32 = arith.constant 0 : i32
    %c0_i32_0 = arith.constant 0 : i32
    return %arg0, %arg1, %c0_i32 : i32, i32, i32
  }
  func.func @transform_3(%arg0: i32, %arg1: i32) -> (i32, i32, i32) {
    %c0_i32 = arith.constant 0 : i32
    %c0_i32_0 = arith.constant 0 : i32
    return %arg0, %arg1, %c0_i32 : i32, i32, i32
  }
}

module attributes {stable_mosaic.version = 14 : i64} {
  func.func @_fpl1_kernel(%arg0: i32, %arg1: i32, %arg2: memref<256x3x256xf32, #tpu.memory_space<vmem>>, %arg3: memref<256x3xf32, #tpu.memory_space<vmem>>, %arg4: memref<256x128xf32, #tpu.memory_space<vmem>>, %arg5: memref<256x256xf32, #tpu.memory_space<vmem>>, %arg6: memref<128x256xf32, #tpu.memory_space<vmem>>, %arg7: memref<1x256x256xf32, #tpu.memory_space<vmem>>) attributes {dimension_semantics = [#tpu.dimension_semantics<arbitrary>, #tpu.dimension_semantics<arbitrary>], iteration_bounds = array<i64: 4, 1>, scalar_prefetch = 0 : i64, scratch_operands = 0 : i64, tpu.core_type = #tpu.core_type<tc>, window_params = [{transform_indices = @transform_0, window_bounds = array<i64: 256, 3, 256>}, {transform_indices = @transform_1, window_bounds = array<i64: 256, 3>}, {transform_indices = @transform_2, window_bounds = array<i64: 256, 128>}, {pipeline_mode = #tpu.pipeline_mode<synchronous>, transform_indices = @transform_3, window_bounds = array<i64: 256, 256>}, {pipeline_mode = #tpu.pipeline_mode<synchronous>, transform_indices = @transform_4, window_bounds = array<i64: 128, 256>}, {transform_indices = @transform_5, window_bounds = array<i64: 1, 256, 256>}]} {
    %get3A = arith.constant 0 : index
    %get3A_0 = arith.constant 0 : index
    %get3A_1 = arith.constant 0 : index
    %get3A_2 = vector.load %arg2[%get3A, %get3A_0, %get3A_1] : memref<256x3x256xf32, #tpu.memory_space<vmem>>, vector<256x3x256xf32>
    %get3A_3 = arith.constant 0 : index
    %get3A_4 = arith.constant 0 : index
    %get3A_5 = vector.load %arg3[%get3A_3, %get3A_4] : memref<256x3xf32, #tpu.memory_space<vmem>>, vector<256x3xf32>
    %broadcast_in_dim3A = vector.shape_cast %get3A_5 : vector<256x3xf32> to vector<256x3x1xf32>
    %mul3A = vector.broadcast %broadcast_in_dim3A : vector<256x3x1xf32> to vector<256x3x256xf32>
    %mul3A_6 = arith.mulf %get3A_2, %mul3A : vector<256x3x256xf32>
    %reduce_sum3A = arith.constant dense<0.000000e+00> : vector<256x256xf32>
    %reduce_sum3A_7 = vector.multi_reduction <add>, %mul3A_6, %reduce_sum3A [1] : vector<256x3x256xf32> to vector<256x256xf32>
    %get3A_8 = arith.constant 0 : index
    %get3A_9 = arith.constant 0 : index
    %get3A_10 = vector.load %arg5[%get3A_8, %get3A_9] : memref<256x256xf32, #tpu.memory_space<vmem>>, vector<256x256xf32>
    %dot_general3A = arith.constant dense<0.000000e+00> : vector<256x256xf32>
    %dot_general3A_11 = tpu.matmul %reduce_sum3A_7, %get3A_10, %dot_general3A {dimension_numbers = #tpu.dot_dimension_numbers<[1], [0], [0], [1], [0, 0, 1, 1], [], []>, transpose_lhs_hint = false} : vector<256x256xf32>, vector<256x256xf32>, vector<256x256xf32> -> vector<256x256xf32>
    %get3A_12 = arith.constant 0 : index
    %get3A_13 = arith.constant 0 : index
    %get3A_14 = vector.load %arg4[%get3A_12, %get3A_13] : memref<256x128xf32, #tpu.memory_space<vmem>>, vector<256x128xf32>
    %get3A_15 = arith.constant 0 : index
    %get3A_16 = arith.constant 0 : index
    %get3A_17 = vector.load %arg6[%get3A_15, %get3A_16] : memref<128x256xf32, #tpu.memory_space<vmem>>, vector<128x256xf32>
    %dot_general3A_18 = arith.constant dense<0.000000e+00> : vector<256x256xf32>
    %dot_general3A_19 = tpu.matmul %get3A_14, %get3A_17, %dot_general3A_18 {dimension_numbers = #tpu.dot_dimension_numbers<[1], [0], [0], [1], [0, 0, 1, 1], [], []>, transpose_lhs_hint = false} : vector<256x128xf32>, vector<128x256xf32>, vector<256x256xf32> -> vector<256x256xf32>
    %add3A = arith.addf %dot_general3A_11, %dot_general3A_19 : vector<256x256xf32>
    %reshape3A = vector.shape_cast %add3A : vector<256x256xf32> to vector<1x256x256xf32>
    %swap3A = arith.constant 0 : index
    %swap3A_20 = arith.constant 0 : index
    %swap3A_21 = arith.constant 0 : index
    %swap3A_22 = vector.load %arg7[%swap3A, %swap3A_20, %swap3A_21] : memref<1x256x256xf32, #tpu.memory_space<vmem>>, vector<1x256x256xf32>
    tpu.vector_store %arg7[%swap3A, %swap3A_20, %swap3A_21], %reshape3A {strides = array<i32>} : memref<1x256x256xf32, #tpu.memory_space<vmem>>, vector<1x256x256xf32>,
    return
  }
  func.func @transform_0(%arg0: i32, %arg1: i32) -> (i32, i32, i32) {
    %mul3A = arith.constant 1 : i32
    %mul3A_0 = arith.muli %arg0, %mul3A : i32
    %add3A = arith.addi %mul3A_0, %arg1 : i32
    %c0_i32 = arith.constant 0 : i32
    %c0_i32_1 = arith.constant 0 : i32
    %c0_i32_2 = arith.constant 0 : i32
    return %add3A, %c0_i32, %c0_i32_1 : i32, i32, i32
  }
  func.func @transform_1(%arg0: i32, %arg1: i32) -> (i32, i32) {
    %mul3A = arith.constant 1 : i32
    %mul3A_0 = arith.muli %arg0, %mul3A : i32
    %add3A = arith.addi %mul3A_0, %arg1 : i32
    %c0_i32 = arith.constant 0 : i32
    %c0_i32_1 = arith.constant 0 : i32
    return %add3A, %c0_i32 : i32, i32
  }
  func.func @transform_2(%arg0: i32, %arg1: i32) -> (i32, i32) {
    %mul3A = arith.constant 1 : i32
    %mul3A_0 = arith.muli %arg0, %mul3A : i32
    %add3A = arith.addi %mul3A_0, %arg1 : i32
    %c0_i32 = arith.constant 0 : i32
    %c0_i32_1 = arith.constant 0 : i32
    return %add3A, %c0_i32 : i32, i32
  }
  func.func @transform_3(%arg0: i32, %arg1: i32) -> (i32, i32) {
    %c0_i32 = arith.constant 0 : i32
    %c0_i32_0 = arith.constant 0 : i32
    %c0_i32_1 = arith.constant 0 : i32
    return %c0_i32, %c0_i32_0 : i32, i32
  }
  func.func @transform_4(%arg0: i32, %arg1: i32) -> (i32, i32) {
    %c0_i32 = arith.constant 0 : i32
    %c0_i32_0 = arith.constant 0 : i32
    %c0_i32_1 = arith.constant 0 : i32
    return %c0_i32, %c0_i32_0 : i32, i32
  }
  func.func @transform_5(%arg0: i32, %arg1: i32) -> (i32, i32, i32) {
    %c0_i32 = arith.constant 0 : i32
    %c0_i32_0 = arith.constant 0 : i32
    return %arg0, %arg1, %c0_i32 : i32, i32, i32
  }
}

module attributes {stable_mosaic.version = 14 : i64} {
  func.func @_mm_kernel(%arg0: i32, %arg1: i32, %arg2: memref<256x256xf32, #tpu.memory_space<vmem>>, %arg3: memref<256x256xf32, #tpu.memory_space<vmem>>, %arg4: memref<1x256x256xf32, #tpu.memory_space<vmem>>) attributes {dimension_semantics = [#tpu.dimension_semantics<arbitrary>, #tpu.dimension_semantics<arbitrary>], iteration_bounds = array<i64: 4, 1>, scalar_prefetch = 0 : i64, scratch_operands = 0 : i64, tpu.core_type = #tpu.core_type<tc>, window_params = [{transform_indices = @transform_0, window_bounds = array<i64: 256, 256>}, {pipeline_mode = #tpu.pipeline_mode<synchronous>, transform_indices = @transform_1, window_bounds = array<i64: 256, 256>}, {transform_indices = @transform_2, window_bounds = array<i64: 1, 256, 256>}]} {
    %get3A = arith.constant 0 : index
    %get3A_0 = arith.constant 0 : index
    %get3A_1 = vector.load %arg2[%get3A, %get3A_0] : memref<256x256xf32, #tpu.memory_space<vmem>>, vector<256x256xf32>
    %get3A_2 = arith.constant 0 : index
    %get3A_3 = arith.constant 0 : index
    %get3A_4 = vector.load %arg3[%get3A_2, %get3A_3] : memref<256x256xf32, #tpu.memory_space<vmem>>, vector<256x256xf32>
    %dot_general3A = arith.constant dense<0.000000e+00> : vector<256x256xf32>
    %dot_general3A_5 = tpu.matmul %get3A_1, %get3A_4, %dot_general3A {dimension_numbers = #tpu.dot_dimension_numbers<[1], [0], [0], [1], [0, 0, 1, 1], [], []>, transpose_lhs_hint = false} : vector<256x256xf32>, vector<256x256xf32>, vector<256x256xf32> -> vector<256x256xf32>
    %reshape3A = vector.shape_cast %dot_general3A_5 : vector<256x256xf32> to vector<1x256x256xf32>
    %swap3A = arith.constant 0 : index
    %swap3A_6 = arith.constant 0 : index
    %swap3A_7 = arith.constant 0 : index
    %swap3A_8 = vector.load %arg4[%swap3A, %swap3A_6, %swap3A_7] : memref<1x256x256xf32, #tpu.memory_space<vmem>>, vector<1x256x256xf32>
    tpu.vector_store %arg4[%swap3A, %swap3A_6, %swap3A_7], %reshape3A {strides = array<i32>} : memref<1x256x256xf32, #tpu.memory_space<vmem>>, vector<1x256x256xf32>,
    return
  }
  func.func @transform_0(%arg0: i32, %arg1: i32) -> (i32, i32) {
    %mul3A = arith.constant 1 : i32
    %mul3A_0 = arith.muli %arg0, %mul3A : i32
    %add3A = arith.addi %mul3A_0, %arg1 : i32
    %c0_i32 = arith.constant 0 : i32
    %c0_i32_1 = arith.constant 0 : i32
    return %add3A, %c0_i32 : i32, i32
  }
  func.func @transform_1(%arg0: i32, %arg1: i32) -> (i32, i32) {
    %c0_i32 = arith.constant 0 : i32
    %c0_i32_0 = arith.constant 0 : i32
    %c0_i32_1 = arith.constant 0 : i32
    return %c0_i32, %c0_i32_0 : i32, i32
  }
  func.func @transform_2(%arg0: i32, %arg1: i32) -> (i32, i32, i32) {
    %c0_i32 = arith.constant 0 : i32
    %c0_i32_0 = arith.constant 0 : i32
    return %arg0, %arg1, %c0_i32 : i32, i32, i32
  }
}

module attributes {stable_mosaic.version = 14 : i64} {
  func.func @_fp3nn_kernel(%arg0: i32, %arg1: i32, %arg2: memref<1x128x3xf32, #tpu.memory_space<vmem>>, %arg3: memref<1x3x1024xf32, #tpu.memory_space<vmem>>, %arg4: memref<1x128x3xi32, #tpu.memory_space<vmem>>, %arg5: memref<1x128x3xf32, #tpu.memory_space<vmem>>) attributes {dimension_semantics = [#tpu.dimension_semantics<arbitrary>, #tpu.dimension_semantics<arbitrary>], iteration_bounds = array<i64: 4, 32>, scalar_prefetch = 0 : i64, scratch_operands = 0 : i64, tpu.core_type = #tpu.core_type<tc>, window_params = [{transform_indices = @transform_0, window_bounds = array<i64: 1, 128, 3>}, {transform_indices = @transform_1, window_bounds = array<i64: 1, 3, 1024>}, {transform_indices = @transform_2, window_bounds = array<i64: 1, 128, 3>}, {transform_indices = @transform_3, window_bounds = array<i64: 1, 128, 3>}]} {
    %get3A = arith.constant 0 : index
    %get3A_0 = arith.constant 0 : index
    %get3A_1 = arith.constant 0 : index
    %get3A_2 = vector.load %arg2[%get3A, %get3A_0, %get3A_1] : memref<1x128x3xf32, #tpu.memory_space<vmem>>, vector<1x128x3xf32>
    %get3A_3 = vector.shape_cast %get3A_2 : vector<1x128x3xf32> to vector<128x3xf32>
    %slice3A = vector.extract_strided_slice %get3A_3 {offsets = [0, 0], sizes = [128, 1], strides = [1, 1]} : vector<128x3xf32> to vector<128x1xf32>
    %slice3A_4 = vector.extract_strided_slice %get3A_3 {offsets = [0, 1], sizes = [128, 1], strides = [1, 1]} : vector<128x3xf32> to vector<128x1xf32>
    %slice3A_5 = vector.extract_strided_slice %get3A_3 {offsets = [0, 2], sizes = [128, 1], strides = [1, 1]} : vector<128x3xf32> to vector<128x1xf32>
    %get3A_6 = arith.constant 0 : index
    %get3A_7 = arith.constant 0 : index
    %get3A_8 = arith.constant 0 : index
    %get3A_9 = vector.load %arg3[%get3A_6, %get3A_7, %get3A_8] : memref<1x3x1024xf32, #tpu.memory_space<vmem>>, vector<1x1x1024xf32>
    %get3A_10 = vector.shape_cast %get3A_9 : vector<1x1x1024xf32> to vector<1x1024xf32>
    %get3A_11 = arith.constant 0 : index
    %get3A_12 = arith.constant 1 : index
    %get3A_13 = arith.constant 0 : index
    %get3A_14 = vector.load %arg3[%get3A_11, %get3A_12, %get3A_13] : memref<1x3x1024xf32, #tpu.memory_space<vmem>>, vector<1x1x1024xf32>
    %get3A_15 = vector.shape_cast %get3A_14 : vector<1x1x1024xf32> to vector<1x1024xf32>
    %get3A_16 = arith.constant 0 : index
    %get3A_17 = arith.constant 2 : index
    %get3A_18 = arith.constant 0 : index
    %get3A_19 = vector.load %arg3[%get3A_16, %get3A_17, %get3A_18] : memref<1x3x1024xf32, #tpu.memory_space<vmem>>, vector<1x1x1024xf32>
    %get3A_20 = vector.shape_cast %get3A_19 : vector<1x1x1024xf32> to vector<1x1024xf32>
    %sub3A = vector.broadcast %slice3A : vector<128x1xf32> to vector<128x1024xf32>
    %sub3A_21 = vector.broadcast %get3A_10 : vector<1x1024xf32> to vector<128x1024xf32>
    %sub3A_22 = arith.subf %sub3A, %sub3A_21 : vector<128x1024xf32>
    %integer_pow3A = arith.mulf %sub3A_22, %sub3A_22 : vector<128x1024xf32>
    %sub3A_23 = vector.broadcast %slice3A_4 : vector<128x1xf32> to vector<128x1024xf32>
    %sub3A_24 = vector.broadcast %get3A_15 : vector<1x1024xf32> to vector<128x1024xf32>
    %sub3A_25 = arith.subf %sub3A_23, %sub3A_24 : vector<128x1024xf32>
    %integer_pow3A_26 = arith.mulf %sub3A_25, %sub3A_25 : vector<128x1024xf32>
    %add3A = arith.addf %integer_pow3A, %integer_pow3A_26 : vector<128x1024xf32>
    %sub3A_27 = vector.broadcast %slice3A_5 : vector<128x1xf32> to vector<128x1024xf32>
    %sub3A_28 = vector.broadcast %get3A_20 : vector<1x1024xf32> to vector<128x1024xf32>
    %sub3A_29 = arith.subf %sub3A_27, %sub3A_28 : vector<128x1024xf32>
    %integer_pow3A_30 = arith.mulf %sub3A_29, %sub3A_29 : vector<128x1024xf32>
    %add3A_31 = arith.addf %add3A, %integer_pow3A_30 : vector<128x1024xf32>
    %iota3A = tpu.iota {dimensions = array<i32: 1>} : vector<128x1024xi32>
    %reduce_min3A = arith.constant dense<0x7F800000> : vector<128xf32>
    %reduce_min3A_32 = vector.multi_reduction <minimumf>, %add3A_31, %reduce_min3A [1] : vector<128x1024xf32> to vector<128xf32>
    %broadcast_in_dim3A = vector.shape_cast %reduce_min3A_32 : vector<128xf32> to vector<128x1xf32>
    %eq3A = vector.broadcast %broadcast_in_dim3A : vector<128x1xf32> to vector<128x1024xf32>
    %eq3A_33 = arith.cmpf oeq, %add3A_31, %eq3A : vector<128x1024xf32>
    %jit3A = arith.constant 1024 : i32
    %broadcast_in_dim3A_34 = vector.broadcast %jit3A : i32 to vector<128x1024xi32>
    %select_n3A = arith.select %eq3A_33, %iota3A, %broadcast_in_dim3A_34 : vector<128x1024xi1>, vector<128x1024xi32>
    %reduce_min3A_35 = arith.constant dense<2147483647> : vector<128xi32>
    %reduce_min3A_36 = vector.multi_reduction <minsi>, %select_n3A, %reduce_min3A_35 [1] : vector<128x1024xi32> to vector<128xi32>
    %broadcast_in_dim3A_37 = vector.shape_cast %reduce_min3A_36 : vector<128xi32> to vector<128x1xi32>
    %eq3A_38 = vector.broadcast %broadcast_in_dim3A_37 : vector<128x1xi32> to vector<128x1024xi32>
    %eq3A_39 = arith.cmpi eq, %iota3A, %eq3A_38 : vector<128x1024xi32>
    %jit3A_40 = arith.constant 1.000000e+30 : f32
    %broadcast_in_dim3A_41 = vector.broadcast %jit3A_40 : f32 to vector<128x1024xf32>
    %select_n3A_42 = arith.select %eq3A_39, %broadcast_in_dim3A_41, %add3A_31 : vector<128x1024xi1>, vector<128x1024xf32>
    %reduce_min3A_43 = arith.constant dense<0x7F800000> : vector<128xf32>
    %reduce_min3A_44 = vector.multi_reduction <minimumf>, %select_n3A_42, %reduce_min3A_43 [1] : vector<128x1024xf32> to vector<128xf32>
    %broadcast_in_dim3A_45 = vector.shape_cast %reduce_min3A_44 : vector<128xf32> to vector<128x1xf32>
    %eq3A_46 = vector.broadcast %broadcast_in_dim3A_45 : vector<128x1xf32> to vector<128x1024xf32>
    %eq3A_47 = arith.cmpf oeq, %select_n3A_42, %eq3A_46 : vector<128x1024xf32>
    %jit3A_48 = arith.constant 1024 : i32
    %broadcast_in_dim3A_49 = vector.broadcast %jit3A_48 : i32 to vector<128x1024xi32>
    %select_n3A_50 = arith.select %eq3A_47, %iota3A, %broadcast_in_dim3A_49 : vector<128x1024xi1>, vector<128x1024xi32>
    %reduce_min3A_51 = arith.constant dense<2147483647> : vector<128xi32>
    %reduce_min3A_52 = vector.multi_reduction <minsi>, %select_n3A_50, %reduce_min3A_51 [1] : vector<128x1024xi32> to vector<128xi32>
    %broadcast_in_dim3A_53 = vector.shape_cast %reduce_min3A_52 : vector<128xi32> to vector<128x1xi32>
    %eq3A_54 = vector.broadcast %broadcast_in_dim3A_53 : vector<128x1xi32> to vector<128x1024xi32>
    %eq3A_55 = arith.cmpi eq, %iota3A, %eq3A_54 : vector<128x1024xi32>
    %jit3A_56 = arith.constant 1.000000e+30 : f32
    %broadcast_in_dim3A_57 = vector.broadcast %jit3A_56 : f32 to vector<128x1024xf32>
    %select_n3A_58 = arith.select %eq3A_55, %broadcast_in_dim3A_57, %select_n3A_42 : vector<128x1024xi1>, vector<128x1024xf32>
    %reduce_min3A_59 = arith.constant dense<0x7F800000> : vector<128xf32>
    %reduce_min3A_60 = vector.multi_reduction <minimumf>, %select_n3A_58, %reduce_min3A_59 [1] : vector<128x1024xf32> to vector<128xf32>
    %broadcast_in_dim3A_61 = vector.shape_cast %reduce_min3A_60 : vector<128xf32> to vector<128x1xf32>
    %eq3A_62 = vector.broadcast %broadcast_in_dim3A_61 : vector<128x1xf32> to vector<128x1024xf32>
    %eq3A_63 = arith.cmpf oeq, %select_n3A_58, %eq3A_62 : vector<128x1024xf32>
    %jit3A_64 = arith.constant 1024 : i32
    %broadcast_in_dim3A_65 = vector.broadcast %jit3A_64 : i32 to vector<128x1024xi32>
    %select_n3A_66 = arith.select %eq3A_63, %iota3A, %broadcast_in_dim3A_65 : vector<128x1024xi1>, vector<128x1024xi32>
    %reduce_min3A_67 = arith.constant dense<2147483647> : vector<128xi32>
    %reduce_min3A_68 = vector.multi_reduction <minsi>, %select_n3A_66, %reduce_min3A_67 [1] : vector<128x1024xi32> to vector<128xi32>
    %broadcast_in_dim3A_69 = vector.shape_cast %reduce_min3A_68 : vector<128xi32> to vector<128x1xi32>
    %concatenate3A = tpu.concatenate %broadcast_in_dim3A, %broadcast_in_dim3A_45, %broadcast_in_dim3A_61 in 1 : vector<128x1xf32>, vector<128x1xf32>, vector<128x1xf32> -> vector<128x3xf32>
    %max3A = arith.constant 1.000000e-10 : f32
    %max3A_70 = vector.broadcast %max3A : f32 to vector<128x3xf32>
    %max3A_71 = arith.maximumf %concatenate3A, %max3A_70 : vector<128x3xf32>
    %div3A = arith.constant 1.000000e+00 : f32
    %div3A_72 = vector.broadcast %div3A : f32 to vector<128x3xf32>
    %div3A_73 = arith.divf %div3A_72, %max3A_71 : vector<128x3xf32>
    %reduce_sum3A = arith.constant dense<0.000000e+00> : vector<128xf32>
    %reduce_sum3A_74 = vector.multi_reduction <add>, %div3A_73, %reduce_sum3A [1] : vector<128x3xf32> to vector<128xf32>
    %broadcast_in_dim3A_75 = vector.shape_cast %reduce_sum3A_74 : vector<128xf32> to vector<128x1xf32>
    %div3A_76 = vector.broadcast %broadcast_in_dim3A_75 : vector<128x1xf32> to vector<128x3xf32>
    %div3A_77 = arith.divf %div3A_73, %div3A_76 : vector<128x3xf32>
    %concatenate3A_78 = tpu.concatenate %broadcast_in_dim3A_37, %broadcast_in_dim3A_53, %broadcast_in_dim3A_69 in 1 : vector<128x1xi32>, vector<128x1xi32>, vector<128x1xi32> -> vector<128x3xi32>
    %mul3A = arith.constant 1024 : i32
    %mul3A_79 = arith.muli %arg0, %mul3A : i32
    %add3A_80 = vector.broadcast %mul3A_79 : i32 to vector<128x3xi32>
    %add3A_81 = arith.addi %concatenate3A_78, %add3A_80 : vector<128x3xi32>
    %swap3A = arith.constant 0 : index
    %swap3A_82 = arith.constant 0 : index
    %swap3A_83 = arith.constant 0 : index
    %swap3A_84 = vector.load %arg4[%swap3A, %swap3A_82, %swap3A_83] : memref<1x128x3xi32, #tpu.memory_space<vmem>>, vector<1x128x3xi32>
    %swap3A_85 = vector.shape_cast %swap3A_84 : vector<1x128x3xi32> to vector<128x3xi32>
    %swap3A_86 = vector.shape_cast %add3A_81 : vector<128x3xi32> to vector<1x128x3xi32>
    tpu.vector_store %arg4[%swap3A, %swap3A_82, %swap3A_83], %swap3A_86 {strides = array<i32>} : memref<1x128x3xi32, #tpu.memory_space<vmem>>, vector<1x128x3xi32>,
    %swap3A_87 = arith.constant 0 : index
    %swap3A_88 = arith.constant 0 : index
    %swap3A_89 = arith.constant 0 : index
    %swap3A_90 = vector.load %arg5[%swap3A_87, %swap3A_88, %swap3A_89] : memref<1x128x3xf32, #tpu.memory_space<vmem>>, vector<1x128x3xf32>
    %swap3A_91 = vector.shape_cast %swap3A_90 : vector<1x128x3xf32> to vector<128x3xf32>
    %swap3A_92 = vector.shape_cast %div3A_77 : vector<128x3xf32> to vector<1x128x3xf32>
    tpu.vector_store %arg5[%swap3A_87, %swap3A_88, %swap3A_89], %swap3A_92 {strides = array<i32>} : memref<1x128x3xf32, #tpu.memory_space<vmem>>, vector<1x128x3xf32>,
    return
  }
  func.func @transform_0(%arg0: i32, %arg1: i32) -> (i32, i32, i32) {
    %c0_i32 = arith.constant 0 : i32
    %c0_i32_0 = arith.constant 0 : i32
    return %arg0, %arg1, %c0_i32 : i32, i32, i32
  }
  func.func @transform_1(%arg0: i32, %arg1: i32) -> (i32, i32, i32) {
    %c0_i32 = arith.constant 0 : i32
    %c0_i32_0 = arith.constant 0 : i32
    %c0_i32_1 = arith.constant 0 : i32
    return %arg0, %c0_i32, %c0_i32_0 : i32, i32, i32
  }
  func.func @transform_2(%arg0: i32, %arg1: i32) -> (i32, i32, i32) {
    %c0_i32 = arith.constant 0 : i32
    %c0_i32_0 = arith.constant 0 : i32
    return %arg0, %arg1, %c0_i32 : i32, i32, i32
  }
  func.func @transform_3(%arg0: i32, %arg1: i32) -> (i32, i32, i32) {
    %c0_i32 = arith.constant 0 : i32
    %c0_i32_0 = arith.constant 0 : i32
    return %arg0, %arg1, %c0_i32 : i32, i32, i32
  }
}

module attributes {stable_mosaic.version = 14 : i64} {
  func.func @_fpl1_kernel(%arg0: i32, %arg1: i32, %arg2: memref<512x3x256xf32, #tpu.memory_space<vmem>>, %arg3: memref<512x3xf32, #tpu.memory_space<vmem>>, %arg4: memref<512x64xf32, #tpu.memory_space<vmem>>, %arg5: memref<256x256xf32, #tpu.memory_space<vmem>>, %arg6: memref<64x256xf32, #tpu.memory_space<vmem>>, %arg7: memref<1x512x256xf32, #tpu.memory_space<vmem>>) attributes {dimension_semantics = [#tpu.dimension_semantics<arbitrary>, #tpu.dimension_semantics<arbitrary>], iteration_bounds = array<i64: 4, 2>, scalar_prefetch = 0 : i64, scratch_operands = 0 : i64, tpu.core_type = #tpu.core_type<tc>, window_params = [{transform_indices = @transform_0, window_bounds = array<i64: 512, 3, 256>}, {transform_indices = @transform_1, window_bounds = array<i64: 512, 3>}, {transform_indices = @transform_2, window_bounds = array<i64: 512, 64>}, {pipeline_mode = #tpu.pipeline_mode<synchronous>, transform_indices = @transform_3, window_bounds = array<i64: 256, 256>}, {pipeline_mode = #tpu.pipeline_mode<synchronous>, transform_indices = @transform_4, window_bounds = array<i64: 64, 256>}, {transform_indices = @transform_5, window_bounds = array<i64: 1, 512, 256>}]} {
    %get3A = arith.constant 0 : index
    %get3A_0 = arith.constant 0 : index
    %get3A_1 = arith.constant 0 : index
    %get3A_2 = vector.load %arg2[%get3A, %get3A_0, %get3A_1] : memref<512x3x256xf32, #tpu.memory_space<vmem>>, vector<512x3x256xf32>
    %get3A_3 = arith.constant 0 : index
    %get3A_4 = arith.constant 0 : index
    %get3A_5 = vector.load %arg3[%get3A_3, %get3A_4] : memref<512x3xf32, #tpu.memory_space<vmem>>, vector<512x3xf32>
    %broadcast_in_dim3A = vector.shape_cast %get3A_5 : vector<512x3xf32> to vector<512x3x1xf32>
    %mul3A = vector.broadcast %broadcast_in_dim3A : vector<512x3x1xf32> to vector<512x3x256xf32>
    %mul3A_6 = arith.mulf %get3A_2, %mul3A : vector<512x3x256xf32>
    %reduce_sum3A = arith.constant dense<0.000000e+00> : vector<512x256xf32>
    %reduce_sum3A_7 = vector.multi_reduction <add>, %mul3A_6, %reduce_sum3A [1] : vector<512x3x256xf32> to vector<512x256xf32>
    %get3A_8 = arith.constant 0 : index
    %get3A_9 = arith.constant 0 : index
    %get3A_10 = vector.load %arg5[%get3A_8, %get3A_9] : memref<256x256xf32, #tpu.memory_space<vmem>>, vector<256x256xf32>
    %dot_general3A = arith.constant dense<0.000000e+00> : vector<512x256xf32>
    %dot_general3A_11 = tpu.matmul %reduce_sum3A_7, %get3A_10, %dot_general3A {dimension_numbers = #tpu.dot_dimension_numbers<[1], [0], [0], [1], [0, 0, 1, 1], [], []>, transpose_lhs_hint = false} : vector<512x256xf32>, vector<256x256xf32>, vector<512x256xf32> -> vector<512x256xf32>
    %get3A_12 = arith.constant 0 : index
    %get3A_13 = arith.constant 0 : index
    %get3A_14 = vector.load %arg4[%get3A_12, %get3A_13] : memref<512x64xf32, #tpu.memory_space<vmem>>, vector<512x64xf32>
    %get3A_15 = arith.constant 0 : index
    %get3A_16 = arith.constant 0 : index
    %get3A_17 = vector.load %arg6[%get3A_15, %get3A_16] : memref<64x256xf32, #tpu.memory_space<vmem>>, vector<64x256xf32>
    %dot_general3A_18 = arith.constant dense<0.000000e+00> : vector<512x256xf32>
    %dot_general3A_19 = tpu.matmul %get3A_14, %get3A_17, %dot_general3A_18 {dimension_numbers = #tpu.dot_dimension_numbers<[1], [0], [0], [1], [0, 0, 1, 1], [], []>, transpose_lhs_hint = false} : vector<512x64xf32>, vector<64x256xf32>, vector<512x256xf32> -> vector<512x256xf32>
    %add3A = arith.addf %dot_general3A_11, %dot_general3A_19 : vector<512x256xf32>
    %reshape3A = vector.shape_cast %add3A : vector<512x256xf32> to vector<1x512x256xf32>
    %swap3A = arith.constant 0 : index
    %swap3A_20 = arith.constant 0 : index
    %swap3A_21 = arith.constant 0 : index
    %swap3A_22 = vector.load %arg7[%swap3A, %swap3A_20, %swap3A_21] : memref<1x512x256xf32, #tpu.memory_space<vmem>>, vector<1x512x256xf32>
    tpu.vector_store %arg7[%swap3A, %swap3A_20, %swap3A_21], %reshape3A {strides = array<i32>} : memref<1x512x256xf32, #tpu.memory_space<vmem>>, vector<1x512x256xf32>,
    return
  }
  func.func @transform_0(%arg0: i32, %arg1: i32) -> (i32, i32, i32) {
    %mul3A = arith.constant 2 : i32
    %mul3A_0 = arith.muli %arg0, %mul3A : i32
    %add3A = arith.addi %mul3A_0, %arg1 : i32
    %c0_i32 = arith.constant 0 : i32
    %c0_i32_1 = arith.constant 0 : i32
    %c0_i32_2 = arith.constant 0 : i32
    return %add3A, %c0_i32, %c0_i32_1 : i32, i32, i32
  }
  func.func @transform_1(%arg0: i32, %arg1: i32) -> (i32, i32) {
    %mul3A = arith.constant 2 : i32
    %mul3A_0 = arith.muli %arg0, %mul3A : i32
    %add3A = arith.addi %mul3A_0, %arg1 : i32
    %c0_i32 = arith.constant 0 : i32
    %c0_i32_1 = arith.constant 0 : i32
    return %add3A, %c0_i32 : i32, i32
  }
  func.func @transform_2(%arg0: i32, %arg1: i32) -> (i32, i32) {
    %mul3A = arith.constant 2 : i32
    %mul3A_0 = arith.muli %arg0, %mul3A : i32
    %add3A = arith.addi %mul3A_0, %arg1 : i32
    %c0_i32 = arith.constant 0 : i32
    %c0_i32_1 = arith.constant 0 : i32
    return %add3A, %c0_i32 : i32, i32
  }
  func.func @transform_3(%arg0: i32, %arg1: i32) -> (i32, i32) {
    %c0_i32 = arith.constant 0 : i32
    %c0_i32_0 = arith.constant 0 : i32
    %c0_i32_1 = arith.constant 0 : i32
    return %c0_i32, %c0_i32_0 : i32, i32
  }
  func.func @transform_4(%arg0: i32, %arg1: i32) -> (i32, i32) {
    %c0_i32 = arith.constant 0 : i32
    %c0_i32_0 = arith.constant 0 : i32
    %c0_i32_1 = arith.constant 0 : i32
    return %c0_i32, %c0_i32_0 : i32, i32
  }
  func.func @transform_5(%arg0: i32, %arg1: i32) -> (i32, i32, i32) {
    %c0_i32 = arith.constant 0 : i32
    %c0_i32_0 = arith.constant 0 : i32
    return %arg0, %arg1, %c0_i32 : i32, i32, i32
  }
}

module attributes {stable_mosaic.version = 14 : i64} {
  func.func @_mm_kernel(%arg0: i32, %arg1: i32, %arg2: memref<512x256xf32, #tpu.memory_space<vmem>>, %arg3: memref<256x128xf32, #tpu.memory_space<vmem>>, %arg4: memref<1x512x128xf32, #tpu.memory_space<vmem>>) attributes {dimension_semantics = [#tpu.dimension_semantics<arbitrary>, #tpu.dimension_semantics<arbitrary>], iteration_bounds = array<i64: 4, 2>, scalar_prefetch = 0 : i64, scratch_operands = 0 : i64, tpu.core_type = #tpu.core_type<tc>, window_params = [{transform_indices = @transform_0, window_bounds = array<i64: 512, 256>}, {pipeline_mode = #tpu.pipeline_mode<synchronous>, transform_indices = @transform_1, window_bounds = array<i64: 256, 128>}, {transform_indices = @transform_2, window_bounds = array<i64: 1, 512, 128>}]} {
    %get3A = arith.constant 0 : index
    %get3A_0 = arith.constant 0 : index
    %get3A_1 = vector.load %arg2[%get3A, %get3A_0] : memref<512x256xf32, #tpu.memory_space<vmem>>, vector<512x256xf32>
    %get3A_2 = arith.constant 0 : index
    %get3A_3 = arith.constant 0 : index
    %get3A_4 = vector.load %arg3[%get3A_2, %get3A_3] : memref<256x128xf32, #tpu.memory_space<vmem>>, vector<256x128xf32>
    %dot_general3A = arith.constant dense<0.000000e+00> : vector<512x128xf32>
    %dot_general3A_5 = tpu.matmul %get3A_1, %get3A_4, %dot_general3A {dimension_numbers = #tpu.dot_dimension_numbers<[1], [0], [0], [1], [0, 0, 1, 1], [], []>, transpose_lhs_hint = false} : vector<512x256xf32>, vector<256x128xf32>, vector<512x128xf32> -> vector<512x128xf32>
    %reshape3A = vector.shape_cast %dot_general3A_5 : vector<512x128xf32> to vector<1x512x128xf32>
    %swap3A = arith.constant 0 : index
    %swap3A_6 = arith.constant 0 : index
    %swap3A_7 = arith.constant 0 : index
    %swap3A_8 = vector.load %arg4[%swap3A, %swap3A_6, %swap3A_7] : memref<1x512x128xf32, #tpu.memory_space<vmem>>, vector<1x512x128xf32>
    tpu.vector_store %arg4[%swap3A, %swap3A_6, %swap3A_7], %reshape3A {strides = array<i32>} : memref<1x512x128xf32, #tpu.memory_space<vmem>>, vector<1x512x128xf32>,
    return
  }
  func.func @transform_0(%arg0: i32, %arg1: i32) -> (i32, i32) {
    %mul3A = arith.constant 2 : i32
    %mul3A_0 = arith.muli %arg0, %mul3A : i32
    %add3A = arith.addi %mul3A_0, %arg1 : i32
    %c0_i32 = arith.constant 0 : i32
    %c0_i32_1 = arith.constant 0 : i32
    return %add3A, %c0_i32 : i32, i32
  }
  func.func @transform_1(%arg0: i32, %arg1: i32) -> (i32, i32) {
    %c0_i32 = arith.constant 0 : i32
    %c0_i32_0 = arith.constant 0 : i32
    %c0_i32_1 = arith.constant 0 : i32
    return %c0_i32, %c0_i32_0 : i32, i32
  }
  func.func @transform_2(%arg0: i32, %arg1: i32) -> (i32, i32, i32) {
    %c0_i32 = arith.constant 0 : i32
    %c0_i32_0 = arith.constant 0 : i32
    return %arg0, %arg1, %c0_i32 : i32, i32, i32
  }
}

module attributes {stable_mosaic.version = 14 : i64} {
  func.func @body(%arg0: i32, %arg1: i32, %arg2: memref<512x3x128xf32, #tpu.memory_space<vmem>>, %arg3: memref<512x3xf32, #tpu.memory_space<vmem>>, %arg4: memref<128x128xf32, #tpu.memory_space<vmem>>, %arg5: memref<1x512x128xf32, #tpu.memory_space<vmem>>) attributes {dimension_semantics = [#tpu.dimension_semantics<arbitrary>, #tpu.dimension_semantics<arbitrary>], iteration_bounds = array<i64: 4, 8>, scalar_prefetch = 0 : i64, scratch_operands = 0 : i64, tpu.core_type = #tpu.core_type<tc>, window_params = [{transform_indices = @transform_0, window_bounds = array<i64: 512, 3, 128>}, {transform_indices = @transform_1, window_bounds = array<i64: 512, 3>}, {pipeline_mode = #tpu.pipeline_mode<synchronous>, transform_indices = @transform_2, window_bounds = array<i64: 128, 128>}, {transform_indices = @transform_3, window_bounds = array<i64: 1, 512, 128>}]} {
    %get3A = arith.constant 0 : index
    %get3A_0 = arith.constant 0 : index
    %get3A_1 = arith.constant 0 : index
    %get3A_2 = vector.load %arg2[%get3A, %get3A_0, %get3A_1] : memref<512x3x128xf32, #tpu.memory_space<vmem>>, vector<512x3x128xf32>
    %get3A_3 = arith.constant 0 : index
    %get3A_4 = arith.constant 0 : index
    %get3A_5 = vector.load %arg3[%get3A_3, %get3A_4] : memref<512x3xf32, #tpu.memory_space<vmem>>, vector<512x3xf32>
    %broadcast_in_dim3A = vector.shape_cast %get3A_5 : vector<512x3xf32> to vector<512x3x1xf32>
    %mul3A = vector.broadcast %broadcast_in_dim3A : vector<512x3x1xf32> to vector<512x3x128xf32>
    %mul3A_6 = arith.mulf %get3A_2, %mul3A : vector<512x3x128xf32>
    %reduce_sum3A = arith.constant dense<0.000000e+00> : vector<512x128xf32>
    %reduce_sum3A_7 = vector.multi_reduction <add>, %mul3A_6, %reduce_sum3A [1] : vector<512x3x128xf32> to vector<512x128xf32>
    %get3A_8 = arith.constant 0 : index
    %get3A_9 = arith.constant 0 : index
    %get3A_10 = vector.load %arg4[%get3A_8, %get3A_9] : memref<128x128xf32, #tpu.memory_space<vmem>>, vector<128x128xf32>
    %dot_general3A = arith.constant dense<0.000000e+00> : vector<512x128xf32>
    %dot_general3A_11 = tpu.matmul %reduce_sum3A_7, %get3A_10, %dot_general3A {dimension_numbers = #tpu.dot_dimension_numbers<[1], [0], [0], [1], [0, 0, 1, 1], [], []>, transpose_lhs_hint = false} : vector<512x128xf32>, vector<128x128xf32>, vector<512x128xf32> -> vector<512x128xf32>
    %reshape3A = vector.shape_cast %dot_general3A_11 : vector<512x128xf32> to vector<1x512x128xf32>
    %swap3A = arith.constant 0 : index
    %swap3A_12 = arith.constant 0 : index
    %swap3A_13 = arith.constant 0 : index
    %swap3A_14 = vector.load %arg5[%swap3A, %swap3A_12, %swap3A_13] : memref<1x512x128xf32, #tpu.memory_space<vmem>>, vector<1x512x128xf32>
    tpu.vector_store %arg5[%swap3A, %swap3A_12, %swap3A_13], %reshape3A {strides = array<i32>} : memref<1x512x128xf32, #tpu.memory_space<vmem>>, vector<1x512x128xf32>,
    return
  }
  func.func @transform_0(%arg0: i32, %arg1: i32) -> (i32, i32, i32) {
    %mul3A = arith.constant 8 : i32
    %mul3A_0 = arith.muli %arg0, %mul3A : i32
    %add3A = arith.addi %mul3A_0, %arg1 : i32
    %c0_i32 = arith.constant 0 : i32
    %c0_i32_1 = arith.constant 0 : i32
    %c0_i32_2 = arith.constant 0 : i32
    return %add3A, %c0_i32, %c0_i32_1 : i32, i32, i32
  }
  func.func @transform_1(%arg0: i32, %arg1: i32) -> (i32, i32) {
    %mul3A = arith.constant 8 : i32
    %mul3A_0 = arith.muli %arg0, %mul3A : i32
    %add3A = arith.addi %mul3A_0, %arg1 : i32
    %c0_i32 = arith.constant 0 : i32
    %c0_i32_1 = arith.constant 0 : i32
    return %add3A, %c0_i32 : i32, i32
  }
  func.func @transform_2(%arg0: i32, %arg1: i32) -> (i32, i32) {
    %c0_i32 = arith.constant 0 : i32
    %c0_i32_0 = arith.constant 0 : i32
    %c0_i32_1 = arith.constant 0 : i32
    return %c0_i32, %c0_i32_0 : i32, i32
  }
  func.func @transform_3(%arg0: i32, %arg1: i32) -> (i32, i32, i32) {
    %c0_i32 = arith.constant 0 : i32
    %c0_i32_0 = arith.constant 0 : i32
    return %arg0, %arg1, %c0_i32 : i32, i32, i32
  }
}

module attributes {stable_mosaic.version = 14 : i64} {
  func.func @_mm_kernel(%arg0: i32, %arg1: i32, %arg2: memref<512x128xf32, #tpu.memory_space<vmem>>, %arg3: memref<128x128xf32, #tpu.memory_space<vmem>>, %arg4: memref<1x512x128xf32, #tpu.memory_space<vmem>>) attributes {dimension_semantics = [#tpu.dimension_semantics<arbitrary>, #tpu.dimension_semantics<arbitrary>], iteration_bounds = array<i64: 4, 8>, scalar_prefetch = 0 : i64, scratch_operands = 0 : i64, tpu.core_type = #tpu.core_type<tc>, window_params = [{transform_indices = @transform_0, window_bounds = array<i64: 512, 128>}, {pipeline_mode = #tpu.pipeline_mode<synchronous>, transform_indices = @transform_1, window_bounds = array<i64: 128, 128>}, {transform_indices = @transform_2, window_bounds = array<i64: 1, 512, 128>}]} {
    %get3A = arith.constant 0 : index
    %get3A_0 = arith.constant 0 : index
    %get3A_1 = vector.load %arg2[%get3A, %get3A_0] : memref<512x128xf32, #tpu.memory_space<vmem>>, vector<512x128xf32>
    %get3A_2 = arith.constant 0 : index
    %get3A_3 = arith.constant 0 : index
    %get3A_4 = vector.load %arg3[%get3A_2, %get3A_3] : memref<128x128xf32, #tpu.memory_space<vmem>>, vector<128x128xf32>
    %dot_general3A = arith.constant dense<0.000000e+00> : vector<512x128xf32>
    %dot_general3A_5 = tpu.matmul %get3A_1, %get3A_4, %dot_general3A {dimension_numbers = #tpu.dot_dimension_numbers<[1], [0], [0], [1], [0, 0, 1, 1], [], []>, transpose_lhs_hint = false} : vector<512x128xf32>, vector<128x128xf32>, vector<512x128xf32> -> vector<512x128xf32>
    %reshape3A = vector.shape_cast %dot_general3A_5 : vector<512x128xf32> to vector<1x512x128xf32>
    %swap3A = arith.constant 0 : index
    %swap3A_6 = arith.constant 0 : index
    %swap3A_7 = arith.constant 0 : index
    %swap3A_8 = vector.load %arg4[%swap3A, %swap3A_6, %swap3A_7] : memref<1x512x128xf32, #tpu.memory_space<vmem>>, vector<1x512x128xf32>
    tpu.vector_store %arg4[%swap3A, %swap3A_6, %swap3A_7], %reshape3A {strides = array<i32>} : memref<1x512x128xf32, #tpu.memory_space<vmem>>, vector<1x512x128xf32>,
    return
  }
  func.func @transform_0(%arg0: i32, %arg1: i32) -> (i32, i32) {
    %mul3A = arith.constant 8 : i32
    %mul3A_0 = arith.muli %arg0, %mul3A : i32
    %add3A = arith.addi %mul3A_0, %arg1 : i32
    %c0_i32 = arith.constant 0 : i32
    %c0_i32_1 = arith.constant 0 : i32
    return %add3A, %c0_i32 : i32, i32
  }
  func.func @transform_1(%arg0: i32, %arg1: i32) -> (i32, i32) {
    %c0_i32 = arith.constant 0 : i32
    %c0_i32_0 = arith.constant 0 : i32
    %c0_i32_1 = arith.constant 0 : i32
    return %c0_i32, %c0_i32_0 : i32, i32
  }
  func.func @transform_2(%arg0: i32, %arg1: i32) -> (i32, i32, i32) {
    %c0_i32 = arith.constant 0 : i32
    %c0_i32_0 = arith.constant 0 : i32
    return %arg0, %arg1, %c0_i32 : i32, i32, i32
  }
}

module attributes {stable_mosaic.version = 14 : i64} {
  func.func @_fc_kernel(%arg0: i32, %arg1: memref<512x128xf32, #tpu.memory_space<vmem>>, %arg2: memref<128x13xf32, #tpu.memory_space<vmem>>, %arg3: memref<1x13xf32, #tpu.memory_space<vmem>>, %arg4: memref<512x13xf32, #tpu.memory_space<vmem>>) attributes {dimension_semantics = [#tpu.dimension_semantics<arbitrary>], iteration_bounds = array<i64: 32>, scalar_prefetch = 0 : i64, scratch_operands = 0 : i64, tpu.core_type = #tpu.core_type<tc>, window_params = [{transform_indices = @transform_0, window_bounds = array<i64: 512, 128>}, {pipeline_mode = #tpu.pipeline_mode<synchronous>, transform_indices = @transform_1, window_bounds = array<i64: 128, 13>}, {pipeline_mode = #tpu.pipeline_mode<synchronous>, transform_indices = @transform_2, window_bounds = array<i64: 1, 13>}, {transform_indices = @transform_3, window_bounds = array<i64: 512, 13>}]} {
    %get3A = arith.constant 0 : index
    %get3A_0 = arith.constant 0 : index
    %get3A_1 = vector.load %arg1[%get3A, %get3A_0] : memref<512x128xf32, #tpu.memory_space<vmem>>, vector<512x128xf32>
    %get3A_2 = arith.constant 0 : index
    %get3A_3 = arith.constant 0 : index
    %get3A_4 = vector.load %arg2[%get3A_2, %get3A_3] : memref<128x13xf32, #tpu.memory_space<vmem>>, vector<128x13xf32>
    %dot_general3A = arith.constant dense<0.000000e+00> : vector<512x13xf32>
    %dot_general3A_5 = tpu.matmul %get3A_1, %get3A_4, %dot_general3A {dimension_numbers = #tpu.dot_dimension_numbers<[1], [0], [0], [1], [0, 0, 1, 1], [], []>, transpose_lhs_hint = false} : vector<512x128xf32>, vector<128x13xf32>, vector<512x13xf32> -> vector<512x13xf32>
    %get3A_6 = arith.constant 0 : index
    %get3A_7 = arith.constant 0 : index
    %get3A_8 = vector.load %arg3[%get3A_6, %get3A_7] : memref<1x13xf32, #tpu.memory_space<vmem>>, vector<1x13xf32>
    %add3A = vector.broadcast %get3A_8 : vector<1x13xf32> to vector<512x13xf32>
    %add3A_9 = arith.addf %dot_general3A_5, %add3A : vector<512x13xf32>
    %swap3A = arith.constant 0 : index
    %swap3A_10 = arith.constant 0 : index
    %swap3A_11 = vector.load %arg4[%swap3A, %swap3A_10] : memref<512x13xf32, #tpu.memory_space<vmem>>, vector<512x13xf32>
    tpu.vector_store %arg4[%swap3A, %swap3A_10], %add3A_9 {strides = array<i32>} : memref<512x13xf32, #tpu.memory_space<vmem>>, vector<512x13xf32>,
    return
  }
  func.func @transform_0(%arg0: i32) -> (i32, i32) {
    %c0_i32 = arith.constant 0 : i32
    %c0_i32_0 = arith.constant 0 : i32
    return %arg0, %c0_i32 : i32, i32
  }
  func.func @transform_1(%arg0: i32) -> (i32, i32) {
    %c0_i32 = arith.constant 0 : i32
    %c0_i32_0 = arith.constant 0 : i32
    %c0_i32_1 = arith.constant 0 : i32
    return %c0_i32, %c0_i32_0 : i32, i32
  }
  func.func @transform_2(%arg0: i32) -> (i32, i32) {
    %c0_i32 = arith.constant 0 : i32
    %c0_i32_0 = arith.constant 0 : i32
    %c0_i32_1 = arith.constant 0 : i32
    return %c0_i32, %c0_i32_0 : i32, i32
  }
  func.func @transform_3(%arg0: i32) -> (i32, i32) {
    %c0_i32 = arith.constant 0 : i32
    %c0_i32_0 = arith.constant 0 : i32
    return %arg0, %c0_i32 : i32, i32
  }
}

</mosaic_0001>

<sc_bundles>
// kernel: kernel.49.cloned.1.call-start
scs
__scs_entry_jumppad:
0x0: {  	(pc) =	sbr.rel $0x88, $3  }
0x1: {  	(tag) =	ssettag $0x0;
	lr =	simm.s32 $0x1  }
0x2: {  	[smem:$0x3F87] =	sst lr;
	_ =	strace $0xD0000000  }
0x3: {  	_ = 	snop  }
0x4: {  	_ = 	snop  }
0x5: {  	_ = 	snop  }
0x6: {  	_ = 	snop  }
0x7: {  	_ = 	snop  }
__scs_overlays_trampoline_lowered:
0x8: {  	[smem:$0x3F96] =	sst s0  }
0x9: {  	[smem:$0x3F97] =	sst s1  }
0xa: {  	[smem:$0x3F98] =	sst s2  }
0xb: {  	[smem:$0x3F99] =	sst s3  }
0xc: {  	[smem:$0x3F9A] =	sst s4  }
0xd: {  	[smem:$0x3F9B] =	sst s5  }
0xe: {  	[smem:$0x3F9C] =	sst s6  }
0xf: {  	[smem:$0x3F9D] =	sst s7  }
0x10: {  	[smem:$0x3F9E] =	sst s8  }
0x11: {  	[smem:$0x3F9F] =	sst s9;
	s0 =	simm.s32 @!p0 $0x0  }
0x12: {  	s1 =	sld [smem:$0x3F85];
	s0 =	simm.s32 @p0 $0x1  }
0x13: {  	[smem:$0x3FA0] =	sst s0;
	s0 =	simm.s32 @!p1 $0x0  }
0x14: {  	s2 =	sld [smem:$0x3F84];
	s0 =	simm.s32 @p1 $0x1  }
0x15: {  	[smem:$0x3FA1] =	sst s0;
	s0 =	simm.s32 @!p2 $0x0  }
0x16: {  	s3 =	sld [smem:$0x3FDB];
	s0 =	simm.s32 @p2 $0x1  }
0x17: {  	s4 =	simm.s32 $0x1BF5;
	[smem:$0x3FA3] =	sst s0  }
0x18: {  	s0 =	sld [smem:$0x3F86];
	_ =	swait.ge [sflag:s4], $0x0  }
0x19: {  	s7 =	sld [smem:$0x3F87]  }
0x1a: {  	s8 =	sadd.s32 $0xFFFFE003, lr  }
0x1b: {  	s9 =	sadd.s32 $0xFFFFFEF7, lr;
	s5 =	simm.s32 $0xFFFFFFFF;
	p2 =	slt.u32 s8, $0xFFFFF086  }
0x1c: {  	p1 =	slt.u32 s9, $0xF7A;
	s5 =	simm.s32 @!p2 $0x0  }
0x1d: {  	s5 =	simm.s32 @p1 $0x1;
	p0 =	seq.s32 s7, s2  }
0x1e: {  	s7 =	smul.u32 @!p0 $0xF7A, s2;
	p2 =	seq.s32 @!p0 s5, $0x0  }
0x1f: {  	s9 =	smul.u32 $0xF7A, s1;
	s8 =	simm.s32 @!p0 $0x1BF5;
	p2 =	por !p2, p0  }
0x20: {  	[sflag:s8] =	ssyncset.s32 @!p0 $0xFFFFF086;
	s6 =	sadd.s32 @!p0 s3, s7;
	s7 =	simm.s32 @!p0 $0x108  }
0x21: {  	s3 =	sadd.s32 s3, s9;
	s6 =	sadd.s32 @!p0 $0x88, s6;
	s7 =	simm.s32 @p2 $0x1082  }
0x22: {  	[simem:s7], [sflag:s8] =	dma.local @!p0 [hbm:s6], $0xF7A  }
0x23: {  	s9 =	sor.u32 $0xD0000000, s2;
	s6 =	simm.s32 $0x108;
	_ =	swait.ge @!p0 [sflag:s8], $0x0  }
0x24: {  	s3 =	sadd.s32 $0x88, s3;
	s6 =	simm.s32 @!p1 $0x1082;
	[sflag:s4] =	ssyncset.s32 $0xFFFFF086  }
0x25: {  	[simem:s6], [sflag:s4] =	dma.local [hbm:s3], $0xF7A  }
0x26: {  	[smem:$0x3F87] =	sst s1;
	(tag) =	ssettag s2;
	_ =	strace s9  }
0x27: {  	s1 =	sld [smem:$0x3F97]  }
0x28: {  	s2 =	sld [smem:$0x3F98]  }
0x29: {  	s4 =	sld [smem:$0x3F9A]  }
0x2a: {  	p0 =	seq.s32 s5, $0x0;
	s5 =	sld [smem:$0x3F9B]  }
0x2b: {  	s6 =	sld [smem:$0x3F9C]  }
0x2c: {  	s7 =	sld [smem:$0x3F9D]  }
0x2d: {  	s3 =	simm.s32 $0x108;
	s8 =	sld [smem:$0x3F9E]  }
0x2e: {  	s3 =	simm.s32 @!p0 $0x1082;
	s9 =	sld [smem:$0x3F9F]  }
0x2f: {  	lr =	sadd.s32 s0, s3;
	s0 =	sld [smem:$0x3F96]  }
0x30: {  	s3 =	sld [smem:$0x3F99]  }
0x31: {  	[smem:$0x3FA2] =	sst s10  }
0x32: {  	s10 =	sld [smem:$0x3FA0];
	_ =	sdelay $0x3  }
0x33: {  	p0 =	seq.s32 s10, $0x1;
	s10 =	sld [smem:$0x3FA2];
	_ =	sdelay $0x3  }
0x34: {  	[smem:$0x3FA2] =	sst s10  }
0x35: {  	s10 =	sld [smem:$0x3FA1];
	_ =	sdelay $0x3  }
0x36: {  	p1 =	seq.s32 s10, $0x1;
	s10 =	sld [smem:$0x3FA2];
	_ =	sdelay $0x3  }
0x37: {  	[smem:$0x3FA2] =	sst s10  }
0x38: {  	s10 =	sld [smem:$0x3FA3]  }
0x39: {  	_ = 	snop;
	(pc) =	sbr.ind lr, $3  }
0x3a: {  	_ = 	snop  }
0x3b: {  	_ = 	snop  }
0x3c: {  	p2 =	seq.s32 s10, $0x1;
	s10 =	sld [smem:$0x3FA2]  }
0x3d: {  	_ =	shalt  }
0x3e: {  	_ =	shalt  }
0x3f: {  	_ =	shalt  }
0x40: {  	_ =	shalt  }
0x41: {  	_ =	shalt  }
0x42: {  	_ =	shalt  }
0x43: {  	_ =	shalt  }
0x44: {  	_ =	shalt  }
0x45: {  	_ =	shalt  }
0x46: {  	_ =	shalt  }
0x47: {  	_ =	shalt  }
0x48: {  	_ =	shalt  }
0x49: {  	_ =	shalt  }
0x4a: {  	_ =	shalt  }
0x4b: {  	_ =	shalt  }
0x4c: {  	_ =	shalt  }
0x4d: {  	_ =	shalt  }
0x4e: {  	_ =	shalt  }
0x4f: {  	_ =	shalt  }
0x50: {  	_ =	shalt  }
0x51: {  	_ =	shalt  }
0x52: {  	_ =	shalt  }
0x53: {  	_ =	shalt  }
0x54: {  	_ =	shalt  }
0x55: {  	_ =	shalt  }
0x56: {  	_ =	shalt  }
0x57: {  	_ =	shalt  }
0x58: {  	_ =	shalt  }
0x59: {  	_ =	shalt  }
0x5a: {  	_ =	shalt  }
0x5b: {  	_ =	shalt  }
0x5c: {  	_ =	shalt  }
0x5d: {  	_ =	shalt  }
0x5e: {  	_ =	shalt  }
0x5f: {  	_ =	shalt  }
0x60: {  	_ =	shalt  }
0x61: {  	_ =	shalt  }
0x62: {  	_ =	shalt  }
0x63: {  	_ =	shalt  }
0x64: {  	_ =	shalt  }
0x65: {  	_ =	shalt  }
0x66: {  	_ =	shalt  }
0x67: {  	_ =	shalt  }
0x68: {  	_ =	shalt  }
0x69: {  	_ =	shalt  }
0x6a: {  	_ =	shalt  }
0x6b: {  	_ =	shalt  }
0x6c: {  	_ =	shalt  }
0x6d: {  	_ =	shalt  }
0x6e: {  	_ =	shalt  }
0x6f: {  	_ =	shalt  }
0x70: {  	_ =	shalt  }
0x71: {  	_ =	shalt  }
0x72: {  	_ =	shalt  }
0x73: {  	_ =	shalt  }
0x74: {  	_ =	shalt  }
0x75: {  	_ =	shalt  }
0x76: {  	_ =	shalt  }
0x77: {  	_ =	shalt  }
0x78: {  	_ =	shalt  }
0x79: {  	_ =	shalt  }
0x7a: {  	_ =	shalt  }
0x7b: {  	_ =	shalt  }
0x7c: {  	_ =	shalt  }
0x7d: {  	_ =	shalt  }
0x7e: {  	_ =	shalt  }
0x7f: {  	_ =	shalt  }
0x80: {  	_ =	shalt  }
0x81: {  	_ =	shalt  }
0x82: {  	_ =	shalt  }
0x83: {  	_ =	shalt  }
0x84: {  	_ =	shalt  }
0x85: {  	_ =	shalt  }
0x86: {  	_ =	shalt  }
0x87: {  	_ =	shalt  }
.Lfunc_end0:
.L_simem_size_0:
called_computation_lowered:
.L_overlay_start_0:
0x88: {  	s2 =	sld [smem:$0x3FD9]  }
0x89: {  	s3 =	sld [smem:$0x3FFE];
	_ =	sdelay $0x1  }
0x8a: {  	s1 =	srdreg.scid  }
0x8b: {  	s0 =	sand.u32 $0x1, s1  }
0x8c: {  	s16 =	sshll.u32 s0, $0xA;
	s2 =	sadd.s32 s3, s2  }
0x8d: {  	s2 =	sadd.s32 s2, s16  }
0x8e: {  	[smem:$0x3FAE] =	sst s2  }
0x8f: {  	_ = 	snop  }
0x90: {  	(tm) =	ssettm $0x1  }
0x91: {  	s17 =	sld [smem:$0x3FFB];
	_ =	sdelay $0x3  }
0x92: {  	_ =	strace s17  }
0x93: {  	s2 =	sld [smem:$0x3FFC];
	_ =	sdelay $0x3  }
0x94: {  	_ =	strace s2  }
0x95: {  	s2 =	sld [smem:$0x3FFD];
	_ =	sdelay $0x3  }
0x96: {  	_ =	strace s2  }
0x97: {  	_ =	strace $0x8FFFFFFF  }
0x98: {  	s18 =	sld [smem:$0x3FDB];
	_ =	sdelay $0x1  }
0x99: {  	s19 =	simm.s32 $_scs_section_size  }
0x9a: {  	s4 =	simm.s32 $_size__tile_overlayer_lowered;
	s5 =	simm.s32 $_tile_overlayer_lowered  }
0x9b: {  	s22 =	simm.s32 $0x1BFF;
	s21 =	sshll.u32 s5, $0x1;
	s2 =	sadd.s32 s19, s18  }
0x9c: {  	s6 =	simm.s32 $0x0;
	s20 =	sshll.u32 s4, $0x1;
	s4 =	sadd.s32 s21, s2  }
0x9d: {  	[timem:s6], [sflag:s22] =	dma.local [hbm:s4], s20  }
0x9e: {  	_ =	swait.ge [sflag:s22], s20  }
0x9f: {  	s3 =	ssub.s32 $0x0, s20;
	[sflag:s22] =	ssyncset.done $0x0  }
0xa0: {  	[sflag:s22] =	ssyncadd.s32 s3;
	_ =	sdelay $0x1  }
0xa1: {  	s23 =	simm.s32 $0x1B8B  }
0xa2: {  	_ =	swait.ge [sflag:s23], $0x1  }
0xa3: {  	[sflag:s23] =	ssyncset.done $0x0  }
0xa4: {  	s25 =	simm.s32 $0x1B8E;
	s24 =	sld [smem:$0x3FFE];
	[sflag:s23] =	ssyncadd.s32 $0xFFFFFFFF  }
0xa5: {  	s26 =	simm.s32 $execute0_lowered;
	[smem:$0x3FD2] =	sst s25  }
0xa6: {  	s4 =	sshll.u32 s26, $0x1;
	_ =	strace $0x80000046;
	[dreg:$0x1] =	wrdreg $0xFFFFFFFF  }
0xa7: {  	s28 =	simm.s32 $_size_execute0_lowered;
	s2 =	sadd.s32 s2, s4;
	[dreg:$0x0] =	wrdreg $0x0  }
0xa8: {  	s4 =	sshll.u32 s28, $0x1;
	[dreg:$0x2] =	wrdreg s2  }
0xa9: {  	[dreg:$0x3] =	wrdreg s4  }
0xaa: {  	[dreg:$0x4] =	wrdreg $0xC0  }
0xab: {  	_ =	task [dreg:s6], $0x5FFFF  }
0xac: {  	[dreg:$0x1] =	wrdreg $0xFFFFFFFF  }
0xad: {  	[dreg:$0x0] =	wrdreg $0x60  }
0xae: {  	[dreg:$0x2] =	wrdreg s24  }
0xaf: {  	[dreg:$0x3] =	wrdreg $0x9  }
0xb0: {  	_ =	task.clear_ibuf [dreg:s6], $0x4FFFF;
	_ =	strace $0x90000046  }
0xb1: {  	s29 =	simm.s32 $0x9;
	_ =	strace $0x80000048  }
0xb2: {  	_ =	swait.ge [sflag:s29], $0x1  }
0xb3: {  	[sflag:s29] =	ssyncadd.s32 $0xFFFFFFFF  }
0xb4: {  	_ =	strace $0x90000048  }
0xb5: {  	_ =	sfence  }
0xb6: {  	s30 =	sld [smem:$0x0];
	_ =	sdelay $0x2  }
0xb7: {  	s31 =	sshll.u32 s1, $0xD;
	s1 =	sshrl.u32 s1, $0x2  }
0xb8: {  	s3 =	sand.u32 $0x4000, s31;
	s1 =	sadd.s32 s1, s30  }
0xb9: {  	s0 =	sor.u32 s3, s0;
	s1 =	sshll.u32 s1, $0x11  }
0xba: {  	s0 =	sor.u32 s1, s0  }
0xbb: {  	s0 =	sadd.s32 $0x8F2B, s0  }
0xbc: {  	[sflag:s0] =	ssyncadd.remote.s32 $0x1  }
0xbd: {  	_ =	sfence.sel $0xFFFF  }
0xbe: {  	[dreg:$0x0] =	wrdreg $0xFFFFFFFF;
	(pc) =	sbr.abs _section_cstart, $3  }
0xbf: {  	[dreg:$0x1] =	wrdreg $0xFFFFFFFF  }
0xc0: {  	_ =	task.clear_ibuf [dreg:s6], $0x2FFFF;
	_ =	strace $0x9FFFFFFF  }
0xc1: {  	(tm) =	ssettm $0x7FFFFFFF  }
tec
execute0_lowered:
.L_overlay_start_1:
0x0: {  	(tag) =	ssettag $0x1  }
0x1: {  	s1 =	srdreg.scid  }
0x2: {  	s0 =	stileid.u32;
	s21 =	sand.u32 $0x1, s1  }
0x3: {  	s31 =	sshll.u32 s0, $0xD;
	s2 =	sshll.u32 s21, $0xC  }
0x4: {  	s9 =	rddreg [dreg:$0x0];
	s10 =	sor.u32 s2, s31  }
0x5: {  	s1 =	rddreg [dreg:$0x1];
	s2 =	simm.s32 $0x0;
	s3 =	sshrl.u32 s10, $0x3  }
0x6: {  	[smem:$0x7FF] =	sst s2;
	s3 =	sadd.s32 s3, s9  }
0x7: {  	_ =	strace $0x80000047;
	s4 =	sadd.s32 $0x50000, s3;
	s3 =	simm.s32 $0x2  }
0x8: {  	[tilespmem:s2], [sflag:$0x2] =	stream.linear.gather [hbm4b:s4+s2], $0x1000, $0x38;
	[tilespmem:$0x11000] =	vst v63  }
0x9: {  	_ =	swait.ge [sflag:s3], $0x1000  }
0xa: {  	s6 =	simm.s32 $0x200;
	s7 =	simm.s32 $0x1000;
	[sflag:s3] =	ssyncset.done $0x0  }
0xb: {  	s8 =	simm.s32 $0x1;
	s5 =	sadd.s32 $0x54000, s9;
	[sflag:s3] =	ssyncadd.s32 $0xFFFFF000  }
0xc: {  	[tilespmem:s7], [sflag:$0x1] =	stream.indirect.gather [hbm4b:s5+s6], $0x80, s2, s6, $0xb8;
	[tilespmem:$0x11000] =	vst v63  }
0xd: {  	s10 =	sshll.u32 s10, $0x4;
	_ =	swait.ge [sflag:s8], $0x10000  }
0xe: {  	s22 =	sadd.s32 s10, s9;
	[sflag:s8] =	ssyncset.done $0x0  }
0xf: {  	s9 =	sadd.s32 $0x94000, s22;
	[sflag:s8] =	ssyncadd.s32 $0xFFFF0000  }
0x10: {  	[hbm4b:s9+s2] =	stream.linear.scatter [tilespmem:s7], [sflag:$0x2], $0x10000, $0x38;
	[tilespmem:$0x11000] =	vst v63  }
0x11: {  	_ =	swait.ge [sflag:s3], $0x10000  }
0x12: {  	[sflag:s3] =	ssyncset.done $0x0  }
0x13: {  	[sflag:s3] =	ssyncadd.s32 $0xFFFF0000  }
0x14: {  	[tilespmem:s7], [sflag:$0x1] =	stream.indirect.gather [hbm4b:s5+s6], $0x80, s6, s6, $0xb8;
	[tilespmem:$0x11000] =	vst v63  }
0x15: {  	_ =	swait.ge [sflag:s8], $0x10000  }
0x16: {  	[sflag:s8] =	ssyncset.done $0x0  }
0x17: {  	s10 =	sadd.s32 $0x96000, s22;
	[sflag:s8] =	ssyncadd.s32 $0xFFFF0000  }
0x18: {  	[hbm4b:s10+s2] =	stream.linear.scatter [tilespmem:s7], [sflag:$0x2], $0x10000, $0x38;
	[tilespmem:$0x11000] =	vst v63  }
0x19: {  	_ =	swait.ge [sflag:s3], $0x10000  }
0x1a: {  	[sflag:s3] =	ssyncset.done $0x0  }
0x1b: {  	s11 =	simm.s32 $0x400;
	[sflag:s3] =	ssyncadd.s32 $0xFFFF0000  }
0x1c: {  	[tilespmem:s7], [sflag:$0x1] =	stream.indirect.gather [hbm4b:s5+s6], $0x80, s11, s6, $0xb8;
	[tilespmem:$0x11000] =	vst v63  }
0x1d: {  	_ =	swait.ge [sflag:s8], $0x10000  }
0x1e: {  	[sflag:s8] =	ssyncset.done $0x0  }
0x1f: {  	s12 =	sadd.s32 $0x98000, s22;
	[sflag:s8] =	ssyncadd.s32 $0xFFFF0000  }
0x20: {  	[hbm4b:s12+s2] =	stream.linear.scatter [tilespmem:s7], [sflag:$0x2], $0x10000, $0x38;
	[tilespmem:$0x11000] =	vst v63  }
0x21: {  	_ =	swait.ge [sflag:s3], $0x10000  }
0x22: {  	[sflag:s3] =	ssyncset.done $0x0  }
0x23: {  	s13 =	simm.s32 $0x600;
	[sflag:s3] =	ssyncadd.s32 $0xFFFF0000  }
0x24: {  	[tilespmem:s7], [sflag:$0x1] =	stream.indirect.gather [hbm4b:s5+s6], $0x80, s13, s6, $0xb8;
	[tilespmem:$0x11000] =	vst v63  }
0x25: {  	_ =	swait.ge [sflag:s8], $0x10000  }
0x26: {  	[sflag:s8] =	ssyncset.done $0x0  }
0x27: {  	s14 =	sadd.s32 $0x9A000, s22;
	[sflag:s8] =	ssyncadd.s32 $0xFFFF0000  }
0x28: {  	[hbm4b:s14+s2] =	stream.linear.scatter [tilespmem:s7], [sflag:$0x2], $0x10000, $0x38;
	[tilespmem:$0x11000] =	vst v63  }
0x29: {  	_ =	swait.ge [sflag:s3], $0x10000  }
0x2a: {  	[sflag:s3] =	ssyncset.done $0x0  }
0x2b: {  	s15 =	simm.s32 $0x800;
	[sflag:s3] =	ssyncadd.s32 $0xFFFF0000  }
0x2c: {  	[tilespmem:s7], [sflag:$0x1] =	stream.indirect.gather [hbm4b:s5+s6], $0x80, s15, s6, $0xb8;
	[tilespmem:$0x11000] =	vst v63  }
0x2d: {  	_ =	swait.ge [sflag:s8], $0x10000  }
0x2e: {  	[sflag:s8] =	ssyncset.done $0x0  }
0x2f: {  	s16 =	sadd.s32 $0x9C000, s22;
	[sflag:s8] =	ssyncadd.s32 $0xFFFF0000  }
0x30: {  	[hbm4b:s16+s2] =	stream.linear.scatter [tilespmem:s7], [sflag:$0x2], $0x10000, $0x38;
	[tilespmem:$0x11000] =	vst v63  }
0x31: {  	_ =	swait.ge [sflag:s3], $0x10000  }
0x32: {  	[sflag:s3] =	ssyncset.done $0x0  }
0x33: {  	s17 =	simm.s32 $0xA00;
	[sflag:s3] =	ssyncadd.s32 $0xFFFF0000  }
0x34: {  	[tilespmem:s7], [sflag:$0x1] =	stream.indirect.gather [hbm4b:s5+s6], $0x80, s17, s6, $0xb8;
	[tilespmem:$0x11000] =	vst v63  }
0x35: {  	_ =	swait.ge [sflag:s8], $0x10000  }
0x36: {  	[sflag:s8] =	ssyncset.done $0x0  }
0x37: {  	s18 =	sadd.s32 $0x9E000, s22;
	[sflag:s8] =	ssyncadd.s32 $0xFFFF0000  }
0x38: {  	[hbm4b:s18+s2] =	stream.linear.scatter [tilespmem:s7], [sflag:$0x2], $0x10000, $0x38;
	[tilespmem:$0x11000] =	vst v63  }
0x39: {  	_ =	swait.ge [sflag:s3], $0x10000  }
0x3a: {  	[sflag:s3] =	ssyncset.done $0x0  }
0x3b: {  	s19 =	simm.s32 $0xC00;
	[sflag:s3] =	ssyncadd.s32 $0xFFFF0000  }
0x3c: {  	[tilespmem:s7], [sflag:$0x1] =	stream.indirect.gather [hbm4b:s5+s6], $0x80, s19, s6, $0xb8;
	[tilespmem:$0x11000] =	vst v63  }
0x3d: {  	_ =	swait.ge [sflag:s8], $0x10000  }
0x3e: {  	[sflag:s8] =	ssyncset.done $0x0  }
0x3f: {  	s23 =	ssub.s32 $0x2, s21;
	s20 =	sadd.s32 $0xA0000, s22;
	[sflag:s8] =	ssyncadd.s32 $0xFFFF0000  }
0x40: {  	[hbm4b:s20+s2] =	stream.linear.scatter [tilespmem:s7], [sflag:$0x2], $0x10000, $0x38;
	[tilespmem:$0x11000] =	vst v63  }
0x41: {  	s24 =	sshrl.u32 s23, $0x1;
	_ =	swait.ge [sflag:s3], $0x10000  }
0x42: {  	s23 =	ssub.s32 s23, s24;
	[sflag:s3] =	ssyncset.done $0x0  }
0x43: {  	s21 =	simm.s32 $0xE00;
	s23 =	smax.u32 s23, $0x1;
	[sflag:s3] =	ssyncadd.s32 $0xFFFF0000  }
0x44: {  	[tilespmem:s7], [sflag:$0x1] =	stream.indirect.gather [hbm4b:s5+s6], $0x80, s21, s6, $0xb8;
	[tilespmem:$0x11000] =	vst v63  }
0x45: {  	p0 =	sne.s32 s23, $0x1;
	_ =	swait.ge [sflag:s8], $0x10000  }
.Ltmp0:
0x46: {  	[sflag:s8] =	ssyncset.done $0x0;
	(pc) =	sbr.rel @!p0 .LBB2_2-.Ltmp0, $4  }
0x47: {  	s22 =	sadd.s32 $0xA2000, s22;
	[sflag:s8] =	ssyncadd.s32 $0xFFFF0000  }
0x48: {  	[hbm4b:s22+s2] =	stream.linear.scatter [tilespmem:s7], [sflag:$0x2], $0x10000, $0x38;
	[tilespmem:$0x11000] =	vst v63  }
0x49: {  	_ =	swait.ge [sflag:s3], $0x10000  }
0x4a: {  	s23 =	sadd.s32 $0xFFFFFFFF, s23;
	[sflag:s3] =	ssyncset.done $0x0  }
.LBB2_1:
0x4b: {  	p0 =	sne.s32 s23, $0x1;
	s23 =	sadd.s32 $0xFFFFFFFF, s23;
	[sflag:s3] =	ssyncadd.s32 $0xFFFF0000  }
0x4c: {  	[tilespmem:s2], [sflag:$0x2] =	stream.linear.gather [hbm4b:s4+s2], $0x1000, $0x38;
	[tilespmem:$0x11000] =	vst v63  }
0x4d: {  	_ =	swait.ge [sflag:s3], $0x1000  }
0x4e: {  	[sflag:s3] =	ssyncset.done $0x0  }
0x4f: {  	[sflag:s3] =	ssyncadd.s32 $0xFFFFF000  }
0x50: {  	[tilespmem:s7], [sflag:$0x1] =	stream.indirect.gather [hbm4b:s5+s6], $0x80, s2, s6, $0xb8;
	[tilespmem:$0x11000] =	vst v63  }
0x51: {  	_ =	swait.ge [sflag:s8], $0x10000  }
0x52: {  	[sflag:s8] =	ssyncset.done $0x0  }
0x53: {  	[sflag:s8] =	ssyncadd.s32 $0xFFFF0000  }
0x54: {  	[hbm4b:s9+s2] =	stream.linear.scatter [tilespmem:s7], [sflag:$0x2], $0x10000, $0x38;
	[tilespmem:$0x11000] =	vst v63  }
0x55: {  	_ =	swait.ge [sflag:s3], $0x10000  }
0x56: {  	[sflag:s3] =	ssyncset.done $0x0  }
0x57: {  	[sflag:s3] =	ssyncadd.s32 $0xFFFF0000  }
0x58: {  	[tilespmem:s7], [sflag:$0x1] =	stream.indirect.gather [hbm4b:s5+s6], $0x80, s6, s6, $0xb8;
	[tilespmem:$0x11000] =	vst v63  }
0x59: {  	_ =	swait.ge [sflag:s8], $0x10000  }
0x5a: {  	[sflag:s8] =	ssyncset.done $0x0  }
0x5b: {  	[sflag:s8] =	ssyncadd.s32 $0xFFFF0000  }
0x5c: {  	[hbm4b:s10+s2] =	stream.linear.scatter [tilespmem:s7], [sflag:$0x2], $0x10000, $0x38;
	[tilespmem:$0x11000] =	vst v63  }
0x5d: {  	_ =	swait.ge [sflag:s3], $0x10000  }
0x5e: {  	[sflag:s3] =	ssyncset.done $0x0  }
0x5f: {  	[sflag:s3] =	ssyncadd.s32 $0xFFFF0000  }
0x60: {  	[tilespmem:s7], [sflag:$0x1] =	stream.indirect.gather [hbm4b:s5+s6], $0x80, s11, s6, $0xb8;
	[tilespmem:$0x11000] =	vst v63  }
0x61: {  	_ =	swait.ge [sflag:s8], $0x10000  }
0x62: {  	[sflag:s8] =	ssyncset.done $0x0  }
0x63: {  	[sflag:s8] =	ssyncadd.s32 $0xFFFF0000  }
0x64: {  	[hbm4b:s12+s2] =	stream.linear.scatter [tilespmem:s7], [sflag:$0x2], $0x10000, $0x38;
	[tilespmem:$0x11000] =	vst v63  }
0x65: {  	_ =	swait.ge [sflag:s3], $0x10000  }
0x66: {  	[sflag:s3] =	ssyncset.done $0x0  }
0x67: {  	[sflag:s3] =	ssyncadd.s32 $0xFFFF0000  }
0x68: {  	[tilespmem:s7], [sflag:$0x1] =	stream.indirect.gather [hbm4b:s5+s6], $0x80, s13, s6, $0xb8;
	[tilespmem:$0x11000] =	vst v63  }
0x69: {  	_ =	swait.ge [sflag:s8], $0x10000  }
0x6a: {  	[sflag:s8] =	ssyncset.done $0x0  }
0x6b: {  	[sflag:s8] =	ssyncadd.s32 $0xFFFF0000  }
0x6c: {  	[hbm4b:s14+s2] =	stream.linear.scatter [tilespmem:s7], [sflag:$0x2], $0x10000, $0x38;
	[tilespmem:$0x11000] =	vst v63  }
0x6d: {  	_ =	swait.ge [sflag:s3], $0x10000  }
0x6e: {  	[sflag:s3] =	ssyncset.done $0x0  }
0x6f: {  	[sflag:s3] =	ssyncadd.s32 $0xFFFF0000  }
0x70: {  	[tilespmem:s7], [sflag:$0x1] =	stream.indirect.gather [hbm4b:s5+s6], $0x80, s15, s6, $0xb8;
	[tilespmem:$0x11000] =	vst v63  }
0x71: {  	_ =	swait.ge [sflag:s8], $0x10000  }
0x72: {  	[sflag:s8] =	ssyncset.done $0x0  }
0x73: {  	[sflag:s8] =	ssyncadd.s32 $0xFFFF0000  }
0x74: {  	[hbm4b:s16+s2] =	stream.linear.scatter [tilespmem:s7], [sflag:$0x2], $0x10000, $0x38;
	[tilespmem:$0x11000] =	vst v63  }
0x75: {  	_ =	swait.ge [sflag:s3], $0x10000  }
0x76: {  	[sflag:s3] =	ssyncset.done $0x0  }
0x77: {  	[sflag:s3] =	ssyncadd.s32 $0xFFFF0000  }
0x78: {  	[tilespmem:s7], [sflag:$0x1] =	stream.indirect.gather [hbm4b:s5+s6], $0x80, s17, s6, $0xb8;
	[tilespmem:$0x11000] =	vst v63  }
0x79: {  	_ =	swait.ge [sflag:s8], $0x10000  }
0x7a: {  	[sflag:s8] =	ssyncset.done $0x0  }
0x7b: {  	[sflag:s8] =	ssyncadd.s32 $0xFFFF0000  }
0x7c: {  	[hbm4b:s18+s2] =	stream.linear.scatter [tilespmem:s7], [sflag:$0x2], $0x10000, $0x38;
	[tilespmem:$0x11000] =	vst v63  }
0x7d: {  	_ =	swait.ge [sflag:s3], $0x10000  }
0x7e: {  	[sflag:s3] =	ssyncset.done $0x0  }
0x7f: {  	[sflag:s3] =	ssyncadd.s32 $0xFFFF0000  }
0x80: {  	[tilespmem:s7], [sflag:$0x1] =	stream.indirect.gather [hbm4b:s5+s6], $0x80, s19, s6, $0xb8;
	[tilespmem:$0x11000] =	vst v63  }
0x81: {  	_ =	swait.ge [sflag:s8], $0x10000  }
0x82: {  	[sflag:s8] =	ssyncset.done $0x0  }
0x83: {  	[sflag:s8] =	ssyncadd.s32 $0xFFFF0000  }
0x84: {  	[hbm4b:s20+s2] =	stream.linear.scatter [tilespmem:s7], [sflag:$0x2], $0x10000, $0x38;
	[tilespmem:$0x11000] =	vst v63  }
0x85: {  	_ =	swait.ge [sflag:s3], $0x10000  }
0x86: {  	[sflag:s3] =	ssyncset.done $0x0  }
0x87: {  	[sflag:s3] =	ssyncadd.s32 $0xFFFF0000  }
0x88: {  	[tilespmem:s7], [sflag:$0x1] =	stream.indirect.gather [hbm4b:s5+s6], $0x80, s21, s6, $0xb8;
	[tilespmem:$0x11000] =	vst v63  }
0x89: {  	_ =	swait.ge [sflag:s8], $0x10000  }
.Ltmp1:
0x8a: {  	[sflag:s8] =	ssyncset.done $0x0;
	(pc) =	sbr.rel @p0 .LBB2_1-.Ltmp1, $4  }
0x8b: {  	[sflag:s8] =	ssyncadd.s32 $0xFFFF0000  }
0x8c: {  	[hbm4b:s22+s2] =	stream.linear.scatter [tilespmem:s7], [sflag:$0x2], $0x10000, $0x38;
	[tilespmem:$0x11000] =	vst v63  }
0x8d: {  	_ =	swait.ge [sflag:s3], $0x10000  }
0x8e: {  	[sflag:s3] =	ssyncset.done $0x0  }
.LBB2_2:
0x8f: {  	[sflag:s3] =	ssyncadd.s32 $0xFFFF0000  }
0x90: {  	_ =	sfence.sel $0x180000  }
0x91: {  	[bflag:$0x0] =	sbarrier.arrive $0xFFFF  }
0x92: {  	p0 =	sne.s32 s0, $0x0;
	_ =	strace $0x90000047  }
0x93: {  	s0 =	sadd.s32 @!p0 $0x100000, s1;
	[bflag:$0x2] =	sbarrier.arrive $0xFFFF  }
0x94: {  	[sflag:s0] =	ssyncadd.tile.s32 @!p0 $0x1;
	_ =	shalt  }
.Lfunc_end2:
_tile_overlayer_lowered:
.L_overlay_start_2:
0x95: {  	(tag) =	ssettag $0x2  }
0x96: {  	s0 =	rddreg [dreg:$0x0];
	s2 =	stileid.u32  }
0x97: {  	s1 =	rddreg [dreg:$0x1];
	p0 =	sne.s32 s2, $0x0  }
0x98: {  	s3 =	rddreg [dreg:$0x2];
	[bflag:$0x3] =	sbarrier.arrive $0xFFFF;
	s2 =	simm.s32 @!p0 $0x1C02  }
0x99: {  	[timem:s3], [sflag:s2] =	dma.local @!p0 [hbm:s0], s1  }
0x9a: {  	s0 =	simm.s32 @!p0 $0x2  }
0x9b: {  	_ =	swait.ge @!p0 [sflag:s0], s1  }
0x9c: {  	s1 =	ssub.s32 @!p0 $0x0, s1;
	[sflag:s0] =	ssyncset.done @!p0 $0x0  }
0x9d: {  	[sflag:s0] =	ssyncadd.s32 @!p0 s1  }
0x9e: {  	[bflag:$0x3] =	sbarrier.arrive $0xFFFF  }
0x9f: {  	_ =	shalt  }

// kernel: kernel.52.cloned.1.call-start
scs
__scs_entry_jumppad:
0x0: {  	(pc) =	sbr.rel $0x88, $3  }
0x1: {  	(tag) =	ssettag $0x0;
	lr =	simm.s32 $0x1  }
0x2: {  	[smem:$0x3F87] =	sst lr;
	_ =	strace $0xD0000000  }
0x3: {  	_ = 	snop  }
0x4: {  	_ = 	snop  }
0x5: {  	_ = 	snop  }
0x6: {  	_ = 	snop  }
0x7: {  	_ = 	snop  }
__scs_overlays_trampoline_lowered:
0x8: {  	[smem:$0x3F96] =	sst s0  }
0x9: {  	[smem:$0x3F97] =	sst s1  }
0xa: {  	[smem:$0x3F98] =	sst s2  }
0xb: {  	[smem:$0x3F99] =	sst s3  }
0xc: {  	[smem:$0x3F9A] =	sst s4  }
0xd: {  	[smem:$0x3F9B] =	sst s5  }
0xe: {  	[smem:$0x3F9C] =	sst s6  }
0xf: {  	[smem:$0x3F9D] =	sst s7  }
0x10: {  	[smem:$0x3F9E] =	sst s8  }
0x11: {  	[smem:$0x3F9F] =	sst s9;
	s0 =	simm.s32 @!p0 $0x0  }
0x12: {  	s1 =	sld [smem:$0x3F85];
	s0 =	simm.s32 @p0 $0x1  }
0x13: {  	[smem:$0x3FA0] =	sst s0;
	s0 =	simm.s32 @!p1 $0x0  }
0x14: {  	s2 =	sld [smem:$0x3F84];
	s0 =	simm.s32 @p1 $0x1  }
0x15: {  	[smem:$0x3FA1] =	sst s0;
	s0 =	simm.s32 @!p2 $0x0  }
0x16: {  	s3 =	sld [smem:$0x3FDB];
	s0 =	simm.s32 @p2 $0x1  }
0x17: {  	s4 =	simm.s32 $0x1BF5;
	[smem:$0x3FA3] =	sst s0  }
0x18: {  	s0 =	sld [smem:$0x3F86];
	_ =	swait.ge [sflag:s4], $0x0  }
0x19: {  	s7 =	sld [smem:$0x3F87]  }
0x1a: {  	s8 =	sadd.s32 $0xFFFFE003, lr  }
0x1b: {  	s9 =	sadd.s32 $0xFFFFFEF7, lr;
	s5 =	simm.s32 $0xFFFFFFFF;
	p2 =	slt.u32 s8, $0xFFFFF086  }
0x1c: {  	p1 =	slt.u32 s9, $0xF7A;
	s5 =	simm.s32 @!p2 $0x0  }
0x1d: {  	s5 =	simm.s32 @p1 $0x1;
	p0 =	seq.s32 s7, s2  }
0x1e: {  	s7 =	smul.u32 @!p0 $0xF7A, s2;
	p2 =	seq.s32 @!p0 s5, $0x0  }
0x1f: {  	s9 =	smul.u32 $0xF7A, s1;
	s8 =	simm.s32 @!p0 $0x1BF5;
	p2 =	por !p2, p0  }
0x20: {  	[sflag:s8] =	ssyncset.s32 @!p0 $0xFFFFF086;
	s6 =	sadd.s32 @!p0 s3, s7;
	s7 =	simm.s32 @!p0 $0x108  }
0x21: {  	s3 =	sadd.s32 s3, s9;
	s6 =	sadd.s32 @!p0 $0x88, s6;
	s7 =	simm.s32 @p2 $0x1082  }
0x22: {  	[simem:s7], [sflag:s8] =	dma.local @!p0 [hbm:s6], $0xF7A  }
0x23: {  	s9 =	sor.u32 $0xD0000000, s2;
	s6 =	simm.s32 $0x108;
	_ =	swait.ge @!p0 [sflag:s8], $0x0  }
0x24: {  	s3 =	sadd.s32 $0x88, s3;
	s6 =	simm.s32 @!p1 $0x1082;
	[sflag:s4] =	ssyncset.s32 $0xFFFFF086  }
0x25: {  	[simem:s6], [sflag:s4] =	dma.local [hbm:s3], $0xF7A  }
0x26: {  	[smem:$0x3F87] =	sst s1;
	(tag) =	ssettag s2;
	_ =	strace s9  }
0x27: {  	s1 =	sld [smem:$0x3F97]  }
0x28: {  	s2 =	sld [smem:$0x3F98]  }
0x29: {  	s4 =	sld [smem:$0x3F9A]  }
0x2a: {  	p0 =	seq.s32 s5, $0x0;
	s5 =	sld [smem:$0x3F9B]  }
0x2b: {  	s6 =	sld [smem:$0x3F9C]  }
0x2c: {  	s7 =	sld [smem:$0x3F9D]  }
0x2d: {  	s3 =	simm.s32 $0x108;
	s8 =	sld [smem:$0x3F9E]  }
0x2e: {  	s3 =	simm.s32 @!p0 $0x1082;
	s9 =	sld [smem:$0x3F9F]  }
0x2f: {  	lr =	sadd.s32 s0, s3;
	s0 =	sld [smem:$0x3F96]  }
0x30: {  	s3 =	sld [smem:$0x3F99]  }
0x31: {  	[smem:$0x3FA2] =	sst s10  }
0x32: {  	s10 =	sld [smem:$0x3FA0];
	_ =	sdelay $0x3  }
0x33: {  	p0 =	seq.s32 s10, $0x1;
	s10 =	sld [smem:$0x3FA2];
	_ =	sdelay $0x3  }
0x34: {  	[smem:$0x3FA2] =	sst s10  }
0x35: {  	s10 =	sld [smem:$0x3FA1];
	_ =	sdelay $0x3  }
0x36: {  	p1 =	seq.s32 s10, $0x1;
	s10 =	sld [smem:$0x3FA2];
	_ =	sdelay $0x3  }
0x37: {  	[smem:$0x3FA2] =	sst s10  }
0x38: {  	s10 =	sld [smem:$0x3FA3]  }
0x39: {  	_ = 	snop;
	(pc) =	sbr.ind lr, $3  }
0x3a: {  	_ = 	snop  }
0x3b: {  	_ = 	snop  }
0x3c: {  	p2 =	seq.s32 s10, $0x1;
	s10 =	sld [smem:$0x3FA2]  }
0x3d: {  	_ =	shalt  }
0x3e: {  	_ =	shalt  }
0x3f: {  	_ =	shalt  }
0x40: {  	_ =	shalt  }
0x41: {  	_ =	shalt  }
0x42: {  	_ =	shalt  }
0x43: {  	_ =	shalt  }
0x44: {  	_ =	shalt  }
0x45: {  	_ =	shalt  }
0x46: {  	_ =	shalt  }
0x47: {  	_ =	shalt  }
0x48: {  	_ =	shalt  }
0x49: {  	_ =	shalt  }
0x4a: {  	_ =	shalt  }
0x4b: {  	_ =	shalt  }
0x4c: {  	_ =	shalt  }
0x4d: {  	_ =	shalt  }
0x4e: {  	_ =	shalt  }
0x4f: {  	_ =	shalt  }
0x50: {  	_ =	shalt  }
0x51: {  	_ =	shalt  }
0x52: {  	_ =	shalt  }
0x53: {  	_ =	shalt  }
0x54: {  	_ =	shalt  }
0x55: {  	_ =	shalt  }
0x56: {  	_ =	shalt  }
0x57: {  	_ =	shalt  }
0x58: {  	_ =	shalt  }
0x59: {  	_ =	shalt  }
0x5a: {  	_ =	shalt  }
0x5b: {  	_ =	shalt  }
0x5c: {  	_ =	shalt  }
0x5d: {  	_ =	shalt  }
0x5e: {  	_ =	shalt  }
0x5f: {  	_ =	shalt  }
0x60: {  	_ =	shalt  }
0x61: {  	_ =	shalt  }
0x62: {  	_ =	shalt  }
0x63: {  	_ =	shalt  }
0x64: {  	_ =	shalt  }
0x65: {  	_ =	shalt  }
0x66: {  	_ =	shalt  }
0x67: {  	_ =	shalt  }
0x68: {  	_ =	shalt  }
0x69: {  	_ =	shalt  }
0x6a: {  	_ =	shalt  }
0x6b: {  	_ =	shalt  }
0x6c: {  	_ =	shalt  }
0x6d: {  	_ =	shalt  }
0x6e: {  	_ =	shalt  }
0x6f: {  	_ =	shalt  }
0x70: {  	_ =	shalt  }
0x71: {  	_ =	shalt  }
0x72: {  	_ =	shalt  }
0x73: {  	_ =	shalt  }
0x74: {  	_ =	shalt  }
0x75: {  	_ =	shalt  }
0x76: {  	_ =	shalt  }
0x77: {  	_ =	shalt  }
0x78: {  	_ =	shalt  }
0x79: {  	_ =	shalt  }
0x7a: {  	_ =	shalt  }
0x7b: {  	_ =	shalt  }
0x7c: {  	_ =	shalt  }
0x7d: {  	_ =	shalt  }
0x7e: {  	_ =	shalt  }
0x7f: {  	_ =	shalt  }
0x80: {  	_ =	shalt  }
0x81: {  	_ =	shalt  }
0x82: {  	_ =	shalt  }
0x83: {  	_ =	shalt  }
0x84: {  	_ =	shalt  }
0x85: {  	_ =	shalt  }
0x86: {  	_ =	shalt  }
0x87: {  	_ =	shalt  }
.Lfunc_end0:
.L_simem_size_0:
called_computation.1_lowered:
.L_overlay_start_0:
0x88: {  	s2 =	sld [smem:$0x3FD9]  }
0x89: {  	s3 =	sld [smem:$0x3FFE];
	_ =	sdelay $0x1  }
0x8a: {  	s1 =	srdreg.scid  }
0x8b: {  	s0 =	sand.u32 $0x1, s1  }
0x8c: {  	s16 =	sshll.u32 s0, $0xA;
	s2 =	sadd.s32 s3, s2  }
0x8d: {  	s2 =	sadd.s32 s2, s16  }
0x8e: {  	[smem:$0x3FAE] =	sst s2  }
0x8f: {  	_ = 	snop  }
0x90: {  	(tm) =	ssettm $0x1  }
0x91: {  	s17 =	sld [smem:$0x3FFB];
	_ =	sdelay $0x3  }
0x92: {  	_ =	strace s17  }
0x93: {  	s2 =	sld [smem:$0x3FFC];
	_ =	sdelay $0x3  }
0x94: {  	_ =	strace s2  }
0x95: {  	s2 =	sld [smem:$0x3FFD];
	_ =	sdelay $0x3  }
0x96: {  	_ =	strace s2  }
0x97: {  	_ =	strace $0x8FFFFFFF  }
0x98: {  	s18 =	sld [smem:$0x3FDB];
	_ =	sdelay $0x1  }
0x99: {  	s19 =	simm.s32 $_scs_section_size  }
0x9a: {  	s4 =	simm.s32 $_size__tile_overlayer_lowered;
	s5 =	simm.s32 $_tile_overlayer_lowered  }
0x9b: {  	s22 =	simm.s32 $0x1BFF;
	s21 =	sshll.u32 s5, $0x1;
	s2 =	sadd.s32 s19, s18  }
0x9c: {  	s6 =	simm.s32 $0x0;
	s20 =	sshll.u32 s4, $0x1;
	s4 =	sadd.s32 s21, s2  }
0x9d: {  	[timem:s6], [sflag:s22] =	dma.local [hbm:s4], s20  }
0x9e: {  	_ =	swait.ge [sflag:s22], s20  }
0x9f: {  	s3 =	ssub.s32 $0x0, s20;
	[sflag:s22] =	ssyncset.done $0x0  }
0xa0: {  	[sflag:s22] =	ssyncadd.s32 s3;
	_ =	sdelay $0x1  }
0xa1: {  	s23 =	simm.s32 $0x1B8B  }
0xa2: {  	_ =	swait.ge [sflag:s23], $0x1  }
0xa3: {  	[sflag:s23] =	ssyncset.done $0x0  }
0xa4: {  	s25 =	simm.s32 $0x1B8E;
	s24 =	sld [smem:$0x3FFE];
	[sflag:s23] =	ssyncadd.s32 $0xFFFFFFFF  }
0xa5: {  	s26 =	simm.s32 $execute0_lowered;
	[smem:$0x3FD2] =	sst s25  }
0xa6: {  	s4 =	sshll.u32 s26, $0x1;
	_ =	strace $0x80000049;
	[dreg:$0x1] =	wrdreg $0xFFFFFFFF  }
0xa7: {  	s28 =	simm.s32 $_size_execute0_lowered;
	s2 =	sadd.s32 s2, s4;
	[dreg:$0x0] =	wrdreg $0x0  }
0xa8: {  	s4 =	sshll.u32 s28, $0x1;
	[dreg:$0x2] =	wrdreg s2  }
0xa9: {  	[dreg:$0x3] =	wrdreg s4  }
0xaa: {  	[dreg:$0x4] =	wrdreg $0xC0  }
0xab: {  	_ =	task [dreg:s6], $0x5FFFF  }
0xac: {  	[dreg:$0x1] =	wrdreg $0xFFFFFFFF  }
0xad: {  	[dreg:$0x0] =	wrdreg $0x60  }
0xae: {  	[dreg:$0x2] =	wrdreg s24  }
0xaf: {  	[dreg:$0x3] =	wrdreg $0x9  }
0xb0: {  	_ =	task.clear_ibuf [dreg:s6], $0x4FFFF;
	_ =	strace $0x90000049  }
0xb1: {  	s29 =	simm.s32 $0x9;
	_ =	strace $0x8000004B  }
0xb2: {  	_ =	swait.ge [sflag:s29], $0x1  }
0xb3: {  	[sflag:s29] =	ssyncadd.s32 $0xFFFFFFFF  }
0xb4: {  	_ =	strace $0x9000004B  }
0xb5: {  	_ =	sfence  }
0xb6: {  	s30 =	sld [smem:$0x0];
	_ =	sdelay $0x2  }
0xb7: {  	s31 =	sshll.u32 s1, $0xD;
	s1 =	sshrl.u32 s1, $0x2  }
0xb8: {  	s3 =	sand.u32 $0x4000, s31;
	s1 =	sadd.s32 s1, s30  }
0xb9: {  	s0 =	sor.u32 s3, s0;
	s1 =	sshll.u32 s1, $0x11  }
0xba: {  	s0 =	sor.u32 s1, s0  }
0xbb: {  	s0 =	sadd.s32 $0x8F2B, s0  }
0xbc: {  	[sflag:s0] =	ssyncadd.remote.s32 $0x1  }
0xbd: {  	_ =	sfence.sel $0xFFFF  }
0xbe: {  	[dreg:$0x0] =	wrdreg $0xFFFFFFFF;
	(pc) =	sbr.abs _section_cstart, $3  }
0xbf: {  	[dreg:$0x1] =	wrdreg $0xFFFFFFFF  }
0xc0: {  	_ =	task.clear_ibuf [dreg:s6], $0x2FFFF;
	_ =	strace $0x9FFFFFFF  }
0xc1: {  	(tm) =	ssettm $0x7FFFFFFF  }
tec
execute0_lowered:
.L_overlay_start_1:
0x0: {  	(tag) =	ssettag $0x1  }
0x1: {  	s1 =	srdreg.scid  }
0x2: {  	s0 =	stileid.u32;
	s10 =	sand.u32 $0x1, s1  }
0x3: {  	s30 =	sshll.u32 s0, $0xB;
	s2 =	sshll.u32 s10, $0xA  }
0x4: {  	s9 =	rddreg [dreg:$0x0];
	s11 =	sor.u32 s2, s30  }
0x5: {  	s1 =	rddreg [dreg:$0x1];
	s2 =	simm.s32 $0x0;
	s3 =	sshrl.u32 s11, $0x3  }
0x6: {  	[smem:$0x7FF] =	sst s2;
	s3 =	sadd.s32 s3, s9  }
0x7: {  	_ =	strace $0x8000004A;
	s4 =	sadd.s32 $0x294A00, s3;
	s3 =	simm.s32 $0x2  }
0x8: {  	[tilespmem:s2], [sflag:$0x2] =	stream.linear.gather [hbm4b:s4+s2], $0x400, $0x38;
	[tilespmem:$0x10400] =	vst v63  }
0x9: {  	_ =	swait.ge [sflag:s3], $0x400  }
0xa: {  	s6 =	simm.s32 $0x200;
	s7 =	simm.s32 $0x400;
	[sflag:s3] =	ssyncset.done $0x0  }
0xb: {  	s8 =	simm.s32 $0x1;
	s5 =	sadd.s32 $0x60000, s9;
	[sflag:s3] =	ssyncadd.s32 $0xFFFFFC00  }
0xc: {  	[tilespmem:s7], [sflag:$0x1] =	stream.indirect.gather [hbm4b:s5+s6], $0x80, s2, s6, $0xb8;
	[tilespmem:$0x10400] =	vst v63  }
0xd: {  	s11 =	sshll.u32 s11, $0x4;
	_ =	swait.ge [sflag:s8], $0x10000  }
0xe: {  	s11 =	sadd.s32 s11, s9;
	[sflag:s8] =	ssyncset.done $0x0  }
0xf: {  	s10 =	ssub.s32 $0x2, s10;
	s9 =	sadd.s32 $0x70000, s11;
	[sflag:s8] =	ssyncadd.s32 $0xFFFF0000  }
0x10: {  	[hbm4b:s9+s2] =	stream.linear.scatter [tilespmem:s7], [sflag:$0x2], $0x10000, $0x38;
	[tilespmem:$0x10400] =	vst v63  }
0x11: {  	s12 =	sshrl.u32 s10, $0x1;
	_ =	swait.ge [sflag:s3], $0x10000  }
0x12: {  	s12 =	ssub.s32 s10, s12;
	[sflag:s3] =	ssyncset.done $0x0  }
0x13: {  	s31 =	smax.u32 s12, $0x1;
	[sflag:s3] =	ssyncadd.s32 $0xFFFF0000  }
0x14: {  	[tilespmem:s7], [sflag:$0x1] =	stream.indirect.gather [hbm4b:s5+s6], $0x80, s6, s6, $0xb8;
	[tilespmem:$0x10400] =	vst v63  }
0x15: {  	p0 =	sne.s32 s31, $0x1;
	_ =	swait.ge [sflag:s8], $0x10000  }
.Ltmp0:
0x16: {  	[sflag:s8] =	ssyncset.done $0x0;
	(pc) =	sbr.rel @!p0 .LBB2_2-.Ltmp0, $4  }
0x17: {  	s10 =	sadd.s32 $0x72000, s11;
	[sflag:s8] =	ssyncadd.s32 $0xFFFF0000  }
0x18: {  	[hbm4b:s10+s2] =	stream.linear.scatter [tilespmem:s7], [sflag:$0x2], $0x10000, $0x38;
	[tilespmem:$0x10400] =	vst v63  }
0x19: {  	_ =	swait.ge [sflag:s3], $0x10000  }
0x1a: {  	s11 =	sadd.s32 $0xFFFFFFFF, s31;
	[sflag:s3] =	ssyncset.done $0x0  }
.LBB2_1:
0x1b: {  	p0 =	sne.s32 s11, $0x1;
	s11 =	sadd.s32 $0xFFFFFFFF, s11;
	[sflag:s3] =	ssyncadd.s32 $0xFFFF0000  }
0x1c: {  	[tilespmem:s2], [sflag:$0x2] =	stream.linear.gather [hbm4b:s4+s2], $0x400, $0x38;
	[tilespmem:$0x10400] =	vst v63  }
0x1d: {  	_ =	swait.ge [sflag:s3], $0x400  }
0x1e: {  	[sflag:s3] =	ssyncset.done $0x0  }
0x1f: {  	[sflag:s3] =	ssyncadd.s32 $0xFFFFFC00  }
0x20: {  	[tilespmem:s7], [sflag:$0x1] =	stream.indirect.gather [hbm4b:s5+s6], $0x80, s2, s6, $0xb8;
	[tilespmem:$0x10400] =	vst v63  }
0x21: {  	_ =	swait.ge [sflag:s8], $0x10000  }
0x22: {  	[sflag:s8] =	ssyncset.done $0x0  }
0x23: {  	[sflag:s8] =	ssyncadd.s32 $0xFFFF0000  }
0x24: {  	[hbm4b:s9+s2] =	stream.linear.scatter [tilespmem:s7], [sflag:$0x2], $0x10000, $0x38;
	[tilespmem:$0x10400] =	vst v63  }
0x25: {  	_ =	swait.ge [sflag:s3], $0x10000  }
0x26: {  	[sflag:s3] =	ssyncset.done $0x0  }
0x27: {  	[sflag:s3] =	ssyncadd.s32 $0xFFFF0000  }
0x28: {  	[tilespmem:s7], [sflag:$0x1] =	stream.indirect.gather [hbm4b:s5+s6], $0x80, s6, s6, $0xb8;
	[tilespmem:$0x10400] =	vst v63  }
0x29: {  	_ =	swait.ge [sflag:s8], $0x10000  }
.Ltmp1:
0x2a: {  	[sflag:s8] =	ssyncset.done $0x0;
	(pc) =	sbr.rel @p0 .LBB2_1-.Ltmp1, $4  }
0x2b: {  	[sflag:s8] =	ssyncadd.s32 $0xFFFF0000  }
0x2c: {  	[hbm4b:s10+s2] =	stream.linear.scatter [tilespmem:s7], [sflag:$0x2], $0x10000, $0x38;
	[tilespmem:$0x10400] =	vst v63  }
0x2d: {  	_ =	swait.ge [sflag:s3], $0x10000  }
0x2e: {  	[sflag:s3] =	ssyncset.done $0x0  }
.LBB2_2:
0x2f: {  	[sflag:s3] =	ssyncadd.s32 $0xFFFF0000  }
0x30: {  	_ =	sfence.sel $0x180000  }
0x31: {  	[bflag:$0x0] =	sbarrier.arrive $0xFFFF  }
0x32: {  	p0 =	sne.s32 s0, $0x0;
	_ =	strace $0x9000004A  }
0x33: {  	s0 =	sadd.s32 @!p0 $0x100000, s1;
	[bflag:$0x2] =	sbarrier.arrive $0xFFFF  }
0x34: {  	[sflag:s0] =	ssyncadd.tile.s32 @!p0 $0x1;
	_ =	shalt  }
.Lfunc_end2:
_tile_overlayer_lowered:
.L_overlay_start_2:
0x35: {  	(tag) =	ssettag $0x2  }
0x36: {  	s0 =	rddreg [dreg:$0x0];
	s2 =	stileid.u32  }
0x37: {  	s1 =	rddreg [dreg:$0x1];
	p0 =	sne.s32 s2, $0x0  }
0x38: {  	s3 =	rddreg [dreg:$0x2];
	[bflag:$0x3] =	sbarrier.arrive $0xFFFF;
	s2 =	simm.s32 @!p0 $0x1C02  }
0x39: {  	[timem:s3], [sflag:s2] =	dma.local @!p0 [hbm:s0], s1  }
0x3a: {  	s0 =	simm.s32 @!p0 $0x2  }
0x3b: {  	_ =	swait.ge @!p0 [sflag:s0], s1  }
0x3c: {  	s1 =	ssub.s32 @!p0 $0x0, s1;
	[sflag:s0] =	ssyncset.done @!p0 $0x0  }
0x3d: {  	[sflag:s0] =	ssyncadd.s32 @!p0 s1  }
0x3e: {  	[bflag:$0x3] =	sbarrier.arrive $0xFFFF  }
0x3f: {  	_ =	shalt  }

// kernel: kernel.55.cloned.1.call-start
scs
__scs_entry_jumppad:
0x0: {  	(pc) =	sbr.rel $0x88, $3  }
0x1: {  	(tag) =	ssettag $0x0;
	lr =	simm.s32 $0x1  }
0x2: {  	[smem:$0x3F87] =	sst lr;
	_ =	strace $0xD0000000  }
0x3: {  	_ = 	snop  }
0x4: {  	_ = 	snop  }
0x5: {  	_ = 	snop  }
0x6: {  	_ = 	snop  }
0x7: {  	_ = 	snop  }
__scs_overlays_trampoline_lowered:
0x8: {  	[smem:$0x3F96] =	sst s0  }
0x9: {  	[smem:$0x3F97] =	sst s1  }
0xa: {  	[smem:$0x3F98] =	sst s2  }
0xb: {  	[smem:$0x3F99] =	sst s3  }
0xc: {  	[smem:$0x3F9A] =	sst s4  }
0xd: {  	[smem:$0x3F9B] =	sst s5  }
0xe: {  	[smem:$0x3F9C] =	sst s6  }
0xf: {  	[smem:$0x3F9D] =	sst s7  }
0x10: {  	[smem:$0x3F9E] =	sst s8  }
0x11: {  	[smem:$0x3F9F] =	sst s9;
	s0 =	simm.s32 @!p0 $0x0  }
0x12: {  	s1 =	sld [smem:$0x3F85];
	s0 =	simm.s32 @p0 $0x1  }
0x13: {  	[smem:$0x3FA0] =	sst s0;
	s0 =	simm.s32 @!p1 $0x0  }
0x14: {  	s2 =	sld [smem:$0x3F84];
	s0 =	simm.s32 @p1 $0x1  }
0x15: {  	[smem:$0x3FA1] =	sst s0;
	s0 =	simm.s32 @!p2 $0x0  }
0x16: {  	s3 =	sld [smem:$0x3FDB];
	s0 =	simm.s32 @p2 $0x1  }
0x17: {  	s4 =	simm.s32 $0x1BF5;
	[smem:$0x3FA3] =	sst s0  }
0x18: {  	s0 =	sld [smem:$0x3F86];
	_ =	swait.ge [sflag:s4], $0x0  }
0x19: {  	s7 =	sld [smem:$0x3F87]  }
0x1a: {  	s8 =	sadd.s32 $0xFFFFE003, lr  }
0x1b: {  	s9 =	sadd.s32 $0xFFFFFEF7, lr;
	s5 =	simm.s32 $0xFFFFFFFF;
	p2 =	slt.u32 s8, $0xFFFFF086  }
0x1c: {  	p1 =	slt.u32 s9, $0xF7A;
	s5 =	simm.s32 @!p2 $0x0  }
0x1d: {  	s5 =	simm.s32 @p1 $0x1;
	p0 =	seq.s32 s7, s2  }
0x1e: {  	s7 =	smul.u32 @!p0 $0xF7A, s2;
	p2 =	seq.s32 @!p0 s5, $0x0  }
0x1f: {  	s9 =	smul.u32 $0xF7A, s1;
	s8 =	simm.s32 @!p0 $0x1BF5;
	p2 =	por !p2, p0  }
0x20: {  	[sflag:s8] =	ssyncset.s32 @!p0 $0xFFFFF086;
	s6 =	sadd.s32 @!p0 s3, s7;
	s7 =	simm.s32 @!p0 $0x108  }
0x21: {  	s3 =	sadd.s32 s3, s9;
	s6 =	sadd.s32 @!p0 $0x88, s6;
	s7 =	simm.s32 @p2 $0x1082  }
0x22: {  	[simem:s7], [sflag:s8] =	dma.local @!p0 [hbm:s6], $0xF7A  }
0x23: {  	s9 =	sor.u32 $0xD0000000, s2;
	s6 =	simm.s32 $0x108;
	_ =	swait.ge @!p0 [sflag:s8], $0x0  }
0x24: {  	s3 =	sadd.s32 $0x88, s3;
	s6 =	simm.s32 @!p1 $0x1082;
	[sflag:s4] =	ssyncset.s32 $0xFFFFF086  }
0x25: {  	[simem:s6], [sflag:s4] =	dma.local [hbm:s3], $0xF7A  }
0x26: {  	[smem:$0x3F87] =	sst s1;
	(tag) =	ssettag s2;
	_ =	strace s9  }
0x27: {  	s1 =	sld [smem:$0x3F97]  }
0x28: {  	s2 =	sld [smem:$0x3F98]  }
0x29: {  	s4 =	sld [smem:$0x3F9A]  }
0x2a: {  	p0 =	seq.s32 s5, $0x0;
	s5 =	sld [smem:$0x3F9B]  }
0x2b: {  	s6 =	sld [smem:$0x3F9C]  }
0x2c: {  	s7 =	sld [smem:$0x3F9D]  }
0x2d: {  	s3 =	simm.s32 $0x108;
	s8 =	sld [smem:$0x3F9E]  }
0x2e: {  	s3 =	simm.s32 @!p0 $0x1082;
	s9 =	sld [smem:$0x3F9F]  }
0x2f: {  	lr =	sadd.s32 s0, s3;
	s0 =	sld [smem:$0x3F96]  }
0x30: {  	s3 =	sld [smem:$0x3F99]  }
0x31: {  	[smem:$0x3FA2] =	sst s10  }
0x32: {  	s10 =	sld [smem:$0x3FA0];
	_ =	sdelay $0x3  }
0x33: {  	p0 =	seq.s32 s10, $0x1;
	s10 =	sld [smem:$0x3FA2];
	_ =	sdelay $0x3  }
0x34: {  	[smem:$0x3FA2] =	sst s10  }
0x35: {  	s10 =	sld [smem:$0x3FA1];
	_ =	sdelay $0x3  }
0x36: {  	p1 =	seq.s32 s10, $0x1;
	s10 =	sld [smem:$0x3FA2];
	_ =	sdelay $0x3  }
0x37: {  	[smem:$0x3FA2] =	sst s10  }
0x38: {  	s10 =	sld [smem:$0x3FA3]  }
0x39: {  	_ = 	snop;
	(pc) =	sbr.ind lr, $3  }
0x3a: {  	_ = 	snop  }
0x3b: {  	_ = 	snop  }
0x3c: {  	p2 =	seq.s32 s10, $0x1;
	s10 =	sld [smem:$0x3FA2]  }
0x3d: {  	_ =	shalt  }
0x3e: {  	_ =	shalt  }
0x3f: {  	_ =	shalt  }
0x40: {  	_ =	shalt  }
0x41: {  	_ =	shalt  }
0x42: {  	_ =	shalt  }
0x43: {  	_ =	shalt  }
0x44: {  	_ =	shalt  }
0x45: {  	_ =	shalt  }
0x46: {  	_ =	shalt  }
0x47: {  	_ =	shalt  }
0x48: {  	_ =	shalt  }
0x49: {  	_ =	shalt  }
0x4a: {  	_ =	shalt  }
0x4b: {  	_ =	shalt  }
0x4c: {  	_ =	shalt  }
0x4d: {  	_ =	shalt  }
0x4e: {  	_ =	shalt  }
0x4f: {  	_ =	shalt  }
0x50: {  	_ =	shalt  }
0x51: {  	_ =	shalt  }
0x52: {  	_ =	shalt  }
0x53: {  	_ =	shalt  }
0x54: {  	_ =	shalt  }
0x55: {  	_ =	shalt  }
0x56: {  	_ =	shalt  }
0x57: {  	_ =	shalt  }
0x58: {  	_ =	shalt  }
0x59: {  	_ =	shalt  }
0x5a: {  	_ =	shalt  }
0x5b: {  	_ =	shalt  }
0x5c: {  	_ =	shalt  }
0x5d: {  	_ =	shalt  }
0x5e: {  	_ =	shalt  }
0x5f: {  	_ =	shalt  }
0x60: {  	_ =	shalt  }
0x61: {  	_ =	shalt  }
0x62: {  	_ =	shalt  }
0x63: {  	_ =	shalt  }
0x64: {  	_ =	shalt  }
0x65: {  	_ =	shalt  }
0x66: {  	_ =	shalt  }
0x67: {  	_ =	shalt  }
0x68: {  	_ =	shalt  }
0x69: {  	_ =	shalt  }
0x6a: {  	_ =	shalt  }
0x6b: {  	_ =	shalt  }
0x6c: {  	_ =	shalt  }
0x6d: {  	_ =	shalt  }
0x6e: {  	_ =	shalt  }
0x6f: {  	_ =	shalt  }
0x70: {  	_ =	shalt  }
0x71: {  	_ =	shalt  }
0x72: {  	_ =	shalt  }
0x73: {  	_ =	shalt  }
0x74: {  	_ =	shalt  }
0x75: {  	_ =	shalt  }
0x76: {  	_ =	shalt  }
0x77: {  	_ =	shalt  }
0x78: {  	_ =	shalt  }
0x79: {  	_ =	shalt  }
0x7a: {  	_ =	shalt  }
0x7b: {  	_ =	shalt  }
0x7c: {  	_ =	shalt  }
0x7d: {  	_ =	shalt  }
0x7e: {  	_ =	shalt  }
0x7f: {  	_ =	shalt  }
0x80: {  	_ =	shalt  }
0x81: {  	_ =	shalt  }
0x82: {  	_ =	shalt  }
0x83: {  	_ =	shalt  }
0x84: {  	_ =	shalt  }
0x85: {  	_ =	shalt  }
0x86: {  	_ =	shalt  }
0x87: {  	_ =	shalt  }
.Lfunc_end0:
.L_simem_size_0:
called_computation.2_lowered:
.L_overlay_start_0:
0x88: {  	s2 =	sld [smem:$0x3FD9]  }
0x89: {  	s3 =	sld [smem:$0x3FFE];
	_ =	sdelay $0x1  }
0x8a: {  	s1 =	srdreg.scid  }
0x8b: {  	s0 =	sand.u32 $0x1, s1  }
0x8c: {  	s17 =	sshll.u32 s0, $0xA;
	s2 =	sadd.s32 s3, s2  }
0x8d: {  	s2 =	sadd.s32 s2, s17  }
0x8e: {  	[smem:$0x3FAE] =	sst s2  }
0x8f: {  	_ = 	snop  }
0x90: {  	s2 =	sld [smem:$0x3FD0];
	(tm) =	ssettm $0x1  }
0x91: {  	s18 =	sld [smem:$0x3FFB];
	_ =	sdelay $0x3  }
0x92: {  	_ =	strace s18  }
0x93: {  	s3 =	sld [smem:$0x3FFC];
	_ =	sdelay $0x3  }
0x94: {  	_ =	strace s3  }
0x95: {  	s3 =	sld [smem:$0x3FFD];
	_ =	sdelay $0x3  }
0x96: {  	_ =	strace s3  }
0x97: {  	_ =	strace $0x8FFFFFFF  }
0x98: {  	s19 =	sld [smem:$0x3FDB];
	_ =	sdelay $0x1  }
0x99: {  	s4 =	simm.s32 $_scs_section_size  }
0x9a: {  	s5 =	simm.s32 $_size__tile_overlayer_lowered;
	s6 =	simm.s32 $_tile_overlayer_lowered  }
0x9b: {  	s22 =	simm.s32 $0x1BFF;
	s21 =	sshll.u32 s6, $0x1;
	s3 =	sadd.s32 s4, s19  }
0x9c: {  	s7 =	simm.s32 $0x0;
	s20 =	sshll.u32 s5, $0x1;
	s5 =	sadd.s32 s21, s3  }
0x9d: {  	[timem:s7], [sflag:s22] =	dma.local [hbm:s5], s20  }
0x9e: {  	_ =	swait.ge [sflag:s22], s20  }
0x9f: {  	s4 =	ssub.s32 $0x0, s20;
	[sflag:s22] =	ssyncset.done $0x0  }
0xa0: {  	[sflag:s22] =	ssyncadd.s32 s4;
	_ =	sdelay $0x1  }
0xa1: {  	s23 =	simm.s32 $0x1B8B  }
0xa2: {  	_ =	swait.ge [sflag:s23], $0x1  }
0xa3: {  	[sflag:s23] =	ssyncset.done $0x0  }
0xa4: {  	s25 =	simm.s32 $0x1B8E;
	s24 =	sld [smem:$0x3FFE];
	[sflag:s23] =	ssyncadd.s32 $0xFFFFFFFF  }
0xa5: {  	s26 =	simm.s32 $execute0_lowered;
	[smem:$0x3FD2] =	sst s25  }
0xa6: {  	s5 =	sshll.u32 s26, $0x1;
	_ =	strace $0x8000004C;
	[dreg:$0x1] =	wrdreg $0xFFFFFFFF  }
0xa7: {  	s28 =	simm.s32 $_size_execute0_lowered;
	s3 =	sadd.s32 s3, s5;
	[dreg:$0x0] =	wrdreg $0x0  }
0xa8: {  	s5 =	sshll.u32 s28, $0x1;
	[dreg:$0x2] =	wrdreg s3  }
0xa9: {  	[dreg:$0x3] =	wrdreg s5  }
0xaa: {  	[dreg:$0x4] =	wrdreg $0xC0  }
0xab: {  	_ =	task [dreg:s7], $0x5FFFF  }
0xac: {  	[dreg:$0x1] =	wrdreg $0xFFFFFFFF  }
0xad: {  	[dreg:$0x0] =	wrdreg $0x60  }
0xae: {  	[dreg:$0x2] =	wrdreg s24  }
0xaf: {  	[dreg:$0x3] =	wrdreg s2  }
0xb0: {  	[dreg:$0x4] =	wrdreg $0x9  }
0xb1: {  	_ =	task.clear_ibuf [dreg:s7], $0x5FFFF;
	_ =	strace $0x9000004C  }
0xb2: {  	s29 =	simm.s32 $0x9;
	_ =	strace $0x8000004E  }
0xb3: {  	_ =	swait.ge [sflag:s29], $0x1  }
0xb4: {  	[sflag:s29] =	ssyncadd.s32 $0xFFFFFFFF  }
0xb5: {  	_ =	strace $0x9000004E  }
0xb6: {  	_ =	sfence  }
0xb7: {  	s30 =	sld [smem:$0x0];
	_ =	sdelay $0x2  }
0xb8: {  	s31 =	sshll.u32 s1, $0xD;
	s1 =	sshrl.u32 s1, $0x2  }
0xb9: {  	s3 =	sand.u32 $0x4000, s31;
	s1 =	sadd.s32 s1, s30  }
0xba: {  	s0 =	sor.u32 s3, s0;
	s1 =	sshll.u32 s1, $0x11  }
0xbb: {  	s0 =	sor.u32 s1, s0  }
0xbc: {  	s0 =	sadd.s32 $0x8F2B, s0  }
0xbd: {  	[sflag:s0] =	ssyncadd.remote.s32 $0x1  }
0xbe: {  	_ =	sfence.sel $0xFFFF  }
0xbf: {  	[dreg:$0x0] =	wrdreg $0xFFFFFFFF;
	(pc) =	sbr.abs _section_cstart, $3  }
0xc0: {  	[dreg:$0x1] =	wrdreg $0xFFFFFFFF  }
0xc1: {  	_ =	task.clear_ibuf [dreg:s7], $0x2FFFF;
	_ =	strace $0x9FFFFFFF  }
0xc2: {  	(tm) =	ssettm $0x7FFFFFFF  }
0xc3: {  	_ =	shalt  }
tec
execute0_lowered:
.L_overlay_start_1:
0x0: {  	(tag) =	ssettag $0x1  }
0x1: {  	s1 =	srdreg.scid  }
0x2: {  	s3 =	rddreg [dreg:$0x0];
	s0 =	stileid.u32  }
0x3: {  	s4 =	rddreg [dreg:$0x1];
	s2 =	simm.s32 $0x0;
	s19 =	simm.s32 $0x900  }
0x4: {  	s20 =	simm.s32 $0x1100;
	s21 =	simm.s32 $0x1900;
	s23 =	simm.s32 $0x2100  }
0x5: {  	s24 =	simm.s32 $0x2900;
	s25 =	simm.s32 $0x3100;
	s26 =	simm.s32 $0x3900  }
0x6: {  	s8 =	simm.s32 $0x4900;
	s9 =	simm.s32 $0x5100;
	s10 =	simm.s32 $0x5900  }
0x7: {  	s11 =	simm.s32 $0x6100;
	s12 =	simm.s32 $0x6900;
	[smem:$0x7FF] =	sst s2  }
0x8: {  	s13 =	simm.s32 $0x7100;
	_ =	strace $0x8000004D;
	[dreg:$0x5] =	wrdreg s19  }
0x9: {  	s14 =	simm.s32 $0x7900;
	s15 =	simm.s32 $0x8100;
	[dreg:$0x6] =	wrdreg s20  }
0xa: {  	s16 =	simm.s32 $0x8900;
	s17 =	simm.s32 $0x9100;
	[dreg:$0x7] =	wrdreg s21  }
0xb: {  	s28 =	simm.s32 $0xE100;
	s29 =	simm.s32 $0xE900;
	[dreg:$0x8] =	wrdreg s23  }
0xc: {  	s30 =	simm.s32 $0xF100;
	s31 =	simm.s32 $0xF900;
	[dreg:$0x9] =	wrdreg s24  }
0xd: {  	s1 =	sand.u32 $0x1, s1;
	s5 =	sshll.u32 s0, $0x9;
	[dreg:$0xa] =	wrdreg s25  }
0xe: {  	s6 =	sshll.u32 s1, $0x8;
	s1 =	ssub.s32 $0x2, s1;
	[dreg:$0xb] =	wrdreg s26  }
0xf: {  	s19 =	simm.s32 $0xA100;
	s20 =	simm.s32 $0xA900;
	s21 =	simm.s32 $0xB100  }
0x10: {  	s23 =	simm.s32 $0xC100;
	s24 =	simm.s32 $0xC900;
	s25 =	simm.s32 $0xD100  }
0x11: {  	s26 =	simm.s32 $0xD900;
	s5 =	sor.u32 s6, s5;
	s22 =	sshrl.u32 s1, $0x1  }
0x12: {  	s6 =	sshll.u32 s5, $0x5;
	s5 =	sshrl.u32 s5, $0x3;
	s1 =	ssub.s32 s1, s22  }
0x13: {  	s22 =	simm.s32 $0xB900;
	s6 =	sadd.s32 s6, s3;
	s4 =	sadd.s32 s4, s5  }
0x14: {  	v2 =	vlaneseq.u32;
	s3 =	sadd.s32 $0x60000, s3;
	s5 =	simm.s32 $0x2;
	[dreg:$0x3] =	wrdreg s4  }
0x15: {  	vm0 =	vmmov $0xffff;
	v1 =	vshrl.u32 v2, $0x3;
	s18 =	sadd.s32 $0x68000, s6;
	s4 =	smax.u32 s1, $0x1;
	s6 =	simm.s32 $0x100  }
0x16: {  	v0 =	vand.u32 $0x7, v2;
	v2 =	vor.u32 $0x8, v2;
	v1 =	vmul.u32 $0x8, v1;
	s1 =	simm.s32 $0x1;
	[dreg:$0x4] =	wrdreg s18;
	s18 =	simm.s32 $0x9900  }
.LBB2_1:
0x17: {  	s0 =	rddreg [dreg:$0x3]  }
0x18: {  	[tilespmem:s2], [sflag:$0x2] =	stream.linear.gather [hbm4b:s0+s2], $0x100, $0x38;
	[tilespmem:$0x10100] =	vst v63  }
0x19: {  	_ =	swait.ge [sflag:s5], $0x100  }
0x1a: {  	[sflag:s5] =	ssyncset.done $0x0  }
0x1b: {  	[sflag:s5] =	ssyncadd.s32 $0xFFFFFF00  }
0x1c: {  	v3 =	vld [tilespmem:$0x0];
	_ =	sdelay $0x4  }
0x1d: {  	v4 =	vshll.u32 v3, $0x1  }
0x1e: {  	v3 =	vand.u32 $0x7, v3;
	v4 =	vand.u32 $0xFFFFFFF0, v4  }
0x1f: {  	v3 =	vor.u32 v3, v4  }
0x20: {  	v4 =	vperm.xlane v3, v0;
	_ =	sdelay $0x1  }
0x21: {  	v3 =	vperm.xlane v3, v2;
	v4 =	vadd.s32 v1, v4;
	_ =	sdelay $0x1  }
0x22: {  	v3 =	vadd.s32 v1, v3;
	_ =	sdelay $0x2  }
0x23: {  	[tilespmem:s6], [sflag:$0x1] =	stream.indirect_vreg.gather [hbm4b:s3+s2], $0x80, v4, vm0, $0xb8;
	[tilespmem:$0x10100] =	vst v63  }
0x24: {  	s7 =	rddreg [dreg:$0x5]  }
0x25: {  	[tilespmem:s7], [sflag:$0x1] =	stream.indirect_vreg.gather [hbm4b:s3+s2], $0x80, v3, vm0, $0xb8;
	[tilespmem:$0x10100] =	vst v63  }
0x26: {  	v3 =	vld [tilespmem:$0x10];
	_ =	sdelay $0x4  }
0x27: {  	v49 =	vshll.u32 v3, $0x1  }
0x28: {  	v3 =	vand.u32 $0x7, v3;
	v4 =	vand.u32 $0xFFFFFFF0, v49  }
0x29: {  	v3 =	vor.u32 v3, v4  }
0x2a: {  	v4 =	vperm.xlane v3, v0;
	_ =	sdelay $0x1  }
0x2b: {  	v3 =	vperm.xlane v3, v2;
	v4 =	vadd.s32 v1, v4;
	_ =	sdelay $0x1  }
0x2c: {  	v3 =	vadd.s32 v1, v3;
	_ =	sdelay $0x1  }
0x2d: {  	s0 =	rddreg [dreg:$0x6]  }
0x2e: {  	[tilespmem:s0], [sflag:$0x1] =	stream.indirect_vreg.gather [hbm4b:s3+s2], $0x80, v4, vm0, $0xb8;
	[tilespmem:$0x10100] =	vst v63  }
0x2f: {  	s7 =	rddreg [dreg:$0x7]  }
0x30: {  	[tilespmem:s7], [sflag:$0x1] =	stream.indirect_vreg.gather [hbm4b:s3+s2], $0x80, v3, vm0, $0xb8;
	[tilespmem:$0x10100] =	vst v63  }
0x31: {  	v3 =	vld [tilespmem:$0x20];
	_ =	sdelay $0x4  }
0x32: {  	v50 =	vshll.u32 v3, $0x1  }
0x33: {  	v3 =	vand.u32 $0x7, v3;
	v4 =	vand.u32 $0xFFFFFFF0, v50  }
0x34: {  	v3 =	vor.u32 v3, v4  }
0x35: {  	v4 =	vperm.xlane v3, v0;
	_ =	sdelay $0x1  }
0x36: {  	v3 =	vperm.xlane v3, v2;
	v4 =	vadd.s32 v1, v4;
	_ =	sdelay $0x1  }
0x37: {  	v3 =	vadd.s32 v1, v3;
	_ =	sdelay $0x1  }
0x38: {  	s0 =	rddreg [dreg:$0x8]  }
0x39: {  	[tilespmem:s0], [sflag:$0x1] =	stream.indirect_vreg.gather [hbm4b:s3+s2], $0x80, v4, vm0, $0xb8;
	[tilespmem:$0x10100] =	vst v63  }
0x3a: {  	s7 =	rddreg [dreg:$0x9]  }
0x3b: {  	[tilespmem:s7], [sflag:$0x1] =	stream.indirect_vreg.gather [hbm4b:s3+s2], $0x80, v3, vm0, $0xb8;
	[tilespmem:$0x10100] =	vst v63  }
0x3c: {  	v3 =	vld [tilespmem:$0x30];
	_ =	sdelay $0x4  }
0x3d: {  	v51 =	vshll.u32 v3, $0x1  }
0x3e: {  	v3 =	vand.u32 $0x7, v3;
	v4 =	vand.u32 $0xFFFFFFF0, v51  }
0x3f: {  	v3 =	vor.u32 v3, v4  }
0x40: {  	v4 =	vperm.xlane v3, v0;
	_ =	sdelay $0x1  }
0x41: {  	v3 =	vperm.xlane v3, v2;
	v4 =	vadd.s32 v1, v4;
	_ =	sdelay $0x1  }
0x42: {  	v3 =	vadd.s32 v1, v3;
	_ =	sdelay $0x1  }
0x43: {  	s0 =	rddreg [dreg:$0xa]  }
0x44: {  	[tilespmem:s0], [sflag:$0x1] =	stream.indirect_vreg.gather [hbm4b:s3+s2], $0x80, v4, vm0, $0xb8;
	[tilespmem:$0x10100] =	vst v63  }
0x45: {  	s7 =	rddreg [dreg:$0xb]  }
0x46: {  	[tilespmem:s7], [sflag:$0x1] =	stream.indirect_vreg.gather [hbm4b:s3+s2], $0x80, v3, vm0, $0xb8;
	[tilespmem:$0x10100] =	vst v63  }
0x47: {  	v3 =	vld [tilespmem:$0x40];
	_ =	sdelay $0x4  }
0x48: {  	v52 =	vshll.u32 v3, $0x1  }
0x49: {  	v3 =	vand.u32 $0x7, v3;
	v4 =	vand.u32 $0xFFFFFFF0, v52  }
0x4a: {  	v3 =	vor.u32 v3, v4  }
0x4b: {  	v4 =	vperm.xlane v3, v0;
	_ =	sdelay $0x1  }
0x4c: {  	v3 =	vperm.xlane v3, v2;
	v4 =	vadd.s32 v1, v4;
	_ =	sdelay $0x1  }
0x4d: {  	v3 =	vadd.s32 v1, v3;
	_ =	sdelay $0x1  }
0x4e: {  	s7 =	simm.s32 $0x4100  }
0x4f: {  	[tilespmem:s7], [sflag:$0x1] =	stream.indirect_vreg.gather [hbm4b:s3+s2], $0x80, v4, vm0, $0xb8;
	[tilespmem:$0x10100] =	vst v63  }
0x50: {  	_ = 	snop  }
0x51: {  	[tilespmem:s8], [sflag:$0x1] =	stream.indirect_vreg.gather [hbm4b:s3+s2], $0x80, v3, vm0, $0xb8;
	[tilespmem:$0x10100] =	vst v63  }
0x52: {  	v3 =	vld [tilespmem:$0x50];
	_ =	sdelay $0x4  }
0x53: {  	v53 =	vshll.u32 v3, $0x1  }
0x54: {  	v3 =	vand.u32 $0x7, v3;
	v4 =	vand.u32 $0xFFFFFFF0, v53  }
0x55: {  	v3 =	vor.u32 v3, v4  }
0x56: {  	v4 =	vperm.xlane v3, v0;
	_ =	sdelay $0x1  }
0x57: {  	v3 =	vperm.xlane v3, v2;
	v4 =	vadd.s32 v1, v4;
	_ =	sdelay $0x1  }
0x58: {  	v3 =	vadd.s32 v1, v3;
	_ =	sdelay $0x2  }
0x59: {  	[tilespmem:s9], [sflag:$0x1] =	stream.indirect_vreg.gather [hbm4b:s3+s2], $0x80, v4, vm0, $0xb8;
	[tilespmem:$0x10100] =	vst v63  }
0x5a: {  	_ = 	snop  }
0x5b: {  	[tilespmem:s10], [sflag:$0x1] =	stream.indirect_vreg.gather [hbm4b:s3+s2], $0x80, v3, vm0, $0xb8;
	[tilespmem:$0x10100] =	vst v63  }
0x5c: {  	v3 =	vld [tilespmem:$0x60];
	_ =	sdelay $0x4  }
0x5d: {  	v54 =	vshll.u32 v3, $0x1  }
0x5e: {  	v3 =	vand.u32 $0x7, v3;
	v4 =	vand.u32 $0xFFFFFFF0, v54  }
0x5f: {  	v3 =	vor.u32 v3, v4  }
0x60: {  	v4 =	vperm.xlane v3, v0;
	_ =	sdelay $0x1  }
0x61: {  	v3 =	vperm.xlane v3, v2;
	v4 =	vadd.s32 v1, v4;
	_ =	sdelay $0x1  }
0x62: {  	v3 =	vadd.s32 v1, v3;
	_ =	sdelay $0x2  }
0x63: {  	[tilespmem:s11], [sflag:$0x1] =	stream.indirect_vreg.gather [hbm4b:s3+s2], $0x80, v4, vm0, $0xb8;
	[tilespmem:$0x10100] =	vst v63  }
0x64: {  	_ = 	snop  }
0x65: {  	[tilespmem:s12], [sflag:$0x1] =	stream.indirect_vreg.gather [hbm4b:s3+s2], $0x80, v3, vm0, $0xb8;
	[tilespmem:$0x10100] =	vst v63  }
0x66: {  	v3 =	vld [tilespmem:$0x70];
	_ =	sdelay $0x4  }
0x67: {  	v55 =	vshll.u32 v3, $0x1  }
0x68: {  	v3 =	vand.u32 $0x7, v3;
	v4 =	vand.u32 $0xFFFFFFF0, v55  }
0x69: {  	v3 =	vor.u32 v3, v4  }
0x6a: {  	v4 =	vperm.xlane v3, v0;
	_ =	sdelay $0x1  }
0x6b: {  	v3 =	vperm.xlane v3, v2;
	v4 =	vadd.s32 v1, v4;
	_ =	sdelay $0x1  }
0x6c: {  	v3 =	vadd.s32 v1, v3;
	_ =	sdelay $0x2  }
0x6d: {  	[tilespmem:s13], [sflag:$0x1] =	stream.indirect_vreg.gather [hbm4b:s3+s2], $0x80, v4, vm0, $0xb8;
	[tilespmem:$0x10100] =	vst v63  }
0x6e: {  	_ = 	snop  }
0x6f: {  	[tilespmem:s14], [sflag:$0x1] =	stream.indirect_vreg.gather [hbm4b:s3+s2], $0x80, v3, vm0, $0xb8;
	[tilespmem:$0x10100] =	vst v63  }
0x70: {  	v3 =	vld [tilespmem:$0x80];
	_ =	sdelay $0x4  }
0x71: {  	v56 =	vshll.u32 v3, $0x1  }
0x72: {  	v3 =	vand.u32 $0x7, v3;
	v4 =	vand.u32 $0xFFFFFFF0, v56  }
0x73: {  	v3 =	vor.u32 v3, v4  }
0x74: {  	v4 =	vperm.xlane v3, v0;
	_ =	sdelay $0x1  }
0x75: {  	v3 =	vperm.xlane v3, v2;
	v4 =	vadd.s32 v1, v4;
	_ =	sdelay $0x1  }
0x76: {  	v3 =	vadd.s32 v1, v3;
	_ =	sdelay $0x2  }
0x77: {  	[tilespmem:s15], [sflag:$0x1] =	stream.indirect_vreg.gather [hbm4b:s3+s2], $0x80, v4, vm0, $0xb8;
	[tilespmem:$0x10100] =	vst v63  }
0x78: {  	_ = 	snop  }
0x79: {  	[tilespmem:s16], [sflag:$0x1] =	stream.indirect_vreg.gather [hbm4b:s3+s2], $0x80, v3, vm0, $0xb8;
	[tilespmem:$0x10100] =	vst v63  }
0x7a: {  	v3 =	vld [tilespmem:$0x90];
	_ =	sdelay $0x4  }
0x7b: {  	v57 =	vshll.u32 v3, $0x1  }
0x7c: {  	v3 =	vand.u32 $0x7, v3;
	v4 =	vand.u32 $0xFFFFFFF0, v57  }
0x7d: {  	v3 =	vor.u32 v3, v4  }
0x7e: {  	v4 =	vperm.xlane v3, v0;
	_ =	sdelay $0x1  }
0x7f: {  	v3 =	vperm.xlane v3, v2;
	v4 =	vadd.s32 v1, v4;
	_ =	sdelay $0x1  }
0x80: {  	v3 =	vadd.s32 v1, v3;
	_ =	sdelay $0x2  }
0x81: {  	[tilespmem:s17], [sflag:$0x1] =	stream.indirect_vreg.gather [hbm4b:s3+s2], $0x80, v4, vm0, $0xb8;
	[tilespmem:$0x10100] =	vst v63  }
0x82: {  	_ = 	snop  }
0x83: {  	[tilespmem:s18], [sflag:$0x1] =	stream.indirect_vreg.gather [hbm4b:s3+s2], $0x80, v3, vm0, $0xb8;
	[tilespmem:$0x10100] =	vst v63  }
0x84: {  	v3 =	vld [tilespmem:$0xA0];
	_ =	sdelay $0x4  }
0x85: {  	v58 =	vshll.u32 v3, $0x1  }
0x86: {  	v3 =	vand.u32 $0x7, v3;
	v4 =	vand.u32 $0xFFFFFFF0, v58  }
0x87: {  	v3 =	vor.u32 v3, v4  }
0x88: {  	v4 =	vperm.xlane v3, v0;
	_ =	sdelay $0x1  }
0x89: {  	v3 =	vperm.xlane v3, v2;
	v4 =	vadd.s32 v1, v4;
	_ =	sdelay $0x1  }
0x8a: {  	v3 =	vadd.s32 v1, v3;
	_ =	sdelay $0x2  }
0x8b: {  	[tilespmem:s19], [sflag:$0x1] =	stream.indirect_vreg.gather [hbm4b:s3+s2], $0x80, v4, vm0, $0xb8;
	[tilespmem:$0x10100] =	vst v63  }
0x8c: {  	_ = 	snop  }
0x8d: {  	[tilespmem:s20], [sflag:$0x1] =	stream.indirect_vreg.gather [hbm4b:s3+s2], $0x80, v3, vm0, $0xb8;
	[tilespmem:$0x10100] =	vst v63  }
0x8e: {  	v3 =	vld [tilespmem:$0xB0];
	_ =	sdelay $0x4  }
0x8f: {  	v59 =	vshll.u32 v3, $0x1  }
0x90: {  	v3 =	vand.u32 $0x7, v3;
	v4 =	vand.u32 $0xFFFFFFF0, v59  }
0x91: {  	v3 =	vor.u32 v3, v4  }
0x92: {  	v4 =	vperm.xlane v3, v0;
	_ =	sdelay $0x1  }
0x93: {  	v3 =	vperm.xlane v3, v2;
	v4 =	vadd.s32 v1, v4;
	_ =	sdelay $0x1  }
0x94: {  	v3 =	vadd.s32 v1, v3;
	_ =	sdelay $0x2  }
0x95: {  	[tilespmem:s21], [sflag:$0x1] =	stream.indirect_vreg.gather [hbm4b:s3+s2], $0x80, v4, vm0, $0xb8;
	[tilespmem:$0x10100] =	vst v63  }
0x96: {  	_ = 	snop  }
0x97: {  	[tilespmem:s22], [sflag:$0x1] =	stream.indirect_vreg.gather [hbm4b:s3+s2], $0x80, v3, vm0, $0xb8;
	[tilespmem:$0x10100] =	vst v63  }
0x98: {  	v3 =	vld [tilespmem:$0xC0];
	_ =	sdelay $0x4  }
0x99: {  	v60 =	vshll.u32 v3, $0x1  }
0x9a: {  	v3 =	vand.u32 $0x7, v3;
	v4 =	vand.u32 $0xFFFFFFF0, v60  }
0x9b: {  	v3 =	vor.u32 v3, v4  }
0x9c: {  	v4 =	vperm.xlane v3, v0;
	_ =	sdelay $0x1  }
0x9d: {  	v3 =	vperm.xlane v3, v2;
	v4 =	vadd.s32 v1, v4;
	_ =	sdelay $0x1  }
0x9e: {  	v3 =	vadd.s32 v1, v3;
	_ =	sdelay $0x2  }
0x9f: {  	[tilespmem:s23], [sflag:$0x1] =	stream.indirect_vreg.gather [hbm4b:s3+s2], $0x80, v4, vm0, $0xb8;
	[tilespmem:$0x10100] =	vst v63  }
0xa0: {  	_ = 	snop  }
0xa1: {  	[tilespmem:s24], [sflag:$0x1] =	stream.indirect_vreg.gather [hbm4b:s3+s2], $0x80, v3, vm0, $0xb8;
	[tilespmem:$0x10100] =	vst v63  }
0xa2: {  	v3 =	vld [tilespmem:$0xD0];
	_ =	sdelay $0x4  }
0xa3: {  	v61 =	vshll.u32 v3, $0x1  }
0xa4: {  	v3 =	vand.u32 $0x7, v3;
	v4 =	vand.u32 $0xFFFFFFF0, v61  }
0xa5: {  	v3 =	vor.u32 v3, v4  }
0xa6: {  	v4 =	vperm.xlane v3, v0;
	_ =	sdelay $0x1  }
0xa7: {  	v3 =	vperm.xlane v3, v2;
	v4 =	vadd.s32 v1, v4;
	_ =	sdelay $0x1  }
0xa8: {  	v3 =	vadd.s32 v1, v3;
	_ =	sdelay $0x2  }
0xa9: {  	[tilespmem:s25], [sflag:$0x1] =	stream.indirect_vreg.gather [hbm4b:s3+s2], $0x80, v4, vm0, $0xb8;
	[tilespmem:$0x10100] =	vst v63  }
0xaa: {  	_ = 	snop  }
0xab: {  	[tilespmem:s26], [sflag:$0x1] =	stream.indirect_vreg.gather [hbm4b:s3+s2], $0x80, v3, vm0, $0xb8;
	[tilespmem:$0x10100] =	vst v63  }
0xac: {  	v3 =	vld [tilespmem:$0xE0];
	_ =	sdelay $0x4  }
0xad: {  	v62 =	vshll.u32 v3, $0x1  }
0xae: {  	v3 =	vand.u32 $0x7, v3;
	v4 =	vand.u32 $0xFFFFFFF0, v62  }
0xaf: {  	v3 =	vor.u32 v3, v4  }
0xb0: {  	v4 =	vperm.xlane v3, v0;
	_ =	sdelay $0x1  }
0xb1: {  	v3 =	vperm.xlane v3, v2;
	v4 =	vadd.s32 v1, v4;
	_ =	sdelay $0x1  }
0xb2: {  	v3 =	vadd.s32 v1, v3;
	_ =	sdelay $0x2  }
0xb3: {  	[tilespmem:s28], [sflag:$0x1] =	stream.indirect_vreg.gather [hbm4b:s3+s2], $0x80, v4, vm0, $0xb8;
	[tilespmem:$0x10100] =	vst v63  }
0xb4: {  	_ = 	snop  }
0xb5: {  	[tilespmem:s29], [sflag:$0x1] =	stream.indirect_vreg.gather [hbm4b:s3+s2], $0x80, v3, vm0, $0xb8;
	[tilespmem:$0x10100] =	vst v63  }
0xb6: {  	v3 =	vld [tilespmem:$0xF0];
	_ =	sdelay $0x4  }
0xb7: {  	v63 =	vshll.u32 v3, $0x1  }
0xb8: {  	v3 =	vand.u32 $0x7, v3;
	v4 =	vand.u32 $0xFFFFFFF0, v63  }
0xb9: {  	v3 =	vor.u32 v3, v4  }
0xba: {  	v4 =	vperm.xlane v3, v0;
	_ =	sdelay $0x1  }
0xbb: {  	v3 =	vperm.xlane v3, v2;
	v4 =	vadd.s32 v1, v4;
	_ =	sdelay $0x1  }
0xbc: {  	v3 =	vadd.s32 v1, v3;
	_ =	sdelay $0x2  }
0xbd: {  	[tilespmem:s30], [sflag:$0x1] =	stream.indirect_vreg.gather [hbm4b:s3+s2], $0x80, v4, vm0, $0xb8;
	[tilespmem:$0x10100] =	vst v63  }
0xbe: {  	_ = 	snop  }
0xbf: {  	[tilespmem:s31], [sflag:$0x1] =	stream.indirect_vreg.gather [hbm4b:s3+s2], $0x80, v3, vm0, $0xb8;
	[tilespmem:$0x10100] =	vst v63  }
0xc0: {  	_ =	swait.ge [sflag:s1], $0x10000  }
0xc1: {  	p0 =	sne.s32 s4, $0x1;
	[sflag:s1] =	ssyncset.done $0x0  }
.Ltmp0:
0xc2: {  	s7 =	rddreg [dreg:$0x4];
	[sflag:s1] =	ssyncadd.s32 $0xFFFF0000;
	(pc) =	sbr.rel @p0 .LBB2_1-.Ltmp0, $4  }
0xc3: {  	[hbm4b:s7+s2] =	stream.linear.scatter [tilespmem:s6], [sflag:$0x2], $0x10000, $0x38;
	[tilespmem:$0x10100] =	vst v63  }
0xc4: {  	_ =	swait.ge [sflag:s5], $0x10000  }
0xc5: {  	[sflag:s5] =	ssyncset.done $0x0  }
0xc6: {  	s4 =	sadd.s32 $0xFFFFFFFF, s4;
	[sflag:s5] =	ssyncadd.s32 $0xFFFF0000  }
0xc7: {  	_ =	sfence.sel $0x180000  }
0xc8: {  	[bflag:$0x0] =	sbarrier.arrive $0xFFFF  }
0xc9: {  	_ =	strace $0x9000004D  }
0xca: {  	s0 =	stileid.u32;
	[bflag:$0x2] =	sbarrier.arrive $0xFFFF  }
0xcb: {  	p0 =	sne.s32 s0, $0x0;
	s0 =	rddreg [dreg:$0x2]  }
0xcc: {  	s0 =	sadd.s32 @!p0 $0x100000, s0  }
0xcd: {  	[sflag:s0] =	ssyncadd.tile.s32 @!p0 $0x1;
	_ =	shalt  }
.Lfunc_end2:
_tile_overlayer_lowered:
.L_overlay_start_2:
0xce: {  	(tag) =	ssettag $0x2  }
0xcf: {  	s0 =	rddreg [dreg:$0x0];
	s2 =	stileid.u32  }
0xd0: {  	s1 =	rddreg [dreg:$0x1];
	p0 =	sne.s32 s2, $0x0  }
0xd1: {  	s3 =	rddreg [dreg:$0x2];
	[bflag:$0x3] =	sbarrier.arrive $0xFFFF;
	s2 =	simm.s32 @!p0 $0x1C02  }
0xd2: {  	[timem:s3], [sflag:s2] =	dma.local @!p0 [hbm:s0], s1  }
0xd3: {  	s0 =	simm.s32 @!p0 $0x2  }
0xd4: {  	_ =	swait.ge @!p0 [sflag:s0], s1  }
0xd5: {  	s1 =	ssub.s32 @!p0 $0x0, s1;
	[sflag:s0] =	ssyncset.done @!p0 $0x0  }
0xd6: {  	[sflag:s0] =	ssyncadd.s32 @!p0 s1  }
0xd7: {  	[bflag:$0x3] =	sbarrier.arrive $0xFFFF  }
0xd8: {  	_ =	shalt  }

// kernel: kernel.58.cloned.1.call-start
scs
__scs_entry_jumppad:
0x0: {  	(pc) =	sbr.rel $0x88, $3  }
0x1: {  	(tag) =	ssettag $0x0;
	lr =	simm.s32 $0x1  }
0x2: {  	[smem:$0x3F87] =	sst lr;
	_ =	strace $0xD0000000  }
0x3: {  	_ = 	snop  }
0x4: {  	_ = 	snop  }
0x5: {  	_ = 	snop  }
0x6: {  	_ = 	snop  }
0x7: {  	_ = 	snop  }
__scs_overlays_trampoline_lowered:
0x8: {  	[smem:$0x3F96] =	sst s0  }
0x9: {  	[smem:$0x3F97] =	sst s1  }
0xa: {  	[smem:$0x3F98] =	sst s2  }
0xb: {  	[smem:$0x3F99] =	sst s3  }
0xc: {  	[smem:$0x3F9A] =	sst s4  }
0xd: {  	[smem:$0x3F9B] =	sst s5  }
0xe: {  	[smem:$0x3F9C] =	sst s6  }
0xf: {  	[smem:$0x3F9D] =	sst s7  }
0x10: {  	[smem:$0x3F9E] =	sst s8  }
0x11: {  	[smem:$0x3F9F] =	sst s9;
	s0 =	simm.s32 @!p0 $0x0  }
0x12: {  	s1 =	sld [smem:$0x3F85];
	s0 =	simm.s32 @p0 $0x1  }
0x13: {  	[smem:$0x3FA0] =	sst s0;
	s0 =	simm.s32 @!p1 $0x0  }
0x14: {  	s2 =	sld [smem:$0x3F84];
	s0 =	simm.s32 @p1 $0x1  }
0x15: {  	[smem:$0x3FA1] =	sst s0;
	s0 =	simm.s32 @!p2 $0x0  }
0x16: {  	s3 =	sld [smem:$0x3FDB];
	s0 =	simm.s32 @p2 $0x1  }
0x17: {  	s4 =	simm.s32 $0x1BF5;
	[smem:$0x3FA3] =	sst s0  }
0x18: {  	s0 =	sld [smem:$0x3F86];
	_ =	swait.ge [sflag:s4], $0x0  }
0x19: {  	s7 =	sld [smem:$0x3F87]  }
0x1a: {  	s8 =	sadd.s32 $0xFFFFE003, lr  }
0x1b: {  	s9 =	sadd.s32 $0xFFFFFEF7, lr;
	s5 =	simm.s32 $0xFFFFFFFF;
	p2 =	slt.u32 s8, $0xFFFFF086  }
0x1c: {  	p1 =	slt.u32 s9, $0xF7A;
	s5 =	simm.s32 @!p2 $0x0  }
0x1d: {  	s5 =	simm.s32 @p1 $0x1;
	p0 =	seq.s32 s7, s2  }
0x1e: {  	s7 =	smul.u32 @!p0 $0xF7A, s2;
	p2 =	seq.s32 @!p0 s5, $0x0  }
0x1f: {  	s9 =	smul.u32 $0xF7A, s1;
	s8 =	simm.s32 @!p0 $0x1BF5;
	p2 =	por !p2, p0  }
0x20: {  	[sflag:s8] =	ssyncset.s32 @!p0 $0xFFFFF086;
	s6 =	sadd.s32 @!p0 s3, s7;
	s7 =	simm.s32 @!p0 $0x108  }
0x21: {  	s3 =	sadd.s32 s3, s9;
	s6 =	sadd.s32 @!p0 $0x88, s6;
	s7 =	simm.s32 @p2 $0x1082  }
0x22: {  	[simem:s7], [sflag:s8] =	dma.local @!p0 [hbm:s6], $0xF7A  }
0x23: {  	s9 =	sor.u32 $0xD0000000, s2;
	s6 =	simm.s32 $0x108;
	_ =	swait.ge @!p0 [sflag:s8], $0x0  }
0x24: {  	s3 =	sadd.s32 $0x88, s3;
	s6 =	simm.s32 @!p1 $0x1082;
	[sflag:s4] =	ssyncset.s32 $0xFFFFF086  }
0x25: {  	[simem:s6], [sflag:s4] =	dma.local [hbm:s3], $0xF7A  }
0x26: {  	[smem:$0x3F87] =	sst s1;
	(tag) =	ssettag s2;
	_ =	strace s9  }
0x27: {  	s1 =	sld [smem:$0x3F97]  }
0x28: {  	s2 =	sld [smem:$0x3F98]  }
0x29: {  	s4 =	sld [smem:$0x3F9A]  }
0x2a: {  	p0 =	seq.s32 s5, $0x0;
	s5 =	sld [smem:$0x3F9B]  }
0x2b: {  	s6 =	sld [smem:$0x3F9C]  }
0x2c: {  	s7 =	sld [smem:$0x3F9D]  }
0x2d: {  	s3 =	simm.s32 $0x108;
	s8 =	sld [smem:$0x3F9E]  }
0x2e: {  	s3 =	simm.s32 @!p0 $0x1082;
	s9 =	sld [smem:$0x3F9F]  }
0x2f: {  	lr =	sadd.s32 s0, s3;
	s0 =	sld [smem:$0x3F96]  }
0x30: {  	s3 =	sld [smem:$0x3F99]  }
0x31: {  	[smem:$0x3FA2] =	sst s10  }
0x32: {  	s10 =	sld [smem:$0x3FA0];
	_ =	sdelay $0x3  }
0x33: {  	p0 =	seq.s32 s10, $0x1;
	s10 =	sld [smem:$0x3FA2];
	_ =	sdelay $0x3  }
0x34: {  	[smem:$0x3FA2] =	sst s10  }
0x35: {  	s10 =	sld [smem:$0x3FA1];
	_ =	sdelay $0x3  }
0x36: {  	p1 =	seq.s32 s10, $0x1;
	s10 =	sld [smem:$0x3FA2];
	_ =	sdelay $0x3  }
0x37: {  	[smem:$0x3FA2] =	sst s10  }
0x38: {  	s10 =	sld [smem:$0x3FA3]  }
0x39: {  	_ = 	snop;
	(pc) =	sbr.ind lr, $3  }
0x3a: {  	_ = 	snop  }
0x3b: {  	_ = 	snop  }
0x3c: {  	p2 =	seq.s32 s10, $0x1;
	s10 =	sld [smem:$0x3FA2]  }
0x3d: {  	_ =	shalt  }
0x3e: {  	_ =	shalt  }
0x3f: {  	_ =	shalt  }
0x40: {  	_ =	shalt  }
0x41: {  	_ =	shalt  }
0x42: {  	_ =	shalt  }
0x43: {  	_ =	shalt  }
0x44: {  	_ =	shalt  }
0x45: {  	_ =	shalt  }
0x46: {  	_ =	shalt  }
0x47: {  	_ =	shalt  }
0x48: {  	_ =	shalt  }
0x49: {  	_ =	shalt  }
0x4a: {  	_ =	shalt  }
0x4b: {  	_ =	shalt  }
0x4c: {  	_ =	shalt  }
0x4d: {  	_ =	shalt  }
0x4e: {  	_ =	shalt  }
0x4f: {  	_ =	shalt  }
0x50: {  	_ =	shalt  }
0x51: {  	_ =	shalt  }
0x52: {  	_ =	shalt  }
0x53: {  	_ =	shalt  }
0x54: {  	_ =	shalt  }
0x55: {  	_ =	shalt  }
0x56: {  	_ =	shalt  }
0x57: {  	_ =	shalt  }
0x58: {  	_ =	shalt  }
0x59: {  	_ =	shalt  }
0x5a: {  	_ =	shalt  }
0x5b: {  	_ =	shalt  }
0x5c: {  	_ =	shalt  }
0x5d: {  	_ =	shalt  }
0x5e: {  	_ =	shalt  }
0x5f: {  	_ =	shalt  }
0x60: {  	_ =	shalt  }
0x61: {  	_ =	shalt  }
0x62: {  	_ =	shalt  }
0x63: {  	_ =	shalt  }
0x64: {  	_ =	shalt  }
0x65: {  	_ =	shalt  }
0x66: {  	_ =	shalt  }
0x67: {  	_ =	shalt  }
0x68: {  	_ =	shalt  }
0x69: {  	_ =	shalt  }
0x6a: {  	_ =	shalt  }
0x6b: {  	_ =	shalt  }
0x6c: {  	_ =	shalt  }
0x6d: {  	_ =	shalt  }
0x6e: {  	_ =	shalt  }
0x6f: {  	_ =	shalt  }
0x70: {  	_ =	shalt  }
0x71: {  	_ =	shalt  }
0x72: {  	_ =	shalt  }
0x73: {  	_ =	shalt  }
0x74: {  	_ =	shalt  }
0x75: {  	_ =	shalt  }
0x76: {  	_ =	shalt  }
0x77: {  	_ =	shalt  }
0x78: {  	_ =	shalt  }
0x79: {  	_ =	shalt  }
0x7a: {  	_ =	shalt  }
0x7b: {  	_ =	shalt  }
0x7c: {  	_ =	shalt  }
0x7d: {  	_ =	shalt  }
0x7e: {  	_ =	shalt  }
0x7f: {  	_ =	shalt  }
0x80: {  	_ =	shalt  }
0x81: {  	_ =	shalt  }
0x82: {  	_ =	shalt  }
0x83: {  	_ =	shalt  }
0x84: {  	_ =	shalt  }
0x85: {  	_ =	shalt  }
0x86: {  	_ =	shalt  }
0x87: {  	_ =	shalt  }
.Lfunc_end0:
.L_simem_size_0:
called_computation.3_lowered:
.L_overlay_start_0:
0x88: {  	s2 =	sld [smem:$0x3FD9]  }
0x89: {  	s3 =	sld [smem:$0x3FFE];
	_ =	sdelay $0x1  }
0x8a: {  	s1 =	srdreg.scid  }
0x8b: {  	s0 =	sand.u32 $0x1, s1  }
0x8c: {  	s17 =	sshll.u32 s0, $0xA;
	s2 =	sadd.s32 s3, s2  }
0x8d: {  	s2 =	sadd.s32 s2, s17  }
0x8e: {  	[smem:$0x3FAE] =	sst s2  }
0x8f: {  	_ = 	snop  }
0x90: {  	s2 =	sld [smem:$0x3FD0];
	(tm) =	ssettm $0x1  }
0x91: {  	s18 =	sld [smem:$0x3FFB];
	_ =	sdelay $0x3  }
0x92: {  	_ =	strace s18  }
0x93: {  	s3 =	sld [smem:$0x3FFC];
	_ =	sdelay $0x3  }
0x94: {  	_ =	strace s3  }
0x95: {  	s3 =	sld [smem:$0x3FFD];
	_ =	sdelay $0x3  }
0x96: {  	_ =	strace s3  }
0x97: {  	_ =	strace $0x8FFFFFFF  }
0x98: {  	s19 =	sld [smem:$0x3FDB];
	_ =	sdelay $0x1  }
0x99: {  	s4 =	simm.s32 $_scs_section_size  }
0x9a: {  	s5 =	simm.s32 $_size__tile_overlayer_lowered;
	s6 =	simm.s32 $_tile_overlayer_lowered  }
0x9b: {  	s22 =	simm.s32 $0x1BFF;
	s21 =	sshll.u32 s6, $0x1;
	s3 =	sadd.s32 s4, s19  }
0x9c: {  	s7 =	simm.s32 $0x0;
	s20 =	sshll.u32 s5, $0x1;
	s5 =	sadd.s32 s21, s3  }
0x9d: {  	[timem:s7], [sflag:s22] =	dma.local [hbm:s5], s20  }
0x9e: {  	_ =	swait.ge [sflag:s22], s20  }
0x9f: {  	s4 =	ssub.s32 $0x0, s20;
	[sflag:s22] =	ssyncset.done $0x0  }
0xa0: {  	[sflag:s22] =	ssyncadd.s32 s4;
	_ =	sdelay $0x1  }
0xa1: {  	s23 =	simm.s32 $0x1B8B  }
0xa2: {  	_ =	swait.ge [sflag:s23], $0x1  }
0xa3: {  	[sflag:s23] =	ssyncset.done $0x0  }
0xa4: {  	s25 =	simm.s32 $0x1B8E;
	s24 =	sld [smem:$0x3FFE];
	[sflag:s23] =	ssyncadd.s32 $0xFFFFFFFF  }
0xa5: {  	s26 =	simm.s32 $execute0_lowered;
	[smem:$0x3FD2] =	sst s25  }
0xa6: {  	s5 =	sshll.u32 s26, $0x1;
	_ =	strace $0x8000004F;
	[dreg:$0x1] =	wrdreg $0xFFFFFFFF  }
0xa7: {  	s28 =	simm.s32 $_size_execute0_lowered;
	s3 =	sadd.s32 s3, s5;
	[dreg:$0x0] =	wrdreg $0x0  }
0xa8: {  	s5 =	sshll.u32 s28, $0x1;
	[dreg:$0x2] =	wrdreg s3  }
0xa9: {  	[dreg:$0x3] =	wrdreg s5  }
0xaa: {  	[dreg:$0x4] =	wrdreg $0xC0  }
0xab: {  	_ =	task [dreg:s7], $0x5FFFF  }
0xac: {  	[dreg:$0x1] =	wrdreg $0xFFFFFFFF  }
0xad: {  	[dreg:$0x0] =	wrdreg $0x60  }
0xae: {  	[dreg:$0x2] =	wrdreg s2  }
0xaf: {  	[dreg:$0x3] =	wrdreg s24  }
0xb0: {  	[dreg:$0x4] =	wrdreg $0x9  }
0xb1: {  	_ =	task.clear_ibuf [dreg:s7], $0x5FFFF;
	_ =	strace $0x9000004F  }
0xb2: {  	s29 =	simm.s32 $0x9;
	_ =	strace $0x80000051  }
0xb3: {  	_ =	swait.ge [sflag:s29], $0x1  }
0xb4: {  	[sflag:s29] =	ssyncadd.s32 $0xFFFFFFFF  }
0xb5: {  	_ =	strace $0x90000051  }
0xb6: {  	_ =	sfence  }
0xb7: {  	s30 =	sld [smem:$0x0];
	_ =	sdelay $0x2  }
0xb8: {  	s31 =	sshll.u32 s1, $0xD;
	s1 =	sshrl.u32 s1, $0x2  }
0xb9: {  	s3 =	sand.u32 $0x4000, s31;
	s1 =	sadd.s32 s1, s30  }
0xba: {  	s0 =	sor.u32 s3, s0;
	s1 =	sshll.u32 s1, $0x11  }
0xbb: {  	s0 =	sor.u32 s1, s0  }
0xbc: {  	s0 =	sadd.s32 $0x8F2B, s0  }
0xbd: {  	[sflag:s0] =	ssyncadd.remote.s32 $0x1  }
0xbe: {  	_ =	sfence.sel $0xFFFF  }
0xbf: {  	[dreg:$0x0] =	wrdreg $0xFFFFFFFF;
	(pc) =	sbr.abs _section_cstart, $3  }
0xc0: {  	[dreg:$0x1] =	wrdreg $0xFFFFFFFF  }
0xc1: {  	_ =	task.clear_ibuf [dreg:s7], $0x2FFFF;
	_ =	strace $0x9FFFFFFF  }
0xc2: {  	(tm) =	ssettm $0x7FFFFFFF  }
0xc3: {  	_ =	shalt  }
tec
execute0_lowered:
.L_overlay_start_1:
0x0: {  	(tag) =	ssettag $0x1  }
0x1: {  	s1 =	srdreg.scid;
	s2 =	rddreg [dreg:$0x0]  }
0x2: {  	s0 =	stileid.u32;
	s5 =	rddreg [dreg:$0x1]  }
0x3: {  	s3 =	simm.s32 $0x0;
	s9 =	simm.s32 $0x80;
	s10 =	simm.s32 $0x880  }
0x4: {  	s11 =	simm.s32 $0xC80;
	s12 =	simm.s32 $0x1480;
	s13 =	simm.s32 $0x1880  }
0x5: {  	s14 =	simm.s32 $0x2080;
	s15 =	simm.s32 $0x2480;
	s16 =	simm.s32 $0x2C80  }
0x6: {  	s17 =	simm.s32 $0x3080;
	s18 =	simm.s32 $0x3880;
	s19 =	simm.s32 $0x3C80  }
0x7: {  	s20 =	simm.s32 $0x4480;
	s21 =	simm.s32 $0x4880;
	s22 =	simm.s32 $0x5080  }
0x8: {  	s23 =	simm.s32 $0x5480;
	s24 =	simm.s32 $0x5C80;
	s4 =	sand.u32 $0x1, s1  }
0x9: {  	s25 =	simm.s32 $0x1;
	s6 =	sshll.u32 s0, $0x4;
	s7 =	sshll.u32 s4, $0x3  }
0xa: {  	s1 =	rddreg [dreg:$0x2];
	s4 =	ssub.s32 $0x2, s4;
	s6 =	sor.u32 s7, s6  }
0xb: {  	[smem:$0x7FF] =	sst s3;
	s8 =	sshrl.u32 s4, $0x1;
	s7 =	smul.u32 $0x180, s6  }
0xc: {  	v2 =	vlaneseq.u32;
	_ =	strace $0x80000050;
	s6 =	sadd.s32 s6, s5;
	s8 =	ssub.s32 s4, s8  }
0xd: {  	vm0 =	vmmov $0xffff;
	vm1 =	vmmov $0xff;
	v1 =	vshrl.u32 v2, $0x3;
	s4 =	sadd.s32 $0xA8000, s6;
	s7 =	sadd.s32 s7, s5;
	s5 =	sadd.s32 $0x100, s2  }
0xe: {  	v0 =	vand.u32 $0x7, v2;
	v2 =	vor.u32 $0x8, v2;
	v1 =	vmul.u32 $0x8, v1;
	s6 =	sadd.s32 $0xA8200, s7;
	s7 =	smax.u32 s8, $0x1;
	s8 =	simm.s32 $0x2  }
.LBB2_1:
0xf: {  	[tilespmem:s3], [sflag:$0x2] =	stream.linear.gather [hbm4b:s4+s3], $0x40, $0x38;
	[tilespmem:$0x6080] =	vst v63  }
0x10: {  	_ =	swait.ge [sflag:s8], $0x40  }
0x11: {  	[sflag:s8] =	ssyncset.done $0x0  }
0x12: {  	[sflag:s8] =	ssyncadd.s32 $0xFFFFFFC0  }
0x13: {  	v3 =	vld [tilespmem:$0x0];
	_ =	sdelay $0x4  }
0x14: {  	v4 =	vshrl.u32 v3, $0x3  }
0x15: {  	v4 =	vmul.u32 $0x18, v4  }
0x16: {  	v3 =	vand.u32 $0x7, v3  }
0x17: {  	v3 =	vor.u32 v3, v4  }
0x18: {  	v4 =	vperm.xlane v3, v0;
	_ =	sdelay $0x1  }
0x19: {  	v4 =	vadd.s32 v1, v4;
	_ =	sdelay $0x1  }
0x1a: {  	v3 =	vperm.xlane v3, v2;
	_ =	sdelay $0x1  }
0x1b: {  	v3 =	vadd.s32 v1, v3  }
0x1c: {  	[tilespmem:s9], [sflag:$0x1] =	stream.indirect_vreg.gather [hbm4b:s2+s3], $0x80, v4, vm0, $0xb8;
	[tilespmem:$0x6080] =	vst v63  }
0x1d: {  	_ = 	snop  }
0x1e: {  	[tilespmem:s10], [sflag:$0x1] =	stream.indirect_vreg.gather [hbm4b:s5+s3], $0x80, v4, vm1, $0xb8;
	[tilespmem:$0x6080] =	vst v63  }
0x1f: {  	_ = 	snop  }
0x20: {  	[tilespmem:s11], [sflag:$0x1] =	stream.indirect_vreg.gather [hbm4b:s2+s3], $0x80, v3, vm0, $0xb8;
	[tilespmem:$0x6080] =	vst v63  }
0x21: {  	_ = 	snop  }
0x22: {  	[tilespmem:s12], [sflag:$0x1] =	stream.indirect_vreg.gather [hbm4b:s5+s3], $0x80, v3, vm1, $0xb8;
	[tilespmem:$0x6080] =	vst v63  }
0x23: {  	v3 =	vld [tilespmem:$0x10];
	_ =	sdelay $0x4  }
0x24: {  	v61 =	vshrl.u32 v3, $0x3  }
0x25: {  	v4 =	vmul.u32 $0x18, v61  }
0x26: {  	v3 =	vand.u32 $0x7, v3  }
0x27: {  	v3 =	vor.u32 v3, v4  }
0x28: {  	v4 =	vperm.xlane v3, v0;
	_ =	sdelay $0x1  }
0x29: {  	v4 =	vadd.s32 v1, v4;
	_ =	sdelay $0x1  }
0x2a: {  	v3 =	vperm.xlane v3, v2;
	_ =	sdelay $0x1  }
0x2b: {  	v3 =	vadd.s32 v1, v3  }
0x2c: {  	[tilespmem:s13], [sflag:$0x1] =	stream.indirect_vreg.gather [hbm4b:s2+s3], $0x80, v4, vm0, $0xb8;
	[tilespmem:$0x6080] =	vst v63  }
0x2d: {  	_ = 	snop  }
0x2e: {  	[tilespmem:s14], [sflag:$0x1] =	stream.indirect_vreg.gather [hbm4b:s5+s3], $0x80, v4, vm1, $0xb8;
	[tilespmem:$0x6080] =	vst v63  }
0x2f: {  	_ = 	snop  }
0x30: {  	[tilespmem:s15], [sflag:$0x1] =	stream.indirect_vreg.gather [hbm4b:s2+s3], $0x80, v3, vm0, $0xb8;
	[tilespmem:$0x6080] =	vst v63  }
0x31: {  	_ = 	snop  }
0x32: {  	[tilespmem:s16], [sflag:$0x1] =	stream.indirect_vreg.gather [hbm4b:s5+s3], $0x80, v3, vm1, $0xb8;
	[tilespmem:$0x6080] =	vst v63  }
0x33: {  	v3 =	vld [tilespmem:$0x20];
	_ =	sdelay $0x4  }
0x34: {  	v62 =	vshrl.u32 v3, $0x3  }
0x35: {  	v4 =	vmul.u32 $0x18, v62  }
0x36: {  	v3 =	vand.u32 $0x7, v3  }
0x37: {  	v3 =	vor.u32 v3, v4  }
0x38: {  	v4 =	vperm.xlane v3, v0;
	_ =	sdelay $0x1  }
0x39: {  	v4 =	vadd.s32 v1, v4;
	_ =	sdelay $0x1  }
0x3a: {  	v3 =	vperm.xlane v3, v2;
	_ =	sdelay $0x1  }
0x3b: {  	v3 =	vadd.s32 v1, v3  }
0x3c: {  	[tilespmem:s17], [sflag:$0x1] =	stream.indirect_vreg.gather [hbm4b:s2+s3], $0x80, v4, vm0, $0xb8;
	[tilespmem:$0x6080] =	vst v63  }
0x3d: {  	_ = 	snop  }
0x3e: {  	[tilespmem:s18], [sflag:$0x1] =	stream.indirect_vreg.gather [hbm4b:s5+s3], $0x80, v4, vm1, $0xb8;
	[tilespmem:$0x6080] =	vst v63  }
0x3f: {  	_ = 	snop  }
0x40: {  	[tilespmem:s19], [sflag:$0x1] =	stream.indirect_vreg.gather [hbm4b:s2+s3], $0x80, v3, vm0, $0xb8;
	[tilespmem:$0x6080] =	vst v63  }
0x41: {  	_ = 	snop  }
0x42: {  	[tilespmem:s20], [sflag:$0x1] =	stream.indirect_vreg.gather [hbm4b:s5+s3], $0x80, v3, vm1, $0xb8;
	[tilespmem:$0x6080] =	vst v63  }
0x43: {  	v3 =	vld [tilespmem:$0x30];
	_ =	sdelay $0x4  }
0x44: {  	v63 =	vshrl.u32 v3, $0x3  }
0x45: {  	v4 =	vmul.u32 $0x18, v63  }
0x46: {  	v3 =	vand.u32 $0x7, v3  }
0x47: {  	v3 =	vor.u32 v3, v4  }
0x48: {  	v4 =	vperm.xlane v3, v0;
	_ =	sdelay $0x1  }
0x49: {  	v4 =	vadd.s32 v1, v4;
	_ =	sdelay $0x1  }
0x4a: {  	v3 =	vperm.xlane v3, v2;
	_ =	sdelay $0x1  }
0x4b: {  	v3 =	vadd.s32 v1, v3  }
0x4c: {  	[tilespmem:s21], [sflag:$0x1] =	stream.indirect_vreg.gather [hbm4b:s2+s3], $0x80, v4, vm0, $0xb8;
	[tilespmem:$0x6080] =	vst v63  }
0x4d: {  	_ = 	snop  }
0x4e: {  	[tilespmem:s22], [sflag:$0x1] =	stream.indirect_vreg.gather [hbm4b:s5+s3], $0x80, v4, vm1, $0xb8;
	[tilespmem:$0x6080] =	vst v63  }
0x4f: {  	_ = 	snop  }
0x50: {  	[tilespmem:s23], [sflag:$0x1] =	stream.indirect_vreg.gather [hbm4b:s2+s3], $0x80, v3, vm0, $0xb8;
	[tilespmem:$0x6080] =	vst v63  }
0x51: {  	_ = 	snop  }
0x52: {  	[tilespmem:s24], [sflag:$0x1] =	stream.indirect_vreg.gather [hbm4b:s5+s3], $0x80, v3, vm1, $0xb8;
	[tilespmem:$0x6080] =	vst v63  }
0x53: {  	_ =	swait.ge [sflag:s25], $0x6000  }
0x54: {  	p0 =	sne.s32 s7, $0x1;
	[sflag:s25] =	ssyncset.done $0x0  }
.Ltmp0:
0x55: {  	[sflag:s25] =	ssyncadd.s32 $0xFFFFA000;
	(pc) =	sbr.rel @p0 .LBB2_1-.Ltmp0, $4  }
0x56: {  	[hbm4b:s6+s3] =	stream.linear.scatter [tilespmem:s9], [sflag:$0x2], $0x6000, $0x38;
	[tilespmem:$0x6080] =	vst v63  }
0x57: {  	_ =	swait.ge [sflag:s8], $0x6000  }
0x58: {  	[sflag:s8] =	ssyncset.done $0x0  }
0x59: {  	s7 =	sadd.s32 $0xFFFFFFFF, s7;
	[sflag:s8] =	ssyncadd.s32 $0xFFFFA000  }
0x5a: {  	_ =	sfence.sel $0x180000  }
0x5b: {  	[bflag:$0x0] =	sbarrier.arrive $0xFFFF  }
0x5c: {  	p0 =	sne.s32 s0, $0x0;
	_ =	strace $0x90000050  }
0x5d: {  	s0 =	sadd.s32 @!p0 $0x100000, s1;
	[bflag:$0x2] =	sbarrier.arrive $0xFFFF  }
0x5e: {  	[sflag:s0] =	ssyncadd.tile.s32 @!p0 $0x1;
	_ =	shalt  }
.Lfunc_end2:
_tile_overlayer_lowered:
.L_overlay_start_2:
0x5f: {  	(tag) =	ssettag $0x2  }
0x60: {  	s0 =	rddreg [dreg:$0x0];
	s2 =	stileid.u32  }
0x61: {  	s1 =	rddreg [dreg:$0x1];
	p0 =	sne.s32 s2, $0x0  }
0x62: {  	s3 =	rddreg [dreg:$0x2];
	[bflag:$0x3] =	sbarrier.arrive $0xFFFF;
	s2 =	simm.s32 @!p0 $0x1C02  }
0x63: {  	[timem:s3], [sflag:s2] =	dma.local @!p0 [hbm:s0], s1  }
0x64: {  	s0 =	simm.s32 @!p0 $0x2  }
0x65: {  	_ =	swait.ge @!p0 [sflag:s0], s1  }
0x66: {  	s1 =	ssub.s32 @!p0 $0x0, s1;
	[sflag:s0] =	ssyncset.done @!p0 $0x0  }
0x67: {  	[sflag:s0] =	ssyncadd.s32 @!p0 s1  }
0x68: {  	[bflag:$0x3] =	sbarrier.arrive $0xFFFF  }
0x69: {  	_ =	shalt  }

// kernel: kernel.61.cloned.1.call-start
scs
__scs_entry_jumppad:
0x0: {  	(pc) =	sbr.rel $0x88, $3  }
0x1: {  	(tag) =	ssettag $0x0;
	lr =	simm.s32 $0x1  }
0x2: {  	[smem:$0x3F87] =	sst lr;
	_ =	strace $0xD0000000  }
0x3: {  	_ = 	snop  }
0x4: {  	_ = 	snop  }
0x5: {  	_ = 	snop  }
0x6: {  	_ = 	snop  }
0x7: {  	_ = 	snop  }
__scs_overlays_trampoline_lowered:
0x8: {  	[smem:$0x3F96] =	sst s0  }
0x9: {  	[smem:$0x3F97] =	sst s1  }
0xa: {  	[smem:$0x3F98] =	sst s2  }
0xb: {  	[smem:$0x3F99] =	sst s3  }
0xc: {  	[smem:$0x3F9A] =	sst s4  }
0xd: {  	[smem:$0x3F9B] =	sst s5  }
0xe: {  	[smem:$0x3F9C] =	sst s6  }
0xf: {  	[smem:$0x3F9D] =	sst s7  }
0x10: {  	[smem:$0x3F9E] =	sst s8  }
0x11: {  	[smem:$0x3F9F] =	sst s9;
	s0 =	simm.s32 @!p0 $0x0  }
0x12: {  	s1 =	sld [smem:$0x3F85];
	s0 =	simm.s32 @p0 $0x1  }
0x13: {  	[smem:$0x3FA0] =	sst s0;
	s0 =	simm.s32 @!p1 $0x0  }
0x14: {  	s2 =	sld [smem:$0x3F84];
	s0 =	simm.s32 @p1 $0x1  }
0x15: {  	[smem:$0x3FA1] =	sst s0;
	s0 =	simm.s32 @!p2 $0x0  }
0x16: {  	s3 =	sld [smem:$0x3FDB];
	s0 =	simm.s32 @p2 $0x1  }
0x17: {  	s4 =	simm.s32 $0x1BF5;
	[smem:$0x3FA3] =	sst s0  }
0x18: {  	s0 =	sld [smem:$0x3F86];
	_ =	swait.ge [sflag:s4], $0x0  }
0x19: {  	s7 =	sld [smem:$0x3F87]  }
0x1a: {  	s8 =	sadd.s32 $0xFFFFE003, lr  }
0x1b: {  	s9 =	sadd.s32 $0xFFFFFEF7, lr;
	s5 =	simm.s32 $0xFFFFFFFF;
	p2 =	slt.u32 s8, $0xFFFFF086  }
0x1c: {  	p1 =	slt.u32 s9, $0xF7A;
	s5 =	simm.s32 @!p2 $0x0  }
0x1d: {  	s5 =	simm.s32 @p1 $0x1;
	p0 =	seq.s32 s7, s2  }
0x1e: {  	s7 =	smul.u32 @!p0 $0xF7A, s2;
	p2 =	seq.s32 @!p0 s5, $0x0  }
0x1f: {  	s9 =	smul.u32 $0xF7A, s1;
	s8 =	simm.s32 @!p0 $0x1BF5;
	p2 =	por !p2, p0  }
0x20: {  	[sflag:s8] =	ssyncset.s32 @!p0 $0xFFFFF086;
	s6 =	sadd.s32 @!p0 s3, s7;
	s7 =	simm.s32 @!p0 $0x108  }
0x21: {  	s3 =	sadd.s32 s3, s9;
	s6 =	sadd.s32 @!p0 $0x88, s6;
	s7 =	simm.s32 @p2 $0x1082  }
0x22: {  	[simem:s7], [sflag:s8] =	dma.local @!p0 [hbm:s6], $0xF7A  }
0x23: {  	s9 =	sor.u32 $0xD0000000, s2;
	s6 =	simm.s32 $0x108;
	_ =	swait.ge @!p0 [sflag:s8], $0x0  }
0x24: {  	s3 =	sadd.s32 $0x88, s3;
	s6 =	simm.s32 @!p1 $0x1082;
	[sflag:s4] =	ssyncset.s32 $0xFFFFF086  }
0x25: {  	[simem:s6], [sflag:s4] =	dma.local [hbm:s3], $0xF7A  }
0x26: {  	[smem:$0x3F87] =	sst s1;
	(tag) =	ssettag s2;
	_ =	strace s9  }
0x27: {  	s1 =	sld [smem:$0x3F97]  }
0x28: {  	s2 =	sld [smem:$0x3F98]  }
0x29: {  	s4 =	sld [smem:$0x3F9A]  }
0x2a: {  	p0 =	seq.s32 s5, $0x0;
	s5 =	sld [smem:$0x3F9B]  }
0x2b: {  	s6 =	sld [smem:$0x3F9C]  }
0x2c: {  	s7 =	sld [smem:$0x3F9D]  }
0x2d: {  	s3 =	simm.s32 $0x108;
	s8 =	sld [smem:$0x3F9E]  }
0x2e: {  	s3 =	simm.s32 @!p0 $0x1082;
	s9 =	sld [smem:$0x3F9F]  }
0x2f: {  	lr =	sadd.s32 s0, s3;
	s0 =	sld [smem:$0x3F96]  }
0x30: {  	s3 =	sld [smem:$0x3F99]  }
0x31: {  	[smem:$0x3FA2] =	sst s10  }
0x32: {  	s10 =	sld [smem:$0x3FA0];
	_ =	sdelay $0x3  }
0x33: {  	p0 =	seq.s32 s10, $0x1;
	s10 =	sld [smem:$0x3FA2];
	_ =	sdelay $0x3  }
0x34: {  	[smem:$0x3FA2] =	sst s10  }
0x35: {  	s10 =	sld [smem:$0x3FA1];
	_ =	sdelay $0x3  }
0x36: {  	p1 =	seq.s32 s10, $0x1;
	s10 =	sld [smem:$0x3FA2];
	_ =	sdelay $0x3  }
0x37: {  	[smem:$0x3FA2] =	sst s10  }
0x38: {  	s10 =	sld [smem:$0x3FA3]  }
0x39: {  	_ = 	snop;
	(pc) =	sbr.ind lr, $3  }
0x3a: {  	_ = 	snop  }
0x3b: {  	_ = 	snop  }
0x3c: {  	p2 =	seq.s32 s10, $0x1;
	s10 =	sld [smem:$0x3FA2]  }
0x3d: {  	_ =	shalt  }
0x3e: {  	_ =	shalt  }
0x3f: {  	_ =	shalt  }
0x40: {  	_ =	shalt  }
0x41: {  	_ =	shalt  }
0x42: {  	_ =	shalt  }
0x43: {  	_ =	shalt  }
0x44: {  	_ =	shalt  }
0x45: {  	_ =	shalt  }
0x46: {  	_ =	shalt  }
0x47: {  	_ =	shalt  }
0x48: {  	_ =	shalt  }
0x49: {  	_ =	shalt  }
0x4a: {  	_ =	shalt  }
0x4b: {  	_ =	shalt  }
0x4c: {  	_ =	shalt  }
0x4d: {  	_ =	shalt  }
0x4e: {  	_ =	shalt  }
0x4f: {  	_ =	shalt  }
0x50: {  	_ =	shalt  }
0x51: {  	_ =	shalt  }
0x52: {  	_ =	shalt  }
0x53: {  	_ =	shalt  }
0x54: {  	_ =	shalt  }
0x55: {  	_ =	shalt  }
0x56: {  	_ =	shalt  }
0x57: {  	_ =	shalt  }
0x58: {  	_ =	shalt  }
0x59: {  	_ =	shalt  }
0x5a: {  	_ =	shalt  }
0x5b: {  	_ =	shalt  }
0x5c: {  	_ =	shalt  }
0x5d: {  	_ =	shalt  }
0x5e: {  	_ =	shalt  }
0x5f: {  	_ =	shalt  }
0x60: {  	_ =	shalt  }
0x61: {  	_ =	shalt  }
0x62: {  	_ =	shalt  }
0x63: {  	_ =	shalt  }
0x64: {  	_ =	shalt  }
0x65: {  	_ =	shalt  }
0x66: {  	_ =	shalt  }
0x67: {  	_ =	shalt  }
0x68: {  	_ =	shalt  }
0x69: {  	_ =	shalt  }
0x6a: {  	_ =	shalt  }
0x6b: {  	_ =	shalt  }
0x6c: {  	_ =	shalt  }
0x6d: {  	_ =	shalt  }
0x6e: {  	_ =	shalt  }
0x6f: {  	_ =	shalt  }
0x70: {  	_ =	shalt  }
0x71: {  	_ =	shalt  }
0x72: {  	_ =	shalt  }
0x73: {  	_ =	shalt  }
0x74: {  	_ =	shalt  }
0x75: {  	_ =	shalt  }
0x76: {  	_ =	shalt  }
0x77: {  	_ =	shalt  }
0x78: {  	_ =	shalt  }
0x79: {  	_ =	shalt  }
0x7a: {  	_ =	shalt  }
0x7b: {  	_ =	shalt  }
0x7c: {  	_ =	shalt  }
0x7d: {  	_ =	shalt  }
0x7e: {  	_ =	shalt  }
0x7f: {  	_ =	shalt  }
0x80: {  	_ =	shalt  }
0x81: {  	_ =	shalt  }
0x82: {  	_ =	shalt  }
0x83: {  	_ =	shalt  }
0x84: {  	_ =	shalt  }
0x85: {  	_ =	shalt  }
0x86: {  	_ =	shalt  }
0x87: {  	_ =	shalt  }
.Lfunc_end0:
.L_simem_size_0:
called_computation.4_lowered:
.L_overlay_start_0:
0x88: {  	s2 =	sld [smem:$0x3FD9]  }
0x89: {  	s3 =	sld [smem:$0x3FFE];
	_ =	sdelay $0x1  }
0x8a: {  	s1 =	srdreg.scid  }
0x8b: {  	s0 =	sand.u32 $0x1, s1  }
0x8c: {  	s17 =	sshll.u32 s0, $0xA;
	s2 =	sadd.s32 s3, s2  }
0x8d: {  	s2 =	sadd.s32 s2, s17  }
0x8e: {  	[smem:$0x3FAE] =	sst s2  }
0x8f: {  	_ = 	snop  }
0x90: {  	s2 =	sld [smem:$0x3FD0];
	(tm) =	ssettm $0x1  }
0x91: {  	s18 =	sld [smem:$0x3FFB];
	_ =	sdelay $0x3  }
0x92: {  	_ =	strace s18  }
0x93: {  	s3 =	sld [smem:$0x3FFC];
	_ =	sdelay $0x3  }
0x94: {  	_ =	strace s3  }
0x95: {  	s3 =	sld [smem:$0x3FFD];
	_ =	sdelay $0x3  }
0x96: {  	_ =	strace s3  }
0x97: {  	_ =	strace $0x8FFFFFFF  }
0x98: {  	s19 =	sld [smem:$0x3FDB];
	_ =	sdelay $0x1  }
0x99: {  	s4 =	simm.s32 $_scs_section_size  }
0x9a: {  	s5 =	simm.s32 $_size__tile_overlayer_lowered;
	s6 =	simm.s32 $_tile_overlayer_lowered  }
0x9b: {  	s22 =	simm.s32 $0x1BFF;
	s21 =	sshll.u32 s6, $0x1;
	s3 =	sadd.s32 s4, s19  }
0x9c: {  	s7 =	simm.s32 $0x0;
	s20 =	sshll.u32 s5, $0x1;
	s5 =	sadd.s32 s21, s3  }
0x9d: {  	[timem:s7], [sflag:s22] =	dma.local [hbm:s5], s20  }
0x9e: {  	_ =	swait.ge [sflag:s22], s20  }
0x9f: {  	s4 =	ssub.s32 $0x0, s20;
	[sflag:s22] =	ssyncset.done $0x0  }
0xa0: {  	[sflag:s22] =	ssyncadd.s32 s4;
	_ =	sdelay $0x1  }
0xa1: {  	s23 =	simm.s32 $0x1B8B  }
0xa2: {  	_ =	swait.ge [sflag:s23], $0x1  }
0xa3: {  	[sflag:s23] =	ssyncset.done $0x0  }
0xa4: {  	s25 =	simm.s32 $0x1B8E;
	s24 =	sld [smem:$0x3FFE];
	[sflag:s23] =	ssyncadd.s32 $0xFFFFFFFF  }
0xa5: {  	s26 =	simm.s32 $execute0_lowered;
	[smem:$0x3FD2] =	sst s25  }
0xa6: {  	s5 =	sshll.u32 s26, $0x1;
	_ =	strace $0x80000052;
	[dreg:$0x1] =	wrdreg $0xFFFFFFFF  }
0xa7: {  	s28 =	simm.s32 $_size_execute0_lowered;
	s3 =	sadd.s32 s3, s5;
	[dreg:$0x0] =	wrdreg $0x0  }
0xa8: {  	s5 =	sshll.u32 s28, $0x1;
	[dreg:$0x2] =	wrdreg s3  }
0xa9: {  	[dreg:$0x3] =	wrdreg s5  }
0xaa: {  	[dreg:$0x4] =	wrdreg $0xC0  }
0xab: {  	_ =	task [dreg:s7], $0x5FFFF  }
0xac: {  	[dreg:$0x1] =	wrdreg $0xFFFFFFFF  }
0xad: {  	[dreg:$0x0] =	wrdreg $0x60  }
0xae: {  	[dreg:$0x2] =	wrdreg s2  }
0xaf: {  	[dreg:$0x3] =	wrdreg s24  }
0xb0: {  	[dreg:$0x4] =	wrdreg $0x9  }
0xb1: {  	_ =	task.clear_ibuf [dreg:s7], $0x5FFFF;
	_ =	strace $0x90000052  }
0xb2: {  	s29 =	simm.s32 $0x9;
	_ =	strace $0x80000054  }
0xb3: {  	_ =	swait.ge [sflag:s29], $0x1  }
0xb4: {  	[sflag:s29] =	ssyncadd.s32 $0xFFFFFFFF  }
0xb5: {  	_ =	strace $0x90000054  }
0xb6: {  	_ =	sfence  }
0xb7: {  	s30 =	sld [smem:$0x0];
	_ =	sdelay $0x2  }
0xb8: {  	s31 =	sshll.u32 s1, $0xD;
	s1 =	sshrl.u32 s1, $0x2  }
0xb9: {  	s3 =	sand.u32 $0x4000, s31;
	s1 =	sadd.s32 s1, s30  }
0xba: {  	s0 =	sor.u32 s3, s0;
	s1 =	sshll.u32 s1, $0x11  }
0xbb: {  	s0 =	sor.u32 s1, s0  }
0xbc: {  	s0 =	sadd.s32 $0x8F2B, s0  }
0xbd: {  	[sflag:s0] =	ssyncadd.remote.s32 $0x1  }
0xbe: {  	_ =	sfence.sel $0xFFFF  }
0xbf: {  	[dreg:$0x0] =	wrdreg $0xFFFFFFFF;
	(pc) =	sbr.abs _section_cstart, $3  }
0xc0: {  	[dreg:$0x1] =	wrdreg $0xFFFFFFFF  }
0xc1: {  	_ =	task.clear_ibuf [dreg:s7], $0x2FFFF;
	_ =	strace $0x9FFFFFFF  }
0xc2: {  	(tm) =	ssettm $0x7FFFFFFF  }
0xc3: {  	_ =	shalt  }
tec
execute0_lowered:
.L_overlay_start_1:
0x0: {  	(tag) =	ssettag $0x1  }
0x1: {  	s1 =	srdreg.scid  }
0x2: {  	s0 =	stileid.u32;
	s2 =	rddreg [dreg:$0x0]  }
0x3: {  	s5 =	rddreg [dreg:$0x1];
	s3 =	simm.s32 $0x0;
	s9 =	simm.s32 $0x80  }
0x4: {  	s10 =	simm.s32 $0x880;
	s11 =	simm.s32 $0x1080;
	s12 =	simm.s32 $0x1880  }
0x5: {  	s13 =	simm.s32 $0x2080;
	s4 =	sand.u32 $0x1, s1;
	s31 =	sshll.u32 s0, $0x1  }
0x6: {  	s14 =	simm.s32 $0x2880;
	s15 =	simm.s32 $0x1;
	s6 =	sor.u32 s4, s31  }
0x7: {  	s1 =	rddreg [dreg:$0x2];
	s4 =	ssub.s32 $0x2, s4;
	s7 =	smul.u32 $0x3, s6  }
0x8: {  	[smem:$0x7FF] =	sst s3;
	s6 =	smul.u32 $0x600, s6;
	s8 =	sshrl.u32 s4, $0x1  }
0x9: {  	v2 =	vlaneseq.u32;
	_ =	strace $0x80000053;
	s8 =	ssub.s32 s4, s8;
	s7 =	sadd.s32 s7, s5  }
0xa: {  	vm0 =	vmmov $0xffff;
	v1 =	vshrl.u32 v2, $0x3;
	s6 =	sadd.s32 s6, s5;
	s5 =	sadd.s32 $0x100, s2;
	s4 =	sadd.s32 $0xC0200, s7  }
0xb: {  	v0 =	vand.u32 $0x7, v2;
	v2 =	vor.u32 $0x8, v2;
	v1 =	vmul.u32 $0x8, v1;
	s6 =	sadd.s32 $0xC0400, s6;
	s7 =	smax.u32 s8, $0x1;
	s8 =	simm.s32 $0x2  }
.LBB2_1:
0xc: {  	[tilespmem:s3], [sflag:$0x2] =	stream.linear.gather [hbm4b:s4+s3], $0x18, $0x38;
	[tilespmem:$0x3080] =	vst v63  }
0xd: {  	_ =	swait.ge [sflag:s8], $0x18  }
0xe: {  	[sflag:s8] =	ssyncset.done $0x0  }
0xf: {  	[sflag:s8] =	ssyncadd.s32 $0xFFFFFFE8  }
0x10: {  	v3 =	vld [tilespmem:$0x0];
	_ =	sdelay $0x4  }
0x11: {  	v4 =	vshll.u32 v3, $0x2  }
0x12: {  	v3 =	vand.u32 $0x7, v3;
	v4 =	vand.u32 $0xFFFFFFE0, v4  }
0x13: {  	v3 =	vor.u32 v3, v4  }
0x14: {  	v4 =	vperm.xlane v3, v0;
	_ =	sdelay $0x1  }
0x15: {  	v4 =	vadd.s32 v1, v4;
	_ =	sdelay $0x1  }
0x16: {  	v3 =	vperm.xlane v3, v2;
	_ =	sdelay $0x1  }
0x17: {  	v3 =	vadd.s32 v1, v3  }
0x18: {  	[tilespmem:s9], [sflag:$0x1] =	stream.indirect_vreg.gather [hbm4b:s2+s3], $0x80, v4, vm0, $0xb8;
	[tilespmem:$0x3080] =	vst v63  }
0x19: {  	_ = 	snop  }
0x1a: {  	[tilespmem:s10], [sflag:$0x1] =	stream.indirect_vreg.gather [hbm4b:s5+s3], $0x80, v4, vm0, $0xb8;
	[tilespmem:$0x3080] =	vst v63  }
0x1b: {  	_ = 	snop  }
0x1c: {  	[tilespmem:s11], [sflag:$0x1] =	stream.indirect_vreg.gather [hbm4b:s2+s3], $0x80, v3, vm0, $0xb8;
	[tilespmem:$0x3080] =	vst v63  }
0x1d: {  	_ = 	snop  }
0x1e: {  	[tilespmem:s12], [sflag:$0x1] =	stream.indirect_vreg.gather [hbm4b:s5+s3], $0x80, v3, vm0, $0xb8;
	[tilespmem:$0x3080] =	vst v63  }
0x1f: {  	v3 =	vld.msk [tilespmem:$0x10], $0xff;
	_ =	sdelay $0x4  }
0x20: {  	v63 =	vshll.u32 v3, $0x2  }
0x21: {  	v3 =	vand.u32 $0x7, v3;
	v4 =	vand.u32 $0xFFFFFFE0, v63  }
0x22: {  	v3 =	vor.u32 v3, v4  }
0x23: {  	v3 =	vperm.xlane v3, v0;
	_ =	sdelay $0x1  }
0x24: {  	v3 =	vadd.s32 v1, v3;
	_ =	sdelay $0x4  }
0x25: {  	[tilespmem:s13], [sflag:$0x1] =	stream.indirect_vreg.gather [hbm4b:s2+s3], $0x80, v3, vm0, $0xb8;
	[tilespmem:$0x3080] =	vst v63  }
0x26: {  	_ = 	snop  }
0x27: {  	[tilespmem:s14], [sflag:$0x1] =	stream.indirect_vreg.gather [hbm4b:s5+s3], $0x80, v3, vm0, $0xb8;
	[tilespmem:$0x3080] =	vst v63  }
0x28: {  	_ =	swait.ge [sflag:s15], $0x3000  }
0x29: {  	p0 =	sne.s32 s7, $0x1;
	[sflag:s15] =	ssyncset.done $0x0  }
.Ltmp0:
0x2a: {  	[sflag:s15] =	ssyncadd.s32 $0xFFFFD000;
	(pc) =	sbr.rel @p0 .LBB2_1-.Ltmp0, $4  }
0x2b: {  	[hbm4b:s6+s3] =	stream.linear.scatter [tilespmem:s9], [sflag:$0x2], $0x3000, $0x38;
	[tilespmem:$0x3080] =	vst v63  }
0x2c: {  	_ =	swait.ge [sflag:s8], $0x3000  }
0x2d: {  	[sflag:s8] =	ssyncset.done $0x0  }
0x2e: {  	s7 =	sadd.s32 $0xFFFFFFFF, s7;
	[sflag:s8] =	ssyncadd.s32 $0xFFFFD000  }
0x2f: {  	_ =	sfence.sel $0x180000  }
0x30: {  	[bflag:$0x0] =	sbarrier.arrive $0xFFFF  }
0x31: {  	p0 =	sne.s32 s0, $0x0;
	_ =	strace $0x90000053  }
0x32: {  	s0 =	sadd.s32 @!p0 $0x100000, s1;
	[bflag:$0x2] =	sbarrier.arrive $0xFFFF  }
0x33: {  	[sflag:s0] =	ssyncadd.tile.s32 @!p0 $0x1;
	_ =	shalt  }
.Lfunc_end2:
_tile_overlayer_lowered:
.L_overlay_start_2:
0x34: {  	(tag) =	ssettag $0x2  }
0x35: {  	s0 =	rddreg [dreg:$0x0];
	s2 =	stileid.u32  }
0x36: {  	s1 =	rddreg [dreg:$0x1];
	p0 =	sne.s32 s2, $0x0  }
0x37: {  	s3 =	rddreg [dreg:$0x2];
	[bflag:$0x3] =	sbarrier.arrive $0xFFFF;
	s2 =	simm.s32 @!p0 $0x1C02  }
0x38: {  	[timem:s3], [sflag:s2] =	dma.local @!p0 [hbm:s0], s1  }
0x39: {  	s0 =	simm.s32 @!p0 $0x2  }
0x3a: {  	_ =	swait.ge @!p0 [sflag:s0], s1  }
0x3b: {  	s1 =	ssub.s32 @!p0 $0x0, s1;
	[sflag:s0] =	ssyncset.done @!p0 $0x0  }
0x3c: {  	[sflag:s0] =	ssyncadd.s32 @!p0 s1  }
0x3d: {  	[bflag:$0x3] =	sbarrier.arrive $0xFFFF  }
0x3e: {  	_ =	shalt  }

// kernel: kernel.64.cloned.1.call-start
scs
__scs_entry_jumppad:
0x0: {  	(pc) =	sbr.rel $0x88, $3  }
0x1: {  	(tag) =	ssettag $0x0;
	lr =	simm.s32 $0x1  }
0x2: {  	[smem:$0x3F87] =	sst lr;
	_ =	strace $0xD0000000  }
0x3: {  	_ = 	snop  }
0x4: {  	_ = 	snop  }
0x5: {  	_ = 	snop  }
0x6: {  	_ = 	snop  }
0x7: {  	_ = 	snop  }
__scs_overlays_trampoline_lowered:
0x8: {  	[smem:$0x3F96] =	sst s0  }
0x9: {  	[smem:$0x3F97] =	sst s1  }
0xa: {  	[smem:$0x3F98] =	sst s2  }
0xb: {  	[smem:$0x3F99] =	sst s3  }
0xc: {  	[smem:$0x3F9A] =	sst s4  }
0xd: {  	[smem:$0x3F9B] =	sst s5  }
0xe: {  	[smem:$0x3F9C] =	sst s6  }
0xf: {  	[smem:$0x3F9D] =	sst s7  }
0x10: {  	[smem:$0x3F9E] =	sst s8  }
0x11: {  	[smem:$0x3F9F] =	sst s9;
	s0 =	simm.s32 @!p0 $0x0  }
0x12: {  	s1 =	sld [smem:$0x3F85];
	s0 =	simm.s32 @p0 $0x1  }
0x13: {  	[smem:$0x3FA0] =	sst s0;
	s0 =	simm.s32 @!p1 $0x0  }
0x14: {  	s2 =	sld [smem:$0x3F84];
	s0 =	simm.s32 @p1 $0x1  }
0x15: {  	[smem:$0x3FA1] =	sst s0;
	s0 =	simm.s32 @!p2 $0x0  }
0x16: {  	s3 =	sld [smem:$0x3FDB];
	s0 =	simm.s32 @p2 $0x1  }
0x17: {  	s4 =	simm.s32 $0x1BF5;
	[smem:$0x3FA3] =	sst s0  }
0x18: {  	s0 =	sld [smem:$0x3F86];
	_ =	swait.ge [sflag:s4], $0x0  }
0x19: {  	s7 =	sld [smem:$0x3F87]  }
0x1a: {  	s8 =	sadd.s32 $0xFFFFE003, lr  }
0x1b: {  	s9 =	sadd.s32 $0xFFFFFEF7, lr;
	s5 =	simm.s32 $0xFFFFFFFF;
	p2 =	slt.u32 s8, $0xFFFFF086  }
0x1c: {  	p1 =	slt.u32 s9, $0xF7A;
	s5 =	simm.s32 @!p2 $0x0  }
0x1d: {  	s5 =	simm.s32 @p1 $0x1;
	p0 =	seq.s32 s7, s2  }
0x1e: {  	s7 =	smul.u32 @!p0 $0xF7A, s2;
	p2 =	seq.s32 @!p0 s5, $0x0  }
0x1f: {  	s9 =	smul.u32 $0xF7A, s1;
	s8 =	simm.s32 @!p0 $0x1BF5;
	p2 =	por !p2, p0  }
0x20: {  	[sflag:s8] =	ssyncset.s32 @!p0 $0xFFFFF086;
	s6 =	sadd.s32 @!p0 s3, s7;
	s7 =	simm.s32 @!p0 $0x108  }
0x21: {  	s3 =	sadd.s32 s3, s9;
	s6 =	sadd.s32 @!p0 $0x88, s6;
	s7 =	simm.s32 @p2 $0x1082  }
0x22: {  	[simem:s7], [sflag:s8] =	dma.local @!p0 [hbm:s6], $0xF7A  }
0x23: {  	s9 =	sor.u32 $0xD0000000, s2;
	s6 =	simm.s32 $0x108;
	_ =	swait.ge @!p0 [sflag:s8], $0x0  }
0x24: {  	s3 =	sadd.s32 $0x88, s3;
	s6 =	simm.s32 @!p1 $0x1082;
	[sflag:s4] =	ssyncset.s32 $0xFFFFF086  }
0x25: {  	[simem:s6], [sflag:s4] =	dma.local [hbm:s3], $0xF7A  }
0x26: {  	[smem:$0x3F87] =	sst s1;
	(tag) =	ssettag s2;
	_ =	strace s9  }
0x27: {  	s1 =	sld [smem:$0x3F97]  }
0x28: {  	s2 =	sld [smem:$0x3F98]  }
0x29: {  	s4 =	sld [smem:$0x3F9A]  }
0x2a: {  	p0 =	seq.s32 s5, $0x0;
	s5 =	sld [smem:$0x3F9B]  }
0x2b: {  	s6 =	sld [smem:$0x3F9C]  }
0x2c: {  	s7 =	sld [smem:$0x3F9D]  }
0x2d: {  	s3 =	simm.s32 $0x108;
	s8 =	sld [smem:$0x3F9E]  }
0x2e: {  	s3 =	simm.s32 @!p0 $0x1082;
	s9 =	sld [smem:$0x3F9F]  }
0x2f: {  	lr =	sadd.s32 s0, s3;
	s0 =	sld [smem:$0x3F96]  }
0x30: {  	s3 =	sld [smem:$0x3F99]  }
0x31: {  	[smem:$0x3FA2] =	sst s10  }
0x32: {  	s10 =	sld [smem:$0x3FA0];
	_ =	sdelay $0x3  }
0x33: {  	p0 =	seq.s32 s10, $0x1;
	s10 =	sld [smem:$0x3FA2];
	_ =	sdelay $0x3  }
0x34: {  	[smem:$0x3FA2] =	sst s10  }
0x35: {  	s10 =	sld [smem:$0x3FA1];
	_ =	sdelay $0x3  }
0x36: {  	p1 =	seq.s32 s10, $0x1;
	s10 =	sld [smem:$0x3FA2];
	_ =	sdelay $0x3  }
0x37: {  	[smem:$0x3FA2] =	sst s10  }
0x38: {  	s10 =	sld [smem:$0x3FA3]  }
0x39: {  	_ = 	snop;
	(pc) =	sbr.ind lr, $3  }
0x3a: {  	_ = 	snop  }
0x3b: {  	_ = 	snop  }
0x3c: {  	p2 =	seq.s32 s10, $0x1;
	s10 =	sld [smem:$0x3FA2]  }
0x3d: {  	_ =	shalt  }
0x3e: {  	_ =	shalt  }
0x3f: {  	_ =	shalt  }
0x40: {  	_ =	shalt  }
0x41: {  	_ =	shalt  }
0x42: {  	_ =	shalt  }
0x43: {  	_ =	shalt  }
0x44: {  	_ =	shalt  }
0x45: {  	_ =	shalt  }
0x46: {  	_ =	shalt  }
0x47: {  	_ =	shalt  }
0x48: {  	_ =	shalt  }
0x49: {  	_ =	shalt  }
0x4a: {  	_ =	shalt  }
0x4b: {  	_ =	shalt  }
0x4c: {  	_ =	shalt  }
0x4d: {  	_ =	shalt  }
0x4e: {  	_ =	shalt  }
0x4f: {  	_ =	shalt  }
0x50: {  	_ =	shalt  }
0x51: {  	_ =	shalt  }
0x52: {  	_ =	shalt  }
0x53: {  	_ =	shalt  }
0x54: {  	_ =	shalt  }
0x55: {  	_ =	shalt  }
0x56: {  	_ =	shalt  }
0x57: {  	_ =	shalt  }
0x58: {  	_ =	shalt  }
0x59: {  	_ =	shalt  }
0x5a: {  	_ =	shalt  }
0x5b: {  	_ =	shalt  }
0x5c: {  	_ =	shalt  }
0x5d: {  	_ =	shalt  }
0x5e: {  	_ =	shalt  }
0x5f: {  	_ =	shalt  }
0x60: {  	_ =	shalt  }
0x61: {  	_ =	shalt  }
0x62: {  	_ =	shalt  }
0x63: {  	_ =	shalt  }
0x64: {  	_ =	shalt  }
0x65: {  	_ =	shalt  }
0x66: {  	_ =	shalt  }
0x67: {  	_ =	shalt  }
0x68: {  	_ =	shalt  }
0x69: {  	_ =	shalt  }
0x6a: {  	_ =	shalt  }
0x6b: {  	_ =	shalt  }
0x6c: {  	_ =	shalt  }
0x6d: {  	_ =	shalt  }
0x6e: {  	_ =	shalt  }
0x6f: {  	_ =	shalt  }
0x70: {  	_ =	shalt  }
0x71: {  	_ =	shalt  }
0x72: {  	_ =	shalt  }
0x73: {  	_ =	shalt  }
0x74: {  	_ =	shalt  }
0x75: {  	_ =	shalt  }
0x76: {  	_ =	shalt  }
0x77: {  	_ =	shalt  }
0x78: {  	_ =	shalt  }
0x79: {  	_ =	shalt  }
0x7a: {  	_ =	shalt  }
0x7b: {  	_ =	shalt  }
0x7c: {  	_ =	shalt  }
0x7d: {  	_ =	shalt  }
0x7e: {  	_ =	shalt  }
0x7f: {  	_ =	shalt  }
0x80: {  	_ =	shalt  }
0x81: {  	_ =	shalt  }
0x82: {  	_ =	shalt  }
0x83: {  	_ =	shalt  }
0x84: {  	_ =	shalt  }
0x85: {  	_ =	shalt  }
0x86: {  	_ =	shalt  }
0x87: {  	_ =	shalt  }
.Lfunc_end0:
.L_simem_size_0:
called_computation.5_lowered:
.L_overlay_start_0:
0x88: {  	s2 =	sld [smem:$0x3FD9]  }
0x89: {  	s3 =	sld [smem:$0x3FFE];
	_ =	sdelay $0x1  }
0x8a: {  	s1 =	srdreg.scid  }
0x8b: {  	s0 =	sand.u32 $0x1, s1  }
0x8c: {  	s17 =	sshll.u32 s0, $0xA;
	s2 =	sadd.s32 s3, s2  }
0x8d: {  	s2 =	sadd.s32 s2, s17  }
0x8e: {  	[smem:$0x3FAE] =	sst s2  }
0x8f: {  	_ = 	snop  }
0x90: {  	s2 =	sld [smem:$0x3FD0];
	(tm) =	ssettm $0x1  }
0x91: {  	s18 =	sld [smem:$0x3FFB];
	_ =	sdelay $0x3  }
0x92: {  	_ =	strace s18  }
0x93: {  	s3 =	sld [smem:$0x3FFC];
	_ =	sdelay $0x3  }
0x94: {  	_ =	strace s3  }
0x95: {  	s3 =	sld [smem:$0x3FFD];
	_ =	sdelay $0x3  }
0x96: {  	_ =	strace s3  }
0x97: {  	_ =	strace $0x8FFFFFFF  }
0x98: {  	s19 =	sld [smem:$0x3FDB];
	_ =	sdelay $0x1  }
0x99: {  	s4 =	simm.s32 $_scs_section_size  }
0x9a: {  	s5 =	simm.s32 $_size__tile_overlayer_lowered;
	s6 =	simm.s32 $_tile_overlayer_lowered  }
0x9b: {  	s22 =	simm.s32 $0x1BFF;
	s21 =	sshll.u32 s6, $0x1;
	s3 =	sadd.s32 s4, s19  }
0x9c: {  	s7 =	simm.s32 $0x0;
	s20 =	sshll.u32 s5, $0x1;
	s5 =	sadd.s32 s21, s3  }
0x9d: {  	[timem:s7], [sflag:s22] =	dma.local [hbm:s5], s20  }
0x9e: {  	_ =	swait.ge [sflag:s22], s20  }
0x9f: {  	s4 =	ssub.s32 $0x0, s20;
	[sflag:s22] =	ssyncset.done $0x0  }
0xa0: {  	[sflag:s22] =	ssyncadd.s32 s4;
	_ =	sdelay $0x1  }
0xa1: {  	s23 =	simm.s32 $0x1B8B  }
0xa2: {  	_ =	swait.ge [sflag:s23], $0x1  }
0xa3: {  	[sflag:s23] =	ssyncset.done $0x0  }
0xa4: {  	s25 =	simm.s32 $0x1B8E;
	s24 =	sld [smem:$0x3FFE];
	[sflag:s23] =	ssyncadd.s32 $0xFFFFFFFF  }
0xa5: {  	s26 =	simm.s32 $execute0_lowered;
	[smem:$0x3FD2] =	sst s25  }
0xa6: {  	s5 =	sshll.u32 s26, $0x1;
	_ =	strace $0x80000055;
	[dreg:$0x1] =	wrdreg $0xFFFFFFFF  }
0xa7: {  	s28 =	simm.s32 $_size_execute0_lowered;
	s3 =	sadd.s32 s3, s5;
	[dreg:$0x0] =	wrdreg $0x0  }
0xa8: {  	s5 =	sshll.u32 s28, $0x1;
	[dreg:$0x2] =	wrdreg s3  }
0xa9: {  	[dreg:$0x3] =	wrdreg s5  }
0xaa: {  	[dreg:$0x4] =	wrdreg $0xC0  }
0xab: {  	_ =	task [dreg:s7], $0x5FFFF  }
0xac: {  	[dreg:$0x1] =	wrdreg $0xFFFFFFFF  }
0xad: {  	[dreg:$0x0] =	wrdreg $0x60  }
0xae: {  	[dreg:$0x2] =	wrdreg s2  }
0xaf: {  	[dreg:$0x3] =	wrdreg s24  }
0xb0: {  	[dreg:$0x4] =	wrdreg $0x9  }
0xb1: {  	_ =	task.clear_ibuf [dreg:s7], $0x5FFFF;
	_ =	strace $0x90000055  }
0xb2: {  	s29 =	simm.s32 $0x9;
	_ =	strace $0x80000057  }
0xb3: {  	_ =	swait.ge [sflag:s29], $0x1  }
0xb4: {  	[sflag:s29] =	ssyncadd.s32 $0xFFFFFFFF  }
0xb5: {  	_ =	strace $0x90000057  }
0xb6: {  	_ =	sfence  }
0xb7: {  	s30 =	sld [smem:$0x0];
	_ =	sdelay $0x2  }
0xb8: {  	s31 =	sshll.u32 s1, $0xD;
	s1 =	sshrl.u32 s1, $0x2  }
0xb9: {  	s3 =	sand.u32 $0x4000, s31;
	s1 =	sadd.s32 s1, s30  }
0xba: {  	s0 =	sor.u32 s3, s0;
	s1 =	sshll.u32 s1, $0x11  }
0xbb: {  	s0 =	sor.u32 s1, s0  }
0xbc: {  	s0 =	sadd.s32 $0x8F2B, s0  }
0xbd: {  	[sflag:s0] =	ssyncadd.remote.s32 $0x1  }
0xbe: {  	_ =	sfence.sel $0xFFFF  }
0xbf: {  	[dreg:$0x0] =	wrdreg $0xFFFFFFFF;
	(pc) =	sbr.abs _section_cstart, $3  }
0xc0: {  	[dreg:$0x1] =	wrdreg $0xFFFFFFFF  }
0xc1: {  	_ =	task.clear_ibuf [dreg:s7], $0x2FFFF;
	_ =	strace $0x9FFFFFFF  }
0xc2: {  	(tm) =	ssettm $0x7FFFFFFF  }
0xc3: {  	_ =	shalt  }
tec
execute0_lowered:
.L_overlay_start_1:
0x0: {  	(tag) =	ssettag $0x1  }
0x1: {  	s1 =	srdreg.scid;
	s2 =	rddreg [dreg:$0x0]  }
0x2: {  	s0 =	stileid.u32;
	s5 =	rddreg [dreg:$0x1];
	s3 =	simm.s32 $0x0  }
0x3: {  	s8 =	simm.s32 $0x80;
	s9 =	simm.s32 $0x880;
	s10 =	simm.s32 $0x1080  }
0x4: {  	s11 =	simm.s32 $0x1880;
	s12 =	simm.s32 $0x2080;
	s13 =	simm.s32 $0x2880  }
0x5: {  	s14 =	simm.s32 $0x3080;
	s15 =	simm.s32 $0x3880;
	s16 =	simm.s32 $0x4080  }
0x6: {  	s17 =	simm.s32 $0x4880;
	s4 =	sand.u32 $0x1, s1;
	s30 =	sshll.u32 s0, $0x1  }
0x7: {  	s18 =	simm.s32 $0x5080;
	s19 =	simm.s32 $0x5880;
	s6 =	sor.u32 s4, s30  }
0x8: {  	s20 =	simm.s32 $0x1;
	s1 =	rddreg [dreg:$0x2];
	s7 =	smul.u32 $0xC, s6  }
0x9: {  	[smem:$0x7FF] =	sst s3;
	s4 =	ssub.s32 $0x2, s4;
	s6 =	smul.u32 $0xC00, s6  }
0xa: {  	v2 =	vlaneseq.u32;
	_ =	strace $0x80000056;
	s31 =	sshrl.u32 s4, $0x1;
	s7 =	sadd.s32 s7, s5  }
0xb: {  	vm0 =	vmmov $0xffff;
	v1 =	vshrl.u32 v2, $0x3;
	s5 =	sadd.s32 s6, s5;
	s6 =	ssub.s32 s4, s31;
	s4 =	sadd.s32 $0xCC400, s7  }
0xc: {  	v0 =	vand.u32 $0x7, v2;
	v2 =	vor.u32 $0x8, v2;
	v1 =	vmul.u32 $0x8, v1;
	s5 =	sadd.s32 $0xCC600, s5;
	s6 =	smax.u32 s6, $0x1;
	s7 =	simm.s32 $0x2  }
.LBB2_1:
0xd: {  	[tilespmem:s3], [sflag:$0x2] =	stream.linear.gather [hbm4b:s4+s3], $0x60, $0x38;
	[tilespmem:$0x6080] =	vst v63  }
0xe: {  	_ =	swait.ge [sflag:s7], $0x60  }
0xf: {  	[sflag:s7] =	ssyncset.done $0x0  }
0x10: {  	[sflag:s7] =	ssyncadd.s32 $0xFFFFFFA0  }
0x11: {  	v3 =	vld [tilespmem:$0x0];
	_ =	sdelay $0x4  }
0x12: {  	v4 =	vshll.u32 v3, $0x1  }
0x13: {  	v3 =	vand.u32 $0x7, v3;
	v4 =	vand.u32 $0xFFFFFFF0, v4  }
0x14: {  	v3 =	vor.u32 v3, v4  }
0x15: {  	v4 =	vperm.xlane v3, v0;
	_ =	sdelay $0x1  }
0x16: {  	v3 =	vperm.xlane v3, v2;
	v4 =	vadd.s32 v1, v4;
	_ =	sdelay $0x1  }
0x17: {  	v3 =	vadd.s32 v1, v3;
	_ =	sdelay $0x2  }
0x18: {  	[tilespmem:s8], [sflag:$0x1] =	stream.indirect_vreg.gather [hbm4b:s2+s3], $0x80, v4, vm0, $0xb8;
	[tilespmem:$0x6080] =	vst v63  }
0x19: {  	_ = 	snop  }
0x1a: {  	[tilespmem:s9], [sflag:$0x1] =	stream.indirect_vreg.gather [hbm4b:s2+s3], $0x80, v3, vm0, $0xb8;
	[tilespmem:$0x6080] =	vst v63  }
0x1b: {  	v3 =	vld [tilespmem:$0x10];
	_ =	sdelay $0x4  }
0x1c: {  	v59 =	vshll.u32 v3, $0x1  }
0x1d: {  	v3 =	vand.u32 $0x7, v3;
	v4 =	vand.u32 $0xFFFFFFF0, v59  }
0x1e: {  	v3 =	vor.u32 v3, v4  }
0x1f: {  	v4 =	vperm.xlane v3, v0;
	_ =	sdelay $0x1  }
0x20: {  	v3 =	vperm.xlane v3, v2;
	v4 =	vadd.s32 v1, v4;
	_ =	sdelay $0x1  }
0x21: {  	v3 =	vadd.s32 v1, v3;
	_ =	sdelay $0x2  }
0x22: {  	[tilespmem:s10], [sflag:$0x1] =	stream.indirect_vreg.gather [hbm4b:s2+s3], $0x80, v4, vm0, $0xb8;
	[tilespmem:$0x6080] =	vst v63  }
0x23: {  	_ = 	snop  }
0x24: {  	[tilespmem:s11], [sflag:$0x1] =	stream.indirect_vreg.gather [hbm4b:s2+s3], $0x80, v3, vm0, $0xb8;
	[tilespmem:$0x6080] =	vst v63  }
0x25: {  	v3 =	vld [tilespmem:$0x20];
	_ =	sdelay $0x4  }
0x26: {  	v60 =	vshll.u32 v3, $0x1  }
0x27: {  	v3 =	vand.u32 $0x7, v3;
	v4 =	vand.u32 $0xFFFFFFF0, v60  }
0x28: {  	v3 =	vor.u32 v3, v4  }
0x29: {  	v4 =	vperm.xlane v3, v0;
	_ =	sdelay $0x1  }
0x2a: {  	v3 =	vperm.xlane v3, v2;
	v4 =	vadd.s32 v1, v4;
	_ =	sdelay $0x1  }
0x2b: {  	v3 =	vadd.s32 v1, v3;
	_ =	sdelay $0x2  }
0x2c: {  	[tilespmem:s12], [sflag:$0x1] =	stream.indirect_vreg.gather [hbm4b:s2+s3], $0x80, v4, vm0, $0xb8;
	[tilespmem:$0x6080] =	vst v63  }
0x2d: {  	_ = 	snop  }
0x2e: {  	[tilespmem:s13], [sflag:$0x1] =	stream.indirect_vreg.gather [hbm4b:s2+s3], $0x80, v3, vm0, $0xb8;
	[tilespmem:$0x6080] =	vst v63  }
0x2f: {  	v3 =	vld [tilespmem:$0x30];
	_ =	sdelay $0x4  }
0x30: {  	v61 =	vshll.u32 v3, $0x1  }
0x31: {  	v3 =	vand.u32 $0x7, v3;
	v4 =	vand.u32 $0xFFFFFFF0, v61  }
0x32: {  	v3 =	vor.u32 v3, v4  }
0x33: {  	v4 =	vperm.xlane v3, v0;
	_ =	sdelay $0x1  }
0x34: {  	v3 =	vperm.xlane v3, v2;
	v4 =	vadd.s32 v1, v4;
	_ =	sdelay $0x1  }
0x35: {  	v3 =	vadd.s32 v1, v3;
	_ =	sdelay $0x2  }
0x36: {  	[tilespmem:s14], [sflag:$0x1] =	stream.indirect_vreg.gather [hbm4b:s2+s3], $0x80, v4, vm0, $0xb8;
	[tilespmem:$0x6080] =	vst v63  }
0x37: {  	_ = 	snop  }
0x38: {  	[tilespmem:s15], [sflag:$0x1] =	stream.indirect_vreg.gather [hbm4b:s2+s3], $0x80, v3, vm0, $0xb8;
	[tilespmem:$0x6080] =	vst v63  }
0x39: {  	v3 =	vld [tilespmem:$0x40];
	_ =	sdelay $0x4  }
0x3a: {  	v62 =	vshll.u32 v3, $0x1  }
0x3b: {  	v3 =	vand.u32 $0x7, v3;
	v4 =	vand.u32 $0xFFFFFFF0, v62  }
0x3c: {  	v3 =	vor.u32 v3, v4  }
0x3d: {  	v4 =	vperm.xlane v3, v0;
	_ =	sdelay $0x1  }
0x3e: {  	v3 =	vperm.xlane v3, v2;
	v4 =	vadd.s32 v1, v4;
	_ =	sdelay $0x1  }
0x3f: {  	v3 =	vadd.s32 v1, v3;
	_ =	sdelay $0x2  }
0x40: {  	[tilespmem:s16], [sflag:$0x1] =	stream.indirect_vreg.gather [hbm4b:s2+s3], $0x80, v4, vm0, $0xb8;
	[tilespmem:$0x6080] =	vst v63  }
0x41: {  	_ = 	snop  }
0x42: {  	[tilespmem:s17], [sflag:$0x1] =	stream.indirect_vreg.gather [hbm4b:s2+s3], $0x80, v3, vm0, $0xb8;
	[tilespmem:$0x6080] =	vst v63  }
0x43: {  	v3 =	vld [tilespmem:$0x50];
	_ =	sdelay $0x4  }
0x44: {  	v63 =	vshll.u32 v3, $0x1  }
0x45: {  	v3 =	vand.u32 $0x7, v3;
	v4 =	vand.u32 $0xFFFFFFF0, v63  }
0x46: {  	v3 =	vor.u32 v3, v4  }
0x47: {  	v4 =	vperm.xlane v3, v0;
	_ =	sdelay $0x1  }
0x48: {  	v3 =	vperm.xlane v3, v2;
	v4 =	vadd.s32 v1, v4;
	_ =	sdelay $0x1  }
0x49: {  	v3 =	vadd.s32 v1, v3;
	_ =	sdelay $0x2  }
0x4a: {  	[tilespmem:s18], [sflag:$0x1] =	stream.indirect_vreg.gather [hbm4b:s2+s3], $0x80, v4, vm0, $0xb8;
	[tilespmem:$0x6080] =	vst v63  }
0x4b: {  	_ = 	snop  }
0x4c: {  	[tilespmem:s19], [sflag:$0x1] =	stream.indirect_vreg.gather [hbm4b:s2+s3], $0x80, v3, vm0, $0xb8;
	[tilespmem:$0x6080] =	vst v63  }
0x4d: {  	_ =	swait.ge [sflag:s20], $0x6000  }
0x4e: {  	p0 =	sne.s32 s6, $0x1;
	[sflag:s20] =	ssyncset.done $0x0  }
.Ltmp0:
0x4f: {  	[sflag:s20] =	ssyncadd.s32 $0xFFFFA000;
	(pc) =	sbr.rel @p0 .LBB2_1-.Ltmp0, $4  }
0x50: {  	[hbm4b:s5+s3] =	stream.linear.scatter [tilespmem:s8], [sflag:$0x2], $0x6000, $0x38;
	[tilespmem:$0x6080] =	vst v63  }
0x51: {  	_ =	swait.ge [sflag:s7], $0x6000  }
0x52: {  	[sflag:s7] =	ssyncset.done $0x0  }
0x53: {  	s6 =	sadd.s32 $0xFFFFFFFF, s6;
	[sflag:s7] =	ssyncadd.s32 $0xFFFFA000  }
0x54: {  	_ =	sfence.sel $0x180000  }
0x55: {  	[bflag:$0x0] =	sbarrier.arrive $0xFFFF  }
0x56: {  	p0 =	sne.s32 s0, $0x0;
	_ =	strace $0x90000056  }
0x57: {  	s0 =	sadd.s32 @!p0 $0x100000, s1;
	[bflag:$0x2] =	sbarrier.arrive $0xFFFF  }
0x58: {  	[sflag:s0] =	ssyncadd.tile.s32 @!p0 $0x1;
	_ =	shalt  }
.Lfunc_end2:
_tile_overlayer_lowered:
.L_overlay_start_2:
0x59: {  	(tag) =	ssettag $0x2  }
0x5a: {  	s0 =	rddreg [dreg:$0x0];
	s2 =	stileid.u32  }
0x5b: {  	s1 =	rddreg [dreg:$0x1];
	p0 =	sne.s32 s2, $0x0  }
0x5c: {  	s3 =	rddreg [dreg:$0x2];
	[bflag:$0x3] =	sbarrier.arrive $0xFFFF;
	s2 =	simm.s32 @!p0 $0x1C02  }
0x5d: {  	[timem:s3], [sflag:s2] =	dma.local @!p0 [hbm:s0], s1  }
0x5e: {  	s0 =	simm.s32 @!p0 $0x2  }
0x5f: {  	_ =	swait.ge @!p0 [sflag:s0], s1  }
0x60: {  	s1 =	ssub.s32 @!p0 $0x0, s1;
	[sflag:s0] =	ssyncset.done @!p0 $0x0  }
0x61: {  	[sflag:s0] =	ssyncadd.s32 @!p0 s1  }
0x62: {  	[bflag:$0x3] =	sbarrier.arrive $0xFFFF  }
0x63: {  	_ =	shalt  }

// kernel: kernel.67.cloned.1.call-start
scs
__scs_entry_jumppad:
0x0: {  	(pc) =	sbr.rel $0x88, $3  }
0x1: {  	(tag) =	ssettag $0x0;
	lr =	simm.s32 $0x1  }
0x2: {  	[smem:$0x3F87] =	sst lr;
	_ =	strace $0xD0000000  }
0x3: {  	_ = 	snop  }
0x4: {  	_ = 	snop  }
0x5: {  	_ = 	snop  }
0x6: {  	_ = 	snop  }
0x7: {  	_ = 	snop  }
__scs_overlays_trampoline_lowered:
0x8: {  	[smem:$0x3F96] =	sst s0  }
0x9: {  	[smem:$0x3F97] =	sst s1  }
0xa: {  	[smem:$0x3F98] =	sst s2  }
0xb: {  	[smem:$0x3F99] =	sst s3  }
0xc: {  	[smem:$0x3F9A] =	sst s4  }
0xd: {  	[smem:$0x3F9B] =	sst s5  }
0xe: {  	[smem:$0x3F9C] =	sst s6  }
0xf: {  	[smem:$0x3F9D] =	sst s7  }
0x10: {  	[smem:$0x3F9E] =	sst s8  }
0x11: {  	[smem:$0x3F9F] =	sst s9;
	s0 =	simm.s32 @!p0 $0x0  }
0x12: {  	s1 =	sld [smem:$0x3F85];
	s0 =	simm.s32 @p0 $0x1  }
0x13: {  	[smem:$0x3FA0] =	sst s0;
	s0 =	simm.s32 @!p1 $0x0  }
0x14: {  	s2 =	sld [smem:$0x3F84];
	s0 =	simm.s32 @p1 $0x1  }
0x15: {  	[smem:$0x3FA1] =	sst s0;
	s0 =	simm.s32 @!p2 $0x0  }
0x16: {  	s3 =	sld [smem:$0x3FDB];
	s0 =	simm.s32 @p2 $0x1  }
0x17: {  	s4 =	simm.s32 $0x1BF5;
	[smem:$0x3FA3] =	sst s0  }
0x18: {  	s0 =	sld [smem:$0x3F86];
	_ =	swait.ge [sflag:s4], $0x0  }
0x19: {  	s7 =	sld [smem:$0x3F87]  }
0x1a: {  	s8 =	sadd.s32 $0xFFFFE003, lr  }
0x1b: {  	s9 =	sadd.s32 $0xFFFFFEF7, lr;
	s5 =	simm.s32 $0xFFFFFFFF;
	p2 =	slt.u32 s8, $0xFFFFF086  }
0x1c: {  	p1 =	slt.u32 s9, $0xF7A;
	s5 =	simm.s32 @!p2 $0x0  }
0x1d: {  	s5 =	simm.s32 @p1 $0x1;
	p0 =	seq.s32 s7, s2  }
0x1e: {  	s7 =	smul.u32 @!p0 $0xF7A, s2;
	p2 =	seq.s32 @!p0 s5, $0x0  }
0x1f: {  	s9 =	smul.u32 $0xF7A, s1;
	s8 =	simm.s32 @!p0 $0x1BF5;
	p2 =	por !p2, p0  }
0x20: {  	[sflag:s8] =	ssyncset.s32 @!p0 $0xFFFFF086;
	s6 =	sadd.s32 @!p0 s3, s7;
	s7 =	simm.s32 @!p0 $0x108  }
0x21: {  	s3 =	sadd.s32 s3, s9;
	s6 =	sadd.s32 @!p0 $0x88, s6;
	s7 =	simm.s32 @p2 $0x1082  }
0x22: {  	[simem:s7], [sflag:s8] =	dma.local @!p0 [hbm:s6], $0xF7A  }
0x23: {  	s9 =	sor.u32 $0xD0000000, s2;
	s6 =	simm.s32 $0x108;
	_ =	swait.ge @!p0 [sflag:s8], $0x0  }
0x24: {  	s3 =	sadd.s32 $0x88, s3;
	s6 =	simm.s32 @!p1 $0x1082;
	[sflag:s4] =	ssyncset.s32 $0xFFFFF086  }
0x25: {  	[simem:s6], [sflag:s4] =	dma.local [hbm:s3], $0xF7A  }
0x26: {  	[smem:$0x3F87] =	sst s1;
	(tag) =	ssettag s2;
	_ =	strace s9  }
0x27: {  	s1 =	sld [smem:$0x3F97]  }
0x28: {  	s2 =	sld [smem:$0x3F98]  }
0x29: {  	s4 =	sld [smem:$0x3F9A]  }
0x2a: {  	p0 =	seq.s32 s5, $0x0;
	s5 =	sld [smem:$0x3F9B]  }
0x2b: {  	s6 =	sld [smem:$0x3F9C]  }
0x2c: {  	s7 =	sld [smem:$0x3F9D]  }
0x2d: {  	s3 =	simm.s32 $0x108;
	s8 =	sld [smem:$0x3F9E]  }
0x2e: {  	s3 =	simm.s32 @!p0 $0x1082;
	s9 =	sld [smem:$0x3F9F]  }
0x2f: {  	lr =	sadd.s32 s0, s3;
	s0 =	sld [smem:$0x3F96]  }
0x30: {  	s3 =	sld [smem:$0x3F99]  }
0x31: {  	[smem:$0x3FA2] =	sst s10  }
0x32: {  	s10 =	sld [smem:$0x3FA0];
	_ =	sdelay $0x3  }
0x33: {  	p0 =	seq.s32 s10, $0x1;
	s10 =	sld [smem:$0x3FA2];
	_ =	sdelay $0x3  }
0x34: {  	[smem:$0x3FA2] =	sst s10  }
0x35: {  	s10 =	sld [smem:$0x3FA1];
	_ =	sdelay $0x3  }
0x36: {  	p1 =	seq.s32 s10, $0x1;
	s10 =	sld [smem:$0x3FA2];
	_ =	sdelay $0x3  }
0x37: {  	[smem:$0x3FA2] =	sst s10  }
0x38: {  	s10 =	sld [smem:$0x3FA3]  }
0x39: {  	_ = 	snop;
	(pc) =	sbr.ind lr, $3  }
0x3a: {  	_ = 	snop  }
0x3b: {  	_ = 	snop  }
0x3c: {  	p2 =	seq.s32 s10, $0x1;
	s10 =	sld [smem:$0x3FA2]  }
0x3d: {  	_ =	shalt  }
0x3e: {  	_ =	shalt  }
0x3f: {  	_ =	shalt  }
0x40: {  	_ =	shalt  }
0x41: {  	_ =	shalt  }
0x42: {  	_ =	shalt  }
0x43: {  	_ =	shalt  }
0x44: {  	_ =	shalt  }
0x45: {  	_ =	shalt  }
0x46: {  	_ =	shalt  }
0x47: {  	_ =	shalt  }
0x48: {  	_ =	shalt  }
0x49: {  	_ =	shalt  }
0x4a: {  	_ =	shalt  }
0x4b: {  	_ =	shalt  }
0x4c: {  	_ =	shalt  }
0x4d: {  	_ =	shalt  }
0x4e: {  	_ =	shalt  }
0x4f: {  	_ =	shalt  }
0x50: {  	_ =	shalt  }
0x51: {  	_ =	shalt  }
0x52: {  	_ =	shalt  }
0x53: {  	_ =	shalt  }
0x54: {  	_ =	shalt  }
0x55: {  	_ =	shalt  }
0x56: {  	_ =	shalt  }
0x57: {  	_ =	shalt  }
0x58: {  	_ =	shalt  }
0x59: {  	_ =	shalt  }
0x5a: {  	_ =	shalt  }
0x5b: {  	_ =	shalt  }
0x5c: {  	_ =	shalt  }
0x5d: {  	_ =	shalt  }
0x5e: {  	_ =	shalt  }
0x5f: {  	_ =	shalt  }
0x60: {  	_ =	shalt  }
0x61: {  	_ =	shalt  }
0x62: {  	_ =	shalt  }
0x63: {  	_ =	shalt  }
0x64: {  	_ =	shalt  }
0x65: {  	_ =	shalt  }
0x66: {  	_ =	shalt  }
0x67: {  	_ =	shalt  }
0x68: {  	_ =	shalt  }
0x69: {  	_ =	shalt  }
0x6a: {  	_ =	shalt  }
0x6b: {  	_ =	shalt  }
0x6c: {  	_ =	shalt  }
0x6d: {  	_ =	shalt  }
0x6e: {  	_ =	shalt  }
0x6f: {  	_ =	shalt  }
0x70: {  	_ =	shalt  }
0x71: {  	_ =	shalt  }
0x72: {  	_ =	shalt  }
0x73: {  	_ =	shalt  }
0x74: {  	_ =	shalt  }
0x75: {  	_ =	shalt  }
0x76: {  	_ =	shalt  }
0x77: {  	_ =	shalt  }
0x78: {  	_ =	shalt  }
0x79: {  	_ =	shalt  }
0x7a: {  	_ =	shalt  }
0x7b: {  	_ =	shalt  }
0x7c: {  	_ =	shalt  }
0x7d: {  	_ =	shalt  }
0x7e: {  	_ =	shalt  }
0x7f: {  	_ =	shalt  }
0x80: {  	_ =	shalt  }
0x81: {  	_ =	shalt  }
0x82: {  	_ =	shalt  }
0x83: {  	_ =	shalt  }
0x84: {  	_ =	shalt  }
0x85: {  	_ =	shalt  }
0x86: {  	_ =	shalt  }
0x87: {  	_ =	shalt  }
.Lfunc_end0:
.L_simem_size_0:
called_computation.6_lowered:
.L_overlay_start_0:
0x88: {  	s2 =	sld [smem:$0x3FD9]  }
0x89: {  	s3 =	sld [smem:$0x3FFE];
	_ =	sdelay $0x1  }
0x8a: {  	s1 =	srdreg.scid  }
0x8b: {  	s0 =	sand.u32 $0x1, s1  }
0x8c: {  	s16 =	sshll.u32 s0, $0xA;
	s2 =	sadd.s32 s3, s2  }
0x8d: {  	s2 =	sadd.s32 s2, s16  }
0x8e: {  	[smem:$0x3FAE] =	sst s2  }
0x8f: {  	_ = 	snop  }
0x90: {  	(tm) =	ssettm $0x1  }
0x91: {  	s17 =	sld [smem:$0x3FFB];
	_ =	sdelay $0x3  }
0x92: {  	_ =	strace s17  }
0x93: {  	s2 =	sld [smem:$0x3FFC];
	_ =	sdelay $0x3  }
0x94: {  	_ =	strace s2  }
0x95: {  	s2 =	sld [smem:$0x3FFD];
	_ =	sdelay $0x3  }
0x96: {  	_ =	strace s2  }
0x97: {  	_ =	strace $0x8FFFFFFF  }
0x98: {  	s18 =	sld [smem:$0x3FDB];
	_ =	sdelay $0x1  }
0x99: {  	s19 =	simm.s32 $_scs_section_size  }
0x9a: {  	s4 =	simm.s32 $_size__tile_overlayer_lowered;
	s5 =	simm.s32 $_tile_overlayer_lowered  }
0x9b: {  	s22 =	simm.s32 $0x1BFF;
	s21 =	sshll.u32 s5, $0x1;
	s2 =	sadd.s32 s19, s18  }
0x9c: {  	s6 =	simm.s32 $0x0;
	s20 =	sshll.u32 s4, $0x1;
	s4 =	sadd.s32 s21, s2  }
0x9d: {  	[timem:s6], [sflag:s22] =	dma.local [hbm:s4], s20  }
0x9e: {  	_ =	swait.ge [sflag:s22], s20  }
0x9f: {  	s3 =	ssub.s32 $0x0, s20;
	[sflag:s22] =	ssyncset.done $0x0  }
0xa0: {  	[sflag:s22] =	ssyncadd.s32 s3;
	_ =	sdelay $0x1  }
0xa1: {  	s23 =	simm.s32 $0x1B8B  }
0xa2: {  	_ =	swait.ge [sflag:s23], $0x1  }
0xa3: {  	[sflag:s23] =	ssyncset.done $0x0  }
0xa4: {  	s25 =	simm.s32 $0x1B8E;
	s24 =	sld [smem:$0x3FFE];
	[sflag:s23] =	ssyncadd.s32 $0xFFFFFFFF  }
0xa5: {  	s26 =	simm.s32 $execute0_lowered;
	[smem:$0x3FD2] =	sst s25  }
0xa6: {  	s4 =	sshll.u32 s26, $0x1;
	_ =	strace $0x80000058;
	[dreg:$0x1] =	wrdreg $0xFFFFFFFF  }
0xa7: {  	s28 =	simm.s32 $_size_execute0_lowered;
	s2 =	sadd.s32 s2, s4;
	[dreg:$0x0] =	wrdreg $0x0  }
0xa8: {  	s4 =	sshll.u32 s28, $0x1;
	[dreg:$0x2] =	wrdreg s2  }
0xa9: {  	[dreg:$0x3] =	wrdreg s4  }
0xaa: {  	[dreg:$0x4] =	wrdreg $0xC0  }
0xab: {  	_ =	task [dreg:s6], $0x5FFFF  }
0xac: {  	[dreg:$0x1] =	wrdreg $0xFFFFFFFF  }
0xad: {  	[dreg:$0x0] =	wrdreg $0x60  }
0xae: {  	[dreg:$0x2] =	wrdreg s24  }
0xaf: {  	[dreg:$0x3] =	wrdreg $0x9  }
0xb0: {  	_ =	task.clear_ibuf [dreg:s6], $0x4FFFF;
	_ =	strace $0x90000058  }
0xb1: {  	s29 =	simm.s32 $0x9;
	_ =	strace $0x8000005A  }
0xb2: {  	_ =	swait.ge [sflag:s29], $0x1  }
0xb3: {  	[sflag:s29] =	ssyncadd.s32 $0xFFFFFFFF  }
0xb4: {  	_ =	strace $0x9000005A  }
0xb5: {  	_ =	sfence  }
0xb6: {  	s30 =	sld [smem:$0x0];
	_ =	sdelay $0x2  }
0xb7: {  	s31 =	sshll.u32 s1, $0xD;
	s1 =	sshrl.u32 s1, $0x2  }
0xb8: {  	s3 =	sand.u32 $0x4000, s31;
	s1 =	sadd.s32 s1, s30  }
0xb9: {  	s0 =	sor.u32 s3, s0;
	s1 =	sshll.u32 s1, $0x11  }
0xba: {  	s0 =	sor.u32 s1, s0  }
0xbb: {  	s0 =	sadd.s32 $0x8F2B, s0  }
0xbc: {  	[sflag:s0] =	ssyncadd.remote.s32 $0x1  }
0xbd: {  	_ =	sfence.sel $0xFFFF  }
0xbe: {  	[dreg:$0x0] =	wrdreg $0xFFFFFFFF;
	(pc) =	sbr.abs _section_cstart, $3  }
0xbf: {  	[dreg:$0x1] =	wrdreg $0xFFFFFFFF  }
0xc0: {  	_ =	task.clear_ibuf [dreg:s6], $0x2FFFF;
	_ =	strace $0x9FFFFFFF  }
0xc1: {  	(tm) =	ssettm $0x7FFFFFFF  }
tec
execute0_lowered:
.L_overlay_start_1:
0x0: {  	(tag) =	ssettag $0x1  }
0x1: {  	s1 =	srdreg.scid;
	s0 =	stileid.u32  }
0x2: {  	s1 =	sand.u32 $0x1, s1;
	s2 =	sshll.u32 s0, $0x1  }
0x3: {  	s4 =	rddreg [dreg:$0x0];
	s3 =	sor.u32 s1, s2;
	s2 =	simm.s32 $0x0  }
0x4: {  	s26 =	simm.s32 $0x980;
	[smem:$0x7FF] =	sst s2  }
0x5: {  	s0 =	simm.s32 $0x1180;
	_ =	strace $0x80000059;
	[dreg:$0x4] =	wrdreg s26  }
0x6: {  	s6 =	simm.s32 $0x2180;
	[dreg:$0x5] =	wrdreg s0  }
0x7: {  	s7 =	simm.s32 $0x2980;
	[dreg:$0x7] =	wrdreg s6  }
0x8: {  	s8 =	simm.s32 $0x3180;
	[dreg:$0x8] =	wrdreg s7  }
0x9: {  	s9 =	simm.s32 $0x3980;
	[dreg:$0x9] =	wrdreg s8  }
0xa: {  	s10 =	simm.s32 $0x4180;
	[dreg:$0xa] =	wrdreg s9  }
0xb: {  	s11 =	simm.s32 $0x4980;
	[dreg:$0xb] =	wrdreg s10  }
0xc: {  	s12 =	simm.s32 $0x5180;
	[dreg:$0xc] =	wrdreg s11  }
0xd: {  	s13 =	simm.s32 $0x5980;
	[dreg:$0xd] =	wrdreg s12  }
0xe: {  	s14 =	simm.s32 $0x6180;
	[dreg:$0xe] =	wrdreg s13  }
0xf: {  	s15 =	simm.s32 $0x6980;
	[dreg:$0xf] =	wrdreg s14  }
0x10: {  	s16 =	simm.s32 $0x7180;
	[dreg:$0x10] =	wrdreg s15  }
0x11: {  	s17 =	simm.s32 $0x7980;
	s18 =	simm.s32 $0x8180;
	[dreg:$0x11] =	wrdreg s16  }
0x12: {  	s19 =	simm.s32 $0x8980;
	s20 =	simm.s32 $0x9180;
	[dreg:$0x12] =	wrdreg s17  }
0x13: {  	s21 =	simm.s32 $0x9980;
	s23 =	simm.s32 $0xA180;
	[dreg:$0x13] =	wrdreg s18  }
0x14: {  	s24 =	simm.s32 $0xA980;
	s25 =	simm.s32 $0xB180;
	[dreg:$0x14] =	wrdreg s19  }
0x15: {  	s28 =	simm.s32 $0x16180;
	s29 =	simm.s32 $0x16980;
	[dreg:$0x15] =	wrdreg s20  }
0x16: {  	s30 =	simm.s32 $0x17180;
	s31 =	simm.s32 $0x17980;
	[dreg:$0x16] =	wrdreg s21  }
0x17: {  	s1 =	ssub.s32 $0x2, s1;
	s5 =	smul.u32 $0x30, s3;
	[dreg:$0x17] =	wrdreg s23  }
0x18: {  	s3 =	smul.u32 $0x3000, s3;
	s22 =	sshrl.u32 s1, $0x1;
	[dreg:$0x18] =	wrdreg s24  }
0x19: {  	s1 =	ssub.s32 s1, s22;
	[dreg:$0x19] =	wrdreg s25;
	s26 =	simm.s32 $0xB980  }
0x1a: {  	s6 =	simm.s32 $0x180;
	s8 =	simm.s32 $0xC980;
	s9 =	simm.s32 $0xD180  }
0x1b: {  	s10 =	simm.s32 $0xD980;
	s11 =	simm.s32 $0xE180;
	s12 =	simm.s32 $0xE980  }
0x1c: {  	s13 =	simm.s32 $0xF180;
	s14 =	simm.s32 $0xF980;
	s15 =	simm.s32 $0x10180  }
0x1d: {  	s16 =	simm.s32 $0x10980;
	s17 =	simm.s32 $0x11180;
	s18 =	simm.s32 $0x11980  }
0x1e: {  	s19 =	simm.s32 $0x12180;
	s20 =	simm.s32 $0x12980;
	s21 =	simm.s32 $0x13180  }
0x1f: {  	s22 =	simm.s32 $0x13980;
	s23 =	simm.s32 $0x14180;
	s5 =	sadd.s32 s5, s4  }
0x20: {  	s3 =	sadd.s32 s3, s4;
	[dreg:$0x1a] =	wrdreg s26;
	s5 =	sadd.s32 $0x40000, s5  }
0x21: {  	s24 =	simm.s32 $0x14980;
	s3 =	sadd.s32 $0x60000, s3;
	[dreg:$0x2] =	wrdreg s5  }
0x22: {  	v2 =	vlaneseq.u32;
	s25 =	simm.s32 $0x15180;
	s26 =	simm.s32 $0x15980;
	[dreg:$0x3] =	wrdreg s3  }
0x23: {  	vm0 =	vmmov $0xffff;
	v1 =	vshrl.u32 v2, $0x3;
	s5 =	simm.s32 $0x1980;
	s3 =	sadd.s32 $0x40600, s4;
	s4 =	smax.u32 s1, $0x1  }
0x24: {  	v0 =	vand.u32 $0x7, v2;
	v2 =	vor.u32 $0x8, v2;
	v1 =	vmul.u32 $0x8, v1;
	s1 =	simm.s32 $0x1;
	[dreg:$0x6] =	wrdreg s5;
	s5 =	simm.s32 $0x2  }
.LBB2_1:
0x25: {  	s0 =	rddreg [dreg:$0x2]  }
0x26: {  	[tilespmem:s2], [sflag:$0x2] =	stream.linear.gather [hbm4b:s0+s2], $0x180, $0x38;
	[tilespmem:$0x18180] =	vst v63  }
0x27: {  	_ =	swait.ge [sflag:s5], $0x180  }
0x28: {  	[sflag:s5] =	ssyncset.done $0x0  }
0x29: {  	[sflag:s5] =	ssyncadd.s32 $0xFFFFFE80  }
0x2a: {  	v3 =	vld [tilespmem:$0x0];
	_ =	sdelay $0x4  }
0x2b: {  	v4 =	vshll.u32 v3, $0x1  }
0x2c: {  	v3 =	vand.u32 $0x7, v3;
	v4 =	vand.u32 $0xFFFFFFF0, v4  }
0x2d: {  	v3 =	vor.u32 v3, v4  }
0x2e: {  	v4 =	vperm.xlane v3, v0;
	_ =	sdelay $0x1  }
0x2f: {  	v3 =	vperm.xlane v3, v2;
	v4 =	vadd.s32 v1, v4;
	_ =	sdelay $0x1  }
0x30: {  	v3 =	vadd.s32 v1, v3;
	_ =	sdelay $0x2  }
0x31: {  	[tilespmem:s6], [sflag:$0x1] =	stream.indirect_vreg.gather [hbm4b:s3+s2], $0x80, v4, vm0, $0xb8;
	[tilespmem:$0x18180] =	vst v63  }
0x32: {  	s7 =	rddreg [dreg:$0x4]  }
0x33: {  	[tilespmem:s7], [sflag:$0x1] =	stream.indirect_vreg.gather [hbm4b:s3+s2], $0x80, v3, vm0, $0xb8;
	[tilespmem:$0x18180] =	vst v63  }
0x34: {  	v3 =	vld [tilespmem:$0x10];
	_ =	sdelay $0x4  }
0x35: {  	v41 =	vshll.u32 v3, $0x1  }
0x36: {  	v3 =	vand.u32 $0x7, v3;
	v4 =	vand.u32 $0xFFFFFFF0, v41  }
0x37: {  	v3 =	vor.u32 v3, v4  }
0x38: {  	v4 =	vperm.xlane v3, v0;
	_ =	sdelay $0x1  }
0x39: {  	v3 =	vperm.xlane v3, v2;
	v4 =	vadd.s32 v1, v4;
	_ =	sdelay $0x1  }
0x3a: {  	v3 =	vadd.s32 v1, v3;
	_ =	sdelay $0x1  }
0x3b: {  	s0 =	rddreg [dreg:$0x5]  }
0x3c: {  	[tilespmem:s0], [sflag:$0x1] =	stream.indirect_vreg.gather [hbm4b:s3+s2], $0x80, v4, vm0, $0xb8;
	[tilespmem:$0x18180] =	vst v63  }
0x3d: {  	s7 =	rddreg [dreg:$0x6]  }
0x3e: {  	[tilespmem:s7], [sflag:$0x1] =	stream.indirect_vreg.gather [hbm4b:s3+s2], $0x80, v3, vm0, $0xb8;
	[tilespmem:$0x18180] =	vst v63  }
0x3f: {  	v3 =	vld [tilespmem:$0x20];
	_ =	sdelay $0x4  }
0x40: {  	v42 =	vshll.u32 v3, $0x1  }
0x41: {  	v3 =	vand.u32 $0x7, v3;
	v4 =	vand.u32 $0xFFFFFFF0, v42  }
0x42: {  	v3 =	vor.u32 v3, v4  }
0x43: {  	v4 =	vperm.xlane v3, v0;
	_ =	sdelay $0x1  }
0x44: {  	v3 =	vperm.xlane v3, v2;
	v4 =	vadd.s32 v1, v4;
	_ =	sdelay $0x1  }
0x45: {  	v3 =	vadd.s32 v1, v3;
	_ =	sdelay $0x1  }
0x46: {  	s0 =	rddreg [dreg:$0x7]  }
0x47: {  	[tilespmem:s0], [sflag:$0x1] =	stream.indirect_vreg.gather [hbm4b:s3+s2], $0x80, v4, vm0, $0xb8;
	[tilespmem:$0x18180] =	vst v63  }
0x48: {  	s7 =	rddreg [dreg:$0x8]  }
0x49: {  	[tilespmem:s7], [sflag:$0x1] =	stream.indirect_vreg.gather [hbm4b:s3+s2], $0x80, v3, vm0, $0xb8;
	[tilespmem:$0x18180] =	vst v63  }
0x4a: {  	v3 =	vld [tilespmem:$0x30];
	_ =	sdelay $0x4  }
0x4b: {  	v43 =	vshll.u32 v3, $0x1  }
0x4c: {  	v3 =	vand.u32 $0x7, v3;
	v4 =	vand.u32 $0xFFFFFFF0, v43  }
0x4d: {  	v3 =	vor.u32 v3, v4  }
0x4e: {  	v4 =	vperm.xlane v3, v0;
	_ =	sdelay $0x1  }
0x4f: {  	v3 =	vperm.xlane v3, v2;
	v4 =	vadd.s32 v1, v4;
	_ =	sdelay $0x1  }
0x50: {  	v3 =	vadd.s32 v1, v3;
	_ =	sdelay $0x1  }
0x51: {  	s0 =	rddreg [dreg:$0x9]  }
0x52: {  	[tilespmem:s0], [sflag:$0x1] =	stream.indirect_vreg.gather [hbm4b:s3+s2], $0x80, v4, vm0, $0xb8;
	[tilespmem:$0x18180] =	vst v63  }
0x53: {  	s7 =	rddreg [dreg:$0xa]  }
0x54: {  	[tilespmem:s7], [sflag:$0x1] =	stream.indirect_vreg.gather [hbm4b:s3+s2], $0x80, v3, vm0, $0xb8;
	[tilespmem:$0x18180] =	vst v63  }
0x55: {  	v3 =	vld [tilespmem:$0x40];
	_ =	sdelay $0x4  }
0x56: {  	v44 =	vshll.u32 v3, $0x1  }
0x57: {  	v3 =	vand.u32 $0x7, v3;
	v4 =	vand.u32 $0xFFFFFFF0, v44  }
0x58: {  	v3 =	vor.u32 v3, v4  }
0x59: {  	v4 =	vperm.xlane v3, v0;
	_ =	sdelay $0x1  }
0x5a: {  	v3 =	vperm.xlane v3, v2;
	v4 =	vadd.s32 v1, v4;
	_ =	sdelay $0x1  }
0x5b: {  	v3 =	vadd.s32 v1, v3;
	_ =	sdelay $0x1  }
0x5c: {  	s0 =	rddreg [dreg:$0xb]  }
0x5d: {  	[tilespmem:s0], [sflag:$0x1] =	stream.indirect_vreg.gather [hbm4b:s3+s2], $0x80, v4, vm0, $0xb8;
	[tilespmem:$0x18180] =	vst v63  }
0x5e: {  	s7 =	rddreg [dreg:$0xc]  }
0x5f: {  	[tilespmem:s7], [sflag:$0x1] =	stream.indirect_vreg.gather [hbm4b:s3+s2], $0x80, v3, vm0, $0xb8;
	[tilespmem:$0x18180] =	vst v63  }
0x60: {  	v3 =	vld [tilespmem:$0x50];
	_ =	sdelay $0x4  }
0x61: {  	v45 =	vshll.u32 v3, $0x1  }
0x62: {  	v3 =	vand.u32 $0x7, v3;
	v4 =	vand.u32 $0xFFFFFFF0, v45  }
0x63: {  	v3 =	vor.u32 v3, v4  }
0x64: {  	v4 =	vperm.xlane v3, v0;
	_ =	sdelay $0x1  }
0x65: {  	v3 =	vperm.xlane v3, v2;
	v4 =	vadd.s32 v1, v4;
	_ =	sdelay $0x1  }
0x66: {  	v3 =	vadd.s32 v1, v3;
	_ =	sdelay $0x1  }
0x67: {  	s0 =	rddreg [dreg:$0xd]  }
0x68: {  	[tilespmem:s0], [sflag:$0x1] =	stream.indirect_vreg.gather [hbm4b:s3+s2], $0x80, v4, vm0, $0xb8;
	[tilespmem:$0x18180] =	vst v63  }
0x69: {  	s7 =	rddreg [dreg:$0xe]  }
0x6a: {  	[tilespmem:s7], [sflag:$0x1] =	stream.indirect_vreg.gather [hbm4b:s3+s2], $0x80, v3, vm0, $0xb8;
	[tilespmem:$0x18180] =	vst v63  }
0x6b: {  	v3 =	vld [tilespmem:$0x60];
	_ =	sdelay $0x4  }
0x6c: {  	v46 =	vshll.u32 v3, $0x1  }
0x6d: {  	v3 =	vand.u32 $0x7, v3;
	v4 =	vand.u32 $0xFFFFFFF0, v46  }
0x6e: {  	v3 =	vor.u32 v3, v4  }
0x6f: {  	v4 =	vperm.xlane v3, v0;
	_ =	sdelay $0x1  }
0x70: {  	v3 =	vperm.xlane v3, v2;
	v4 =	vadd.s32 v1, v4;
	_ =	sdelay $0x1  }
0x71: {  	v3 =	vadd.s32 v1, v3;
	_ =	sdelay $0x1  }
0x72: {  	s0 =	rddreg [dreg:$0xf]  }
0x73: {  	[tilespmem:s0], [sflag:$0x1] =	stream.indirect_vreg.gather [hbm4b:s3+s2], $0x80, v4, vm0, $0xb8;
	[tilespmem:$0x18180] =	vst v63  }
0x74: {  	s7 =	rddreg [dreg:$0x10]  }
0x75: {  	[tilespmem:s7], [sflag:$0x1] =	stream.indirect_vreg.gather [hbm4b:s3+s2], $0x80, v3, vm0, $0xb8;
	[tilespmem:$0x18180] =	vst v63  }
0x76: {  	v3 =	vld [tilespmem:$0x70];
	_ =	sdelay $0x4  }
0x77: {  	v47 =	vshll.u32 v3, $0x1  }
0x78: {  	v3 =	vand.u32 $0x7, v3;
	v4 =	vand.u32 $0xFFFFFFF0, v47  }
0x79: {  	v3 =	vor.u32 v3, v4  }
0x7a: {  	v4 =	vperm.xlane v3, v0;
	_ =	sdelay $0x1  }
0x7b: {  	v3 =	vperm.xlane v3, v2;
	v4 =	vadd.s32 v1, v4;
	_ =	sdelay $0x1  }
0x7c: {  	v3 =	vadd.s32 v1, v3;
	_ =	sdelay $0x1  }
0x7d: {  	s0 =	rddreg [dreg:$0x11]  }
0x7e: {  	[tilespmem:s0], [sflag:$0x1] =	stream.indirect_vreg.gather [hbm4b:s3+s2], $0x80, v4, vm0, $0xb8;
	[tilespmem:$0x18180] =	vst v63  }
0x7f: {  	s7 =	rddreg [dreg:$0x12]  }
0x80: {  	[tilespmem:s7], [sflag:$0x1] =	stream.indirect_vreg.gather [hbm4b:s3+s2], $0x80, v3, vm0, $0xb8;
	[tilespmem:$0x18180] =	vst v63  }
0x81: {  	v3 =	vld [tilespmem:$0x80];
	_ =	sdelay $0x4  }
0x82: {  	v48 =	vshll.u32 v3, $0x1  }
0x83: {  	v3 =	vand.u32 $0x7, v3;
	v4 =	vand.u32 $0xFFFFFFF0, v48  }
0x84: {  	v3 =	vor.u32 v3, v4  }
0x85: {  	v4 =	vperm.xlane v3, v0;
	_ =	sdelay $0x1  }
0x86: {  	v3 =	vperm.xlane v3, v2;
	v4 =	vadd.s32 v1, v4;
	_ =	sdelay $0x1  }
0x87: {  	v3 =	vadd.s32 v1, v3;
	_ =	sdelay $0x1  }
0x88: {  	s0 =	rddreg [dreg:$0x13]  }
0x89: {  	[tilespmem:s0], [sflag:$0x1] =	stream.indirect_vreg.gather [hbm4b:s3+s2], $0x80, v4, vm0, $0xb8;
	[tilespmem:$0x18180] =	vst v63  }
0x8a: {  	s7 =	rddreg [dreg:$0x14]  }
0x8b: {  	[tilespmem:s7], [sflag:$0x1] =	stream.indirect_vreg.gather [hbm4b:s3+s2], $0x80, v3, vm0, $0xb8;
	[tilespmem:$0x18180] =	vst v63  }
0x8c: {  	v3 =	vld [tilespmem:$0x90];
	_ =	sdelay $0x4  }
0x8d: {  	v49 =	vshll.u32 v3, $0x1  }
0x8e: {  	v3 =	vand.u32 $0x7, v3;
	v4 =	vand.u32 $0xFFFFFFF0, v49  }
0x8f: {  	v3 =	vor.u32 v3, v4  }
0x90: {  	v4 =	vperm.xlane v3, v0;
	_ =	sdelay $0x1  }
0x91: {  	v3 =	vperm.xlane v3, v2;
	v4 =	vadd.s32 v1, v4;
	_ =	sdelay $0x1  }
0x92: {  	v3 =	vadd.s32 v1, v3;
	_ =	sdelay $0x1  }
0x93: {  	s0 =	rddreg [dreg:$0x15]  }
0x94: {  	[tilespmem:s0], [sflag:$0x1] =	stream.indirect_vreg.gather [hbm4b:s3+s2], $0x80, v4, vm0, $0xb8;
	[tilespmem:$0x18180] =	vst v63  }
0x95: {  	s7 =	rddreg [dreg:$0x16]  }
0x96: {  	[tilespmem:s7], [sflag:$0x1] =	stream.indirect_vreg.gather [hbm4b:s3+s2], $0x80, v3, vm0, $0xb8;
	[tilespmem:$0x18180] =	vst v63  }
0x97: {  	v3 =	vld [tilespmem:$0xA0];
	_ =	sdelay $0x4  }
0x98: {  	v50 =	vshll.u32 v3, $0x1  }
0x99: {  	v3 =	vand.u32 $0x7, v3;
	v4 =	vand.u32 $0xFFFFFFF0, v50  }
0x9a: {  	v3 =	vor.u32 v3, v4  }
0x9b: {  	v4 =	vperm.xlane v3, v0;
	_ =	sdelay $0x1  }
0x9c: {  	v3 =	vperm.xlane v3, v2;
	v4 =	vadd.s32 v1, v4;
	_ =	sdelay $0x1  }
0x9d: {  	v3 =	vadd.s32 v1, v3;
	_ =	sdelay $0x1  }
0x9e: {  	s0 =	rddreg [dreg:$0x17]  }
0x9f: {  	[tilespmem:s0], [sflag:$0x1] =	stream.indirect_vreg.gather [hbm4b:s3+s2], $0x80, v4, vm0, $0xb8;
	[tilespmem:$0x18180] =	vst v63  }
0xa0: {  	s7 =	rddreg [dreg:$0x18]  }
0xa1: {  	[tilespmem:s7], [sflag:$0x1] =	stream.indirect_vreg.gather [hbm4b:s3+s2], $0x80, v3, vm0, $0xb8;
	[tilespmem:$0x18180] =	vst v63  }
0xa2: {  	v3 =	vld [tilespmem:$0xB0];
	_ =	sdelay $0x4  }
0xa3: {  	v51 =	vshll.u32 v3, $0x1  }
0xa4: {  	v3 =	vand.u32 $0x7, v3;
	v4 =	vand.u32 $0xFFFFFFF0, v51  }
0xa5: {  	v3 =	vor.u32 v3, v4  }
0xa6: {  	v4 =	vperm.xlane v3, v0;
	_ =	sdelay $0x1  }
0xa7: {  	v3 =	vperm.xlane v3, v2;
	v4 =	vadd.s32 v1, v4;
	_ =	sdelay $0x1  }
0xa8: {  	v3 =	vadd.s32 v1, v3;
	_ =	sdelay $0x1  }
0xa9: {  	s0 =	rddreg [dreg:$0x19]  }
0xaa: {  	[tilespmem:s0], [sflag:$0x1] =	stream.indirect_vreg.gather [hbm4b:s3+s2], $0x80, v4, vm0, $0xb8;
	[tilespmem:$0x18180] =	vst v63  }
0xab: {  	s7 =	rddreg [dreg:$0x1a]  }
0xac: {  	[tilespmem:s7], [sflag:$0x1] =	stream.indirect_vreg.gather [hbm4b:s3+s2], $0x80, v3, vm0, $0xb8;
	[tilespmem:$0x18180] =	vst v63  }
0xad: {  	v3 =	vld [tilespmem:$0xC0];
	_ =	sdelay $0x4  }
0xae: {  	v52 =	vshll.u32 v3, $0x1  }
0xaf: {  	v3 =	vand.u32 $0x7, v3;
	v4 =	vand.u32 $0xFFFFFFF0, v52  }
0xb0: {  	v3 =	vor.u32 v3, v4  }
0xb1: {  	v4 =	vperm.xlane v3, v0;
	_ =	sdelay $0x1  }
0xb2: {  	v3 =	vperm.xlane v3, v2;
	v4 =	vadd.s32 v1, v4;
	_ =	sdelay $0x1  }
0xb3: {  	v3 =	vadd.s32 v1, v3;
	_ =	sdelay $0x1  }
0xb4: {  	s7 =	simm.s32 $0xC180  }
0xb5: {  	[tilespmem:s7], [sflag:$0x1] =	stream.indirect_vreg.gather [hbm4b:s3+s2], $0x80, v4, vm0, $0xb8;
	[tilespmem:$0x18180] =	vst v63  }
0xb6: {  	_ = 	snop  }
0xb7: {  	[tilespmem:s8], [sflag:$0x1] =	stream.indirect_vreg.gather [hbm4b:s3+s2], $0x80, v3, vm0, $0xb8;
	[tilespmem:$0x18180] =	vst v63  }
0xb8: {  	v3 =	vld [tilespmem:$0xD0];
	_ =	sdelay $0x4  }
0xb9: {  	v53 =	vshll.u32 v3, $0x1  }
0xba: {  	v3 =	vand.u32 $0x7, v3;
	v4 =	vand.u32 $0xFFFFFFF0, v53  }
0xbb: {  	v3 =	vor.u32 v3, v4  }
0xbc: {  	v4 =	vperm.xlane v3, v0;
	_ =	sdelay $0x1  }
0xbd: {  	v3 =	vperm.xlane v3, v2;
	v4 =	vadd.s32 v1, v4;
	_ =	sdelay $0x1  }
0xbe: {  	v3 =	vadd.s32 v1, v3;
	_ =	sdelay $0x2  }
0xbf: {  	[tilespmem:s9], [sflag:$0x1] =	stream.indirect_vreg.gather [hbm4b:s3+s2], $0x80, v4, vm0, $0xb8;
	[tilespmem:$0x18180] =	vst v63  }
0xc0: {  	_ = 	snop  }
0xc1: {  	[tilespmem:s10], [sflag:$0x1] =	stream.indirect_vreg.gather [hbm4b:s3+s2], $0x80, v3, vm0, $0xb8;
	[tilespmem:$0x18180] =	vst v63  }
0xc2: {  	v3 =	vld [tilespmem:$0xE0];
	_ =	sdelay $0x4  }
0xc3: {  	v54 =	vshll.u32 v3, $0x1  }
0xc4: {  	v3 =	vand.u32 $0x7, v3;
	v4 =	vand.u32 $0xFFFFFFF0, v54  }
0xc5: {  	v3 =	vor.u32 v3, v4  }
0xc6: {  	v4 =	vperm.xlane v3, v0;
	_ =	sdelay $0x1  }
0xc7: {  	v3 =	vperm.xlane v3, v2;
	v4 =	vadd.s32 v1, v4;
	_ =	sdelay $0x1  }
0xc8: {  	v3 =	vadd.s32 v1, v3;
	_ =	sdelay $0x2  }
0xc9: {  	[tilespmem:s11], [sflag:$0x1] =	stream.indirect_vreg.gather [hbm4b:s3+s2], $0x80, v4, vm0, $0xb8;
	[tilespmem:$0x18180] =	vst v63  }
0xca: {  	_ = 	snop  }
0xcb: {  	[tilespmem:s12], [sflag:$0x1] =	stream.indirect_vreg.gather [hbm4b:s3+s2], $0x80, v3, vm0, $0xb8;
	[tilespmem:$0x18180] =	vst v63  }
0xcc: {  	v3 =	vld [tilespmem:$0xF0];
	_ =	sdelay $0x4  }
0xcd: {  	v55 =	vshll.u32 v3, $0x1  }
0xce: {  	v3 =	vand.u32 $0x7, v3;
	v4 =	vand.u32 $0xFFFFFFF0, v55  }
0xcf: {  	v3 =	vor.u32 v3, v4  }
0xd0: {  	v4 =	vperm.xlane v3, v0;
	_ =	sdelay $0x1  }
0xd1: {  	v3 =	vperm.xlane v3, v2;
	v4 =	vadd.s32 v1, v4;
	_ =	sdelay $0x1  }
0xd2: {  	v3 =	vadd.s32 v1, v3;
	_ =	sdelay $0x2  }
0xd3: {  	[tilespmem:s13], [sflag:$0x1] =	stream.indirect_vreg.gather [hbm4b:s3+s2], $0x80, v4, vm0, $0xb8;
	[tilespmem:$0x18180] =	vst v63  }
0xd4: {  	_ = 	snop  }
0xd5: {  	[tilespmem:s14], [sflag:$0x1] =	stream.indirect_vreg.gather [hbm4b:s3+s2], $0x80, v3, vm0, $0xb8;
	[tilespmem:$0x18180] =	vst v63  }
0xd6: {  	v3 =	vld [tilespmem:$0x100];
	_ =	sdelay $0x4  }
0xd7: {  	v56 =	vshll.u32 v3, $0x1  }
0xd8: {  	v3 =	vand.u32 $0x7, v3;
	v4 =	vand.u32 $0xFFFFFFF0, v56  }
0xd9: {  	v3 =	vor.u32 v3, v4  }
0xda: {  	v4 =	vperm.xlane v3, v0;
	_ =	sdelay $0x1  }
0xdb: {  	v3 =	vperm.xlane v3, v2;
	v4 =	vadd.s32 v1, v4;
	_ =	sdelay $0x1  }
0xdc: {  	v3 =	vadd.s32 v1, v3;
	_ =	sdelay $0x2  }
0xdd: {  	[tilespmem:s15], [sflag:$0x1] =	stream.indirect_vreg.gather [hbm4b:s3+s2], $0x80, v4, vm0, $0xb8;
	[tilespmem:$0x18180] =	vst v63  }
0xde: {  	_ = 	snop  }
0xdf: {  	[tilespmem:s16], [sflag:$0x1] =	stream.indirect_vreg.gather [hbm4b:s3+s2], $0x80, v3, vm0, $0xb8;
	[tilespmem:$0x18180] =	vst v63  }
0xe0: {  	v3 =	vld [tilespmem:$0x110];
	_ =	sdelay $0x4  }
0xe1: {  	v57 =	vshll.u32 v3, $0x1  }
0xe2: {  	v3 =	vand.u32 $0x7, v3;
	v4 =	vand.u32 $0xFFFFFFF0, v57  }
0xe3: {  	v3 =	vor.u32 v3, v4  }
0xe4: {  	v4 =	vperm.xlane v3, v0;
	_ =	sdelay $0x1  }
0xe5: {  	v3 =	vperm.xlane v3, v2;
	v4 =	vadd.s32 v1, v4;
	_ =	sdelay $0x1  }
0xe6: {  	v3 =	vadd.s32 v1, v3;
	_ =	sdelay $0x2  }
0xe7: {  	[tilespmem:s17], [sflag:$0x1] =	stream.indirect_vreg.gather [hbm4b:s3+s2], $0x80, v4, vm0, $0xb8;
	[tilespmem:$0x18180] =	vst v63  }
0xe8: {  	_ = 	snop  }
0xe9: {  	[tilespmem:s18], [sflag:$0x1] =	stream.indirect_vreg.gather [hbm4b:s3+s2], $0x80, v3, vm0, $0xb8;
	[tilespmem:$0x18180] =	vst v63  }
0xea: {  	v3 =	vld [tilespmem:$0x120];
	_ =	sdelay $0x4  }
0xeb: {  	v58 =	vshll.u32 v3, $0x1  }
0xec: {  	v3 =	vand.u32 $0x7, v3;
	v4 =	vand.u32 $0xFFFFFFF0, v58  }
0xed: {  	v3 =	vor.u32 v3, v4  }
0xee: {  	v4 =	vperm.xlane v3, v0;
	_ =	sdelay $0x1  }
0xef: {  	v3 =	vperm.xlane v3, v2;
	v4 =	vadd.s32 v1, v4;
	_ =	sdelay $0x1  }
0xf0: {  	v3 =	vadd.s32 v1, v3;
	_ =	sdelay $0x2  }
0xf1: {  	[tilespmem:s19], [sflag:$0x1] =	stream.indirect_vreg.gather [hbm4b:s3+s2], $0x80, v4, vm0, $0xb8;
	[tilespmem:$0x18180] =	vst v63  }
0xf2: {  	_ = 	snop  }
0xf3: {  	[tilespmem:s20], [sflag:$0x1] =	stream.indirect_vreg.gather [hbm4b:s3+s2], $0x80, v3, vm0, $0xb8;
	[tilespmem:$0x18180] =	vst v63  }
0xf4: {  	v3 =	vld [tilespmem:$0x130];
	_ =	sdelay $0x4  }
0xf5: {  	v59 =	vshll.u32 v3, $0x1  }
0xf6: {  	v3 =	vand.u32 $0x7, v3;
	v4 =	vand.u32 $0xFFFFFFF0, v59  }
0xf7: {  	v3 =	vor.u32 v3, v4  }
0xf8: {  	v4 =	vperm.xlane v3, v0;
	_ =	sdelay $0x1  }
0xf9: {  	v3 =	vperm.xlane v3, v2;
	v4 =	vadd.s32 v1, v4;
	_ =	sdelay $0x1  }
0xfa: {  	v3 =	vadd.s32 v1, v3;
	_ =	sdelay $0x2  }
0xfb: {  	[tilespmem:s21], [sflag:$0x1] =	stream.indirect_vreg.gather [hbm4b:s3+s2], $0x80, v4, vm0, $0xb8;
	[tilespmem:$0x18180] =	vst v63  }
0xfc: {  	_ = 	snop  }
0xfd: {  	[tilespmem:s22], [sflag:$0x1] =	stream.indirect_vreg.gather [hbm4b:s3+s2], $0x80, v3, vm0, $0xb8;
	[tilespmem:$0x18180] =	vst v63  }
0xfe: {  	v3 =	vld [tilespmem:$0x140];
	_ =	sdelay $0x4  }
0xff: {  	v60 =	vshll.u32 v3, $0x1  }
0x100: {  	v3 =	vand.u32 $0x7, v3;
	v4 =	vand.u32 $0xFFFFFFF0, v60  }
0x101: {  	v3 =	vor.u32 v3, v4  }
0x102: {  	v4 =	vperm.xlane v3, v0;
	_ =	sdelay $0x1  }
0x103: {  	v3 =	vperm.xlane v3, v2;
	v4 =	vadd.s32 v1, v4;
	_ =	sdelay $0x1  }
0x104: {  	v3 =	vadd.s32 v1, v3;
	_ =	sdelay $0x2  }
0x105: {  	[tilespmem:s23], [sflag:$0x1] =	stream.indirect_vreg.gather [hbm4b:s3+s2], $0x80, v4, vm0, $0xb8;
	[tilespmem:$0x18180] =	vst v63  }
0x106: {  	_ = 	snop  }
0x107: {  	[tilespmem:s24], [sflag:$0x1] =	stream.indirect_vreg.gather [hbm4b:s3+s2], $0x80, v3, vm0, $0xb8;
	[tilespmem:$0x18180] =	vst v63  }
0x108: {  	v3 =	vld [tilespmem:$0x150];
	_ =	sdelay $0x4  }
0x109: {  	v61 =	vshll.u32 v3, $0x1  }
0x10a: {  	v3 =	vand.u32 $0x7, v3;
	v4 =	vand.u32 $0xFFFFFFF0, v61  }
0x10b: {  	v3 =	vor.u32 v3, v4  }
0x10c: {  	v4 =	vperm.xlane v3, v0;
	_ =	sdelay $0x1  }
0x10d: {  	v3 =	vperm.xlane v3, v2;
	v4 =	vadd.s32 v1, v4;
	_ =	sdelay $0x1  }
0x10e: {  	v3 =	vadd.s32 v1, v3;
	_ =	sdelay $0x2  }
0x10f: {  	[tilespmem:s25], [sflag:$0x1] =	stream.indirect_vreg.gather [hbm4b:s3+s2], $0x80, v4, vm0, $0xb8;
	[tilespmem:$0x18180] =	vst v63  }
0x110: {  	_ = 	snop  }
0x111: {  	[tilespmem:s26], [sflag:$0x1] =	stream.indirect_vreg.gather [hbm4b:s3+s2], $0x80, v3, vm0, $0xb8;
	[tilespmem:$0x18180] =	vst v63  }
0x112: {  	v3 =	vld [tilespmem:$0x160];
	_ =	sdelay $0x4  }
0x113: {  	v62 =	vshll.u32 v3, $0x1  }
0x114: {  	v3 =	vand.u32 $0x7, v3;
	v4 =	vand.u32 $0xFFFFFFF0, v62  }
0x115: {  	v3 =	vor.u32 v3, v4  }
0x116: {  	v4 =	vperm.xlane v3, v0;
	_ =	sdelay $0x1  }
0x117: {  	v3 =	vperm.xlane v3, v2;
	v4 =	vadd.s32 v1, v4;
	_ =	sdelay $0x1  }
0x118: {  	v3 =	vadd.s32 v1, v3;
	_ =	sdelay $0x2  }
0x119: {  	[tilespmem:s28], [sflag:$0x1] =	stream.indirect_vreg.gather [hbm4b:s3+s2], $0x80, v4, vm0, $0xb8;
	[tilespmem:$0x18180] =	vst v63  }
0x11a: {  	_ = 	snop  }
0x11b: {  	[tilespmem:s29], [sflag:$0x1] =	stream.indirect_vreg.gather [hbm4b:s3+s2], $0x80, v3, vm0, $0xb8;
	[tilespmem:$0x18180] =	vst v63  }
0x11c: {  	v3 =	vld [tilespmem:$0x170];
	_ =	sdelay $0x4  }
0x11d: {  	v63 =	vshll.u32 v3, $0x1  }
0x11e: {  	v3 =	vand.u32 $0x7, v3;
	v4 =	vand.u32 $0xFFFFFFF0, v63  }
0x11f: {  	v3 =	vor.u32 v3, v4  }
0x120: {  	v4 =	vperm.xlane v3, v0;
	_ =	sdelay $0x1  }
0x121: {  	v3 =	vperm.xlane v3, v2;
	v4 =	vadd.s32 v1, v4;
	_ =	sdelay $0x1  }
0x122: {  	v3 =	vadd.s32 v1, v3;
	_ =	sdelay $0x2  }
0x123: {  	[tilespmem:s30], [sflag:$0x1] =	stream.indirect_vreg.gather [hbm4b:s3+s2], $0x80, v4, vm0, $0xb8;
	[tilespmem:$0x18180] =	vst v63  }
0x124: {  	_ = 	snop  }
0x125: {  	[tilespmem:s31], [sflag:$0x1] =	stream.indirect_vreg.gather [hbm4b:s3+s2], $0x80, v3, vm0, $0xb8;
	[tilespmem:$0x18180] =	vst v63  }
0x126: {  	_ =	swait.ge [sflag:s1], $0x18000  }
0x127: {  	p0 =	sne.s32 s4, $0x1;
	[sflag:s1] =	ssyncset.done $0x0  }
.Ltmp0:
0x128: {  	s7 =	rddreg [dreg:$0x3];
	[sflag:s1] =	ssyncadd.s32 $0xFFFE8000;
	(pc) =	sbr.rel @p0 .LBB2_1-.Ltmp0, $4  }
0x129: {  	[hbm4b:s7+s2] =	stream.linear.scatter [tilespmem:s6], [sflag:$0x2], $0x18000, $0x38;
	[tilespmem:$0x18180] =	vst v63  }
0x12a: {  	_ =	swait.ge [sflag:s5], $0x18000  }
0x12b: {  	[sflag:s5] =	ssyncset.done $0x0  }
0x12c: {  	s4 =	sadd.s32 $0xFFFFFFFF, s4;
	[sflag:s5] =	ssyncadd.s32 $0xFFFE8000  }
0x12d: {  	_ =	sfence.sel $0x180000  }
0x12e: {  	[bflag:$0x0] =	sbarrier.arrive $0xFFFF  }
0x12f: {  	_ =	strace $0x90000059  }
0x130: {  	s0 =	stileid.u32;
	[bflag:$0x2] =	sbarrier.arrive $0xFFFF  }
0x131: {  	p0 =	sne.s32 s0, $0x0;
	s0 =	rddreg [dreg:$0x1]  }
0x132: {  	s0 =	sadd.s32 @!p0 $0x100000, s0  }
0x133: {  	[sflag:s0] =	ssyncadd.tile.s32 @!p0 $0x1;
	_ =	shalt  }
.Lfunc_end2:
_tile_overlayer_lowered:
.L_overlay_start_2:
0x134: {  	(tag) =	ssettag $0x2  }
0x135: {  	s0 =	rddreg [dreg:$0x0];
	s2 =	stileid.u32  }
0x136: {  	s1 =	rddreg [dreg:$0x1];
	p0 =	sne.s32 s2, $0x0  }
0x137: {  	s3 =	rddreg [dreg:$0x2];
	[bflag:$0x3] =	sbarrier.arrive $0xFFFF;
	s2 =	simm.s32 @!p0 $0x1C02  }
0x138: {  	[timem:s3], [sflag:s2] =	dma.local @!p0 [hbm:s0], s1  }
0x139: {  	s0 =	simm.s32 @!p0 $0x2  }
0x13a: {  	_ =	swait.ge @!p0 [sflag:s0], s1  }
0x13b: {  	s1 =	ssub.s32 @!p0 $0x0, s1;
	[sflag:s0] =	ssyncset.done @!p0 $0x0  }
0x13c: {  	[sflag:s0] =	ssyncadd.s32 @!p0 s1  }
0x13d: {  	[bflag:$0x3] =	sbarrier.arrive $0xFFFF  }
0x13e: {  	_ =	shalt  }

// kernel: kernel.70.cloned.1.call-start
scs
__scs_entry_jumppad:
0x0: {  	(pc) =	sbr.rel $0x88, $3  }
0x1: {  	(tag) =	ssettag $0x0;
	lr =	simm.s32 $0x1  }
0x2: {  	[smem:$0x3F87] =	sst lr;
	_ =	strace $0xD0000000  }
0x3: {  	_ = 	snop  }
0x4: {  	_ = 	snop  }
0x5: {  	_ = 	snop  }
0x6: {  	_ = 	snop  }
0x7: {  	_ = 	snop  }
__scs_overlays_trampoline_lowered:
0x8: {  	[smem:$0x3F96] =	sst s0  }
0x9: {  	[smem:$0x3F97] =	sst s1  }
0xa: {  	[smem:$0x3F98] =	sst s2  }
0xb: {  	[smem:$0x3F99] =	sst s3  }
0xc: {  	[smem:$0x3F9A] =	sst s4  }
0xd: {  	[smem:$0x3F9B] =	sst s5  }
0xe: {  	[smem:$0x3F9C] =	sst s6  }
0xf: {  	[smem:$0x3F9D] =	sst s7  }
0x10: {  	[smem:$0x3F9E] =	sst s8  }
0x11: {  	[smem:$0x3F9F] =	sst s9;
	s0 =	simm.s32 @!p0 $0x0  }
0x12: {  	s1 =	sld [smem:$0x3F85];
	s0 =	simm.s32 @p0 $0x1  }
0x13: {  	[smem:$0x3FA0] =	sst s0;
	s0 =	simm.s32 @!p1 $0x0  }
0x14: {  	s2 =	sld [smem:$0x3F84];
	s0 =	simm.s32 @p1 $0x1  }
0x15: {  	[smem:$0x3FA1] =	sst s0;
	s0 =	simm.s32 @!p2 $0x0  }
0x16: {  	s3 =	sld [smem:$0x3FDB];
	s0 =	simm.s32 @p2 $0x1  }
0x17: {  	s4 =	simm.s32 $0x1BF5;
	[smem:$0x3FA3] =	sst s0  }
0x18: {  	s0 =	sld [smem:$0x3F86];
	_ =	swait.ge [sflag:s4], $0x0  }
0x19: {  	s7 =	sld [smem:$0x3F87]  }
0x1a: {  	s8 =	sadd.s32 $0xFFFFE003, lr  }
0x1b: {  	s9 =	sadd.s32 $0xFFFFFEF7, lr;
	s5 =	simm.s32 $0xFFFFFFFF;
	p2 =	slt.u32 s8, $0xFFFFF086  }
0x1c: {  	p1 =	slt.u32 s9, $0xF7A;
	s5 =	simm.s32 @!p2 $0x0  }
0x1d: {  	s5 =	simm.s32 @p1 $0x1;
	p0 =	seq.s32 s7, s2  }
0x1e: {  	s7 =	smul.u32 @!p0 $0xF7A, s2;
	p2 =	seq.s32 @!p0 s5, $0x0  }
0x1f: {  	s9 =	smul.u32 $0xF7A, s1;
	s8 =	simm.s32 @!p0 $0x1BF5;
	p2 =	por !p2, p0  }
0x20: {  	[sflag:s8] =	ssyncset.s32 @!p0 $0xFFFFF086;
	s6 =	sadd.s32 @!p0 s3, s7;
	s7 =	simm.s32 @!p0 $0x108  }
0x21: {  	s3 =	sadd.s32 s3, s9;
	s6 =	sadd.s32 @!p0 $0x88, s6;
	s7 =	simm.s32 @p2 $0x1082  }
0x22: {  	[simem:s7], [sflag:s8] =	dma.local @!p0 [hbm:s6], $0xF7A  }
0x23: {  	s9 =	sor.u32 $0xD0000000, s2;
	s6 =	simm.s32 $0x108;
	_ =	swait.ge @!p0 [sflag:s8], $0x0  }
0x24: {  	s3 =	sadd.s32 $0x88, s3;
	s6 =	simm.s32 @!p1 $0x1082;
	[sflag:s4] =	ssyncset.s32 $0xFFFFF086  }
0x25: {  	[simem:s6], [sflag:s4] =	dma.local [hbm:s3], $0xF7A  }
0x26: {  	[smem:$0x3F87] =	sst s1;
	(tag) =	ssettag s2;
	_ =	strace s9  }
0x27: {  	s1 =	sld [smem:$0x3F97]  }
0x28: {  	s2 =	sld [smem:$0x3F98]  }
0x29: {  	s4 =	sld [smem:$0x3F9A]  }
0x2a: {  	p0 =	seq.s32 s5, $0x0;
	s5 =	sld [smem:$0x3F9B]  }
0x2b: {  	s6 =	sld [smem:$0x3F9C]  }
0x2c: {  	s7 =	sld [smem:$0x3F9D]  }
0x2d: {  	s3 =	simm.s32 $0x108;
	s8 =	sld [smem:$0x3F9E]  }
0x2e: {  	s3 =	simm.s32 @!p0 $0x1082;
	s9 =	sld [smem:$0x3F9F]  }
0x2f: {  	lr =	sadd.s32 s0, s3;
	s0 =	sld [smem:$0x3F96]  }
0x30: {  	s3 =	sld [smem:$0x3F99]  }
0x31: {  	[smem:$0x3FA2] =	sst s10  }
0x32: {  	s10 =	sld [smem:$0x3FA0];
	_ =	sdelay $0x3  }
0x33: {  	p0 =	seq.s32 s10, $0x1;
	s10 =	sld [smem:$0x3FA2];
	_ =	sdelay $0x3  }
0x34: {  	[smem:$0x3FA2] =	sst s10  }
0x35: {  	s10 =	sld [smem:$0x3FA1];
	_ =	sdelay $0x3  }
0x36: {  	p1 =	seq.s32 s10, $0x1;
	s10 =	sld [smem:$0x3FA2];
	_ =	sdelay $0x3  }
0x37: {  	[smem:$0x3FA2] =	sst s10  }
0x38: {  	s10 =	sld [smem:$0x3FA3]  }
0x39: {  	_ = 	snop;
	(pc) =	sbr.ind lr, $3  }
0x3a: {  	_ = 	snop  }
0x3b: {  	_ = 	snop  }
0x3c: {  	p2 =	seq.s32 s10, $0x1;
	s10 =	sld [smem:$0x3FA2]  }
0x3d: {  	_ =	shalt  }
0x3e: {  	_ =	shalt  }
0x3f: {  	_ =	shalt  }
0x40: {  	_ =	shalt  }
0x41: {  	_ =	shalt  }
0x42: {  	_ =	shalt  }
0x43: {  	_ =	shalt  }
0x44: {  	_ =	shalt  }
0x45: {  	_ =	shalt  }
0x46: {  	_ =	shalt  }
0x47: {  	_ =	shalt  }
0x48: {  	_ =	shalt  }
0x49: {  	_ =	shalt  }
0x4a: {  	_ =	shalt  }
0x4b: {  	_ =	shalt  }
0x4c: {  	_ =	shalt  }
0x4d: {  	_ =	shalt  }
0x4e: {  	_ =	shalt  }
0x4f: {  	_ =	shalt  }
0x50: {  	_ =	shalt  }
0x51: {  	_ =	shalt  }
0x52: {  	_ =	shalt  }
0x53: {  	_ =	shalt  }
0x54: {  	_ =	shalt  }
0x55: {  	_ =	shalt  }
0x56: {  	_ =	shalt  }
0x57: {  	_ =	shalt  }
0x58: {  	_ =	shalt  }
0x59: {  	_ =	shalt  }
0x5a: {  	_ =	shalt  }
0x5b: {  	_ =	shalt  }
0x5c: {  	_ =	shalt  }
0x5d: {  	_ =	shalt  }
0x5e: {  	_ =	shalt  }
0x5f: {  	_ =	shalt  }
0x60: {  	_ =	shalt  }
0x61: {  	_ =	shalt  }
0x62: {  	_ =	shalt  }
0x63: {  	_ =	shalt  }
0x64: {  	_ =	shalt  }
0x65: {  	_ =	shalt  }
0x66: {  	_ =	shalt  }
0x67: {  	_ =	shalt  }
0x68: {  	_ =	shalt  }
0x69: {  	_ =	shalt  }
0x6a: {  	_ =	shalt  }
0x6b: {  	_ =	shalt  }
0x6c: {  	_ =	shalt  }
0x6d: {  	_ =	shalt  }
0x6e: {  	_ =	shalt  }
0x6f: {  	_ =	shalt  }
0x70: {  	_ =	shalt  }
0x71: {  	_ =	shalt  }
0x72: {  	_ =	shalt  }
0x73: {  	_ =	shalt  }
0x74: {  	_ =	shalt  }
0x75: {  	_ =	shalt  }
0x76: {  	_ =	shalt  }
0x77: {  	_ =	shalt  }
0x78: {  	_ =	shalt  }
0x79: {  	_ =	shalt  }
0x7a: {  	_ =	shalt  }
0x7b: {  	_ =	shalt  }
0x7c: {  	_ =	shalt  }
0x7d: {  	_ =	shalt  }
0x7e: {  	_ =	shalt  }
0x7f: {  	_ =	shalt  }
0x80: {  	_ =	shalt  }
0x81: {  	_ =	shalt  }
0x82: {  	_ =	shalt  }
0x83: {  	_ =	shalt  }
0x84: {  	_ =	shalt  }
0x85: {  	_ =	shalt  }
0x86: {  	_ =	shalt  }
0x87: {  	_ =	shalt  }
.Lfunc_end0:
.L_simem_size_0:
called_computation.7_lowered:
.L_overlay_start_0:
0x88: {  	s2 =	sld [smem:$0x3FD9]  }
0x89: {  	s3 =	sld [smem:$0x3FFE];
	_ =	sdelay $0x1  }
0x8a: {  	s1 =	srdreg.scid  }
0x8b: {  	s0 =	sand.u32 $0x1, s1  }
0x8c: {  	s17 =	sshll.u32 s0, $0xA;
	s2 =	sadd.s32 s3, s2  }
0x8d: {  	s2 =	sadd.s32 s2, s17  }
0x8e: {  	[smem:$0x3FAE] =	sst s2  }
0x8f: {  	_ = 	snop  }
0x90: {  	s2 =	sld [smem:$0x3FD0];
	(tm) =	ssettm $0x1  }
0x91: {  	s18 =	sld [smem:$0x3FFB];
	_ =	sdelay $0x3  }
0x92: {  	_ =	strace s18  }
0x93: {  	s3 =	sld [smem:$0x3FFC];
	_ =	sdelay $0x3  }
0x94: {  	_ =	strace s3  }
0x95: {  	s3 =	sld [smem:$0x3FFD];
	_ =	sdelay $0x3  }
0x96: {  	_ =	strace s3  }
0x97: {  	_ =	strace $0x8FFFFFFF  }
0x98: {  	s19 =	sld [smem:$0x3FDB];
	_ =	sdelay $0x1  }
0x99: {  	s4 =	simm.s32 $_scs_section_size  }
0x9a: {  	s5 =	simm.s32 $_size__tile_overlayer_lowered;
	s6 =	simm.s32 $_tile_overlayer_lowered  }
0x9b: {  	s22 =	simm.s32 $0x1BFF;
	s21 =	sshll.u32 s6, $0x1;
	s3 =	sadd.s32 s4, s19  }
0x9c: {  	s7 =	simm.s32 $0x0;
	s20 =	sshll.u32 s5, $0x1;
	s5 =	sadd.s32 s21, s3  }
0x9d: {  	[timem:s7], [sflag:s22] =	dma.local [hbm:s5], s20  }
0x9e: {  	_ =	swait.ge [sflag:s22], s20  }
0x9f: {  	s4 =	ssub.s32 $0x0, s20;
	[sflag:s22] =	ssyncset.done $0x0  }
0xa0: {  	[sflag:s22] =	ssyncadd.s32 s4;
	_ =	sdelay $0x1  }
0xa1: {  	s23 =	simm.s32 $0x1B8B  }
0xa2: {  	_ =	swait.ge [sflag:s23], $0x1  }
0xa3: {  	[sflag:s23] =	ssyncset.done $0x0  }
0xa4: {  	s25 =	simm.s32 $0x1B8E;
	s24 =	sld [smem:$0x3FFE];
	[sflag:s23] =	ssyncadd.s32 $0xFFFFFFFF  }
0xa5: {  	s26 =	simm.s32 $execute0_lowered;
	[smem:$0x3FD2] =	sst s25  }
0xa6: {  	s5 =	sshll.u32 s26, $0x1;
	_ =	strace $0x8000005B;
	[dreg:$0x1] =	wrdreg $0xFFFFFFFF  }
0xa7: {  	s28 =	simm.s32 $_size_execute0_lowered;
	s3 =	sadd.s32 s3, s5;
	[dreg:$0x0] =	wrdreg $0x0  }
0xa8: {  	s5 =	sshll.u32 s28, $0x1;
	[dreg:$0x2] =	wrdreg s3  }
0xa9: {  	[dreg:$0x3] =	wrdreg s5  }
0xaa: {  	[dreg:$0x4] =	wrdreg $0xC0  }
0xab: {  	_ =	task [dreg:s7], $0x5FFFF  }
0xac: {  	[dreg:$0x1] =	wrdreg $0xFFFFFFFF  }
0xad: {  	[dreg:$0x0] =	wrdreg $0x60  }
0xae: {  	[dreg:$0x2] =	wrdreg s24  }
0xaf: {  	[dreg:$0x3] =	wrdreg s2  }
0xb0: {  	[dreg:$0x4] =	wrdreg $0x9  }
0xb1: {  	_ =	task.clear_ibuf [dreg:s7], $0x5FFFF;
	_ =	strace $0x9000005B  }
0xb2: {  	s29 =	simm.s32 $0x9;
	_ =	strace $0x8000005D  }
0xb3: {  	_ =	swait.ge [sflag:s29], $0x1  }
0xb4: {  	[sflag:s29] =	ssyncadd.s32 $0xFFFFFFFF  }
0xb5: {  	_ =	strace $0x9000005D  }
0xb6: {  	_ =	sfence  }
0xb7: {  	s30 =	sld [smem:$0x0];
	_ =	sdelay $0x2  }
0xb8: {  	s31 =	sshll.u32 s1, $0xD;
	s1 =	sshrl.u32 s1, $0x2  }
0xb9: {  	s3 =	sand.u32 $0x4000, s31;
	s1 =	sadd.s32 s1, s30  }
0xba: {  	s0 =	sor.u32 s3, s0;
	s1 =	sshll.u32 s1, $0x11  }
0xbb: {  	s0 =	sor.u32 s1, s0  }
0xbc: {  	s0 =	sadd.s32 $0x8F2B, s0  }
0xbd: {  	[sflag:s0] =	ssyncadd.remote.s32 $0x1  }
0xbe: {  	_ =	sfence.sel $0xFFFF  }
0xbf: {  	[dreg:$0x0] =	wrdreg $0xFFFFFFFF;
	(pc) =	sbr.abs _section_cstart, $3  }
0xc0: {  	[dreg:$0x1] =	wrdreg $0xFFFFFFFF  }
0xc1: {  	_ =	task.clear_ibuf [dreg:s7], $0x2FFFF;
	_ =	strace $0x9FFFFFFF  }
0xc2: {  	(tm) =	ssettm $0x7FFFFFFF  }
0xc3: {  	_ =	shalt  }
tec
execute0_lowered:
.L_overlay_start_1:
0x0: {  	(tag) =	ssettag $0x1  }
0x1: {  	s1 =	srdreg.scid;
	s0 =	stileid.u32  }
0x2: {  	s2 =	rddreg [dreg:$0x0];
	s10 =	sand.u32 $0x1, s1;
	s29 =	sshll.u32 s0, $0x1  }
0x3: {  	s4 =	rddreg [dreg:$0x1];
	s11 =	sor.u32 s10, s29  }
0x4: {  	s3 =	simm.s32 $0x0;
	s1 =	rddreg [dreg:$0x2];
	s5 =	smul.u32 $0xC0, s11  }
0x5: {  	[smem:$0x7FF] =	sst s3  }
0x6: {  	_ =	strace $0x8000005C;
	s5 =	sadd.s32 s4, s5;
	s4 =	simm.s32 $0x2  }
0x7: {  	[tilespmem:s3], [sflag:$0x2] =	stream.linear.gather [hbm4b:s5+s3], $0x600, $0x38;
	[tilespmem:$0x18600] =	vst v63  }
0x8: {  	_ =	swait.ge [sflag:s4], $0x600  }
0x9: {  	s6 =	simm.s32 $0x300;
	[sflag:s4] =	ssyncset.done $0x0  }
0xa: {  	s7 =	simm.s32 $0x600;
	s8 =	simm.s32 $0x1;
	[sflag:s4] =	ssyncadd.s32 $0xFFFFFA00  }
0xb: {  	[tilespmem:s7], [sflag:$0x1] =	stream.indirect.gather [hbm4b:s2+s6], $0x80, s3, s6, $0xb8;
	[tilespmem:$0x18600] =	vst v63  }
0xc: {  	s9 =	smul.u32 $0x6000, s11;
	_ =	swait.ge [sflag:s8], $0x18000  }
0xd: {  	s12 =	sadd.s32 $0x10000, s2;
	[sflag:s8] =	ssyncset.done $0x0  }
0xe: {  	s10 =	ssub.s32 $0x2, s10;
	s9 =	sadd.s32 s12, s9;
	[sflag:s8] =	ssyncadd.s32 $0xFFFE8000  }
0xf: {  	[hbm4b:s9+s3] =	stream.linear.scatter [tilespmem:s7], [sflag:$0x2], $0x18000, $0x38;
	[tilespmem:$0x18600] =	vst v63  }
0x10: {  	s13 =	sshrl.u32 s10, $0x1;
	_ =	swait.ge [sflag:s4], $0x18000  }
0x11: {  	s13 =	ssub.s32 s10, s13;
	[sflag:s4] =	ssyncset.done $0x0  }
0x12: {  	s11 =	smul.u32 $0x30000, s11;
	s31 =	smax.u32 s13, $0x1;
	[sflag:s4] =	ssyncadd.s32 $0xFFFE8000  }
0x13: {  	[tilespmem:s7], [sflag:$0x1] =	stream.indirect.gather [hbm4b:s2+s6], $0x80, s6, s6, $0xb8;
	[tilespmem:$0x18600] =	vst v63  }
0x14: {  	s11 =	sshrl.u32 s11, $0x3;
	p0 =	sne.s32 s31, $0x1;
	_ =	swait.ge [sflag:s8], $0x18000  }
.Ltmp0:
0x15: {  	s30 =	sadd.s32 s12, s11;
	[sflag:s8] =	ssyncset.done $0x0;
	(pc) =	sbr.rel @!p0 .LBB2_2-.Ltmp0, $4  }
0x16: {  	s10 =	sadd.s32 $0x3000, s30;
	[sflag:s8] =	ssyncadd.s32 $0xFFFE8000  }
0x17: {  	[hbm4b:s10+s3] =	stream.linear.scatter [tilespmem:s7], [sflag:$0x2], $0x18000, $0x38;
	[tilespmem:$0x18600] =	vst v63  }
0x18: {  	_ =	swait.ge [sflag:s4], $0x18000  }
0x19: {  	s11 =	sadd.s32 $0xFFFFFFFF, s31;
	[sflag:s4] =	ssyncset.done $0x0  }
.LBB2_1:
0x1a: {  	p0 =	sne.s32 s11, $0x1;
	s11 =	sadd.s32 $0xFFFFFFFF, s11;
	[sflag:s4] =	ssyncadd.s32 $0xFFFE8000  }
0x1b: {  	[tilespmem:s3], [sflag:$0x2] =	stream.linear.gather [hbm4b:s5+s3], $0x600, $0x38;
	[tilespmem:$0x18600] =	vst v63  }
0x1c: {  	_ =	swait.ge [sflag:s4], $0x600  }
0x1d: {  	[sflag:s4] =	ssyncset.done $0x0  }
0x1e: {  	[sflag:s4] =	ssyncadd.s32 $0xFFFFFA00  }
0x1f: {  	[tilespmem:s7], [sflag:$0x1] =	stream.indirect.gather [hbm4b:s2+s6], $0x80, s3, s6, $0xb8;
	[tilespmem:$0x18600] =	vst v63  }
0x20: {  	_ =	swait.ge [sflag:s8], $0x18000  }
0x21: {  	[sflag:s8] =	ssyncset.done $0x0  }
0x22: {  	[sflag:s8] =	ssyncadd.s32 $0xFFFE8000  }
0x23: {  	[hbm4b:s9+s3] =	stream.linear.scatter [tilespmem:s7], [sflag:$0x2], $0x18000, $0x38;
	[tilespmem:$0x18600] =	vst v63  }
0x24: {  	_ =	swait.ge [sflag:s4], $0x18000  }
0x25: {  	[sflag:s4] =	ssyncset.done $0x0  }
0x26: {  	[sflag:s4] =	ssyncadd.s32 $0xFFFE8000  }
0x27: {  	[tilespmem:s7], [sflag:$0x1] =	stream.indirect.gather [hbm4b:s2+s6], $0x80, s6, s6, $0xb8;
	[tilespmem:$0x18600] =	vst v63  }
0x28: {  	_ =	swait.ge [sflag:s8], $0x18000  }
.Ltmp1:
0x29: {  	[sflag:s8] =	ssyncset.done $0x0;
	(pc) =	sbr.rel @p0 .LBB2_1-.Ltmp1, $4  }
0x2a: {  	[sflag:s8] =	ssyncadd.s32 $0xFFFE8000  }
0x2b: {  	[hbm4b:s10+s3] =	stream.linear.scatter [tilespmem:s7], [sflag:$0x2], $0x18000, $0x38;
	[tilespmem:$0x18600] =	vst v63  }
0x2c: {  	_ =	swait.ge [sflag:s4], $0x18000  }
0x2d: {  	[sflag:s4] =	ssyncset.done $0x0  }
.LBB2_2:
0x2e: {  	[sflag:s4] =	ssyncadd.s32 $0xFFFE8000  }
0x2f: {  	_ =	sfence.sel $0x180000  }
0x30: {  	[bflag:$0x0] =	sbarrier.arrive $0xFFFF  }
0x31: {  	p0 =	sne.s32 s0, $0x0;
	_ =	strace $0x9000005C  }
0x32: {  	s0 =	sadd.s32 @!p0 $0x100000, s1;
	[bflag:$0x2] =	sbarrier.arrive $0xFFFF  }
0x33: {  	[sflag:s0] =	ssyncadd.tile.s32 @!p0 $0x1;
	_ =	shalt  }
.Lfunc_end2:
_tile_overlayer_lowered:
.L_overlay_start_2:
0x34: {  	(tag) =	ssettag $0x2  }
0x35: {  	s0 =	rddreg [dreg:$0x0];
	s2 =	stileid.u32  }
0x36: {  	s1 =	rddreg [dreg:$0x1];
	p0 =	sne.s32 s2, $0x0  }
0x37: {  	s3 =	rddreg [dreg:$0x2];
	[bflag:$0x3] =	sbarrier.arrive $0xFFFF;
	s2 =	simm.s32 @!p0 $0x1C02  }
0x38: {  	[timem:s3], [sflag:s2] =	dma.local @!p0 [hbm:s0], s1  }
0x39: {  	s0 =	simm.s32 @!p0 $0x2  }
0x3a: {  	_ =	swait.ge @!p0 [sflag:s0], s1  }
0x3b: {  	s1 =	ssub.s32 @!p0 $0x0, s1;
	[sflag:s0] =	ssyncset.done @!p0 $0x0  }
0x3c: {  	[sflag:s0] =	ssyncadd.s32 @!p0 s1  }
0x3d: {  	[bflag:$0x3] =	sbarrier.arrive $0xFFFF  }
0x3e: {  	_ =	shalt  }

</sc_bundles>
